<compile_context>
chip_gen: v7x
topology: tpu7x:2x2x1
jax: 0.10.2.dev20260603
libtpu: 0.0.44.dev20260713+nightly
codegen_flags: <defaults>
</compile_context>

<pallas_src>
import functools

import jax
import jax.numpy as jnp
from jax import lax
from jax.experimental import pallas as pl
from jax.experimental.pallas import tpu as pltpu
from jax.experimental.pallas import tpu_sc as plsc

N_NODES = 10000
N_EDGES = 320000
D = 128
DH = 64

NP = 10240
NW = 32
ROWS_PER_SUB = NP // 16
CHUNK = 128
EPT = 10752
EP = NW * EPT
NCHUNK = EPT // CHUNK
BLK = 256
GRID = NP // BLK

_mesh = plsc.VectorSubcoreMesh(core_axis_name="c", subcore_axis_name="s")



@functools.partial(
    pl.kernel,
    out_type=jax.ShapeDtypeStruct((2 * NP, 16), jnp.float32),
    mesh=_mesh,
    scratch_types=[
        pltpu.VMEM_SHARED((NP, 16), jnp.float32),
        pltpu.VMEM((NCHUNK, CHUNK), jnp.int32),
        pltpu.VMEM((CHUNK, 16), jnp.float32),
    ],
    compiler_params=pltpu.CompilerParams(use_tc_tiling_on_sc=False),
)
def _deg_call(dst2_hbm, ones_hbm, zeros_hbm, out_hbm, dacc, didx, ones_v):
    cid = lax.axis_index("c")
    sid = lax.axis_index("s")
    wid = cid * 16 + sid
    rb = sid * ROWS_PER_SUB
    pltpu.sync_copy(zeros_hbm.at[pl.ds(rb, ROWS_PER_SUB)],
                    dacc.at[pl.ds(rb, ROWS_PER_SUB)])
    pltpu.sync_copy(ones_hbm, ones_v)
    pltpu.sync_copy(dst2_hbm.at[pl.ds(wid * NCHUNK, NCHUNK)], didx)
    plsc.subcore_barrier()

    def chunk(j, c):
        pltpu.sync_copy(ones_v, dacc.at[didx.at[j]], add=True)
        return c

    lax.fori_loop(0, NCHUNK, chunk, 0)
    plsc.subcore_barrier()
    pltpu.sync_copy(dacc.at[pl.ds(rb, ROWS_PER_SUB)],
                    out_hbm.at[pl.ds(cid * NP + rb, ROWS_PER_SUB)])


@functools.partial(
    pl.kernel,
    out_type=jax.ShapeDtypeStruct((4 * NP, DH), jnp.float32),
    mesh=_mesh,
    scratch_types=[
        pltpu.VMEM_SHARED((NP, DH), jnp.float32),
        pltpu.VMEM((NCHUNK, CHUNK), jnp.int32),
        pltpu.VMEM((NCHUNK, CHUNK), jnp.int32),
        [pltpu.VMEM((CHUNK, DH), jnp.float32) for _ in range(6)],
        [pltpu.SemaphoreType.DMA for _ in range(6)],
        [pltpu.SemaphoreType.DMA for _ in range(6)],
    ],
    compiler_params=pltpu.CompilerParams(use_tc_tiling_on_sc=False),
)
def _prop_call(src2_hbm, dst2_hbm, ha_hbm, hb_hbm, zeros_hbm, out_hbm,
               acc, sidx, didx, rows, gsem, ssem):
    cid = lax.axis_index("c")
    sid = lax.axis_index("s")
    wid = cid * 16 + sid
    rb = sid * ROWS_PER_SUB
    cbase = wid * NCHUNK
    pltpu.sync_copy(src2_hbm.at[pl.ds(cbase, NCHUNK)], sidx)
    pltpu.sync_copy(dst2_hbm.at[pl.ds(cbase, NCHUNK)], didx)

    def run_pass(h_hbm, obase):
        pltpu.sync_copy(zeros_hbm.at[pl.ds(rb, ROWS_PER_SUB)],
                        acc.at[pl.ds(rb, ROWS_PER_SUB)])
        plsc.subcore_barrier()

        pltpu.async_copy(h_hbm.at[sidx.at[0]], rows[0], gsem[0])
        pltpu.async_copy(h_hbm.at[sidx.at[1]], rows[1], gsem[1])
        pltpu.async_copy(h_hbm.at[sidx.at[2]], rows[2], gsem[2])

        def group(g, c):
            j0 = 6 * g
            for k in range(6):
                j = j0 + k
                z = (k + 3) % 6

                @pl.when(j >= 3)
                def _():
                    pltpu.make_async_copy(
                        rows[z], acc.at[didx.at[0]], ssem[z]).wait()

                @pl.when(j + 3 < NCHUNK)
                def _():
                    pltpu.async_copy(h_hbm.at[sidx.at[j + 3]], rows[z],
                                     gsem[z])

                pltpu.make_async_copy(h_hbm.at[sidx.at[j]], rows[k],
                                      gsem[k]).wait()
                pltpu.async_copy(rows[k], acc.at[didx.at[j]], ssem[k],
                                 add=True)
            return c

        lax.fori_loop(0, NCHUNK // 6, group, 0)
        pltpu.make_async_copy(rows[3], acc.at[didx.at[0]], ssem[3]).wait()
        pltpu.make_async_copy(rows[4], acc.at[didx.at[0]], ssem[4]).wait()
        pltpu.make_async_copy(rows[5], acc.at[didx.at[0]], ssem[5]).wait()
        plsc.subcore_barrier()
        pltpu.sync_copy(acc.at[pl.ds(rb, ROWS_PER_SUB)],
                        out_hbm.at[pl.ds(obase + rb, ROWS_PER_SUB)])

    run_pass(ha_hbm, cid * 2 * NP)
    plsc.subcore_barrier()
    run_pass(hb_hbm, cid * 2 * NP + NP)



def _first_body(x_ref, w_ref, dp0_ref, dp1_ref, dinv_ref, hsa_ref, hsb_ref):
    deg = dp0_ref[:, :1] + dp1_ref[:, :1]
    dinv = jnp.where(deg > 0, lax.rsqrt(jnp.maximum(deg, 1e-12)), 0.0)
    dinvb = jnp.broadcast_to(dinv, (BLK, D))
    dinv_ref[...] = dinvb
    hs = dinvb * jnp.dot(x_ref[...], w_ref[...],
                         preferred_element_type=jnp.float32)
    hsa_ref[...] = hs[:, :DH]
    hsb_ref[...] = hs[:, DH:]


def _first(x_pad, W1, dp):
    return pl.pallas_call(
        _first_body,
        grid=(GRID,),
        in_specs=[
            pl.BlockSpec((BLK, D), lambda i: (i, 0)),
            pl.BlockSpec((D, D), lambda i: (0, 0)),
            pl.BlockSpec((BLK, 16), lambda i: (i, 0)),
            pl.BlockSpec((BLK, 16), lambda i: (i + GRID, 0)),
        ],
        out_specs=[pl.BlockSpec((BLK, D), lambda i: (i, 0)),
                   pl.BlockSpec((BLK, DH), lambda i: (i, 0)),
                   pl.BlockSpec((BLK, DH), lambda i: (i, 0))],
        out_shape=[jax.ShapeDtypeStruct((NP, D), jnp.float32),
                   jax.ShapeDtypeStruct((NP, DH), jnp.float32),
                   jax.ShapeDtypeStruct((NP, DH), jnp.float32)],
    )(x_pad, W1, dp, dp)


def _mix_body(pa0_ref, pa1_ref, pb0_ref, pb1_ref, dinv_ref, b_ref, w_ref,
              hsa_ref, hsb_ref):
    s = jnp.concatenate([pa0_ref[...] + pa1_ref[...],
                         pb0_ref[...] + pb1_ref[...]], axis=1)
    xk = jnp.maximum(dinv_ref[...] * s + b_ref[...], 0.0)
    hs = dinv_ref[...] * jnp.dot(xk, w_ref[...],
                                 preferred_element_type=jnp.float32)
    hsa_ref[...] = hs[:, :DH]
    hsb_ref[...] = hs[:, DH:]


def _mix(p, dinv, b_prev, W):
    return pl.pallas_call(
        _mix_body,
        grid=(GRID,),
        in_specs=[
            pl.BlockSpec((BLK, DH), lambda i: (i, 0)),
            pl.BlockSpec((BLK, DH), lambda i: (i + 2 * GRID, 0)),
            pl.BlockSpec((BLK, DH), lambda i: (i + GRID, 0)),
            pl.BlockSpec((BLK, DH), lambda i: (i + 3 * GRID, 0)),
            pl.BlockSpec((BLK, D), lambda i: (i, 0)),
            pl.BlockSpec((1, D), lambda i: (0, 0)),
            pl.BlockSpec((D, D), lambda i: (0, 0)),
        ],
        out_specs=[pl.BlockSpec((BLK, DH), lambda i: (i, 0)),
                   pl.BlockSpec((BLK, DH), lambda i: (i, 0))],
        out_shape=[jax.ShapeDtypeStruct((NP, DH), jnp.float32),
                   jax.ShapeDtypeStruct((NP, DH), jnp.float32)],
    )(p, p, p, p, dinv, b_prev.reshape(1, D), W)


def _final_body(pa0_ref, pa1_ref, pb0_ref, pb1_ref, dinv_ref, b_ref, o_ref):
    s = jnp.concatenate([pa0_ref[...] + pa1_ref[...],
                         pb0_ref[...] + pb1_ref[...]], axis=1)
    o_ref[...] = dinv_ref[...] * s + b_ref[...]


def _final(p, dinv, b):
    return pl.pallas_call(
        _final_body,
        grid=(GRID,),
        in_specs=[
            pl.BlockSpec((BLK, DH), lambda i: (i, 0)),
            pl.BlockSpec((BLK, DH), lambda i: (i + 2 * GRID, 0)),
            pl.BlockSpec((BLK, DH), lambda i: (i + GRID, 0)),
            pl.BlockSpec((BLK, DH), lambda i: (i + 3 * GRID, 0)),
            pl.BlockSpec((BLK, D), lambda i: (i, 0)),
            pl.BlockSpec((1, D), lambda i: (0, 0)),
        ],
        out_specs=pl.BlockSpec((BLK, D), lambda i: (i, 0)),
        out_shape=jax.ShapeDtypeStruct((NP, D), jnp.float32),
    )(p, p, p, p, dinv, b.reshape(1, D))



def kernel(x, adj_t, W1, b1, W2, b2, W3, b3):
    loops = jnp.arange(N_NODES, dtype=jnp.int32)
    n_pad_e = EP - N_EDGES - N_NODES
    pad_e = (jnp.arange(n_pad_e, dtype=jnp.int32) % (NP - N_NODES)) + N_NODES
    src = jnp.concatenate([adj_t[0].astype(jnp.int32), loops, pad_e])
    dst = jnp.concatenate([adj_t[1].astype(jnp.int32), loops, pad_e])
    src2 = src.reshape(EP // CHUNK, CHUNK)
    dst2 = dst.reshape(EP // CHUNK, CHUNK)

    x_pad = jnp.concatenate(
        [x, jnp.zeros((NP - N_NODES, D), jnp.float32)], axis=0)
    zeros_nh = jnp.zeros((NP, DH), jnp.float32)
    zeros_n16 = jnp.zeros((NP, 16), jnp.float32)
    ones_16 = jnp.ones((CHUNK, 16), jnp.float32)

    dp = _deg_call(dst2, ones_16, zeros_n16)
    dinv, hsa, hsb = _first(x_pad, W1, dp)
    for b_prev, W in ((b1, W2), (b2, W3)):
        p = _prop_call(src2, dst2, hsa, hsb, zeros_nh)
        hsa, hsb = _mix(p, dinv, b_prev, W)
    p = _prop_call(src2, dst2, hsa, hsb, zeros_nh)
    out = _final(p, dinv, b3)
    return out[:N_NODES]

# --- scband reference (transcript-rebuilt; emitter-appended) ---
"""Pipeline reference for scband-gcn-80977313399676 (READ-ONLY COPY).

The authoritative reference and input builder live on the scoring server;
editing this copy changes nothing except your own understanding.
"""

import jax, jax.numpy as jnp
import numpy as np

N_NODES = 10000
N_EDGES = 320000
D_IN = 128
D_HID = 128
D_OUT = 128


def _glorot(key, shape):
    fan_in, fan_out = shape[0], shape[1]
    limit = np.sqrt(6.0 / (fan_in + fan_out))
    return jax.random.uniform(key, shape, dtype=jnp.float32, minval=-limit, maxval=limit)


def setup_inputs(seed: int = 0) -> dict:
    key = jax.random.key(seed)
    ks = jax.random.split(key, 8)
    x = jax.random.normal(ks[0], (N_NODES, D_IN), dtype=jnp.float32)
    adj_t = jax.random.randint(ks[1], (2, N_EDGES), 0, N_NODES)
    W1 = _glorot(ks[2], (D_IN, D_HID))
    b1 = jnp.zeros((D_HID,), dtype=jnp.float32)
    W2 = _glorot(ks[3], (D_HID, D_HID))
    b2 = jnp.zeros((D_HID,), dtype=jnp.float32)
    W3 = _glorot(ks[4], (D_HID, D_OUT))
    b3 = jnp.zeros((D_OUT,), dtype=jnp.float32)
    return {"x": x, "adj_t": adj_t, "W1": W1, "b1": b1, "W2": W2, "b2": b2, "W3": W3, "b3": b3}


def _gcn_norm(adj_t, n):
    # add self loops and compute symmetric normalization D^{-1/2} (A+I) D^{-1/2}
    loops = jnp.arange(n, dtype=adj_t.dtype)
    src = jnp.concatenate([adj_t[0], loops])
    dst = jnp.concatenate([adj_t[1], loops])
    deg = jax.ops.segment_sum(jnp.ones_like(dst, dtype=jnp.float32), dst, num_segments=n)
    dinv = jnp.where(deg > 0, jax.lax.rsqrt(jnp.maximum(deg, 1e-12)), 0.0)
    norm = dinv[src] * dinv[dst]
    return src, dst, norm


def _gcn_conv(x, W, b, src, dst, norm, n):
    h = x @ W
    msg = h[src] * norm[:, None]
    out = jax.ops.segment_sum(msg, dst, num_segments=n)
    return out + b


def reference(x, adj_t, W1, b1, W2, b2, W3, b3):
    # Eval-mode GCN (dropout p=0.5 is identity at inference)
    n = x.shape[0]
    src, dst, norm = _gcn_norm(adj_t, n)
    h = _gcn_conv(x, W1, b1, src, dst, norm, n)
    h = jax.nn.relu(h)
    h = _gcn_conv(h, W2, b2, src, dst, norm, n)
    h = jax.nn.relu(h)
    out = _gcn_conv(h, W3, b3, src, dst, norm, n)
    return out

if __name__ == "__main__":
    import jax
    _d = setup_inputs()
    print(jax.jit(kernel)(*tuple(_d.values())))

</pallas_src>

<mosaic_0001>
#map = affine_map<(d0, d1) -> (0, 0)>
module attributes {stable_mosaic.version = 14 : i64} {
  func.func @_prop_call(%arg0: i32, %arg1: i32, %arg2: memref<2688x128xi32, #tpu.memory_space<hbm>>, %arg3: memref<2688x128xi32, #tpu.memory_space<hbm>>, %arg4: memref<10240x64xf32, #tpu.memory_space<hbm>>, %arg5: memref<10240x64xf32, #tpu.memory_space<hbm>>, %arg6: memref<10240x64xf32, #tpu.memory_space<hbm>>, %arg7: memref<40960x64xf32, #tpu.memory_space<hbm>>, %arg8: memref<10240x64xf32, #tpu.memory_space<vmem_shared>>, %arg9: memref<84x128xi32, #tpu.memory_space<vmem>>, %arg10: memref<84x128xi32, #tpu.memory_space<vmem>>, %arg11: memref<128x64xf32, #tpu.memory_space<vmem>>, %arg12: memref<128x64xf32, #tpu.memory_space<vmem>>, %arg13: memref<128x64xf32, #tpu.memory_space<vmem>>, %arg14: memref<128x64xf32, #tpu.memory_space<vmem>>, %arg15: memref<128x64xf32, #tpu.memory_space<vmem>>, %arg16: memref<128x64xf32, #tpu.memory_space<vmem>>, %arg17: memref<!tpu.dma_semaphore, #tpu.memory_space<semaphore_mem>>, %arg18: memref<!tpu.dma_semaphore, #tpu.memory_space<semaphore_mem>>, %arg19: memref<!tpu.dma_semaphore, #tpu.memory_space<semaphore_mem>>, %arg20: memref<!tpu.dma_semaphore, #tpu.memory_space<semaphore_mem>>, %arg21: memref<!tpu.dma_semaphore, #tpu.memory_space<semaphore_mem>>, %arg22: memref<!tpu.dma_semaphore, #tpu.memory_space<semaphore_mem>>, %arg23: memref<!tpu.dma_semaphore, #tpu.memory_space<semaphore_mem>>, %arg24: memref<!tpu.dma_semaphore, #tpu.memory_space<semaphore_mem>>, %arg25: memref<!tpu.dma_semaphore, #tpu.memory_space<semaphore_mem>>, %arg26: memref<!tpu.dma_semaphore, #tpu.memory_space<semaphore_mem>>, %arg27: memref<!tpu.dma_semaphore, #tpu.memory_space<semaphore_mem>>, %arg28: memref<!tpu.dma_semaphore, #tpu.memory_space<semaphore_mem>>) attributes {dimension_semantics = [#tpu.dimension_semantics<core_parallel>, #tpu.dimension_semantics<subcore_parallel>], iteration_bounds = array<i64: 2, 16>, scalar_prefetch = 0 : i64, scratch_operands = 21 : i64, tpu.core_type = #tpu.core_type<sc_vector_subcore>, window_params = [{transform_indices = #map}, {transform_indices = #map}, {transform_indices = #map}, {transform_indices = #map}, {transform_indices = #map}, {transform_indices = #map}]} {
    %mul3A = arith.constant 16 : i32
    %mul3A_0 = arith.muli %arg0, %mul3A : i32
    %add3A = arith.addi %mul3A_0, %arg1 : i32
    %mul3A_1 = arith.constant 640 : i32
    %mul3A_2 = arith.muli %arg1, %mul3A_1 : i32
    %mul3A_3 = arith.constant 84 : i32
    %mul3A_4 = arith.muli %add3A, %mul3A_3 : i32
    "tpu.region"() ({
      %run_scoped3A = tpu.sem_alloc : memref<!tpu.dma_semaphore, #tpu.memory_space<semaphore_mem>>
      %dma_start3A_114 = arith.constant 0 : i32
      %dma_start3A_115 = tpu.memref_slice %arg2[%mul3A_4, %dma_start3A_114] : memref<2688x128xi32, #tpu.memory_space<hbm>> -> memref<84x128xi32, #tpu.memory_space<hbm>>
      %dma_start3A_116 = arith.constant 0 : i32
      %dma_start3A_117 = tpu.memref_slice %arg2[%mul3A_4, %dma_start3A_116] : memref<2688x128xi32, #tpu.memory_space<hbm>> -> memref<84x128xi32, #tpu.memory_space<hbm>>
      tpu.enqueue_dma source(%dma_start3A_117 : memref<84x128xi32, #tpu.memory_space<hbm>>) target(%arg9 : memref<84x128xi32, #tpu.memory_space<vmem>>) target_semaphore(%run_scoped3A : memref<!tpu.dma_semaphore, #tpu.memory_space<semaphore_mem>>)
      %dma_wait3A_118 = arith.constant 0 : i32
      %dma_wait3A_119 = tpu.memref_slice %arg2[%mul3A_4, %dma_wait3A_118] : memref<2688x128xi32, #tpu.memory_space<hbm>> -> memref<84x128xi32, #tpu.memory_space<hbm>>
      %dma_wait3A_120 = arith.constant 0 : i32
      %dma_wait3A_121 = tpu.memref_slice %arg2[%mul3A_4, %dma_wait3A_120] : memref<2688x128xi32, #tpu.memory_space<hbm>> -> memref<84x128xi32, #tpu.memory_space<hbm>>
      tpu.wait_dma2 semaphore(%run_scoped3A : memref<!tpu.dma_semaphore, #tpu.memory_space<semaphore_mem>>) src(%dma_wait3A_121 : memref<84x128xi32, #tpu.memory_space<hbm>>) dst(%arg9 : memref<84x128xi32, #tpu.memory_space<vmem>>)
      tpu.yield
    }) : () -> ()
    "tpu.region"() ({
      %run_scoped3A = tpu.sem_alloc : memref<!tpu.dma_semaphore, #tpu.memory_space<semaphore_mem>>
      %dma_start3A_114 = arith.constant 0 : i32
      %dma_start3A_115 = tpu.memref_slice %arg3[%mul3A_4, %dma_start3A_114] : memref<2688x128xi32, #tpu.memory_space<hbm>> -> memref<84x128xi32, #tpu.memory_space<hbm>>
      %dma_start3A_116 = arith.constant 0 : i32
      %dma_start3A_117 = tpu.memref_slice %arg3[%mul3A_4, %dma_start3A_116] : memref<2688x128xi32, #tpu.memory_space<hbm>> -> memref<84x128xi32, #tpu.memory_space<hbm>>
      tpu.enqueue_dma source(%dma_start3A_117 : memref<84x128xi32, #tpu.memory_space<hbm>>) target(%arg10 : memref<84x128xi32, #tpu.memory_space<vmem>>) target_semaphore(%run_scoped3A : memref<!tpu.dma_semaphore, #tpu.memory_space<semaphore_mem>>)
      %dma_wait3A_118 = arith.constant 0 : i32
      %dma_wait3A_119 = tpu.memref_slice %arg3[%mul3A_4, %dma_wait3A_118] : memref<2688x128xi32, #tpu.memory_space<hbm>> -> memref<84x128xi32, #tpu.memory_space<hbm>>
      %dma_wait3A_120 = arith.constant 0 : i32
      %dma_wait3A_121 = tpu.memref_slice %arg3[%mul3A_4, %dma_wait3A_120] : memref<2688x128xi32, #tpu.memory_space<hbm>> -> memref<84x128xi32, #tpu.memory_space<hbm>>
      tpu.wait_dma2 semaphore(%run_scoped3A : memref<!tpu.dma_semaphore, #tpu.memory_space<semaphore_mem>>) src(%dma_wait3A_121 : memref<84x128xi32, #tpu.memory_space<hbm>>) dst(%arg10 : memref<84x128xi32, #tpu.memory_space<vmem>>)
      tpu.yield
    }) : () -> ()
    %mul3A_5 = arith.constant 2 : i32
    %mul3A_6 = arith.muli %arg0, %mul3A_5 : i32
    %mul3A_7 = arith.constant 10240 : i32
    %mul3A_8 = arith.muli %mul3A_6, %mul3A_7 : i32
    "tpu.region"() ({
      %run_scoped3A = tpu.sem_alloc : memref<!tpu.dma_semaphore, #tpu.memory_space<semaphore_mem>>
      %dma_start3A_114 = arith.constant 0 : i32
      %dma_start3A_115 = tpu.memref_slice %arg8[%mul3A_2, %dma_start3A_114] : memref<10240x64xf32, #tpu.memory_space<vmem_shared>> -> memref<640x64xf32, #tpu.memory_space<vmem_shared>>
      %dma_start3A_116 = arith.constant 0 : i32
      %dma_start3A_117 = tpu.memref_slice %arg6[%mul3A_2, %dma_start3A_116] : memref<10240x64xf32, #tpu.memory_space<hbm>> -> memref<640x64xf32, #tpu.memory_space<hbm>>
      tpu.enqueue_dma source(%dma_start3A_117 : memref<640x64xf32, #tpu.memory_space<hbm>>) target(%dma_start3A_115 : memref<640x64xf32, #tpu.memory_space<vmem_shared>>) target_semaphore(%run_scoped3A : memref<!tpu.dma_semaphore, #tpu.memory_space<semaphore_mem>>)
      %dma_wait3A_118 = arith.constant 0 : i32
      %dma_wait3A_119 = tpu.memref_slice %arg8[%mul3A_2, %dma_wait3A_118] : memref<10240x64xf32, #tpu.memory_space<vmem_shared>> -> memref<640x64xf32, #tpu.memory_space<vmem_shared>>
      %dma_wait3A_120 = arith.constant 0 : i32
      %dma_wait3A_121 = tpu.memref_slice %arg6[%mul3A_2, %dma_wait3A_120] : memref<10240x64xf32, #tpu.memory_space<hbm>> -> memref<640x64xf32, #tpu.memory_space<hbm>>
      tpu.wait_dma2 semaphore(%run_scoped3A : memref<!tpu.dma_semaphore, #tpu.memory_space<semaphore_mem>>) src(%dma_wait3A_121 : memref<640x64xf32, #tpu.memory_space<hbm>>) dst(%dma_wait3A_119 : memref<640x64xf32, #tpu.memory_space<vmem_shared>>)
      tpu.yield
    }) : () -> ()
    %barrier3A = arith.constant 0 : index
    tpu.barrier barrier_id(%barrier3A)
    %dma_start3A = arith.constant 0 : i32
    %dma_start3A_9 = arith.constant 0 : i32
    %dma_start3A_10 = tpu.memref_slice %arg9[%dma_start3A, %dma_start3A_9] : memref<84x128xi32, #tpu.memory_space<vmem>> -> memref<1x128xi32, #tpu.memory_space<vmem>>
    %dma_start3A_11 = tpu.memref_squeeze %dma_start3A_10 : memref<1x128xi32, #tpu.memory_space<vmem>> -> memref<128xi32, #tpu.memory_space<vmem>>
    %dma_start3A_12 = arith.constant 0 : i32
    %dma_start3A_13 = arith.constant 0 : i32
    %dma_start3A_14 = tpu.memref_slice %arg4[%dma_start3A_12, %dma_start3A_13] : memref<10240x64xf32, #tpu.memory_space<hbm>> -> memref<10240x64xf32, #tpu.memory_space<hbm>>
    tpu.enqueue_indirect_dma source(%dma_start3A_14 : memref<10240x64xf32, #tpu.memory_space<hbm>>) target(%arg11 : memref<128x64xf32, #tpu.memory_space<vmem>>) offsets(%dma_start3A_11 : memref<128xi32, #tpu.memory_space<vmem>>) semaphore(%arg17 : memref<!tpu.dma_semaphore, #tpu.memory_space<semaphore_mem>>)
    %dma_start3A_15 = arith.constant 1 : i32
    %dma_start3A_16 = arith.constant 0 : i32
    %dma_start3A_17 = tpu.memref_slice %arg9[%dma_start3A_15, %dma_start3A_16] : memref<84x128xi32, #tpu.memory_space<vmem>> -> memref<1x128xi32, #tpu.memory_space<vmem>>
    %dma_start3A_18 = tpu.memref_squeeze %dma_start3A_17 : memref<1x128xi32, #tpu.memory_space<vmem>> -> memref<128xi32, #tpu.memory_space<vmem>>
    %dma_start3A_19 = arith.constant 0 : i32
    %dma_start3A_20 = arith.constant 0 : i32
    %dma_start3A_21 = tpu.memref_slice %arg4[%dma_start3A_19, %dma_start3A_20] : memref<10240x64xf32, #tpu.memory_space<hbm>> -> memref<10240x64xf32, #tpu.memory_space<hbm>>
    tpu.enqueue_indirect_dma source(%dma_start3A_21 : memref<10240x64xf32, #tpu.memory_space<hbm>>) target(%arg12 : memref<128x64xf32, #tpu.memory_space<vmem>>) offsets(%dma_start3A_18 : memref<128xi32, #tpu.memory_space<vmem>>) semaphore(%arg18 : memref<!tpu.dma_semaphore, #tpu.memory_space<semaphore_mem>>)
    %dma_start3A_22 = arith.constant 2 : i32
    %dma_start3A_23 = arith.constant 0 : i32
    %dma_start3A_24 = tpu.memref_slice %arg9[%dma_start3A_22, %dma_start3A_23] : memref<84x128xi32, #tpu.memory_space<vmem>> -> memref<1x128xi32, #tpu.memory_space<vmem>>
    %dma_start3A_25 = tpu.memref_squeeze %dma_start3A_24 : memref<1x128xi32, #tpu.memory_space<vmem>> -> memref<128xi32, #tpu.memory_space<vmem>>
    %dma_start3A_26 = arith.constant 0 : i32
    %dma_start3A_27 = arith.constant 0 : i32
    %dma_start3A_28 = tpu.memref_slice %arg4[%dma_start3A_26, %dma_start3A_27] : memref<10240x64xf32, #tpu.memory_space<hbm>> -> memref<10240x64xf32, #tpu.memory_space<hbm>>
    tpu.enqueue_indirect_dma source(%dma_start3A_28 : memref<10240x64xf32, #tpu.memory_space<hbm>>) target(%arg13 : memref<128x64xf32, #tpu.memory_space<vmem>>) offsets(%dma_start3A_25 : memref<128xi32, #tpu.memory_space<vmem>>) semaphore(%arg19 : memref<!tpu.dma_semaphore, #tpu.memory_space<semaphore_mem>>)
    %scan3A = arith.constant 0 : i32
    %scan3A_29 = arith.constant 0 : i32
    %scan3A_30 = arith.constant 14 : i32
    %scan3A_31 = arith.addi %scan3A_29, %scan3A_30 : i32
    %scan3A_32 = arith.constant 1 : i32
    scf.for %scan3A_114 = %scan3A_29 to %scan3A_31 step %scan3A_32  : i32 {
      %mul3A_115 = arith.constant 6 : i32
      %mul3A_116 = arith.muli %mul3A_115, %scan3A_114 : i32
      %add3A_117 = arith.constant 0 : i32
      %add3A_118 = arith.addi %mul3A_116, %add3A_117 : i32
      %ge3A = arith.constant 3 : i32
      %ge3A_119 = arith.cmpi sge, %add3A_118, %ge3A : i32
      %convert_element_type3A = arith.extui %ge3A_119 : i1 to i32
      %cond3A = arith.constant 0 : i32
      %cond3A_120 = arith.cmpi ne, %convert_element_type3A, %cond3A : i32
      scf.if %cond3A_120 {
        %dma_wait3A_269 = arith.constant 0 : i32
        %dma_wait3A_270 = arith.constant 0 : i32
        %dma_wait3A_271 = tpu.memref_slice %arg10[%dma_wait3A_269, %dma_wait3A_270] : memref<84x128xi32, #tpu.memory_space<vmem>> -> memref<1x128xi32, #tpu.memory_space<vmem>>
        %dma_wait3A_272 = tpu.memref_squeeze %dma_wait3A_271 : memref<1x128xi32, #tpu.memory_space<vmem>> -> memref<128xi32, #tpu.memory_space<vmem>>
        %dma_wait3A_273 = arith.constant 0 : i32
        %dma_wait3A_274 = arith.constant 0 : i32
        %dma_wait3A_275 = tpu.memref_slice %arg8[%dma_wait3A_273, %dma_wait3A_274] : memref<10240x64xf32, #tpu.memory_space<vmem_shared>> -> memref<10240x64xf32, #tpu.memory_space<vmem_shared>>
        tpu.wait_indirect_dma semaphore(%arg26 : memref<!tpu.dma_semaphore, #tpu.memory_space<semaphore_mem>>) src(%arg14 : memref<128x64xf32, #tpu.memory_space<vmem>>) dst(%dma_wait3A_275 : memref<10240x64xf32, #tpu.memory_space<vmem_shared>>)
      } else {
      }
      %add3A_121 = arith.constant 3 : i32
      %add3A_122 = arith.addi %add3A_118, %add3A_121 : i32
      %lt3A = arith.constant 84 : i32
      %lt3A_123 = arith.cmpi slt, %add3A_122, %lt3A : i32
      %convert_element_type3A_124 = arith.extui %lt3A_123 : i1 to i32
      %cond3A_125 = arith.constant 0 : i32
      %cond3A_126 = arith.cmpi ne, %convert_element_type3A_124, %cond3A_125 : i32
      scf.if %cond3A_126 {
        %add3A_269 = arith.constant 3 : i32
        %add3A_270 = arith.addi %add3A_118, %add3A_269 : i32
        %dma_start3A_271 = arith.constant 0 : i32
        %dma_start3A_272 = tpu.memref_slice %arg9[%add3A_270, %dma_start3A_271] : memref<84x128xi32, #tpu.memory_space<vmem>> -> memref<1x128xi32, #tpu.memory_space<vmem>>
        %dma_start3A_273 = tpu.memref_squeeze %dma_start3A_272 : memref<1x128xi32, #tpu.memory_space<vmem>> -> memref<128xi32, #tpu.memory_space<vmem>>
        %dma_start3A_274 = arith.constant 0 : i32
        %dma_start3A_275 = arith.constant 0 : i32
        %dma_start3A_276 = tpu.memref_slice %arg4[%dma_start3A_274, %dma_start3A_275] : memref<10240x64xf32, #tpu.memory_space<hbm>> -> memref<10240x64xf32, #tpu.memory_space<hbm>>
        tpu.enqueue_indirect_dma source(%dma_start3A_276 : memref<10240x64xf32, #tpu.memory_space<hbm>>) target(%arg14 : memref<128x64xf32, #tpu.memory_space<vmem>>) offsets(%dma_start3A_273 : memref<128xi32, #tpu.memory_space<vmem>>) semaphore(%arg20 : memref<!tpu.dma_semaphore, #tpu.memory_space<semaphore_mem>>)
      } else {
      }
      %dma_wait3A_127 = arith.constant 0 : i32
      %dma_wait3A_128 = tpu.memref_slice %arg9[%add3A_118, %dma_wait3A_127] : memref<84x128xi32, #tpu.memory_space<vmem>> -> memref<1x128xi32, #tpu.memory_space<vmem>>
      %dma_wait3A_129 = tpu.memref_squeeze %dma_wait3A_128 : memref<1x128xi32, #tpu.memory_space<vmem>> -> memref<128xi32, #tpu.memory_space<vmem>>
      %dma_wait3A_130 = arith.constant 0 : i32
      %dma_wait3A_131 = arith.constant 0 : i32
      %dma_wait3A_132 = tpu.memref_slice %arg4[%dma_wait3A_130, %dma_wait3A_131] : memref<10240x64xf32, #tpu.memory_space<hbm>> -> memref<10240x64xf32, #tpu.memory_space<hbm>>
      tpu.wait_indirect_dma semaphore(%arg17 : memref<!tpu.dma_semaphore, #tpu.memory_space<semaphore_mem>>) src(%dma_wait3A_132 : memref<10240x64xf32, #tpu.memory_space<hbm>>) dst(%arg11 : memref<128x64xf32, #tpu.memory_space<vmem>>)
      %dma_start3A_133 = arith.constant 0 : i32
      %dma_start3A_134 = tpu.memref_slice %arg10[%add3A_118, %dma_start3A_133] : memref<84x128xi32, #tpu.memory_space<vmem>> -> memref<1x128xi32, #tpu.memory_space<vmem>>
      %dma_start3A_135 = tpu.memref_squeeze %dma_start3A_134 : memref<1x128xi32, #tpu.memory_space<vmem>> -> memref<128xi32, #tpu.memory_space<vmem>>
      %dma_start3A_136 = arith.constant 0 : i32
      %dma_start3A_137 = arith.constant 0 : i32
      %dma_start3A_138 = tpu.memref_slice %arg8[%dma_start3A_136, %dma_start3A_137] : memref<10240x64xf32, #tpu.memory_space<vmem_shared>> -> memref<10240x64xf32, #tpu.memory_space<vmem_shared>>
      tpu.enqueue_indirect_dma source(%arg11 : memref<128x64xf32, #tpu.memory_space<vmem>>) target(%dma_start3A_138 : memref<10240x64xf32, #tpu.memory_space<vmem_shared>>) offsets(%dma_start3A_135 : memref<128xi32, #tpu.memory_space<vmem>>) semaphore(%arg23 : memref<!tpu.dma_semaphore, #tpu.memory_space<semaphore_mem>>) {add = true}
      %add3A_139 = arith.constant 1 : i32
      %add3A_140 = arith.addi %mul3A_116, %add3A_139 : i32
      %ge3A_141 = arith.constant 3 : i32
      %ge3A_142 = arith.cmpi sge, %add3A_140, %ge3A_141 : i32
      %convert_element_type3A_143 = arith.extui %ge3A_142 : i1 to i32
      %cond3A_144 = arith.constant 0 : i32
      %cond3A_145 = arith.cmpi ne, %convert_element_type3A_143, %cond3A_144 : i32
      scf.if %cond3A_145 {
        %dma_wait3A_269 = arith.constant 0 : i32
        %dma_wait3A_270 = arith.constant 0 : i32
        %dma_wait3A_271 = tpu.memref_slice %arg10[%dma_wait3A_269, %dma_wait3A_270] : memref<84x128xi32, #tpu.memory_space<vmem>> -> memref<1x128xi32, #tpu.memory_space<vmem>>
        %dma_wait3A_272 = tpu.memref_squeeze %dma_wait3A_271 : memref<1x128xi32, #tpu.memory_space<vmem>> -> memref<128xi32, #tpu.memory_space<vmem>>
        %dma_wait3A_273 = arith.constant 0 : i32
        %dma_wait3A_274 = arith.constant 0 : i32
        %dma_wait3A_275 = tpu.memref_slice %arg8[%dma_wait3A_273, %dma_wait3A_274] : memref<10240x64xf32, #tpu.memory_space<vmem_shared>> -> memref<10240x64xf32, #tpu.memory_space<vmem_shared>>
        tpu.wait_indirect_dma semaphore(%arg27 : memref<!tpu.dma_semaphore, #tpu.memory_space<semaphore_mem>>) src(%arg15 : memref<128x64xf32, #tpu.memory_space<vmem>>) dst(%dma_wait3A_275 : memref<10240x64xf32, #tpu.memory_space<vmem_shared>>)
      } else {
      }
      %add3A_146 = arith.constant 3 : i32
      %add3A_147 = arith.addi %add3A_140, %add3A_146 : i32
      %lt3A_148 = arith.constant 84 : i32
      %lt3A_149 = arith.cmpi slt, %add3A_147, %lt3A_148 : i32
      %convert_element_type3A_150 = arith.extui %lt3A_149 : i1 to i32
      %cond3A_151 = arith.constant 0 : i32
      %cond3A_152 = arith.cmpi ne, %convert_element_type3A_150, %cond3A_151 : i32
      scf.if %cond3A_152 {
        %add3A_269 = arith.constant 3 : i32
        %add3A_270 = arith.addi %add3A_140, %add3A_269 : i32
        %dma_start3A_271 = arith.constant 0 : i32
        %dma_start3A_272 = tpu.memref_slice %arg9[%add3A_270, %dma_start3A_271] : memref<84x128xi32, #tpu.memory_space<vmem>> -> memref<1x128xi32, #tpu.memory_space<vmem>>
        %dma_start3A_273 = tpu.memref_squeeze %dma_start3A_272 : memref<1x128xi32, #tpu.memory_space<vmem>> -> memref<128xi32, #tpu.memory_space<vmem>>
        %dma_start3A_274 = arith.constant 0 : i32
        %dma_start3A_275 = arith.constant 0 : i32
        %dma_start3A_276 = tpu.memref_slice %arg4[%dma_start3A_274, %dma_start3A_275] : memref<10240x64xf32, #tpu.memory_space<hbm>> -> memref<10240x64xf32, #tpu.memory_space<hbm>>
        tpu.enqueue_indirect_dma source(%dma_start3A_276 : memref<10240x64xf32, #tpu.memory_space<hbm>>) target(%arg15 : memref<128x64xf32, #tpu.memory_space<vmem>>) offsets(%dma_start3A_273 : memref<128xi32, #tpu.memory_space<vmem>>) semaphore(%arg21 : memref<!tpu.dma_semaphore, #tpu.memory_space<semaphore_mem>>)
      } else {
      }
      %dma_wait3A_153 = arith.constant 0 : i32
      %dma_wait3A_154 = tpu.memref_slice %arg9[%add3A_140, %dma_wait3A_153] : memref<84x128xi32, #tpu.memory_space<vmem>> -> memref<1x128xi32, #tpu.memory_space<vmem>>
      %dma_wait3A_155 = tpu.memref_squeeze %dma_wait3A_154 : memref<1x128xi32, #tpu.memory_space<vmem>> -> memref<128xi32, #tpu.memory_space<vmem>>
      %dma_wait3A_156 = arith.constant 0 : i32
      %dma_wait3A_157 = arith.constant 0 : i32
      %dma_wait3A_158 = tpu.memref_slice %arg4[%dma_wait3A_156, %dma_wait3A_157] : memref<10240x64xf32, #tpu.memory_space<hbm>> -> memref<10240x64xf32, #tpu.memory_space<hbm>>
      tpu.wait_indirect_dma semaphore(%arg18 : memref<!tpu.dma_semaphore, #tpu.memory_space<semaphore_mem>>) src(%dma_wait3A_158 : memref<10240x64xf32, #tpu.memory_space<hbm>>) dst(%arg12 : memref<128x64xf32, #tpu.memory_space<vmem>>)
      %dma_start3A_159 = arith.constant 0 : i32
      %dma_start3A_160 = tpu.memref_slice %arg10[%add3A_140, %dma_start3A_159] : memref<84x128xi32, #tpu.memory_space<vmem>> -> memref<1x128xi32, #tpu.memory_space<vmem>>
      %dma_start3A_161 = tpu.memref_squeeze %dma_start3A_160 : memref<1x128xi32, #tpu.memory_space<vmem>> -> memref<128xi32, #tpu.memory_space<vmem>>
      %dma_start3A_162 = arith.constant 0 : i32
      %dma_start3A_163 = arith.constant 0 : i32
      %dma_start3A_164 = tpu.memref_slice %arg8[%dma_start3A_162, %dma_start3A_163] : memref<10240x64xf32, #tpu.memory_space<vmem_shared>> -> memref<10240x64xf32, #tpu.memory_space<vmem_shared>>
      tpu.enqueue_indirect_dma source(%arg12 : memref<128x64xf32, #tpu.memory_space<vmem>>) target(%dma_start3A_164 : memref<10240x64xf32, #tpu.memory_space<vmem_shared>>) offsets(%dma_start3A_161 : memref<128xi32, #tpu.memory_space<vmem>>) semaphore(%arg24 : memref<!tpu.dma_semaphore, #tpu.memory_space<semaphore_mem>>) {add = true}
      %add3A_165 = arith.constant 2 : i32
      %add3A_166 = arith.addi %mul3A_116, %add3A_165 : i32
      %ge3A_167 = arith.constant 3 : i32
      %ge3A_168 = arith.cmpi sge, %add3A_166, %ge3A_167 : i32
      %convert_element_type3A_169 = arith.extui %ge3A_168 : i1 to i32
      %cond3A_170 = arith.constant 0 : i32
      %cond3A_171 = arith.cmpi ne, %convert_element_type3A_169, %cond3A_170 : i32
      scf.if %cond3A_171 {
        %dma_wait3A_269 = arith.constant 0 : i32
        %dma_wait3A_270 = arith.constant 0 : i32
        %dma_wait3A_271 = tpu.memref_slice %arg10[%dma_wait3A_269, %dma_wait3A_270] : memref<84x128xi32, #tpu.memory_space<vmem>> -> memref<1x128xi32, #tpu.memory_space<vmem>>
        %dma_wait3A_272 = tpu.memref_squeeze %dma_wait3A_271 : memref<1x128xi32, #tpu.memory_space<vmem>> -> memref<128xi32, #tpu.memory_space<vmem>>
        %dma_wait3A_273 = arith.constant 0 : i32
        %dma_wait3A_274 = arith.constant 0 : i32
        %dma_wait3A_275 = tpu.memref_slice %arg8[%dma_wait3A_273, %dma_wait3A_274] : memref<10240x64xf32, #tpu.memory_space<vmem_shared>> -> memref<10240x64xf32, #tpu.memory_space<vmem_shared>>
        tpu.wait_indirect_dma semaphore(%arg28 : memref<!tpu.dma_semaphore, #tpu.memory_space<semaphore_mem>>) src(%arg16 : memref<128x64xf32, #tpu.memory_space<vmem>>) dst(%dma_wait3A_275 : memref<10240x64xf32, #tpu.memory_space<vmem_shared>>)
      } else {
      }
      %add3A_172 = arith.constant 3 : i32
      %add3A_173 = arith.addi %add3A_166, %add3A_172 : i32
      %lt3A_174 = arith.constant 84 : i32
      %lt3A_175 = arith.cmpi slt, %add3A_173, %lt3A_174 : i32
      %convert_element_type3A_176 = arith.extui %lt3A_175 : i1 to i32
      %cond3A_177 = arith.constant 0 : i32
      %cond3A_178 = arith.cmpi ne, %convert_element_type3A_176, %cond3A_177 : i32
      scf.if %cond3A_178 {
        %add3A_269 = arith.constant 3 : i32
        %add3A_270 = arith.addi %add3A_166, %add3A_269 : i32
        %dma_start3A_271 = arith.constant 0 : i32
        %dma_start3A_272 = tpu.memref_slice %arg9[%add3A_270, %dma_start3A_271] : memref<84x128xi32, #tpu.memory_space<vmem>> -> memref<1x128xi32, #tpu.memory_space<vmem>>
        %dma_start3A_273 = tpu.memref_squeeze %dma_start3A_272 : memref<1x128xi32, #tpu.memory_space<vmem>> -> memref<128xi32, #tpu.memory_space<vmem>>
        %dma_start3A_274 = arith.constant 0 : i32
        %dma_start3A_275 = arith.constant 0 : i32
        %dma_start3A_276 = tpu.memref_slice %arg4[%dma_start3A_274, %dma_start3A_275] : memref<10240x64xf32, #tpu.memory_space<hbm>> -> memref<10240x64xf32, #tpu.memory_space<hbm>>
        tpu.enqueue_indirect_dma source(%dma_start3A_276 : memref<10240x64xf32, #tpu.memory_space<hbm>>) target(%arg16 : memref<128x64xf32, #tpu.memory_space<vmem>>) offsets(%dma_start3A_273 : memref<128xi32, #tpu.memory_space<vmem>>) semaphore(%arg22 : memref<!tpu.dma_semaphore, #tpu.memory_space<semaphore_mem>>)
      } else {
      }
      %dma_wait3A_179 = arith.constant 0 : i32
      %dma_wait3A_180 = tpu.memref_slice %arg9[%add3A_166, %dma_wait3A_179] : memref<84x128xi32, #tpu.memory_space<vmem>> -> memref<1x128xi32, #tpu.memory_space<vmem>>
      %dma_wait3A_181 = tpu.memref_squeeze %dma_wait3A_180 : memref<1x128xi32, #tpu.memory_space<vmem>> -> memref<128xi32, #tpu.memory_space<vmem>>
      %dma_wait3A_182 = arith.constant 0 : i32
      %dma_wait3A_183 = arith.constant 0 : i32
      %dma_wait3A_184 = tpu.memref_slice %arg4[%dma_wait3A_182, %dma_wait3A_183] : memref<10240x64xf32, #tpu.memory_space<hbm>> -> memref<10240x64xf32, #tpu.memory_space<hbm>>
      tpu.wait_indirect_dma semaphore(%arg19 : memref<!tpu.dma_semaphore, #tpu.memory_space<semaphore_mem>>) src(%dma_wait3A_184 : memref<10240x64xf32, #tpu.memory_space<hbm>>) dst(%arg13 : memref<128x64xf32, #tpu.memory_space<vmem>>)
      %dma_start3A_185 = arith.constant 0 : i32
      %dma_start3A_186 = tpu.memref_slice %arg10[%add3A_166, %dma_start3A_185] : memref<84x128xi32, #tpu.memory_space<vmem>> -> memref<1x128xi32, #tpu.memory_space<vmem>>
      %dma_start3A_187 = tpu.memref_squeeze %dma_start3A_186 : memref<1x128xi32, #tpu.memory_space<vmem>> -> memref<128xi32, #tpu.memory_space<vmem>>
      %dma_start3A_188 = arith.constant 0 : i32
      %dma_start3A_189 = arith.constant 0 : i32
      %dma_start3A_190 = tpu.memref_slice %arg8[%dma_start3A_188, %dma_start3A_189] : memref<10240x64xf32, #tpu.memory_space<vmem_shared>> -> memref<10240x64xf32, #tpu.memory_space<vmem_shared>>
      tpu.enqueue_indirect_dma source(%arg13 : memref<128x64xf32, #tpu.memory_space<vmem>>) target(%dma_start3A_190 : memref<10240x64xf32, #tpu.memory_space<vmem_shared>>) offsets(%dma_start3A_187 : memref<128xi32, #tpu.memory_space<vmem>>) semaphore(%arg25 : memref<!tpu.dma_semaphore, #tpu.memory_space<semaphore_mem>>) {add = true}
      %add3A_191 = arith.constant 3 : i32
      %add3A_192 = arith.addi %mul3A_116, %add3A_191 : i32
      %ge3A_193 = arith.constant 3 : i32
      %ge3A_194 = arith.cmpi sge, %add3A_192, %ge3A_193 : i32
      %convert_element_type3A_195 = arith.extui %ge3A_194 : i1 to i32
      %cond3A_196 = arith.constant 0 : i32
      %cond3A_197 = arith.cmpi ne, %convert_element_type3A_195, %cond3A_196 : i32
      scf.if %cond3A_197 {
        %dma_wait3A_269 = arith.constant 0 : i32
        %dma_wait3A_270 = arith.constant 0 : i32
        %dma_wait3A_271 = tpu.memref_slice %arg10[%dma_wait3A_269, %dma_wait3A_270] : memref<84x128xi32, #tpu.memory_space<vmem>> -> memref<1x128xi32, #tpu.memory_space<vmem>>
        %dma_wait3A_272 = tpu.memref_squeeze %dma_wait3A_271 : memref<1x128xi32, #tpu.memory_space<vmem>> -> memref<128xi32, #tpu.memory_space<vmem>>
        %dma_wait3A_273 = arith.constant 0 : i32
        %dma_wait3A_274 = arith.constant 0 : i32
        %dma_wait3A_275 = tpu.memref_slice %arg8[%dma_wait3A_273, %dma_wait3A_274] : memref<10240x64xf32, #tpu.memory_space<vmem_shared>> -> memref<10240x64xf32, #tpu.memory_space<vmem_shared>>
        tpu.wait_indirect_dma semaphore(%arg23 : memref<!tpu.dma_semaphore, #tpu.memory_space<semaphore_mem>>) src(%arg11 : memref<128x64xf32, #tpu.memory_space<vmem>>) dst(%dma_wait3A_275 : memref<10240x64xf32, #tpu.memory_space<vmem_shared>>)
      } else {
      }
      %add3A_198 = arith.constant 3 : i32
      %add3A_199 = arith.addi %add3A_192, %add3A_198 : i32
      %lt3A_200 = arith.constant 84 : i32
      %lt3A_201 = arith.cmpi slt, %add3A_199, %lt3A_200 : i32
      %convert_element_type3A_202 = arith.extui %lt3A_201 : i1 to i32
      %cond3A_203 = arith.constant 0 : i32
      %cond3A_204 = arith.cmpi ne, %convert_element_type3A_202, %cond3A_203 : i32
      scf.if %cond3A_204 {
        %add3A_269 = arith.constant 3 : i32
        %add3A_270 = arith.addi %add3A_192, %add3A_269 : i32
        %dma_start3A_271 = arith.constant 0 : i32
        %dma_start3A_272 = tpu.memref_slice %arg9[%add3A_270, %dma_start3A_271] : memref<84x128xi32, #tpu.memory_space<vmem>> -> memref<1x128xi32, #tpu.memory_space<vmem>>
        %dma_start3A_273 = tpu.memref_squeeze %dma_start3A_272 : memref<1x128xi32, #tpu.memory_space<vmem>> -> memref<128xi32, #tpu.memory_space<vmem>>
        %dma_start3A_274 = arith.constant 0 : i32
        %dma_start3A_275 = arith.constant 0 : i32
        %dma_start3A_276 = tpu.memref_slice %arg4[%dma_start3A_274, %dma_start3A_275] : memref<10240x64xf32, #tpu.memory_space<hbm>> -> memref<10240x64xf32, #tpu.memory_space<hbm>>
        tpu.enqueue_indirect_dma source(%dma_start3A_276 : memref<10240x64xf32, #tpu.memory_space<hbm>>) target(%arg11 : memref<128x64xf32, #tpu.memory_space<vmem>>) offsets(%dma_start3A_273 : memref<128xi32, #tpu.memory_space<vmem>>) semaphore(%arg17 : memref<!tpu.dma_semaphore, #tpu.memory_space<semaphore_mem>>)
      } else {
      }
      %dma_wait3A_205 = arith.constant 0 : i32
      %dma_wait3A_206 = tpu.memref_slice %arg9[%add3A_192, %dma_wait3A_205] : memref<84x128xi32, #tpu.memory_space<vmem>> -> memref<1x128xi32, #tpu.memory_space<vmem>>
      %dma_wait3A_207 = tpu.memref_squeeze %dma_wait3A_206 : memref<1x128xi32, #tpu.memory_space<vmem>> -> memref<128xi32, #tpu.memory_space<vmem>>
      %dma_wait3A_208 = arith.constant 0 : i32
      %dma_wait3A_209 = arith.constant 0 : i32
      %dma_wait3A_210 = tpu.memref_slice %arg4[%dma_wait3A_208, %dma_wait3A_209] : memref<10240x64xf32, #tpu.memory_space<hbm>> -> memref<10240x64xf32, #tpu.memory_space<hbm>>
      tpu.wait_indirect_dma semaphore(%arg20 : memref<!tpu.dma_semaphore, #tpu.memory_space<semaphore_mem>>) src(%dma_wait3A_210 : memref<10240x64xf32, #tpu.memory_space<hbm>>) dst(%arg14 : memref<128x64xf32, #tpu.memory_space<vmem>>)
      %dma_start3A_211 = arith.constant 0 : i32
      %dma_start3A_212 = tpu.memref_slice %arg10[%add3A_192, %dma_start3A_211] : memref<84x128xi32, #tpu.memory_space<vmem>> -> memref<1x128xi32, #tpu.memory_space<vmem>>
      %dma_start3A_213 = tpu.memref_squeeze %dma_start3A_212 : memref<1x128xi32, #tpu.memory_space<vmem>> -> memref<128xi32, #tpu.memory_space<vmem>>
      %dma_start3A_214 = arith.constant 0 : i32
      %dma_start3A_215 = arith.constant 0 : i32
      %dma_start3A_216 = tpu.memref_slice %arg8[%dma_start3A_214, %dma_start3A_215] : memref<10240x64xf32, #tpu.memory_space<vmem_shared>> -> memref<10240x64xf32, #tpu.memory_space<vmem_shared>>
      tpu.enqueue_indirect_dma source(%arg14 : memref<128x64xf32, #tpu.memory_space<vmem>>) target(%dma_start3A_216 : memref<10240x64xf32, #tpu.memory_space<vmem_shared>>) offsets(%dma_start3A_213 : memref<128xi32, #tpu.memory_space<vmem>>) semaphore(%arg26 : memref<!tpu.dma_semaphore, #tpu.memory_space<semaphore_mem>>) {add = true}
      %add3A_217 = arith.constant 4 : i32
      %add3A_218 = arith.addi %mul3A_116, %add3A_217 : i32
      %ge3A_219 = arith.constant 3 : i32
      %ge3A_220 = arith.cmpi sge, %add3A_218, %ge3A_219 : i32
      %convert_element_type3A_221 = arith.extui %ge3A_220 : i1 to i32
      %cond3A_222 = arith.constant 0 : i32
      %cond3A_223 = arith.cmpi ne, %convert_element_type3A_221, %cond3A_222 : i32
      scf.if %cond3A_223 {
        %dma_wait3A_269 = arith.constant 0 : i32
        %dma_wait3A_270 = arith.constant 0 : i32
        %dma_wait3A_271 = tpu.memref_slice %arg10[%dma_wait3A_269, %dma_wait3A_270] : memref<84x128xi32, #tpu.memory_space<vmem>> -> memref<1x128xi32, #tpu.memory_space<vmem>>
        %dma_wait3A_272 = tpu.memref_squeeze %dma_wait3A_271 : memref<1x128xi32, #tpu.memory_space<vmem>> -> memref<128xi32, #tpu.memory_space<vmem>>
        %dma_wait3A_273 = arith.constant 0 : i32
        %dma_wait3A_274 = arith.constant 0 : i32
        %dma_wait3A_275 = tpu.memref_slice %arg8[%dma_wait3A_273, %dma_wait3A_274] : memref<10240x64xf32, #tpu.memory_space<vmem_shared>> -> memref<10240x64xf32, #tpu.memory_space<vmem_shared>>
        tpu.wait_indirect_dma semaphore(%arg24 : memref<!tpu.dma_semaphore, #tpu.memory_space<semaphore_mem>>) src(%arg12 : memref<128x64xf32, #tpu.memory_space<vmem>>) dst(%dma_wait3A_275 : memref<10240x64xf32, #tpu.memory_space<vmem_shared>>)
      } else {
      }
      %add3A_224 = arith.constant 3 : i32
      %add3A_225 = arith.addi %add3A_218, %add3A_224 : i32
      %lt3A_226 = arith.constant 84 : i32
      %lt3A_227 = arith.cmpi slt, %add3A_225, %lt3A_226 : i32
      %convert_element_type3A_228 = arith.extui %lt3A_227 : i1 to i32
      %cond3A_229 = arith.constant 0 : i32
      %cond3A_230 = arith.cmpi ne, %convert_element_type3A_228, %cond3A_229 : i32
      scf.if %cond3A_230 {
        %add3A_269 = arith.constant 3 : i32
        %add3A_270 = arith.addi %add3A_218, %add3A_269 : i32
        %dma_start3A_271 = arith.constant 0 : i32
        %dma_start3A_272 = tpu.memref_slice %arg9[%add3A_270, %dma_start3A_271] : memref<84x128xi32, #tpu.memory_space<vmem>> -> memref<1x128xi32, #tpu.memory_space<vmem>>
        %dma_start3A_273 = tpu.memref_squeeze %dma_start3A_272 : memref<1x128xi32, #tpu.memory_space<vmem>> -> memref<128xi32, #tpu.memory_space<vmem>>
        %dma_start3A_274 = arith.constant 0 : i32
        %dma_start3A_275 = arith.constant 0 : i32
        %dma_start3A_276 = tpu.memref_slice %arg4[%dma_start3A_274, %dma_start3A_275] : memref<10240x64xf32, #tpu.memory_space<hbm>> -> memref<10240x64xf32, #tpu.memory_space<hbm>>
        tpu.enqueue_indirect_dma source(%dma_start3A_276 : memref<10240x64xf32, #tpu.memory_space<hbm>>) target(%arg12 : memref<128x64xf32, #tpu.memory_space<vmem>>) offsets(%dma_start3A_273 : memref<128xi32, #tpu.memory_space<vmem>>) semaphore(%arg18 : memref<!tpu.dma_semaphore, #tpu.memory_space<semaphore_mem>>)
      } else {
      }
      %dma_wait3A_231 = arith.constant 0 : i32
      %dma_wait3A_232 = tpu.memref_slice %arg9[%add3A_218, %dma_wait3A_231] : memref<84x128xi32, #tpu.memory_space<vmem>> -> memref<1x128xi32, #tpu.memory_space<vmem>>
      %dma_wait3A_233 = tpu.memref_squeeze %dma_wait3A_232 : memref<1x128xi32, #tpu.memory_space<vmem>> -> memref<128xi32, #tpu.memory_space<vmem>>
      %dma_wait3A_234 = arith.constant 0 : i32
      %dma_wait3A_235 = arith.constant 0 : i32
      %dma_wait3A_236 = tpu.memref_slice %arg4[%dma_wait3A_234, %dma_wait3A_235] : memref<10240x64xf32, #tpu.memory_space<hbm>> -> memref<10240x64xf32, #tpu.memory_space<hbm>>
      tpu.wait_indirect_dma semaphore(%arg21 : memref<!tpu.dma_semaphore, #tpu.memory_space<semaphore_mem>>) src(%dma_wait3A_236 : memref<10240x64xf32, #tpu.memory_space<hbm>>) dst(%arg15 : memref<128x64xf32, #tpu.memory_space<vmem>>)
      %dma_start3A_237 = arith.constant 0 : i32
      %dma_start3A_238 = tpu.memref_slice %arg10[%add3A_218, %dma_start3A_237] : memref<84x128xi32, #tpu.memory_space<vmem>> -> memref<1x128xi32, #tpu.memory_space<vmem>>
      %dma_start3A_239 = tpu.memref_squeeze %dma_start3A_238 : memref<1x128xi32, #tpu.memory_space<vmem>> -> memref<128xi32, #tpu.memory_space<vmem>>
      %dma_start3A_240 = arith.constant 0 : i32
      %dma_start3A_241 = arith.constant 0 : i32
      %dma_start3A_242 = tpu.memref_slice %arg8[%dma_start3A_240, %dma_start3A_241] : memref<10240x64xf32, #tpu.memory_space<vmem_shared>> -> memref<10240x64xf32, #tpu.memory_space<vmem_shared>>
      tpu.enqueue_indirect_dma source(%arg15 : memref<128x64xf32, #tpu.memory_space<vmem>>) target(%dma_start3A_242 : memref<10240x64xf32, #tpu.memory_space<vmem_shared>>) offsets(%dma_start3A_239 : memref<128xi32, #tpu.memory_space<vmem>>) semaphore(%arg27 : memref<!tpu.dma_semaphore, #tpu.memory_space<semaphore_mem>>) {add = true}
      %add3A_243 = arith.constant 5 : i32
      %add3A_244 = arith.addi %mul3A_116, %add3A_243 : i32
      %ge3A_245 = arith.constant 3 : i32
      %ge3A_246 = arith.cmpi sge, %add3A_244, %ge3A_245 : i32
      %convert_element_type3A_247 = arith.extui %ge3A_246 : i1 to i32
      %cond3A_248 = arith.constant 0 : i32
      %cond3A_249 = arith.cmpi ne, %convert_element_type3A_247, %cond3A_248 : i32
      scf.if %cond3A_249 {
        %dma_wait3A_269 = arith.constant 0 : i32
        %dma_wait3A_270 = arith.constant 0 : i32
        %dma_wait3A_271 = tpu.memref_slice %arg10[%dma_wait3A_269, %dma_wait3A_270] : memref<84x128xi32, #tpu.memory_space<vmem>> -> memref<1x128xi32, #tpu.memory_space<vmem>>
        %dma_wait3A_272 = tpu.memref_squeeze %dma_wait3A_271 : memref<1x128xi32, #tpu.memory_space<vmem>> -> memref<128xi32, #tpu.memory_space<vmem>>
        %dma_wait3A_273 = arith.constant 0 : i32
        %dma_wait3A_274 = arith.constant 0 : i32
        %dma_wait3A_275 = tpu.memref_slice %arg8[%dma_wait3A_273, %dma_wait3A_274] : memref<10240x64xf32, #tpu.memory_space<vmem_shared>> -> memref<10240x64xf32, #tpu.memory_space<vmem_shared>>
        tpu.wait_indirect_dma semaphore(%arg25 : memref<!tpu.dma_semaphore, #tpu.memory_space<semaphore_mem>>) src(%arg13 : memref<128x64xf32, #tpu.memory_space<vmem>>) dst(%dma_wait3A_275 : memref<10240x64xf32, #tpu.memory_space<vmem_shared>>)
      } else {
      }
      %add3A_250 = arith.constant 3 : i32
      %add3A_251 = arith.addi %add3A_244, %add3A_250 : i32
      %lt3A_252 = arith.constant 84 : i32
      %lt3A_253 = arith.cmpi slt, %add3A_251, %lt3A_252 : i32
      %convert_element_type3A_254 = arith.extui %lt3A_253 : i1 to i32
      %cond3A_255 = arith.constant 0 : i32
      %cond3A_256 = arith.cmpi ne, %convert_element_type3A_254, %cond3A_255 : i32
      scf.if %cond3A_256 {
        %add3A_269 = arith.constant 3 : i32
        %add3A_270 = arith.addi %add3A_244, %add3A_269 : i32
        %dma_start3A_271 = arith.constant 0 : i32
        %dma_start3A_272 = tpu.memref_slice %arg9[%add3A_270, %dma_start3A_271] : memref<84x128xi32, #tpu.memory_space<vmem>> -> memref<1x128xi32, #tpu.memory_space<vmem>>
        %dma_start3A_273 = tpu.memref_squeeze %dma_start3A_272 : memref<1x128xi32, #tpu.memory_space<vmem>> -> memref<128xi32, #tpu.memory_space<vmem>>
        %dma_start3A_274 = arith.constant 0 : i32
        %dma_start3A_275 = arith.constant 0 : i32
        %dma_start3A_276 = tpu.memref_slice %arg4[%dma_start3A_274, %dma_start3A_275] : memref<10240x64xf32, #tpu.memory_space<hbm>> -> memref<10240x64xf32, #tpu.memory_space<hbm>>
        tpu.enqueue_indirect_dma source(%dma_start3A_276 : memref<10240x64xf32, #tpu.memory_space<hbm>>) target(%arg13 : memref<128x64xf32, #tpu.memory_space<vmem>>) offsets(%dma_start3A_273 : memref<128xi32, #tpu.memory_space<vmem>>) semaphore(%arg19 : memref<!tpu.dma_semaphore, #tpu.memory_space<semaphore_mem>>)
      } else {
      }
      %dma_wait3A_257 = arith.constant 0 : i32
      %dma_wait3A_258 = tpu.memref_slice %arg9[%add3A_244, %dma_wait3A_257] : memref<84x128xi32, #tpu.memory_space<vmem>> -> memref<1x128xi32, #tpu.memory_space<vmem>>
      %dma_wait3A_259 = tpu.memref_squeeze %dma_wait3A_258 : memref<1x128xi32, #tpu.memory_space<vmem>> -> memref<128xi32, #tpu.memory_space<vmem>>
      %dma_wait3A_260 = arith.constant 0 : i32
      %dma_wait3A_261 = arith.constant 0 : i32
      %dma_wait3A_262 = tpu.memref_slice %arg4[%dma_wait3A_260, %dma_wait3A_261] : memref<10240x64xf32, #tpu.memory_space<hbm>> -> memref<10240x64xf32, #tpu.memory_space<hbm>>
      tpu.wait_indirect_dma semaphore(%arg22 : memref<!tpu.dma_semaphore, #tpu.memory_space<semaphore_mem>>) src(%dma_wait3A_262 : memref<10240x64xf32, #tpu.memory_space<hbm>>) dst(%arg16 : memref<128x64xf32, #tpu.memory_space<vmem>>)
      %dma_start3A_263 = arith.constant 0 : i32
      %dma_start3A_264 = tpu.memref_slice %arg10[%add3A_244, %dma_start3A_263] : memref<84x128xi32, #tpu.memory_space<vmem>> -> memref<1x128xi32, #tpu.memory_space<vmem>>
      %dma_start3A_265 = tpu.memref_squeeze %dma_start3A_264 : memref<1x128xi32, #tpu.memory_space<vmem>> -> memref<128xi32, #tpu.memory_space<vmem>>
      %dma_start3A_266 = arith.constant 0 : i32
      %dma_start3A_267 = arith.constant 0 : i32
      %dma_start3A_268 = tpu.memref_slice %arg8[%dma_start3A_266, %dma_start3A_267] : memref<10240x64xf32, #tpu.memory_space<vmem_shared>> -> memref<10240x64xf32, #tpu.memory_space<vmem_shared>>
      tpu.enqueue_indirect_dma source(%arg16 : memref<128x64xf32, #tpu.memory_space<vmem>>) target(%dma_start3A_268 : memref<10240x64xf32, #tpu.memory_space<vmem_shared>>) offsets(%dma_start3A_265 : memref<128xi32, #tpu.memory_space<vmem>>) semaphore(%arg28 : memref<!tpu.dma_semaphore, #tpu.memory_space<semaphore_mem>>) {add = true}
    }
    %scan3A_33 = arith.constant 14 : i32
    %dma_wait3A = arith.constant 0 : i32
    %dma_wait3A_34 = arith.constant 0 : i32
    %dma_wait3A_35 = tpu.memref_slice %arg10[%dma_wait3A, %dma_wait3A_34] : memref<84x128xi32, #tpu.memory_space<vmem>> -> memref<1x128xi32, #tpu.memory_space<vmem>>
    %dma_wait3A_36 = tpu.memref_squeeze %dma_wait3A_35 : memref<1x128xi32, #tpu.memory_space<vmem>> -> memref<128xi32, #tpu.memory_space<vmem>>
    %dma_wait3A_37 = arith.constant 0 : i32
    %dma_wait3A_38 = arith.constant 0 : i32
    %dma_wait3A_39 = tpu.memref_slice %arg8[%dma_wait3A_37, %dma_wait3A_38] : memref<10240x64xf32, #tpu.memory_space<vmem_shared>> -> memref<10240x64xf32, #tpu.memory_space<vmem_shared>>
    tpu.wait_indirect_dma semaphore(%arg26 : memref<!tpu.dma_semaphore, #tpu.memory_space<semaphore_mem>>) src(%arg14 : memref<128x64xf32, #tpu.memory_space<vmem>>) dst(%dma_wait3A_39 : memref<10240x64xf32, #tpu.memory_space<vmem_shared>>)
    %dma_wait3A_40 = arith.constant 0 : i32
    %dma_wait3A_41 = arith.constant 0 : i32
    %dma_wait3A_42 = tpu.memref_slice %arg10[%dma_wait3A_40, %dma_wait3A_41] : memref<84x128xi32, #tpu.memory_space<vmem>> -> memref<1x128xi32, #tpu.memory_space<vmem>>
    %dma_wait3A_43 = tpu.memref_squeeze %dma_wait3A_42 : memref<1x128xi32, #tpu.memory_space<vmem>> -> memref<128xi32, #tpu.memory_space<vmem>>
    %dma_wait3A_44 = arith.constant 0 : i32
    %dma_wait3A_45 = arith.constant 0 : i32
    %dma_wait3A_46 = tpu.memref_slice %arg8[%dma_wait3A_44, %dma_wait3A_45] : memref<10240x64xf32, #tpu.memory_space<vmem_shared>> -> memref<10240x64xf32, #tpu.memory_space<vmem_shared>>
    tpu.wait_indirect_dma semaphore(%arg27 : memref<!tpu.dma_semaphore, #tpu.memory_space<semaphore_mem>>) src(%arg15 : memref<128x64xf32, #tpu.memory_space<vmem>>) dst(%dma_wait3A_46 : memref<10240x64xf32, #tpu.memory_space<vmem_shared>>)
    %dma_wait3A_47 = arith.constant 0 : i32
    %dma_wait3A_48 = arith.constant 0 : i32
    %dma_wait3A_49 = tpu.memref_slice %arg10[%dma_wait3A_47, %dma_wait3A_48] : memref<84x128xi32, #tpu.memory_space<vmem>> -> memref<1x128xi32, #tpu.memory_space<vmem>>
    %dma_wait3A_50 = tpu.memref_squeeze %dma_wait3A_49 : memref<1x128xi32, #tpu.memory_space<vmem>> -> memref<128xi32, #tpu.memory_space<vmem>>
    %dma_wait3A_51 = arith.constant 0 : i32
    %dma_wait3A_52 = arith.constant 0 : i32
    %dma_wait3A_53 = tpu.memref_slice %arg8[%dma_wait3A_51, %dma_wait3A_52] : memref<10240x64xf32, #tpu.memory_space<vmem_shared>> -> memref<10240x64xf32, #tpu.memory_space<vmem_shared>>
    tpu.wait_indirect_dma semaphore(%arg28 : memref<!tpu.dma_semaphore, #tpu.memory_space<semaphore_mem>>) src(%arg16 : memref<128x64xf32, #tpu.memory_space<vmem>>) dst(%dma_wait3A_53 : memref<10240x64xf32, #tpu.memory_space<vmem_shared>>)
    %barrier3A_54 = arith.constant 0 : index
    tpu.barrier barrier_id(%barrier3A_54)
    %add3A_55 = arith.addi %mul3A_8, %mul3A_2 : i32
    "tpu.region"() ({
      %run_scoped3A = tpu.sem_alloc : memref<!tpu.dma_semaphore, #tpu.memory_space<semaphore_mem>>
      %dma_start3A_114 = arith.constant 0 : i32
      %dma_start3A_115 = tpu.memref_slice %arg7[%add3A_55, %dma_start3A_114] : memref<40960x64xf32, #tpu.memory_space<hbm>> -> memref<640x64xf32, #tpu.memory_space<hbm>>
      %dma_start3A_116 = arith.constant 0 : i32
      %dma_start3A_117 = tpu.memref_slice %arg8[%mul3A_2, %dma_start3A_116] : memref<10240x64xf32, #tpu.memory_space<vmem_shared>> -> memref<640x64xf32, #tpu.memory_space<vmem_shared>>
      tpu.enqueue_dma source(%dma_start3A_117 : memref<640x64xf32, #tpu.memory_space<vmem_shared>>) target(%dma_start3A_115 : memref<640x64xf32, #tpu.memory_space<hbm>>) target_semaphore(%run_scoped3A : memref<!tpu.dma_semaphore, #tpu.memory_space<semaphore_mem>>)
      %dma_wait3A_118 = arith.constant 0 : i32
      %dma_wait3A_119 = tpu.memref_slice %arg7[%add3A_55, %dma_wait3A_118] : memref<40960x64xf32, #tpu.memory_space<hbm>> -> memref<640x64xf32, #tpu.memory_space<hbm>>
      %dma_wait3A_120 = arith.constant 0 : i32
      %dma_wait3A_121 = tpu.memref_slice %arg8[%mul3A_2, %dma_wait3A_120] : memref<10240x64xf32, #tpu.memory_space<vmem_shared>> -> memref<640x64xf32, #tpu.memory_space<vmem_shared>>
      tpu.wait_dma2 semaphore(%run_scoped3A : memref<!tpu.dma_semaphore, #tpu.memory_space<semaphore_mem>>) src(%dma_wait3A_121 : memref<640x64xf32, #tpu.memory_space<vmem_shared>>) dst(%dma_wait3A_119 : memref<640x64xf32, #tpu.memory_space<hbm>>)
      tpu.yield
    }) : () -> ()
    %barrier3A_56 = arith.constant 0 : index
    tpu.barrier barrier_id(%barrier3A_56)
    %mul3A_57 = arith.constant 2 : i32
    %mul3A_58 = arith.muli %arg0, %mul3A_57 : i32
    %mul3A_59 = arith.constant 10240 : i32
    %mul3A_60 = arith.muli %mul3A_58, %mul3A_59 : i32
    %add3A_61 = arith.constant 10240 : i32
    %add3A_62 = arith.addi %mul3A_60, %add3A_61 : i32
    "tpu.region"() ({
      %run_scoped3A = tpu.sem_alloc : memref<!tpu.dma_semaphore, #tpu.memory_space<semaphore_mem>>
      %dma_start3A_114 = arith.constant 0 : i32
      %dma_start3A_115 = tpu.memref_slice %arg8[%mul3A_2, %dma_start3A_114] : memref<10240x64xf32, #tpu.memory_space<vmem_shared>> -> memref<640x64xf32, #tpu.memory_space<vmem_shared>>
      %dma_start3A_116 = arith.constant 0 : i32
      %dma_start3A_117 = tpu.memref_slice %arg6[%mul3A_2, %dma_start3A_116] : memref<10240x64xf32, #tpu.memory_space<hbm>> -> memref<640x64xf32, #tpu.memory_space<hbm>>
      tpu.enqueue_dma source(%dma_start3A_117 : memref<640x64xf32, #tpu.memory_space<hbm>>) target(%dma_start3A_115 : memref<640x64xf32, #tpu.memory_space<vmem_shared>>) target_semaphore(%run_scoped3A : memref<!tpu.dma_semaphore, #tpu.memory_space<semaphore_mem>>)
      %dma_wait3A_118 = arith.constant 0 : i32
      %dma_wait3A_119 = tpu.memref_slice %arg8[%mul3A_2, %dma_wait3A_118] : memref<10240x64xf32, #tpu.memory_space<vmem_shared>> -> memref<640x64xf32, #tpu.memory_space<vmem_shared>>
      %dma_wait3A_120 = arith.constant 0 : i32
      %dma_wait3A_121 = tpu.memref_slice %arg6[%mul3A_2, %dma_wait3A_120] : memref<10240x64xf32, #tpu.memory_space<hbm>> -> memref<640x64xf32, #tpu.memory_space<hbm>>
      tpu.wait_dma2 semaphore(%run_scoped3A : memref<!tpu.dma_semaphore, #tpu.memory_space<semaphore_mem>>) src(%dma_wait3A_121 : memref<640x64xf32, #tpu.memory_space<hbm>>) dst(%dma_wait3A_119 : memref<640x64xf32, #tpu.memory_space<vmem_shared>>)
      tpu.yield
    }) : () -> ()
    %barrier3A_63 = arith.constant 0 : index
    tpu.barrier barrier_id(%barrier3A_63)
    %dma_start3A_64 = arith.constant 0 : i32
    %dma_start3A_65 = arith.constant 0 : i32
    %dma_start3A_66 = tpu.memref_slice %arg9[%dma_start3A_64, %dma_start3A_65] : memref<84x128xi32, #tpu.memory_space<vmem>> -> memref<1x128xi32, #tpu.memory_space<vmem>>
    %dma_start3A_67 = tpu.memref_squeeze %dma_start3A_66 : memref<1x128xi32, #tpu.memory_space<vmem>> -> memref<128xi32, #tpu.memory_space<vmem>>
    %dma_start3A_68 = arith.constant 0 : i32
    %dma_start3A_69 = arith.constant 0 : i32
    %dma_start3A_70 = tpu.memref_slice %arg5[%dma_start3A_68, %dma_start3A_69] : memref<10240x64xf32, #tpu.memory_space<hbm>> -> memref<10240x64xf32, #tpu.memory_space<hbm>>
    tpu.enqueue_indirect_dma source(%dma_start3A_70 : memref<10240x64xf32, #tpu.memory_space<hbm>>) target(%arg11 : memref<128x64xf32, #tpu.memory_space<vmem>>) offsets(%dma_start3A_67 : memref<128xi32, #tpu.memory_space<vmem>>) semaphore(%arg17 : memref<!tpu.dma_semaphore, #tpu.memory_space<semaphore_mem>>)
    %dma_start3A_71 = arith.constant 1 : i32
    %dma_start3A_72 = arith.constant 0 : i32
    %dma_start3A_73 = tpu.memref_slice %arg9[%dma_start3A_71, %dma_start3A_72] : memref<84x128xi32, #tpu.memory_space<vmem>> -> memref<1x128xi32, #tpu.memory_space<vmem>>
    %dma_start3A_74 = tpu.memref_squeeze %dma_start3A_73 : memref<1x128xi32, #tpu.memory_space<vmem>> -> memref<128xi32, #tpu.memory_space<vmem>>
    %dma_start3A_75 = arith.constant 0 : i32
    %dma_start3A_76 = arith.constant 0 : i32
    %dma_start3A_77 = tpu.memref_slice %arg5[%dma_start3A_75, %dma_start3A_76] : memref<10240x64xf32, #tpu.memory_space<hbm>> -> memref<10240x64xf32, #tpu.memory_space<hbm>>
    tpu.enqueue_indirect_dma source(%dma_start3A_77 : memref<10240x64xf32, #tpu.memory_space<hbm>>) target(%arg12 : memref<128x64xf32, #tpu.memory_space<vmem>>) offsets(%dma_start3A_74 : memref<128xi32, #tpu.memory_space<vmem>>) semaphore(%arg18 : memref<!tpu.dma_semaphore, #tpu.memory_space<semaphore_mem>>)
    %dma_start3A_78 = arith.constant 2 : i32
    %dma_start3A_79 = arith.constant 0 : i32
    %dma_start3A_80 = tpu.memref_slice %arg9[%dma_start3A_78, %dma_start3A_79] : memref<84x128xi32, #tpu.memory_space<vmem>> -> memref<1x128xi32, #tpu.memory_space<vmem>>
    %dma_start3A_81 = tpu.memref_squeeze %dma_start3A_80 : memref<1x128xi32, #tpu.memory_space<vmem>> -> memref<128xi32, #tpu.memory_space<vmem>>
    %dma_start3A_82 = arith.constant 0 : i32
    %dma_start3A_83 = arith.constant 0 : i32
    %dma_start3A_84 = tpu.memref_slice %arg5[%dma_start3A_82, %dma_start3A_83] : memref<10240x64xf32, #tpu.memory_space<hbm>> -> memref<10240x64xf32, #tpu.memory_space<hbm>>
    tpu.enqueue_indirect_dma source(%dma_start3A_84 : memref<10240x64xf32, #tpu.memory_space<hbm>>) target(%arg13 : memref<128x64xf32, #tpu.memory_space<vmem>>) offsets(%dma_start3A_81 : memref<128xi32, #tpu.memory_space<vmem>>) semaphore(%arg19 : memref<!tpu.dma_semaphore, #tpu.memory_space<semaphore_mem>>)
    %scan3A_85 = arith.constant 0 : i32
    %scan3A_86 = arith.constant 0 : i32
    %scan3A_87 = arith.constant 14 : i32
    %scan3A_88 = arith.addi %scan3A_86, %scan3A_87 : i32
    %scan3A_89 = arith.constant 1 : i32
    scf.for %scan3A_114 = %scan3A_86 to %scan3A_88 step %scan3A_89  : i32 {
      %mul3A_115 = arith.constant 6 : i32
      %mul3A_116 = arith.muli %mul3A_115, %scan3A_114 : i32
      %add3A_117 = arith.constant 0 : i32
      %add3A_118 = arith.addi %mul3A_116, %add3A_117 : i32
      %ge3A = arith.constant 3 : i32
      %ge3A_119 = arith.cmpi sge, %add3A_118, %ge3A : i32
      %convert_element_type3A = arith.extui %ge3A_119 : i1 to i32
      %cond3A = arith.constant 0 : i32
      %cond3A_120 = arith.cmpi ne, %convert_element_type3A, %cond3A : i32
      scf.if %cond3A_120 {
        %dma_wait3A_269 = arith.constant 0 : i32
        %dma_wait3A_270 = arith.constant 0 : i32
        %dma_wait3A_271 = tpu.memref_slice %arg10[%dma_wait3A_269, %dma_wait3A_270] : memref<84x128xi32, #tpu.memory_space<vmem>> -> memref<1x128xi32, #tpu.memory_space<vmem>>
        %dma_wait3A_272 = tpu.memref_squeeze %dma_wait3A_271 : memref<1x128xi32, #tpu.memory_space<vmem>> -> memref<128xi32, #tpu.memory_space<vmem>>
        %dma_wait3A_273 = arith.constant 0 : i32
        %dma_wait3A_274 = arith.constant 0 : i32
        %dma_wait3A_275 = tpu.memref_slice %arg8[%dma_wait3A_273, %dma_wait3A_274] : memref<10240x64xf32, #tpu.memory_space<vmem_shared>> -> memref<10240x64xf32, #tpu.memory_space<vmem_shared>>
        tpu.wait_indirect_dma semaphore(%arg26 : memref<!tpu.dma_semaphore, #tpu.memory_space<semaphore_mem>>) src(%arg14 : memref<128x64xf32, #tpu.memory_space<vmem>>) dst(%dma_wait3A_275 : memref<10240x64xf32, #tpu.memory_space<vmem_shared>>)
      } else {
      }
      %add3A_121 = arith.constant 3 : i32
      %add3A_122 = arith.addi %add3A_118, %add3A_121 : i32
      %lt3A = arith.constant 84 : i32
      %lt3A_123 = arith.cmpi slt, %add3A_122, %lt3A : i32
      %convert_element_type3A_124 = arith.extui %lt3A_123 : i1 to i32
      %cond3A_125 = arith.constant 0 : i32
      %cond3A_126 = arith.cmpi ne, %convert_element_type3A_124, %cond3A_125 : i32
      scf.if %cond3A_126 {
        %add3A_269 = arith.constant 3 : i32
        %add3A_270 = arith.addi %add3A_118, %add3A_269 : i32
        %dma_start3A_271 = arith.constant 0 : i32
        %dma_start3A_272 = tpu.memref_slice %arg9[%add3A_270, %dma_start3A_271] : memref<84x128xi32, #tpu.memory_space<vmem>> -> memref<1x128xi32, #tpu.memory_space<vmem>>
        %dma_start3A_273 = tpu.memref_squeeze %dma_start3A_272 : memref<1x128xi32, #tpu.memory_space<vmem>> -> memref<128xi32, #tpu.memory_space<vmem>>
        %dma_start3A_274 = arith.constant 0 : i32
        %dma_start3A_275 = arith.constant 0 : i32
        %dma_start3A_276 = tpu.memref_slice %arg5[%dma_start3A_274, %dma_start3A_275] : memref<10240x64xf32, #tpu.memory_space<hbm>> -> memref<10240x64xf32, #tpu.memory_space<hbm>>
        tpu.enqueue_indirect_dma source(%dma_start3A_276 : memref<10240x64xf32, #tpu.memory_space<hbm>>) target(%arg14 : memref<128x64xf32, #tpu.memory_space<vmem>>) offsets(%dma_start3A_273 : memref<128xi32, #tpu.memory_space<vmem>>) semaphore(%arg20 : memref<!tpu.dma_semaphore, #tpu.memory_space<semaphore_mem>>)
      } else {
      }
      %dma_wait3A_127 = arith.constant 0 : i32
      %dma_wait3A_128 = tpu.memref_slice %arg9[%add3A_118, %dma_wait3A_127] : memref<84x128xi32, #tpu.memory_space<vmem>> -> memref<1x128xi32, #tpu.memory_space<vmem>>
      %dma_wait3A_129 = tpu.memref_squeeze %dma_wait3A_128 : memref<1x128xi32, #tpu.memory_space<vmem>> -> memref<128xi32, #tpu.memory_space<vmem>>
      %dma_wait3A_130 = arith.constant 0 : i32
      %dma_wait3A_131 = arith.constant 0 : i32
      %dma_wait3A_132 = tpu.memref_slice %arg5[%dma_wait3A_130, %dma_wait3A_131] : memref<10240x64xf32, #tpu.memory_space<hbm>> -> memref<10240x64xf32, #tpu.memory_space<hbm>>
      tpu.wait_indirect_dma semaphore(%arg17 : memref<!tpu.dma_semaphore, #tpu.memory_space<semaphore_mem>>) src(%dma_wait3A_132 : memref<10240x64xf32, #tpu.memory_space<hbm>>) dst(%arg11 : memref<128x64xf32, #tpu.memory_space<vmem>>)
      %dma_start3A_133 = arith.constant 0 : i32
      %dma_start3A_134 = tpu.memref_slice %arg10[%add3A_118, %dma_start3A_133] : memref<84x128xi32, #tpu.memory_space<vmem>> -> memref<1x128xi32, #tpu.memory_space<vmem>>
      %dma_start3A_135 = tpu.memref_squeeze %dma_start3A_134 : memref<1x128xi32, #tpu.memory_space<vmem>> -> memref<128xi32, #tpu.memory_space<vmem>>
      %dma_start3A_136 = arith.constant 0 : i32
      %dma_start3A_137 = arith.constant 0 : i32
      %dma_start3A_138 = tpu.memref_slice %arg8[%dma_start3A_136, %dma_start3A_137] : memref<10240x64xf32, #tpu.memory_space<vmem_shared>> -> memref<10240x64xf32, #tpu.memory_space<vmem_shared>>
      tpu.enqueue_indirect_dma source(%arg11 : memref<128x64xf32, #tpu.memory_space<vmem>>) target(%dma_start3A_138 : memref<10240x64xf32, #tpu.memory_space<vmem_shared>>) offsets(%dma_start3A_135 : memref<128xi32, #tpu.memory_space<vmem>>) semaphore(%arg23 : memref<!tpu.dma_semaphore, #tpu.memory_space<semaphore_mem>>) {add = true}
      %add3A_139 = arith.constant 1 : i32
      %add3A_140 = arith.addi %mul3A_116, %add3A_139 : i32
      %ge3A_141 = arith.constant 3 : i32
      %ge3A_142 = arith.cmpi sge, %add3A_140, %ge3A_141 : i32
      %convert_element_type3A_143 = arith.extui %ge3A_142 : i1 to i32
      %cond3A_144 = arith.constant 0 : i32
      %cond3A_145 = arith.cmpi ne, %convert_element_type3A_143, %cond3A_144 : i32
      scf.if %cond3A_145 {
        %dma_wait3A_269 = arith.constant 0 : i32
        %dma_wait3A_270 = arith.constant 0 : i32
        %dma_wait3A_271 = tpu.memref_slice %arg10[%dma_wait3A_269, %dma_wait3A_270] : memref<84x128xi32, #tpu.memory_space<vmem>> -> memref<1x128xi32, #tpu.memory_space<vmem>>
        %dma_wait3A_272 = tpu.memref_squeeze %dma_wait3A_271 : memref<1x128xi32, #tpu.memory_space<vmem>> -> memref<128xi32, #tpu.memory_space<vmem>>
        %dma_wait3A_273 = arith.constant 0 : i32
        %dma_wait3A_274 = arith.constant 0 : i32
        %dma_wait3A_275 = tpu.memref_slice %arg8[%dma_wait3A_273, %dma_wait3A_274] : memref<10240x64xf32, #tpu.memory_space<vmem_shared>> -> memref<10240x64xf32, #tpu.memory_space<vmem_shared>>
        tpu.wait_indirect_dma semaphore(%arg27 : memref<!tpu.dma_semaphore, #tpu.memory_space<semaphore_mem>>) src(%arg15 : memref<128x64xf32, #tpu.memory_space<vmem>>) dst(%dma_wait3A_275 : memref<10240x64xf32, #tpu.memory_space<vmem_shared>>)
      } else {
      }
      %add3A_146 = arith.constant 3 : i32
      %add3A_147 = arith.addi %add3A_140, %add3A_146 : i32
      %lt3A_148 = arith.constant 84 : i32
      %lt3A_149 = arith.cmpi slt, %add3A_147, %lt3A_148 : i32
      %convert_element_type3A_150 = arith.extui %lt3A_149 : i1 to i32
      %cond3A_151 = arith.constant 0 : i32
      %cond3A_152 = arith.cmpi ne, %convert_element_type3A_150, %cond3A_151 : i32
      scf.if %cond3A_152 {
        %add3A_269 = arith.constant 3 : i32
        %add3A_270 = arith.addi %add3A_140, %add3A_269 : i32
        %dma_start3A_271 = arith.constant 0 : i32
        %dma_start3A_272 = tpu.memref_slice %arg9[%add3A_270, %dma_start3A_271] : memref<84x128xi32, #tpu.memory_space<vmem>> -> memref<1x128xi32, #tpu.memory_space<vmem>>
        %dma_start3A_273 = tpu.memref_squeeze %dma_start3A_272 : memref<1x128xi32, #tpu.memory_space<vmem>> -> memref<128xi32, #tpu.memory_space<vmem>>
        %dma_start3A_274 = arith.constant 0 : i32
        %dma_start3A_275 = arith.constant 0 : i32
        %dma_start3A_276 = tpu.memref_slice %arg5[%dma_start3A_274, %dma_start3A_275] : memref<10240x64xf32, #tpu.memory_space<hbm>> -> memref<10240x64xf32, #tpu.memory_space<hbm>>
        tpu.enqueue_indirect_dma source(%dma_start3A_276 : memref<10240x64xf32, #tpu.memory_space<hbm>>) target(%arg15 : memref<128x64xf32, #tpu.memory_space<vmem>>) offsets(%dma_start3A_273 : memref<128xi32, #tpu.memory_space<vmem>>) semaphore(%arg21 : memref<!tpu.dma_semaphore, #tpu.memory_space<semaphore_mem>>)
      } else {
      }
      %dma_wait3A_153 = arith.constant 0 : i32
      %dma_wait3A_154 = tpu.memref_slice %arg9[%add3A_140, %dma_wait3A_153] : memref<84x128xi32, #tpu.memory_space<vmem>> -> memref<1x128xi32, #tpu.memory_space<vmem>>
      %dma_wait3A_155 = tpu.memref_squeeze %dma_wait3A_154 : memref<1x128xi32, #tpu.memory_space<vmem>> -> memref<128xi32, #tpu.memory_space<vmem>>
      %dma_wait3A_156 = arith.constant 0 : i32
      %dma_wait3A_157 = arith.constant 0 : i32
      %dma_wait3A_158 = tpu.memref_slice %arg5[%dma_wait3A_156, %dma_wait3A_157] : memref<10240x64xf32, #tpu.memory_space<hbm>> -> memref<10240x64xf32, #tpu.memory_space<hbm>>
      tpu.wait_indirect_dma semaphore(%arg18 : memref<!tpu.dma_semaphore, #tpu.memory_space<semaphore_mem>>) src(%dma_wait3A_158 : memref<10240x64xf32, #tpu.memory_space<hbm>>) dst(%arg12 : memref<128x64xf32, #tpu.memory_space<vmem>>)
      %dma_start3A_159 = arith.constant 0 : i32
      %dma_start3A_160 = tpu.memref_slice %arg10[%add3A_140, %dma_start3A_159] : memref<84x128xi32, #tpu.memory_space<vmem>> -> memref<1x128xi32, #tpu.memory_space<vmem>>
      %dma_start3A_161 = tpu.memref_squeeze %dma_start3A_160 : memref<1x128xi32, #tpu.memory_space<vmem>> -> memref<128xi32, #tpu.memory_space<vmem>>
      %dma_start3A_162 = arith.constant 0 : i32
      %dma_start3A_163 = arith.constant 0 : i32
      %dma_start3A_164 = tpu.memref_slice %arg8[%dma_start3A_162, %dma_start3A_163] : memref<10240x64xf32, #tpu.memory_space<vmem_shared>> -> memref<10240x64xf32, #tpu.memory_space<vmem_shared>>
      tpu.enqueue_indirect_dma source(%arg12 : memref<128x64xf32, #tpu.memory_space<vmem>>) target(%dma_start3A_164 : memref<10240x64xf32, #tpu.memory_space<vmem_shared>>) offsets(%dma_start3A_161 : memref<128xi32, #tpu.memory_space<vmem>>) semaphore(%arg24 : memref<!tpu.dma_semaphore, #tpu.memory_space<semaphore_mem>>) {add = true}
      %add3A_165 = arith.constant 2 : i32
      %add3A_166 = arith.addi %mul3A_116, %add3A_165 : i32
      %ge3A_167 = arith.constant 3 : i32
      %ge3A_168 = arith.cmpi sge, %add3A_166, %ge3A_167 : i32
      %convert_element_type3A_169 = arith.extui %ge3A_168 : i1 to i32
      %cond3A_170 = arith.constant 0 : i32
      %cond3A_171 = arith.cmpi ne, %convert_element_type3A_169, %cond3A_170 : i32
      scf.if %cond3A_171 {
        %dma_wait3A_269 = arith.constant 0 : i32
        %dma_wait3A_270 = arith.constant 0 : i32
        %dma_wait3A_271 = tpu.memref_slice %arg10[%dma_wait3A_269, %dma_wait3A_270] : memref<84x128xi32, #tpu.memory_space<vmem>> -> memref<1x128xi32, #tpu.memory_space<vmem>>
        %dma_wait3A_272 = tpu.memref_squeeze %dma_wait3A_271 : memref<1x128xi32, #tpu.memory_space<vmem>> -> memref<128xi32, #tpu.memory_space<vmem>>
        %dma_wait3A_273 = arith.constant 0 : i32
        %dma_wait3A_274 = arith.constant 0 : i32
        %dma_wait3A_275 = tpu.memref_slice %arg8[%dma_wait3A_273, %dma_wait3A_274] : memref<10240x64xf32, #tpu.memory_space<vmem_shared>> -> memref<10240x64xf32, #tpu.memory_space<vmem_shared>>
        tpu.wait_indirect_dma semaphore(%arg28 : memref<!tpu.dma_semaphore, #tpu.memory_space<semaphore_mem>>) src(%arg16 : memref<128x64xf32, #tpu.memory_space<vmem>>) dst(%dma_wait3A_275 : memref<10240x64xf32, #tpu.memory_space<vmem_shared>>)
      } else {
      }
      %add3A_172 = arith.constant 3 : i32
      %add3A_173 = arith.addi %add3A_166, %add3A_172 : i32
      %lt3A_174 = arith.constant 84 : i32
      %lt3A_175 = arith.cmpi slt, %add3A_173, %lt3A_174 : i32
      %convert_element_type3A_176 = arith.extui %lt3A_175 : i1 to i32
      %cond3A_177 = arith.constant 0 : i32
      %cond3A_178 = arith.cmpi ne, %convert_element_type3A_176, %cond3A_177 : i32
      scf.if %cond3A_178 {
        %add3A_269 = arith.constant 3 : i32
        %add3A_270 = arith.addi %add3A_166, %add3A_269 : i32
        %dma_start3A_271 = arith.constant 0 : i32
        %dma_start3A_272 = tpu.memref_slice %arg9[%add3A_270, %dma_start3A_271] : memref<84x128xi32, #tpu.memory_space<vmem>> -> memref<1x128xi32, #tpu.memory_space<vmem>>
        %dma_start3A_273 = tpu.memref_squeeze %dma_start3A_272 : memref<1x128xi32, #tpu.memory_space<vmem>> -> memref<128xi32, #tpu.memory_space<vmem>>
        %dma_start3A_274 = arith.constant 0 : i32
        %dma_start3A_275 = arith.constant 0 : i32
        %dma_start3A_276 = tpu.memref_slice %arg5[%dma_start3A_274, %dma_start3A_275] : memref<10240x64xf32, #tpu.memory_space<hbm>> -> memref<10240x64xf32, #tpu.memory_space<hbm>>
        tpu.enqueue_indirect_dma source(%dma_start3A_276 : memref<10240x64xf32, #tpu.memory_space<hbm>>) target(%arg16 : memref<128x64xf32, #tpu.memory_space<vmem>>) offsets(%dma_start3A_273 : memref<128xi32, #tpu.memory_space<vmem>>) semaphore(%arg22 : memref<!tpu.dma_semaphore, #tpu.memory_space<semaphore_mem>>)
      } else {
      }
      %dma_wait3A_179 = arith.constant 0 : i32
      %dma_wait3A_180 = tpu.memref_slice %arg9[%add3A_166, %dma_wait3A_179] : memref<84x128xi32, #tpu.memory_space<vmem>> -> memref<1x128xi32, #tpu.memory_space<vmem>>
      %dma_wait3A_181 = tpu.memref_squeeze %dma_wait3A_180 : memref<1x128xi32, #tpu.memory_space<vmem>> -> memref<128xi32, #tpu.memory_space<vmem>>
      %dma_wait3A_182 = arith.constant 0 : i32
      %dma_wait3A_183 = arith.constant 0 : i32
      %dma_wait3A_184 = tpu.memref_slice %arg5[%dma_wait3A_182, %dma_wait3A_183] : memref<10240x64xf32, #tpu.memory_space<hbm>> -> memref<10240x64xf32, #tpu.memory_space<hbm>>
      tpu.wait_indirect_dma semaphore(%arg19 : memref<!tpu.dma_semaphore, #tpu.memory_space<semaphore_mem>>) src(%dma_wait3A_184 : memref<10240x64xf32, #tpu.memory_space<hbm>>) dst(%arg13 : memref<128x64xf32, #tpu.memory_space<vmem>>)
      %dma_start3A_185 = arith.constant 0 : i32
      %dma_start3A_186 = tpu.memref_slice %arg10[%add3A_166, %dma_start3A_185] : memref<84x128xi32, #tpu.memory_space<vmem>> -> memref<1x128xi32, #tpu.memory_space<vmem>>
      %dma_start3A_187 = tpu.memref_squeeze %dma_start3A_186 : memref<1x128xi32, #tpu.memory_space<vmem>> -> memref<128xi32, #tpu.memory_space<vmem>>
      %dma_start3A_188 = arith.constant 0 : i32
      %dma_start3A_189 = arith.constant 0 : i32
      %dma_start3A_190 = tpu.memref_slice %arg8[%dma_start3A_188, %dma_start3A_189] : memref<10240x64xf32, #tpu.memory_space<vmem_shared>> -> memref<10240x64xf32, #tpu.memory_space<vmem_shared>>
      tpu.enqueue_indirect_dma source(%arg13 : memref<128x64xf32, #tpu.memory_space<vmem>>) target(%dma_start3A_190 : memref<10240x64xf32, #tpu.memory_space<vmem_shared>>) offsets(%dma_start3A_187 : memref<128xi32, #tpu.memory_space<vmem>>) semaphore(%arg25 : memref<!tpu.dma_semaphore, #tpu.memory_space<semaphore_mem>>) {add = true}
      %add3A_191 = arith.constant 3 : i32
      %add3A_192 = arith.addi %mul3A_116, %add3A_191 : i32
      %ge3A_193 = arith.constant 3 : i32
      %ge3A_194 = arith.cmpi sge, %add3A_192, %ge3A_193 : i32
      %convert_element_type3A_195 = arith.extui %ge3A_194 : i1 to i32
      %cond3A_196 = arith.constant 0 : i32
      %cond3A_197 = arith.cmpi ne, %convert_element_type3A_195, %cond3A_196 : i32
      scf.if %cond3A_197 {
        %dma_wait3A_269 = arith.constant 0 : i32
        %dma_wait3A_270 = arith.constant 0 : i32
        %dma_wait3A_271 = tpu.memref_slice %arg10[%dma_wait3A_269, %dma_wait3A_270] : memref<84x128xi32, #tpu.memory_space<vmem>> -> memref<1x128xi32, #tpu.memory_space<vmem>>
        %dma_wait3A_272 = tpu.memref_squeeze %dma_wait3A_271 : memref<1x128xi32, #tpu.memory_space<vmem>> -> memref<128xi32, #tpu.memory_space<vmem>>
        %dma_wait3A_273 = arith.constant 0 : i32
        %dma_wait3A_274 = arith.constant 0 : i32
        %dma_wait3A_275 = tpu.memref_slice %arg8[%dma_wait3A_273, %dma_wait3A_274] : memref<10240x64xf32, #tpu.memory_space<vmem_shared>> -> memref<10240x64xf32, #tpu.memory_space<vmem_shared>>
        tpu.wait_indirect_dma semaphore(%arg23 : memref<!tpu.dma_semaphore, #tpu.memory_space<semaphore_mem>>) src(%arg11 : memref<128x64xf32, #tpu.memory_space<vmem>>) dst(%dma_wait3A_275 : memref<10240x64xf32, #tpu.memory_space<vmem_shared>>)
      } else {
      }
      %add3A_198 = arith.constant 3 : i32
      %add3A_199 = arith.addi %add3A_192, %add3A_198 : i32
      %lt3A_200 = arith.constant 84 : i32
      %lt3A_201 = arith.cmpi slt, %add3A_199, %lt3A_200 : i32
      %convert_element_type3A_202 = arith.extui %lt3A_201 : i1 to i32
      %cond3A_203 = arith.constant 0 : i32
      %cond3A_204 = arith.cmpi ne, %convert_element_type3A_202, %cond3A_203 : i32
      scf.if %cond3A_204 {
        %add3A_269 = arith.constant 3 : i32
        %add3A_270 = arith.addi %add3A_192, %add3A_269 : i32
        %dma_start3A_271 = arith.constant 0 : i32
        %dma_start3A_272 = tpu.memref_slice %arg9[%add3A_270, %dma_start3A_271] : memref<84x128xi32, #tpu.memory_space<vmem>> -> memref<1x128xi32, #tpu.memory_space<vmem>>
        %dma_start3A_273 = tpu.memref_squeeze %dma_start3A_272 : memref<1x128xi32, #tpu.memory_space<vmem>> -> memref<128xi32, #tpu.memory_space<vmem>>
        %dma_start3A_274 = arith.constant 0 : i32
        %dma_start3A_275 = arith.constant 0 : i32
        %dma_start3A_276 = tpu.memref_slice %arg5[%dma_start3A_274, %dma_start3A_275] : memref<10240x64xf32, #tpu.memory_space<hbm>> -> memref<10240x64xf32, #tpu.memory_space<hbm>>
        tpu.enqueue_indirect_dma source(%dma_start3A_276 : memref<10240x64xf32, #tpu.memory_space<hbm>>) target(%arg11 : memref<128x64xf32, #tpu.memory_space<vmem>>) offsets(%dma_start3A_273 : memref<128xi32, #tpu.memory_space<vmem>>) semaphore(%arg17 : memref<!tpu.dma_semaphore, #tpu.memory_space<semaphore_mem>>)
      } else {
      }
      %dma_wait3A_205 = arith.constant 0 : i32
      %dma_wait3A_206 = tpu.memref_slice %arg9[%add3A_192, %dma_wait3A_205] : memref<84x128xi32, #tpu.memory_space<vmem>> -> memref<1x128xi32, #tpu.memory_space<vmem>>
      %dma_wait3A_207 = tpu.memref_squeeze %dma_wait3A_206 : memref<1x128xi32, #tpu.memory_space<vmem>> -> memref<128xi32, #tpu.memory_space<vmem>>
      %dma_wait3A_208 = arith.constant 0 : i32
      %dma_wait3A_209 = arith.constant 0 : i32
      %dma_wait3A_210 = tpu.memref_slice %arg5[%dma_wait3A_208, %dma_wait3A_209] : memref<10240x64xf32, #tpu.memory_space<hbm>> -> memref<10240x64xf32, #tpu.memory_space<hbm>>
      tpu.wait_indirect_dma semaphore(%arg20 : memref<!tpu.dma_semaphore, #tpu.memory_space<semaphore_mem>>) src(%dma_wait3A_210 : memref<10240x64xf32, #tpu.memory_space<hbm>>) dst(%arg14 : memref<128x64xf32, #tpu.memory_space<vmem>>)
      %dma_start3A_211 = arith.constant 0 : i32
      %dma_start3A_212 = tpu.memref_slice %arg10[%add3A_192, %dma_start3A_211] : memref<84x128xi32, #tpu.memory_space<vmem>> -> memref<1x128xi32, #tpu.memory_space<vmem>>
      %dma_start3A_213 = tpu.memref_squeeze %dma_start3A_212 : memref<1x128xi32, #tpu.memory_space<vmem>> -> memref<128xi32, #tpu.memory_space<vmem>>
      %dma_start3A_214 = arith.constant 0 : i32
      %dma_start3A_215 = arith.constant 0 : i32
      %dma_start3A_216 = tpu.memref_slice %arg8[%dma_start3A_214, %dma_start3A_215] : memref<10240x64xf32, #tpu.memory_space<vmem_shared>> -> memref<10240x64xf32, #tpu.memory_space<vmem_shared>>
      tpu.enqueue_indirect_dma source(%arg14 : memref<128x64xf32, #tpu.memory_space<vmem>>) target(%dma_start3A_216 : memref<10240x64xf32, #tpu.memory_space<vmem_shared>>) offsets(%dma_start3A_213 : memref<128xi32, #tpu.memory_space<vmem>>) semaphore(%arg26 : memref<!tpu.dma_semaphore, #tpu.memory_space<semaphore_mem>>) {add = true}
      %add3A_217 = arith.constant 4 : i32
      %add3A_218 = arith.addi %mul3A_116, %add3A_217 : i32
      %ge3A_219 = arith.constant 3 : i32
      %ge3A_220 = arith.cmpi sge, %add3A_218, %ge3A_219 : i32
      %convert_element_type3A_221 = arith.extui %ge3A_220 : i1 to i32
      %cond3A_222 = arith.constant 0 : i32
      %cond3A_223 = arith.cmpi ne, %convert_element_type3A_221, %cond3A_222 : i32
      scf.if %cond3A_223 {
        %dma_wait3A_269 = arith.constant 0 : i32
        %dma_wait3A_270 = arith.constant 0 : i32
        %dma_wait3A_271 = tpu.memref_slice %arg10[%dma_wait3A_269, %dma_wait3A_270] : memref<84x128xi32, #tpu.memory_space<vmem>> -> memref<1x128xi32, #tpu.memory_space<vmem>>
        %dma_wait3A_272 = tpu.memref_squeeze %dma_wait3A_271 : memref<1x128xi32, #tpu.memory_space<vmem>> -> memref<128xi32, #tpu.memory_space<vmem>>
        %dma_wait3A_273 = arith.constant 0 : i32
        %dma_wait3A_274 = arith.constant 0 : i32
        %dma_wait3A_275 = tpu.memref_slice %arg8[%dma_wait3A_273, %dma_wait3A_274] : memref<10240x64xf32, #tpu.memory_space<vmem_shared>> -> memref<10240x64xf32, #tpu.memory_space<vmem_shared>>
        tpu.wait_indirect_dma semaphore(%arg24 : memref<!tpu.dma_semaphore, #tpu.memory_space<semaphore_mem>>) src(%arg12 : memref<128x64xf32, #tpu.memory_space<vmem>>) dst(%dma_wait3A_275 : memref<10240x64xf32, #tpu.memory_space<vmem_shared>>)
      } else {
      }
      %add3A_224 = arith.constant 3 : i32
      %add3A_225 = arith.addi %add3A_218, %add3A_224 : i32
      %lt3A_226 = arith.constant 84 : i32
      %lt3A_227 = arith.cmpi slt, %add3A_225, %lt3A_226 : i32
      %convert_element_type3A_228 = arith.extui %lt3A_227 : i1 to i32
      %cond3A_229 = arith.constant 0 : i32
      %cond3A_230 = arith.cmpi ne, %convert_element_type3A_228, %cond3A_229 : i32
      scf.if %cond3A_230 {
        %add3A_269 = arith.constant 3 : i32
        %add3A_270 = arith.addi %add3A_218, %add3A_269 : i32
        %dma_start3A_271 = arith.constant 0 : i32
        %dma_start3A_272 = tpu.memref_slice %arg9[%add3A_270, %dma_start3A_271] : memref<84x128xi32, #tpu.memory_space<vmem>> -> memref<1x128xi32, #tpu.memory_space<vmem>>
        %dma_start3A_273 = tpu.memref_squeeze %dma_start3A_272 : memref<1x128xi32, #tpu.memory_space<vmem>> -> memref<128xi32, #tpu.memory_space<vmem>>
        %dma_start3A_274 = arith.constant 0 : i32
        %dma_start3A_275 = arith.constant 0 : i32
        %dma_start3A_276 = tpu.memref_slice %arg5[%dma_start3A_274, %dma_start3A_275] : memref<10240x64xf32, #tpu.memory_space<hbm>> -> memref<10240x64xf32, #tpu.memory_space<hbm>>
        tpu.enqueue_indirect_dma source(%dma_start3A_276 : memref<10240x64xf32, #tpu.memory_space<hbm>>) target(%arg12 : memref<128x64xf32, #tpu.memory_space<vmem>>) offsets(%dma_start3A_273 : memref<128xi32, #tpu.memory_space<vmem>>) semaphore(%arg18 : memref<!tpu.dma_semaphore, #tpu.memory_space<semaphore_mem>>)
      } else {
      }
      %dma_wait3A_231 = arith.constant 0 : i32
      %dma_wait3A_232 = tpu.memref_slice %arg9[%add3A_218, %dma_wait3A_231] : memref<84x128xi32, #tpu.memory_space<vmem>> -> memref<1x128xi32, #tpu.memory_space<vmem>>
      %dma_wait3A_233 = tpu.memref_squeeze %dma_wait3A_232 : memref<1x128xi32, #tpu.memory_space<vmem>> -> memref<128xi32, #tpu.memory_space<vmem>>
      %dma_wait3A_234 = arith.constant 0 : i32
      %dma_wait3A_235 = arith.constant 0 : i32
      %dma_wait3A_236 = tpu.memref_slice %arg5[%dma_wait3A_234, %dma_wait3A_235] : memref<10240x64xf32, #tpu.memory_space<hbm>> -> memref<10240x64xf32, #tpu.memory_space<hbm>>
      tpu.wait_indirect_dma semaphore(%arg21 : memref<!tpu.dma_semaphore, #tpu.memory_space<semaphore_mem>>) src(%dma_wait3A_236 : memref<10240x64xf32, #tpu.memory_space<hbm>>) dst(%arg15 : memref<128x64xf32, #tpu.memory_space<vmem>>)
      %dma_start3A_237 = arith.constant 0 : i32
      %dma_start3A_238 = tpu.memref_slice %arg10[%add3A_218, %dma_start3A_237] : memref<84x128xi32, #tpu.memory_space<vmem>> -> memref<1x128xi32, #tpu.memory_space<vmem>>
      %dma_start3A_239 = tpu.memref_squeeze %dma_start3A_238 : memref<1x128xi32, #tpu.memory_space<vmem>> -> memref<128xi32, #tpu.memory_space<vmem>>
      %dma_start3A_240 = arith.constant 0 : i32
      %dma_start3A_241 = arith.constant 0 : i32
      %dma_start3A_242 = tpu.memref_slice %arg8[%dma_start3A_240, %dma_start3A_241] : memref<10240x64xf32, #tpu.memory_space<vmem_shared>> -> memref<10240x64xf32, #tpu.memory_space<vmem_shared>>
      tpu.enqueue_indirect_dma source(%arg15 : memref<128x64xf32, #tpu.memory_space<vmem>>) target(%dma_start3A_242 : memref<10240x64xf32, #tpu.memory_space<vmem_shared>>) offsets(%dma_start3A_239 : memref<128xi32, #tpu.memory_space<vmem>>) semaphore(%arg27 : memref<!tpu.dma_semaphore, #tpu.memory_space<semaphore_mem>>) {add = true}
      %add3A_243 = arith.constant 5 : i32
      %add3A_244 = arith.addi %mul3A_116, %add3A_243 : i32
      %ge3A_245 = arith.constant 3 : i32
      %ge3A_246 = arith.cmpi sge, %add3A_244, %ge3A_245 : i32
      %convert_element_type3A_247 = arith.extui %ge3A_246 : i1 to i32
      %cond3A_248 = arith.constant 0 : i32
      %cond3A_249 = arith.cmpi ne, %convert_element_type3A_247, %cond3A_248 : i32
      scf.if %cond3A_249 {
        %dma_wait3A_269 = arith.constant 0 : i32
        %dma_wait3A_270 = arith.constant 0 : i32
        %dma_wait3A_271 = tpu.memref_slice %arg10[%dma_wait3A_269, %dma_wait3A_270] : memref<84x128xi32, #tpu.memory_space<vmem>> -> memref<1x128xi32, #tpu.memory_space<vmem>>
        %dma_wait3A_272 = tpu.memref_squeeze %dma_wait3A_271 : memref<1x128xi32, #tpu.memory_space<vmem>> -> memref<128xi32, #tpu.memory_space<vmem>>
        %dma_wait3A_273 = arith.constant 0 : i32
        %dma_wait3A_274 = arith.constant 0 : i32
        %dma_wait3A_275 = tpu.memref_slice %arg8[%dma_wait3A_273, %dma_wait3A_274] : memref<10240x64xf32, #tpu.memory_space<vmem_shared>> -> memref<10240x64xf32, #tpu.memory_space<vmem_shared>>
        tpu.wait_indirect_dma semaphore(%arg25 : memref<!tpu.dma_semaphore, #tpu.memory_space<semaphore_mem>>) src(%arg13 : memref<128x64xf32, #tpu.memory_space<vmem>>) dst(%dma_wait3A_275 : memref<10240x64xf32, #tpu.memory_space<vmem_shared>>)
      } else {
      }
      %add3A_250 = arith.constant 3 : i32
      %add3A_251 = arith.addi %add3A_244, %add3A_250 : i32
      %lt3A_252 = arith.constant 84 : i32
      %lt3A_253 = arith.cmpi slt, %add3A_251, %lt3A_252 : i32
      %convert_element_type3A_254 = arith.extui %lt3A_253 : i1 to i32
      %cond3A_255 = arith.constant 0 : i32
      %cond3A_256 = arith.cmpi ne, %convert_element_type3A_254, %cond3A_255 : i32
      scf.if %cond3A_256 {
        %add3A_269 = arith.constant 3 : i32
        %add3A_270 = arith.addi %add3A_244, %add3A_269 : i32
        %dma_start3A_271 = arith.constant 0 : i32
        %dma_start3A_272 = tpu.memref_slice %arg9[%add3A_270, %dma_start3A_271] : memref<84x128xi32, #tpu.memory_space<vmem>> -> memref<1x128xi32, #tpu.memory_space<vmem>>
        %dma_start3A_273 = tpu.memref_squeeze %dma_start3A_272 : memref<1x128xi32, #tpu.memory_space<vmem>> -> memref<128xi32, #tpu.memory_space<vmem>>
        %dma_start3A_274 = arith.constant 0 : i32
        %dma_start3A_275 = arith.constant 0 : i32
        %dma_start3A_276 = tpu.memref_slice %arg5[%dma_start3A_274, %dma_start3A_275] : memref<10240x64xf32, #tpu.memory_space<hbm>> -> memref<10240x64xf32, #tpu.memory_space<hbm>>
        tpu.enqueue_indirect_dma source(%dma_start3A_276 : memref<10240x64xf32, #tpu.memory_space<hbm>>) target(%arg13 : memref<128x64xf32, #tpu.memory_space<vmem>>) offsets(%dma_start3A_273 : memref<128xi32, #tpu.memory_space<vmem>>) semaphore(%arg19 : memref<!tpu.dma_semaphore, #tpu.memory_space<semaphore_mem>>)
      } else {
      }
      %dma_wait3A_257 = arith.constant 0 : i32
      %dma_wait3A_258 = tpu.memref_slice %arg9[%add3A_244, %dma_wait3A_257] : memref<84x128xi32, #tpu.memory_space<vmem>> -> memref<1x128xi32, #tpu.memory_space<vmem>>
      %dma_wait3A_259 = tpu.memref_squeeze %dma_wait3A_258 : memref<1x128xi32, #tpu.memory_space<vmem>> -> memref<128xi32, #tpu.memory_space<vmem>>
      %dma_wait3A_260 = arith.constant 0 : i32
      %dma_wait3A_261 = arith.constant 0 : i32
      %dma_wait3A_262 = tpu.memref_slice %arg5[%dma_wait3A_260, %dma_wait3A_261] : memref<10240x64xf32, #tpu.memory_space<hbm>> -> memref<10240x64xf32, #tpu.memory_space<hbm>>
      tpu.wait_indirect_dma semaphore(%arg22 : memref<!tpu.dma_semaphore, #tpu.memory_space<semaphore_mem>>) src(%dma_wait3A_262 : memref<10240x64xf32, #tpu.memory_space<hbm>>) dst(%arg16 : memref<128x64xf32, #tpu.memory_space<vmem>>)
      %dma_start3A_263 = arith.constant 0 : i32
      %dma_start3A_264 = tpu.memref_slice %arg10[%add3A_244, %dma_start3A_263] : memref<84x128xi32, #tpu.memory_space<vmem>> -> memref<1x128xi32, #tpu.memory_space<vmem>>
      %dma_start3A_265 = tpu.memref_squeeze %dma_start3A_264 : memref<1x128xi32, #tpu.memory_space<vmem>> -> memref<128xi32, #tpu.memory_space<vmem>>
      %dma_start3A_266 = arith.constant 0 : i32
      %dma_start3A_267 = arith.constant 0 : i32
      %dma_start3A_268 = tpu.memref_slice %arg8[%dma_start3A_266, %dma_start3A_267] : memref<10240x64xf32, #tpu.memory_space<vmem_shared>> -> memref<10240x64xf32, #tpu.memory_space<vmem_shared>>
      tpu.enqueue_indirect_dma source(%arg16 : memref<128x64xf32, #tpu.memory_space<vmem>>) target(%dma_start3A_268 : memref<10240x64xf32, #tpu.memory_space<vmem_shared>>) offsets(%dma_start3A_265 : memref<128xi32, #tpu.memory_space<vmem>>) semaphore(%arg28 : memref<!tpu.dma_semaphore, #tpu.memory_space<semaphore_mem>>) {add = true}
    }
    %scan3A_90 = arith.constant 14 : i32
    %dma_wait3A_91 = arith.constant 0 : i32
    %dma_wait3A_92 = arith.constant 0 : i32
    %dma_wait3A_93 = tpu.memref_slice %arg10[%dma_wait3A_91, %dma_wait3A_92] : memref<84x128xi32, #tpu.memory_space<vmem>> -> memref<1x128xi32, #tpu.memory_space<vmem>>
    %dma_wait3A_94 = tpu.memref_squeeze %dma_wait3A_93 : memref<1x128xi32, #tpu.memory_space<vmem>> -> memref<128xi32, #tpu.memory_space<vmem>>
    %dma_wait3A_95 = arith.constant 0 : i32
    %dma_wait3A_96 = arith.constant 0 : i32
    %dma_wait3A_97 = tpu.memref_slice %arg8[%dma_wait3A_95, %dma_wait3A_96] : memref<10240x64xf32, #tpu.memory_space<vmem_shared>> -> memref<10240x64xf32, #tpu.memory_space<vmem_shared>>
    tpu.wait_indirect_dma semaphore(%arg26 : memref<!tpu.dma_semaphore, #tpu.memory_space<semaphore_mem>>) src(%arg14 : memref<128x64xf32, #tpu.memory_space<vmem>>) dst(%dma_wait3A_97 : memref<10240x64xf32, #tpu.memory_space<vmem_shared>>)
    %dma_wait3A_98 = arith.constant 0 : i32
    %dma_wait3A_99 = arith.constant 0 : i32
    %dma_wait3A_100 = tpu.memref_slice %arg10[%dma_wait3A_98, %dma_wait3A_99] : memref<84x128xi32, #tpu.memory_space<vmem>> -> memref<1x128xi32, #tpu.memory_space<vmem>>
    %dma_wait3A_101 = tpu.memref_squeeze %dma_wait3A_100 : memref<1x128xi32, #tpu.memory_space<vmem>> -> memref<128xi32, #tpu.memory_space<vmem>>
    %dma_wait3A_102 = arith.constant 0 : i32
    %dma_wait3A_103 = arith.constant 0 : i32
    %dma_wait3A_104 = tpu.memref_slice %arg8[%dma_wait3A_102, %dma_wait3A_103] : memref<10240x64xf32, #tpu.memory_space<vmem_shared>> -> memref<10240x64xf32, #tpu.memory_space<vmem_shared>>
    tpu.wait_indirect_dma semaphore(%arg27 : memref<!tpu.dma_semaphore, #tpu.memory_space<semaphore_mem>>) src(%arg15 : memref<128x64xf32, #tpu.memory_space<vmem>>) dst(%dma_wait3A_104 : memref<10240x64xf32, #tpu.memory_space<vmem_shared>>)
    %dma_wait3A_105 = arith.constant 0 : i32
    %dma_wait3A_106 = arith.constant 0 : i32
    %dma_wait3A_107 = tpu.memref_slice %arg10[%dma_wait3A_105, %dma_wait3A_106] : memref<84x128xi32, #tpu.memory_space<vmem>> -> memref<1x128xi32, #tpu.memory_space<vmem>>
    %dma_wait3A_108 = tpu.memref_squeeze %dma_wait3A_107 : memref<1x128xi32, #tpu.memory_space<vmem>> -> memref<128xi32, #tpu.memory_space<vmem>>
    %dma_wait3A_109 = arith.constant 0 : i32
    %dma_wait3A_110 = arith.constant 0 : i32
    %dma_wait3A_111 = tpu.memref_slice %arg8[%dma_wait3A_109, %dma_wait3A_110] : memref<10240x64xf32, #tpu.memory_space<vmem_shared>> -> memref<10240x64xf32, #tpu.memory_space<vmem_shared>>
    tpu.wait_indirect_dma semaphore(%arg28 : memref<!tpu.dma_semaphore, #tpu.memory_space<semaphore_mem>>) src(%arg16 : memref<128x64xf32, #tpu.memory_space<vmem>>) dst(%dma_wait3A_111 : memref<10240x64xf32, #tpu.memory_space<vmem_shared>>)
    %barrier3A_112 = arith.constant 0 : index
    tpu.barrier barrier_id(%barrier3A_112)
    %add3A_113 = arith.addi %add3A_62, %mul3A_2 : i32
    "tpu.region"() ({
      %run_scoped3A = tpu.sem_alloc : memref<!tpu.dma_semaphore, #tpu.memory_space<semaphore_mem>>
      %dma_start3A_114 = arith.constant 0 : i32
      %dma_start3A_115 = tpu.memref_slice %arg7[%add3A_113, %dma_start3A_114] : memref<40960x64xf32, #tpu.memory_space<hbm>> -> memref<640x64xf32, #tpu.memory_space<hbm>>
      %dma_start3A_116 = arith.constant 0 : i32
      %dma_start3A_117 = tpu.memref_slice %arg8[%mul3A_2, %dma_start3A_116] : memref<10240x64xf32, #tpu.memory_space<vmem_shared>> -> memref<640x64xf32, #tpu.memory_space<vmem_shared>>
      tpu.enqueue_dma source(%dma_start3A_117 : memref<640x64xf32, #tpu.memory_space<vmem_shared>>) target(%dma_start3A_115 : memref<640x64xf32, #tpu.memory_space<hbm>>) target_semaphore(%run_scoped3A : memref<!tpu.dma_semaphore, #tpu.memory_space<semaphore_mem>>)
      %dma_wait3A_118 = arith.constant 0 : i32
      %dma_wait3A_119 = tpu.memref_slice %arg7[%add3A_113, %dma_wait3A_118] : memref<40960x64xf32, #tpu.memory_space<hbm>> -> memref<640x64xf32, #tpu.memory_space<hbm>>
      %dma_wait3A_120 = arith.constant 0 : i32
      %dma_wait3A_121 = tpu.memref_slice %arg8[%mul3A_2, %dma_wait3A_120] : memref<10240x64xf32, #tpu.memory_space<vmem_shared>> -> memref<640x64xf32, #tpu.memory_space<vmem_shared>>
      tpu.wait_dma2 semaphore(%run_scoped3A : memref<!tpu.dma_semaphore, #tpu.memory_space<semaphore_mem>>) src(%dma_wait3A_121 : memref<640x64xf32, #tpu.memory_space<vmem_shared>>) dst(%dma_wait3A_119 : memref<640x64xf32, #tpu.memory_space<hbm>>)
      tpu.yield
    }) : () -> ()
    return
  }
}

#map = affine_map<(d0, d1) -> (0, 0)>
module attributes {stable_mosaic.version = 14 : i64} {
  func.func @_deg_call(%arg0: i32, %arg1: i32, %arg2: memref<2688x128xi32, #tpu.memory_space<hbm>>, %arg3: memref<128x16xf32, #tpu.memory_space<hbm>>, %arg4: memref<10240x16xf32, #tpu.memory_space<hbm>>, %arg5: memref<20480x16xf32, #tpu.memory_space<hbm>>, %arg6: memref<10240x16xf32, #tpu.memory_space<vmem_shared>>, %arg7: memref<84x128xi32, #tpu.memory_space<vmem>>, %arg8: memref<128x16xf32, #tpu.memory_space<vmem>>) attributes {dimension_semantics = [#tpu.dimension_semantics<core_parallel>, #tpu.dimension_semantics<subcore_parallel>], iteration_bounds = array<i64: 2, 16>, scalar_prefetch = 0 : i64, scratch_operands = 3 : i64, tpu.core_type = #tpu.core_type<sc_vector_subcore>, window_params = [{transform_indices = #map}, {transform_indices = #map}, {transform_indices = #map}, {transform_indices = #map}]} {
    %mul3A = arith.constant 16 : i32
    %mul3A_0 = arith.muli %arg0, %mul3A : i32
    %add3A = arith.addi %mul3A_0, %arg1 : i32
    %mul3A_1 = arith.constant 640 : i32
    %mul3A_2 = arith.muli %arg1, %mul3A_1 : i32
    "tpu.region"() ({
      %run_scoped3A = tpu.sem_alloc : memref<!tpu.dma_semaphore, #tpu.memory_space<semaphore_mem>>
      %dma_start3A = arith.constant 0 : i32
      %dma_start3A_14 = tpu.memref_slice %arg6[%mul3A_2, %dma_start3A] : memref<10240x16xf32, #tpu.memory_space<vmem_shared>> -> memref<640x16xf32, #tpu.memory_space<vmem_shared>>
      %dma_start3A_15 = arith.constant 0 : i32
      %dma_start3A_16 = tpu.memref_slice %arg4[%mul3A_2, %dma_start3A_15] : memref<10240x16xf32, #tpu.memory_space<hbm>> -> memref<640x16xf32, #tpu.memory_space<hbm>>
      tpu.enqueue_dma source(%dma_start3A_16 : memref<640x16xf32, #tpu.memory_space<hbm>>) target(%dma_start3A_14 : memref<640x16xf32, #tpu.memory_space<vmem_shared>>) target_semaphore(%run_scoped3A : memref<!tpu.dma_semaphore, #tpu.memory_space<semaphore_mem>>)
      %dma_wait3A = arith.constant 0 : i32
      %dma_wait3A_17 = tpu.memref_slice %arg6[%mul3A_2, %dma_wait3A] : memref<10240x16xf32, #tpu.memory_space<vmem_shared>> -> memref<640x16xf32, #tpu.memory_space<vmem_shared>>
      %dma_wait3A_18 = arith.constant 0 : i32
      %dma_wait3A_19 = tpu.memref_slice %arg4[%mul3A_2, %dma_wait3A_18] : memref<10240x16xf32, #tpu.memory_space<hbm>> -> memref<640x16xf32, #tpu.memory_space<hbm>>
      tpu.wait_dma2 semaphore(%run_scoped3A : memref<!tpu.dma_semaphore, #tpu.memory_space<semaphore_mem>>) src(%dma_wait3A_19 : memref<640x16xf32, #tpu.memory_space<hbm>>) dst(%dma_wait3A_17 : memref<640x16xf32, #tpu.memory_space<vmem_shared>>)
      tpu.yield
    }) : () -> ()
    "tpu.region"() ({
      %run_scoped3A = tpu.sem_alloc : memref<!tpu.dma_semaphore, #tpu.memory_space<semaphore_mem>>
      tpu.enqueue_dma source(%arg3 : memref<128x16xf32, #tpu.memory_space<hbm>>) target(%arg8 : memref<128x16xf32, #tpu.memory_space<vmem>>) target_semaphore(%run_scoped3A : memref<!tpu.dma_semaphore, #tpu.memory_space<semaphore_mem>>)
      tpu.wait_dma2 semaphore(%run_scoped3A : memref<!tpu.dma_semaphore, #tpu.memory_space<semaphore_mem>>) src(%arg3 : memref<128x16xf32, #tpu.memory_space<hbm>>) dst(%arg8 : memref<128x16xf32, #tpu.memory_space<vmem>>)
      tpu.yield
    }) : () -> ()
    %mul3A_3 = arith.constant 84 : i32
    %mul3A_4 = arith.muli %add3A, %mul3A_3 : i32
    "tpu.region"() ({
      %run_scoped3A = tpu.sem_alloc : memref<!tpu.dma_semaphore, #tpu.memory_space<semaphore_mem>>
      %dma_start3A = arith.constant 0 : i32
      %dma_start3A_14 = tpu.memref_slice %arg2[%mul3A_4, %dma_start3A] : memref<2688x128xi32, #tpu.memory_space<hbm>> -> memref<84x128xi32, #tpu.memory_space<hbm>>
      %dma_start3A_15 = arith.constant 0 : i32
      %dma_start3A_16 = tpu.memref_slice %arg2[%mul3A_4, %dma_start3A_15] : memref<2688x128xi32, #tpu.memory_space<hbm>> -> memref<84x128xi32, #tpu.memory_space<hbm>>
      tpu.enqueue_dma source(%dma_start3A_16 : memref<84x128xi32, #tpu.memory_space<hbm>>) target(%arg7 : memref<84x128xi32, #tpu.memory_space<vmem>>) target_semaphore(%run_scoped3A : memref<!tpu.dma_semaphore, #tpu.memory_space<semaphore_mem>>)
      %dma_wait3A = arith.constant 0 : i32
      %dma_wait3A_17 = tpu.memref_slice %arg2[%mul3A_4, %dma_wait3A] : memref<2688x128xi32, #tpu.memory_space<hbm>> -> memref<84x128xi32, #tpu.memory_space<hbm>>
      %dma_wait3A_18 = arith.constant 0 : i32
      %dma_wait3A_19 = tpu.memref_slice %arg2[%mul3A_4, %dma_wait3A_18] : memref<2688x128xi32, #tpu.memory_space<hbm>> -> memref<84x128xi32, #tpu.memory_space<hbm>>
      tpu.wait_dma2 semaphore(%run_scoped3A : memref<!tpu.dma_semaphore, #tpu.memory_space<semaphore_mem>>) src(%dma_wait3A_19 : memref<84x128xi32, #tpu.memory_space<hbm>>) dst(%arg7 : memref<84x128xi32, #tpu.memory_space<vmem>>)
      tpu.yield
    }) : () -> ()
    %barrier3A = arith.constant 0 : index
    tpu.barrier barrier_id(%barrier3A)
    %scan3A = arith.constant 0 : i32
    %scan3A_5 = arith.constant 0 : i32
    %scan3A_6 = arith.constant 84 : i32
    %scan3A_7 = arith.addi %scan3A_5, %scan3A_6 : i32
    %scan3A_8 = arith.constant 1 : i32
    scf.for %scan3A_14 = %scan3A_5 to %scan3A_7 step %scan3A_8  : i32 {
      "tpu.region"() ({
        %run_scoped3A = tpu.sem_alloc : memref<!tpu.dma_semaphore, #tpu.memory_space<semaphore_mem>>
        %dma_start3A = arith.constant 0 : i32
        %dma_start3A_15 = tpu.memref_slice %arg7[%scan3A_14, %dma_start3A] : memref<84x128xi32, #tpu.memory_space<vmem>> -> memref<1x128xi32, #tpu.memory_space<vmem>>
        %dma_start3A_16 = tpu.memref_squeeze %dma_start3A_15 : memref<1x128xi32, #tpu.memory_space<vmem>> -> memref<128xi32, #tpu.memory_space<vmem>>
        %dma_start3A_17 = arith.constant 0 : i32
        %dma_start3A_18 = arith.constant 0 : i32
        %dma_start3A_19 = tpu.memref_slice %arg6[%dma_start3A_17, %dma_start3A_18] : memref<10240x16xf32, #tpu.memory_space<vmem_shared>> -> memref<10240x16xf32, #tpu.memory_space<vmem_shared>>
        tpu.enqueue_indirect_dma source(%arg8 : memref<128x16xf32, #tpu.memory_space<vmem>>) target(%dma_start3A_19 : memref<10240x16xf32, #tpu.memory_space<vmem_shared>>) offsets(%dma_start3A_16 : memref<128xi32, #tpu.memory_space<vmem>>) semaphore(%run_scoped3A : memref<!tpu.dma_semaphore, #tpu.memory_space<semaphore_mem>>) {add = true}
        %dma_wait3A = arith.constant 0 : i32
        %dma_wait3A_20 = tpu.memref_slice %arg7[%scan3A_14, %dma_wait3A] : memref<84x128xi32, #tpu.memory_space<vmem>> -> memref<1x128xi32, #tpu.memory_space<vmem>>
        %dma_wait3A_21 = tpu.memref_squeeze %dma_wait3A_20 : memref<1x128xi32, #tpu.memory_space<vmem>> -> memref<128xi32, #tpu.memory_space<vmem>>
        %dma_wait3A_22 = arith.constant 0 : i32
        %dma_wait3A_23 = arith.constant 0 : i32
        %dma_wait3A_24 = tpu.memref_slice %arg6[%dma_wait3A_22, %dma_wait3A_23] : memref<10240x16xf32, #tpu.memory_space<vmem_shared>> -> memref<10240x16xf32, #tpu.memory_space<vmem_shared>>
        tpu.wait_indirect_dma semaphore(%run_scoped3A : memref<!tpu.dma_semaphore, #tpu.memory_space<semaphore_mem>>) src(%arg8 : memref<128x16xf32, #tpu.memory_space<vmem>>) dst(%dma_wait3A_24 : memref<10240x16xf32, #tpu.memory_space<vmem_shared>>)
        tpu.yield
      }) : () -> ()
    }
    %scan3A_9 = arith.constant 84 : i32
    %barrier3A_10 = arith.constant 0 : index
    tpu.barrier barrier_id(%barrier3A_10)
    %mul3A_11 = arith.constant 10240 : i32
    %mul3A_12 = arith.muli %arg0, %mul3A_11 : i32
    %add3A_13 = arith.addi %mul3A_12, %mul3A_2 : i32
    "tpu.region"() ({
      %run_scoped3A = tpu.sem_alloc : memref<!tpu.dma_semaphore, #tpu.memory_space<semaphore_mem>>
      %dma_start3A = arith.constant 0 : i32
      %dma_start3A_14 = tpu.memref_slice %arg5[%add3A_13, %dma_start3A] : memref<20480x16xf32, #tpu.memory_space<hbm>> -> memref<640x16xf32, #tpu.memory_space<hbm>>
      %dma_start3A_15 = arith.constant 0 : i32
      %dma_start3A_16 = tpu.memref_slice %arg6[%mul3A_2, %dma_start3A_15] : memref<10240x16xf32, #tpu.memory_space<vmem_shared>> -> memref<640x16xf32, #tpu.memory_space<vmem_shared>>
      tpu.enqueue_dma source(%dma_start3A_16 : memref<640x16xf32, #tpu.memory_space<vmem_shared>>) target(%dma_start3A_14 : memref<640x16xf32, #tpu.memory_space<hbm>>) target_semaphore(%run_scoped3A : memref<!tpu.dma_semaphore, #tpu.memory_space<semaphore_mem>>)
      %dma_wait3A = arith.constant 0 : i32
      %dma_wait3A_17 = tpu.memref_slice %arg5[%add3A_13, %dma_wait3A] : memref<20480x16xf32, #tpu.memory_space<hbm>> -> memref<640x16xf32, #tpu.memory_space<hbm>>
      %dma_wait3A_18 = arith.constant 0 : i32
      %dma_wait3A_19 = tpu.memref_slice %arg6[%mul3A_2, %dma_wait3A_18] : memref<10240x16xf32, #tpu.memory_space<vmem_shared>> -> memref<640x16xf32, #tpu.memory_space<vmem_shared>>
      tpu.wait_dma2 semaphore(%run_scoped3A : memref<!tpu.dma_semaphore, #tpu.memory_space<semaphore_mem>>) src(%dma_wait3A_19 : memref<640x16xf32, #tpu.memory_space<vmem_shared>>) dst(%dma_wait3A_17 : memref<640x16xf32, #tpu.memory_space<hbm>>)
      tpu.yield
    }) : () -> ()
    return
  }
}

#map = affine_map<(d0, d1) -> (0, 0)>
module attributes {stable_mosaic.version = 14 : i64} {
  func.func @_prop_call(%arg0: i32, %arg1: i32, %arg2: memref<2688x128xi32, #tpu.memory_space<hbm>>, %arg3: memref<2688x128xi32, #tpu.memory_space<hbm>>, %arg4: memref<10240x64xf32, #tpu.memory_space<hbm>>, %arg5: memref<10240x64xf32, #tpu.memory_space<hbm>>, %arg6: memref<10240x64xf32, #tpu.memory_space<hbm>>, %arg7: memref<40960x64xf32, #tpu.memory_space<hbm>>, %arg8: memref<10240x64xf32, #tpu.memory_space<vmem_shared>>, %arg9: memref<84x128xi32, #tpu.memory_space<vmem>>, %arg10: memref<84x128xi32, #tpu.memory_space<vmem>>, %arg11: memref<128x64xf32, #tpu.memory_space<vmem>>, %arg12: memref<128x64xf32, #tpu.memory_space<vmem>>, %arg13: memref<128x64xf32, #tpu.memory_space<vmem>>, %arg14: memref<128x64xf32, #tpu.memory_space<vmem>>, %arg15: memref<128x64xf32, #tpu.memory_space<vmem>>, %arg16: memref<128x64xf32, #tpu.memory_space<vmem>>, %arg17: memref<!tpu.dma_semaphore, #tpu.memory_space<semaphore_mem>>, %arg18: memref<!tpu.dma_semaphore, #tpu.memory_space<semaphore_mem>>, %arg19: memref<!tpu.dma_semaphore, #tpu.memory_space<semaphore_mem>>, %arg20: memref<!tpu.dma_semaphore, #tpu.memory_space<semaphore_mem>>, %arg21: memref<!tpu.dma_semaphore, #tpu.memory_space<semaphore_mem>>, %arg22: memref<!tpu.dma_semaphore, #tpu.memory_space<semaphore_mem>>, %arg23: memref<!tpu.dma_semaphore, #tpu.memory_space<semaphore_mem>>, %arg24: memref<!tpu.dma_semaphore, #tpu.memory_space<semaphore_mem>>, %arg25: memref<!tpu.dma_semaphore, #tpu.memory_space<semaphore_mem>>, %arg26: memref<!tpu.dma_semaphore, #tpu.memory_space<semaphore_mem>>, %arg27: memref<!tpu.dma_semaphore, #tpu.memory_space<semaphore_mem>>, %arg28: memref<!tpu.dma_semaphore, #tpu.memory_space<semaphore_mem>>) attributes {dimension_semantics = [#tpu.dimension_semantics<core_parallel>, #tpu.dimension_semantics<subcore_parallel>], iteration_bounds = array<i64: 2, 16>, scalar_prefetch = 0 : i64, scratch_operands = 21 : i64, tpu.core_type = #tpu.core_type<sc_vector_subcore>, window_params = [{transform_indices = #map}, {transform_indices = #map}, {transform_indices = #map}, {transform_indices = #map}, {transform_indices = #map}, {transform_indices = #map}]} {
    %mul3A = arith.constant 16 : i32
    %mul3A_0 = arith.muli %arg0, %mul3A : i32
    %add3A = arith.addi %mul3A_0, %arg1 : i32
    %mul3A_1 = arith.constant 640 : i32
    %mul3A_2 = arith.muli %arg1, %mul3A_1 : i32
    %mul3A_3 = arith.constant 84 : i32
    %mul3A_4 = arith.muli %add3A, %mul3A_3 : i32
    "tpu.region"() ({
      %run_scoped3A = tpu.sem_alloc : memref<!tpu.dma_semaphore, #tpu.memory_space<semaphore_mem>>
      %dma_start3A_114 = arith.constant 0 : i32
      %dma_start3A_115 = tpu.memref_slice %arg2[%mul3A_4, %dma_start3A_114] : memref<2688x128xi32, #tpu.memory_space<hbm>> -> memref<84x128xi32, #tpu.memory_space<hbm>>
      %dma_start3A_116 = arith.constant 0 : i32
      %dma_start3A_117 = tpu.memref_slice %arg2[%mul3A_4, %dma_start3A_116] : memref<2688x128xi32, #tpu.memory_space<hbm>> -> memref<84x128xi32, #tpu.memory_space<hbm>>
      tpu.enqueue_dma source(%dma_start3A_117 : memref<84x128xi32, #tpu.memory_space<hbm>>) target(%arg9 : memref<84x128xi32, #tpu.memory_space<vmem>>) target_semaphore(%run_scoped3A : memref<!tpu.dma_semaphore, #tpu.memory_space<semaphore_mem>>)
      %dma_wait3A_118 = arith.constant 0 : i32
      %dma_wait3A_119 = tpu.memref_slice %arg2[%mul3A_4, %dma_wait3A_118] : memref<2688x128xi32, #tpu.memory_space<hbm>> -> memref<84x128xi32, #tpu.memory_space<hbm>>
      %dma_wait3A_120 = arith.constant 0 : i32
      %dma_wait3A_121 = tpu.memref_slice %arg2[%mul3A_4, %dma_wait3A_120] : memref<2688x128xi32, #tpu.memory_space<hbm>> -> memref<84x128xi32, #tpu.memory_space<hbm>>
      tpu.wait_dma2 semaphore(%run_scoped3A : memref<!tpu.dma_semaphore, #tpu.memory_space<semaphore_mem>>) src(%dma_wait3A_121 : memref<84x128xi32, #tpu.memory_space<hbm>>) dst(%arg9 : memref<84x128xi32, #tpu.memory_space<vmem>>)
      tpu.yield
    }) : () -> ()
    "tpu.region"() ({
      %run_scoped3A = tpu.sem_alloc : memref<!tpu.dma_semaphore, #tpu.memory_space<semaphore_mem>>
      %dma_start3A_114 = arith.constant 0 : i32
      %dma_start3A_115 = tpu.memref_slice %arg3[%mul3A_4, %dma_start3A_114] : memref<2688x128xi32, #tpu.memory_space<hbm>> -> memref<84x128xi32, #tpu.memory_space<hbm>>
      %dma_start3A_116 = arith.constant 0 : i32
      %dma_start3A_117 = tpu.memref_slice %arg3[%mul3A_4, %dma_start3A_116] : memref<2688x128xi32, #tpu.memory_space<hbm>> -> memref<84x128xi32, #tpu.memory_space<hbm>>
      tpu.enqueue_dma source(%dma_start3A_117 : memref<84x128xi32, #tpu.memory_space<hbm>>) target(%arg10 : memref<84x128xi32, #tpu.memory_space<vmem>>) target_semaphore(%run_scoped3A : memref<!tpu.dma_semaphore, #tpu.memory_space<semaphore_mem>>)
      %dma_wait3A_118 = arith.constant 0 : i32
      %dma_wait3A_119 = tpu.memref_slice %arg3[%mul3A_4, %dma_wait3A_118] : memref<2688x128xi32, #tpu.memory_space<hbm>> -> memref<84x128xi32, #tpu.memory_space<hbm>>
      %dma_wait3A_120 = arith.constant 0 : i32
      %dma_wait3A_121 = tpu.memref_slice %arg3[%mul3A_4, %dma_wait3A_120] : memref<2688x128xi32, #tpu.memory_space<hbm>> -> memref<84x128xi32, #tpu.memory_space<hbm>>
      tpu.wait_dma2 semaphore(%run_scoped3A : memref<!tpu.dma_semaphore, #tpu.memory_space<semaphore_mem>>) src(%dma_wait3A_121 : memref<84x128xi32, #tpu.memory_space<hbm>>) dst(%arg10 : memref<84x128xi32, #tpu.memory_space<vmem>>)
      tpu.yield
    }) : () -> ()
    %mul3A_5 = arith.constant 2 : i32
    %mul3A_6 = arith.muli %arg0, %mul3A_5 : i32
    %mul3A_7 = arith.constant 10240 : i32
    %mul3A_8 = arith.muli %mul3A_6, %mul3A_7 : i32
    "tpu.region"() ({
      %run_scoped3A = tpu.sem_alloc : memref<!tpu.dma_semaphore, #tpu.memory_space<semaphore_mem>>
      %dma_start3A_114 = arith.constant 0 : i32
      %dma_start3A_115 = tpu.memref_slice %arg8[%mul3A_2, %dma_start3A_114] : memref<10240x64xf32, #tpu.memory_space<vmem_shared>> -> memref<640x64xf32, #tpu.memory_space<vmem_shared>>
      %dma_start3A_116 = arith.constant 0 : i32
      %dma_start3A_117 = tpu.memref_slice %arg6[%mul3A_2, %dma_start3A_116] : memref<10240x64xf32, #tpu.memory_space<hbm>> -> memref<640x64xf32, #tpu.memory_space<hbm>>
      tpu.enqueue_dma source(%dma_start3A_117 : memref<640x64xf32, #tpu.memory_space<hbm>>) target(%dma_start3A_115 : memref<640x64xf32, #tpu.memory_space<vmem_shared>>) target_semaphore(%run_scoped3A : memref<!tpu.dma_semaphore, #tpu.memory_space<semaphore_mem>>)
      %dma_wait3A_118 = arith.constant 0 : i32
      %dma_wait3A_119 = tpu.memref_slice %arg8[%mul3A_2, %dma_wait3A_118] : memref<10240x64xf32, #tpu.memory_space<vmem_shared>> -> memref<640x64xf32, #tpu.memory_space<vmem_shared>>
      %dma_wait3A_120 = arith.constant 0 : i32
      %dma_wait3A_121 = tpu.memref_slice %arg6[%mul3A_2, %dma_wait3A_120] : memref<10240x64xf32, #tpu.memory_space<hbm>> -> memref<640x64xf32, #tpu.memory_space<hbm>>
      tpu.wait_dma2 semaphore(%run_scoped3A : memref<!tpu.dma_semaphore, #tpu.memory_space<semaphore_mem>>) src(%dma_wait3A_121 : memref<640x64xf32, #tpu.memory_space<hbm>>) dst(%dma_wait3A_119 : memref<640x64xf32, #tpu.memory_space<vmem_shared>>)
      tpu.yield
    }) : () -> ()
    %barrier3A = arith.constant 0 : index
    tpu.barrier barrier_id(%barrier3A)
    %dma_start3A = arith.constant 0 : i32
    %dma_start3A_9 = arith.constant 0 : i32
    %dma_start3A_10 = tpu.memref_slice %arg9[%dma_start3A, %dma_start3A_9] : memref<84x128xi32, #tpu.memory_space<vmem>> -> memref<1x128xi32, #tpu.memory_space<vmem>>
    %dma_start3A_11 = tpu.memref_squeeze %dma_start3A_10 : memref<1x128xi32, #tpu.memory_space<vmem>> -> memref<128xi32, #tpu.memory_space<vmem>>
    %dma_start3A_12 = arith.constant 0 : i32
    %dma_start3A_13 = arith.constant 0 : i32
    %dma_start3A_14 = tpu.memref_slice %arg4[%dma_start3A_12, %dma_start3A_13] : memref<10240x64xf32, #tpu.memory_space<hbm>> -> memref<10240x64xf32, #tpu.memory_space<hbm>>
    tpu.enqueue_indirect_dma source(%dma_start3A_14 : memref<10240x64xf32, #tpu.memory_space<hbm>>) target(%arg11 : memref<128x64xf32, #tpu.memory_space<vmem>>) offsets(%dma_start3A_11 : memref<128xi32, #tpu.memory_space<vmem>>) semaphore(%arg17 : memref<!tpu.dma_semaphore, #tpu.memory_space<semaphore_mem>>)
    %dma_start3A_15 = arith.constant 1 : i32
    %dma_start3A_16 = arith.constant 0 : i32
    %dma_start3A_17 = tpu.memref_slice %arg9[%dma_start3A_15, %dma_start3A_16] : memref<84x128xi32, #tpu.memory_space<vmem>> -> memref<1x128xi32, #tpu.memory_space<vmem>>
    %dma_start3A_18 = tpu.memref_squeeze %dma_start3A_17 : memref<1x128xi32, #tpu.memory_space<vmem>> -> memref<128xi32, #tpu.memory_space<vmem>>
    %dma_start3A_19 = arith.constant 0 : i32
    %dma_start3A_20 = arith.constant 0 : i32
    %dma_start3A_21 = tpu.memref_slice %arg4[%dma_start3A_19, %dma_start3A_20] : memref<10240x64xf32, #tpu.memory_space<hbm>> -> memref<10240x64xf32, #tpu.memory_space<hbm>>
    tpu.enqueue_indirect_dma source(%dma_start3A_21 : memref<10240x64xf32, #tpu.memory_space<hbm>>) target(%arg12 : memref<128x64xf32, #tpu.memory_space<vmem>>) offsets(%dma_start3A_18 : memref<128xi32, #tpu.memory_space<vmem>>) semaphore(%arg18 : memref<!tpu.dma_semaphore, #tpu.memory_space<semaphore_mem>>)
    %dma_start3A_22 = arith.constant 2 : i32
    %dma_start3A_23 = arith.constant 0 : i32
    %dma_start3A_24 = tpu.memref_slice %arg9[%dma_start3A_22, %dma_start3A_23] : memref<84x128xi32, #tpu.memory_space<vmem>> -> memref<1x128xi32, #tpu.memory_space<vmem>>
    %dma_start3A_25 = tpu.memref_squeeze %dma_start3A_24 : memref<1x128xi32, #tpu.memory_space<vmem>> -> memref<128xi32, #tpu.memory_space<vmem>>
    %dma_start3A_26 = arith.constant 0 : i32
    %dma_start3A_27 = arith.constant 0 : i32
    %dma_start3A_28 = tpu.memref_slice %arg4[%dma_start3A_26, %dma_start3A_27] : memref<10240x64xf32, #tpu.memory_space<hbm>> -> memref<10240x64xf32, #tpu.memory_space<hbm>>
    tpu.enqueue_indirect_dma source(%dma_start3A_28 : memref<10240x64xf32, #tpu.memory_space<hbm>>) target(%arg13 : memref<128x64xf32, #tpu.memory_space<vmem>>) offsets(%dma_start3A_25 : memref<128xi32, #tpu.memory_space<vmem>>) semaphore(%arg19 : memref<!tpu.dma_semaphore, #tpu.memory_space<semaphore_mem>>)
    %scan3A = arith.constant 0 : i32
    %scan3A_29 = arith.constant 0 : i32
    %scan3A_30 = arith.constant 14 : i32
    %scan3A_31 = arith.addi %scan3A_29, %scan3A_30 : i32
    %scan3A_32 = arith.constant 1 : i32
    scf.for %scan3A_114 = %scan3A_29 to %scan3A_31 step %scan3A_32  : i32 {
      %mul3A_115 = arith.constant 6 : i32
      %mul3A_116 = arith.muli %mul3A_115, %scan3A_114 : i32
      %add3A_117 = arith.constant 0 : i32
      %add3A_118 = arith.addi %mul3A_116, %add3A_117 : i32
      %ge3A = arith.constant 3 : i32
      %ge3A_119 = arith.cmpi sge, %add3A_118, %ge3A : i32
      %convert_element_type3A = arith.extui %ge3A_119 : i1 to i32
      %cond3A = arith.constant 0 : i32
      %cond3A_120 = arith.cmpi ne, %convert_element_type3A, %cond3A : i32
      scf.if %cond3A_120 {
        %dma_wait3A_269 = arith.constant 0 : i32
        %dma_wait3A_270 = arith.constant 0 : i32
        %dma_wait3A_271 = tpu.memref_slice %arg10[%dma_wait3A_269, %dma_wait3A_270] : memref<84x128xi32, #tpu.memory_space<vmem>> -> memref<1x128xi32, #tpu.memory_space<vmem>>
        %dma_wait3A_272 = tpu.memref_squeeze %dma_wait3A_271 : memref<1x128xi32, #tpu.memory_space<vmem>> -> memref<128xi32, #tpu.memory_space<vmem>>
        %dma_wait3A_273 = arith.constant 0 : i32
        %dma_wait3A_274 = arith.constant 0 : i32
        %dma_wait3A_275 = tpu.memref_slice %arg8[%dma_wait3A_273, %dma_wait3A_274] : memref<10240x64xf32, #tpu.memory_space<vmem_shared>> -> memref<10240x64xf32, #tpu.memory_space<vmem_shared>>
        tpu.wait_indirect_dma semaphore(%arg26 : memref<!tpu.dma_semaphore, #tpu.memory_space<semaphore_mem>>) src(%arg14 : memref<128x64xf32, #tpu.memory_space<vmem>>) dst(%dma_wait3A_275 : memref<10240x64xf32, #tpu.memory_space<vmem_shared>>)
      } else {
      }
      %add3A_121 = arith.constant 3 : i32
      %add3A_122 = arith.addi %add3A_118, %add3A_121 : i32
      %lt3A = arith.constant 84 : i32
      %lt3A_123 = arith.cmpi slt, %add3A_122, %lt3A : i32
      %convert_element_type3A_124 = arith.extui %lt3A_123 : i1 to i32
      %cond3A_125 = arith.constant 0 : i32
      %cond3A_126 = arith.cmpi ne, %convert_element_type3A_124, %cond3A_125 : i32
      scf.if %cond3A_126 {
        %add3A_269 = arith.constant 3 : i32
        %add3A_270 = arith.addi %add3A_118, %add3A_269 : i32
        %dma_start3A_271 = arith.constant 0 : i32
        %dma_start3A_272 = tpu.memref_slice %arg9[%add3A_270, %dma_start3A_271] : memref<84x128xi32, #tpu.memory_space<vmem>> -> memref<1x128xi32, #tpu.memory_space<vmem>>
        %dma_start3A_273 = tpu.memref_squeeze %dma_start3A_272 : memref<1x128xi32, #tpu.memory_space<vmem>> -> memref<128xi32, #tpu.memory_space<vmem>>
        %dma_start3A_274 = arith.constant 0 : i32
        %dma_start3A_275 = arith.constant 0 : i32
        %dma_start3A_276 = tpu.memref_slice %arg4[%dma_start3A_274, %dma_start3A_275] : memref<10240x64xf32, #tpu.memory_space<hbm>> -> memref<10240x64xf32, #tpu.memory_space<hbm>>
        tpu.enqueue_indirect_dma source(%dma_start3A_276 : memref<10240x64xf32, #tpu.memory_space<hbm>>) target(%arg14 : memref<128x64xf32, #tpu.memory_space<vmem>>) offsets(%dma_start3A_273 : memref<128xi32, #tpu.memory_space<vmem>>) semaphore(%arg20 : memref<!tpu.dma_semaphore, #tpu.memory_space<semaphore_mem>>)
      } else {
      }
      %dma_wait3A_127 = arith.constant 0 : i32
      %dma_wait3A_128 = tpu.memref_slice %arg9[%add3A_118, %dma_wait3A_127] : memref<84x128xi32, #tpu.memory_space<vmem>> -> memref<1x128xi32, #tpu.memory_space<vmem>>
      %dma_wait3A_129 = tpu.memref_squeeze %dma_wait3A_128 : memref<1x128xi32, #tpu.memory_space<vmem>> -> memref<128xi32, #tpu.memory_space<vmem>>
      %dma_wait3A_130 = arith.constant 0 : i32
      %dma_wait3A_131 = arith.constant 0 : i32
      %dma_wait3A_132 = tpu.memref_slice %arg4[%dma_wait3A_130, %dma_wait3A_131] : memref<10240x64xf32, #tpu.memory_space<hbm>> -> memref<10240x64xf32, #tpu.memory_space<hbm>>
      tpu.wait_indirect_dma semaphore(%arg17 : memref<!tpu.dma_semaphore, #tpu.memory_space<semaphore_mem>>) src(%dma_wait3A_132 : memref<10240x64xf32, #tpu.memory_space<hbm>>) dst(%arg11 : memref<128x64xf32, #tpu.memory_space<vmem>>)
      %dma_start3A_133 = arith.constant 0 : i32
      %dma_start3A_134 = tpu.memref_slice %arg10[%add3A_118, %dma_start3A_133] : memref<84x128xi32, #tpu.memory_space<vmem>> -> memref<1x128xi32, #tpu.memory_space<vmem>>
      %dma_start3A_135 = tpu.memref_squeeze %dma_start3A_134 : memref<1x128xi32, #tpu.memory_space<vmem>> -> memref<128xi32, #tpu.memory_space<vmem>>
      %dma_start3A_136 = arith.constant 0 : i32
      %dma_start3A_137 = arith.constant 0 : i32
      %dma_start3A_138 = tpu.memref_slice %arg8[%dma_start3A_136, %dma_start3A_137] : memref<10240x64xf32, #tpu.memory_space<vmem_shared>> -> memref<10240x64xf32, #tpu.memory_space<vmem_shared>>
      tpu.enqueue_indirect_dma source(%arg11 : memref<128x64xf32, #tpu.memory_space<vmem>>) target(%dma_start3A_138 : memref<10240x64xf32, #tpu.memory_space<vmem_shared>>) offsets(%dma_start3A_135 : memref<128xi32, #tpu.memory_space<vmem>>) semaphore(%arg23 : memref<!tpu.dma_semaphore, #tpu.memory_space<semaphore_mem>>) {add = true}
      %add3A_139 = arith.constant 1 : i32
      %add3A_140 = arith.addi %mul3A_116, %add3A_139 : i32
      %ge3A_141 = arith.constant 3 : i32
      %ge3A_142 = arith.cmpi sge, %add3A_140, %ge3A_141 : i32
      %convert_element_type3A_143 = arith.extui %ge3A_142 : i1 to i32
      %cond3A_144 = arith.constant 0 : i32
      %cond3A_145 = arith.cmpi ne, %convert_element_type3A_143, %cond3A_144 : i32
      scf.if %cond3A_145 {
        %dma_wait3A_269 = arith.constant 0 : i32
        %dma_wait3A_270 = arith.constant 0 : i32
        %dma_wait3A_271 = tpu.memref_slice %arg10[%dma_wait3A_269, %dma_wait3A_270] : memref<84x128xi32, #tpu.memory_space<vmem>> -> memref<1x128xi32, #tpu.memory_space<vmem>>
        %dma_wait3A_272 = tpu.memref_squeeze %dma_wait3A_271 : memref<1x128xi32, #tpu.memory_space<vmem>> -> memref<128xi32, #tpu.memory_space<vmem>>
        %dma_wait3A_273 = arith.constant 0 : i32
        %dma_wait3A_274 = arith.constant 0 : i32
        %dma_wait3A_275 = tpu.memref_slice %arg8[%dma_wait3A_273, %dma_wait3A_274] : memref<10240x64xf32, #tpu.memory_space<vmem_shared>> -> memref<10240x64xf32, #tpu.memory_space<vmem_shared>>
        tpu.wait_indirect_dma semaphore(%arg27 : memref<!tpu.dma_semaphore, #tpu.memory_space<semaphore_mem>>) src(%arg15 : memref<128x64xf32, #tpu.memory_space<vmem>>) dst(%dma_wait3A_275 : memref<10240x64xf32, #tpu.memory_space<vmem_shared>>)
      } else {
      }
      %add3A_146 = arith.constant 3 : i32
      %add3A_147 = arith.addi %add3A_140, %add3A_146 : i32
      %lt3A_148 = arith.constant 84 : i32
      %lt3A_149 = arith.cmpi slt, %add3A_147, %lt3A_148 : i32
      %convert_element_type3A_150 = arith.extui %lt3A_149 : i1 to i32
      %cond3A_151 = arith.constant 0 : i32
      %cond3A_152 = arith.cmpi ne, %convert_element_type3A_150, %cond3A_151 : i32
      scf.if %cond3A_152 {
        %add3A_269 = arith.constant 3 : i32
        %add3A_270 = arith.addi %add3A_140, %add3A_269 : i32
        %dma_start3A_271 = arith.constant 0 : i32
        %dma_start3A_272 = tpu.memref_slice %arg9[%add3A_270, %dma_start3A_271] : memref<84x128xi32, #tpu.memory_space<vmem>> -> memref<1x128xi32, #tpu.memory_space<vmem>>
        %dma_start3A_273 = tpu.memref_squeeze %dma_start3A_272 : memref<1x128xi32, #tpu.memory_space<vmem>> -> memref<128xi32, #tpu.memory_space<vmem>>
        %dma_start3A_274 = arith.constant 0 : i32
        %dma_start3A_275 = arith.constant 0 : i32
        %dma_start3A_276 = tpu.memref_slice %arg4[%dma_start3A_274, %dma_start3A_275] : memref<10240x64xf32, #tpu.memory_space<hbm>> -> memref<10240x64xf32, #tpu.memory_space<hbm>>
        tpu.enqueue_indirect_dma source(%dma_start3A_276 : memref<10240x64xf32, #tpu.memory_space<hbm>>) target(%arg15 : memref<128x64xf32, #tpu.memory_space<vmem>>) offsets(%dma_start3A_273 : memref<128xi32, #tpu.memory_space<vmem>>) semaphore(%arg21 : memref<!tpu.dma_semaphore, #tpu.memory_space<semaphore_mem>>)
      } else {
      }
      %dma_wait3A_153 = arith.constant 0 : i32
      %dma_wait3A_154 = tpu.memref_slice %arg9[%add3A_140, %dma_wait3A_153] : memref<84x128xi32, #tpu.memory_space<vmem>> -> memref<1x128xi32, #tpu.memory_space<vmem>>
      %dma_wait3A_155 = tpu.memref_squeeze %dma_wait3A_154 : memref<1x128xi32, #tpu.memory_space<vmem>> -> memref<128xi32, #tpu.memory_space<vmem>>
      %dma_wait3A_156 = arith.constant 0 : i32
      %dma_wait3A_157 = arith.constant 0 : i32
      %dma_wait3A_158 = tpu.memref_slice %arg4[%dma_wait3A_156, %dma_wait3A_157] : memref<10240x64xf32, #tpu.memory_space<hbm>> -> memref<10240x64xf32, #tpu.memory_space<hbm>>
      tpu.wait_indirect_dma semaphore(%arg18 : memref<!tpu.dma_semaphore, #tpu.memory_space<semaphore_mem>>) src(%dma_wait3A_158 : memref<10240x64xf32, #tpu.memory_space<hbm>>) dst(%arg12 : memref<128x64xf32, #tpu.memory_space<vmem>>)
      %dma_start3A_159 = arith.constant 0 : i32
      %dma_start3A_160 = tpu.memref_slice %arg10[%add3A_140, %dma_start3A_159] : memref<84x128xi32, #tpu.memory_space<vmem>> -> memref<1x128xi32, #tpu.memory_space<vmem>>
      %dma_start3A_161 = tpu.memref_squeeze %dma_start3A_160 : memref<1x128xi32, #tpu.memory_space<vmem>> -> memref<128xi32, #tpu.memory_space<vmem>>
      %dma_start3A_162 = arith.constant 0 : i32
      %dma_start3A_163 = arith.constant 0 : i32
      %dma_start3A_164 = tpu.memref_slice %arg8[%dma_start3A_162, %dma_start3A_163] : memref<10240x64xf32, #tpu.memory_space<vmem_shared>> -> memref<10240x64xf32, #tpu.memory_space<vmem_shared>>
      tpu.enqueue_indirect_dma source(%arg12 : memref<128x64xf32, #tpu.memory_space<vmem>>) target(%dma_start3A_164 : memref<10240x64xf32, #tpu.memory_space<vmem_shared>>) offsets(%dma_start3A_161 : memref<128xi32, #tpu.memory_space<vmem>>) semaphore(%arg24 : memref<!tpu.dma_semaphore, #tpu.memory_space<semaphore_mem>>) {add = true}
      %add3A_165 = arith.constant 2 : i32
      %add3A_166 = arith.addi %mul3A_116, %add3A_165 : i32
      %ge3A_167 = arith.constant 3 : i32
      %ge3A_168 = arith.cmpi sge, %add3A_166, %ge3A_167 : i32
      %convert_element_type3A_169 = arith.extui %ge3A_168 : i1 to i32
      %cond3A_170 = arith.constant 0 : i32
      %cond3A_171 = arith.cmpi ne, %convert_element_type3A_169, %cond3A_170 : i32
      scf.if %cond3A_171 {
        %dma_wait3A_269 = arith.constant 0 : i32
        %dma_wait3A_270 = arith.constant 0 : i32
        %dma_wait3A_271 = tpu.memref_slice %arg10[%dma_wait3A_269, %dma_wait3A_270] : memref<84x128xi32, #tpu.memory_space<vmem>> -> memref<1x128xi32, #tpu.memory_space<vmem>>
        %dma_wait3A_272 = tpu.memref_squeeze %dma_wait3A_271 : memref<1x128xi32, #tpu.memory_space<vmem>> -> memref<128xi32, #tpu.memory_space<vmem>>
        %dma_wait3A_273 = arith.constant 0 : i32
        %dma_wait3A_274 = arith.constant 0 : i32
        %dma_wait3A_275 = tpu.memref_slice %arg8[%dma_wait3A_273, %dma_wait3A_274] : memref<10240x64xf32, #tpu.memory_space<vmem_shared>> -> memref<10240x64xf32, #tpu.memory_space<vmem_shared>>
        tpu.wait_indirect_dma semaphore(%arg28 : memref<!tpu.dma_semaphore, #tpu.memory_space<semaphore_mem>>) src(%arg16 : memref<128x64xf32, #tpu.memory_space<vmem>>) dst(%dma_wait3A_275 : memref<10240x64xf32, #tpu.memory_space<vmem_shared>>)
      } else {
      }
      %add3A_172 = arith.constant 3 : i32
      %add3A_173 = arith.addi %add3A_166, %add3A_172 : i32
      %lt3A_174 = arith.constant 84 : i32
      %lt3A_175 = arith.cmpi slt, %add3A_173, %lt3A_174 : i32
      %convert_element_type3A_176 = arith.extui %lt3A_175 : i1 to i32
      %cond3A_177 = arith.constant 0 : i32
      %cond3A_178 = arith.cmpi ne, %convert_element_type3A_176, %cond3A_177 : i32
      scf.if %cond3A_178 {
        %add3A_269 = arith.constant 3 : i32
        %add3A_270 = arith.addi %add3A_166, %add3A_269 : i32
        %dma_start3A_271 = arith.constant 0 : i32
        %dma_start3A_272 = tpu.memref_slice %arg9[%add3A_270, %dma_start3A_271] : memref<84x128xi32, #tpu.memory_space<vmem>> -> memref<1x128xi32, #tpu.memory_space<vmem>>
        %dma_start3A_273 = tpu.memref_squeeze %dma_start3A_272 : memref<1x128xi32, #tpu.memory_space<vmem>> -> memref<128xi32, #tpu.memory_space<vmem>>
        %dma_start3A_274 = arith.constant 0 : i32
        %dma_start3A_275 = arith.constant 0 : i32
        %dma_start3A_276 = tpu.memref_slice %arg4[%dma_start3A_274, %dma_start3A_275] : memref<10240x64xf32, #tpu.memory_space<hbm>> -> memref<10240x64xf32, #tpu.memory_space<hbm>>
        tpu.enqueue_indirect_dma source(%dma_start3A_276 : memref<10240x64xf32, #tpu.memory_space<hbm>>) target(%arg16 : memref<128x64xf32, #tpu.memory_space<vmem>>) offsets(%dma_start3A_273 : memref<128xi32, #tpu.memory_space<vmem>>) semaphore(%arg22 : memref<!tpu.dma_semaphore, #tpu.memory_space<semaphore_mem>>)
      } else {
      }
      %dma_wait3A_179 = arith.constant 0 : i32
      %dma_wait3A_180 = tpu.memref_slice %arg9[%add3A_166, %dma_wait3A_179] : memref<84x128xi32, #tpu.memory_space<vmem>> -> memref<1x128xi32, #tpu.memory_space<vmem>>
      %dma_wait3A_181 = tpu.memref_squeeze %dma_wait3A_180 : memref<1x128xi32, #tpu.memory_space<vmem>> -> memref<128xi32, #tpu.memory_space<vmem>>
      %dma_wait3A_182 = arith.constant 0 : i32
      %dma_wait3A_183 = arith.constant 0 : i32
      %dma_wait3A_184 = tpu.memref_slice %arg4[%dma_wait3A_182, %dma_wait3A_183] : memref<10240x64xf32, #tpu.memory_space<hbm>> -> memref<10240x64xf32, #tpu.memory_space<hbm>>
      tpu.wait_indirect_dma semaphore(%arg19 : memref<!tpu.dma_semaphore, #tpu.memory_space<semaphore_mem>>) src(%dma_wait3A_184 : memref<10240x64xf32, #tpu.memory_space<hbm>>) dst(%arg13 : memref<128x64xf32, #tpu.memory_space<vmem>>)
      %dma_start3A_185 = arith.constant 0 : i32
      %dma_start3A_186 = tpu.memref_slice %arg10[%add3A_166, %dma_start3A_185] : memref<84x128xi32, #tpu.memory_space<vmem>> -> memref<1x128xi32, #tpu.memory_space<vmem>>
      %dma_start3A_187 = tpu.memref_squeeze %dma_start3A_186 : memref<1x128xi32, #tpu.memory_space<vmem>> -> memref<128xi32, #tpu.memory_space<vmem>>
      %dma_start3A_188 = arith.constant 0 : i32
      %dma_start3A_189 = arith.constant 0 : i32
      %dma_start3A_190 = tpu.memref_slice %arg8[%dma_start3A_188, %dma_start3A_189] : memref<10240x64xf32, #tpu.memory_space<vmem_shared>> -> memref<10240x64xf32, #tpu.memory_space<vmem_shared>>
      tpu.enqueue_indirect_dma source(%arg13 : memref<128x64xf32, #tpu.memory_space<vmem>>) target(%dma_start3A_190 : memref<10240x64xf32, #tpu.memory_space<vmem_shared>>) offsets(%dma_start3A_187 : memref<128xi32, #tpu.memory_space<vmem>>) semaphore(%arg25 : memref<!tpu.dma_semaphore, #tpu.memory_space<semaphore_mem>>) {add = true}
      %add3A_191 = arith.constant 3 : i32
      %add3A_192 = arith.addi %mul3A_116, %add3A_191 : i32
      %ge3A_193 = arith.constant 3 : i32
      %ge3A_194 = arith.cmpi sge, %add3A_192, %ge3A_193 : i32
      %convert_element_type3A_195 = arith.extui %ge3A_194 : i1 to i32
      %cond3A_196 = arith.constant 0 : i32
      %cond3A_197 = arith.cmpi ne, %convert_element_type3A_195, %cond3A_196 : i32
      scf.if %cond3A_197 {
        %dma_wait3A_269 = arith.constant 0 : i32
        %dma_wait3A_270 = arith.constant 0 : i32
        %dma_wait3A_271 = tpu.memref_slice %arg10[%dma_wait3A_269, %dma_wait3A_270] : memref<84x128xi32, #tpu.memory_space<vmem>> -> memref<1x128xi32, #tpu.memory_space<vmem>>
        %dma_wait3A_272 = tpu.memref_squeeze %dma_wait3A_271 : memref<1x128xi32, #tpu.memory_space<vmem>> -> memref<128xi32, #tpu.memory_space<vmem>>
        %dma_wait3A_273 = arith.constant 0 : i32
        %dma_wait3A_274 = arith.constant 0 : i32
        %dma_wait3A_275 = tpu.memref_slice %arg8[%dma_wait3A_273, %dma_wait3A_274] : memref<10240x64xf32, #tpu.memory_space<vmem_shared>> -> memref<10240x64xf32, #tpu.memory_space<vmem_shared>>
        tpu.wait_indirect_dma semaphore(%arg23 : memref<!tpu.dma_semaphore, #tpu.memory_space<semaphore_mem>>) src(%arg11 : memref<128x64xf32, #tpu.memory_space<vmem>>) dst(%dma_wait3A_275 : memref<10240x64xf32, #tpu.memory_space<vmem_shared>>)
      } else {
      }
      %add3A_198 = arith.constant 3 : i32
      %add3A_199 = arith.addi %add3A_192, %add3A_198 : i32
      %lt3A_200 = arith.constant 84 : i32
      %lt3A_201 = arith.cmpi slt, %add3A_199, %lt3A_200 : i32
      %convert_element_type3A_202 = arith.extui %lt3A_201 : i1 to i32
      %cond3A_203 = arith.constant 0 : i32
      %cond3A_204 = arith.cmpi ne, %convert_element_type3A_202, %cond3A_203 : i32
      scf.if %cond3A_204 {
        %add3A_269 = arith.constant 3 : i32
        %add3A_270 = arith.addi %add3A_192, %add3A_269 : i32
        %dma_start3A_271 = arith.constant 0 : i32
        %dma_start3A_272 = tpu.memref_slice %arg9[%add3A_270, %dma_start3A_271] : memref<84x128xi32, #tpu.memory_space<vmem>> -> memref<1x128xi32, #tpu.memory_space<vmem>>
        %dma_start3A_273 = tpu.memref_squeeze %dma_start3A_272 : memref<1x128xi32, #tpu.memory_space<vmem>> -> memref<128xi32, #tpu.memory_space<vmem>>
        %dma_start3A_274 = arith.constant 0 : i32
        %dma_start3A_275 = arith.constant 0 : i32
        %dma_start3A_276 = tpu.memref_slice %arg4[%dma_start3A_274, %dma_start3A_275] : memref<10240x64xf32, #tpu.memory_space<hbm>> -> memref<10240x64xf32, #tpu.memory_space<hbm>>
        tpu.enqueue_indirect_dma source(%dma_start3A_276 : memref<10240x64xf32, #tpu.memory_space<hbm>>) target(%arg11 : memref<128x64xf32, #tpu.memory_space<vmem>>) offsets(%dma_start3A_273 : memref<128xi32, #tpu.memory_space<vmem>>) semaphore(%arg17 : memref<!tpu.dma_semaphore, #tpu.memory_space<semaphore_mem>>)
      } else {
      }
      %dma_wait3A_205 = arith.constant 0 : i32
      %dma_wait3A_206 = tpu.memref_slice %arg9[%add3A_192, %dma_wait3A_205] : memref<84x128xi32, #tpu.memory_space<vmem>> -> memref<1x128xi32, #tpu.memory_space<vmem>>
      %dma_wait3A_207 = tpu.memref_squeeze %dma_wait3A_206 : memref<1x128xi32, #tpu.memory_space<vmem>> -> memref<128xi32, #tpu.memory_space<vmem>>
      %dma_wait3A_208 = arith.constant 0 : i32
      %dma_wait3A_209 = arith.constant 0 : i32
      %dma_wait3A_210 = tpu.memref_slice %arg4[%dma_wait3A_208, %dma_wait3A_209] : memref<10240x64xf32, #tpu.memory_space<hbm>> -> memref<10240x64xf32, #tpu.memory_space<hbm>>
      tpu.wait_indirect_dma semaphore(%arg20 : memref<!tpu.dma_semaphore, #tpu.memory_space<semaphore_mem>>) src(%dma_wait3A_210 : memref<10240x64xf32, #tpu.memory_space<hbm>>) dst(%arg14 : memref<128x64xf32, #tpu.memory_space<vmem>>)
      %dma_start3A_211 = arith.constant 0 : i32
      %dma_start3A_212 = tpu.memref_slice %arg10[%add3A_192, %dma_start3A_211] : memref<84x128xi32, #tpu.memory_space<vmem>> -> memref<1x128xi32, #tpu.memory_space<vmem>>
      %dma_start3A_213 = tpu.memref_squeeze %dma_start3A_212 : memref<1x128xi32, #tpu.memory_space<vmem>> -> memref<128xi32, #tpu.memory_space<vmem>>
      %dma_start3A_214 = arith.constant 0 : i32
      %dma_start3A_215 = arith.constant 0 : i32
      %dma_start3A_216 = tpu.memref_slice %arg8[%dma_start3A_214, %dma_start3A_215] : memref<10240x64xf32, #tpu.memory_space<vmem_shared>> -> memref<10240x64xf32, #tpu.memory_space<vmem_shared>>
      tpu.enqueue_indirect_dma source(%arg14 : memref<128x64xf32, #tpu.memory_space<vmem>>) target(%dma_start3A_216 : memref<10240x64xf32, #tpu.memory_space<vmem_shared>>) offsets(%dma_start3A_213 : memref<128xi32, #tpu.memory_space<vmem>>) semaphore(%arg26 : memref<!tpu.dma_semaphore, #tpu.memory_space<semaphore_mem>>) {add = true}
      %add3A_217 = arith.constant 4 : i32
      %add3A_218 = arith.addi %mul3A_116, %add3A_217 : i32
      %ge3A_219 = arith.constant 3 : i32
      %ge3A_220 = arith.cmpi sge, %add3A_218, %ge3A_219 : i32
      %convert_element_type3A_221 = arith.extui %ge3A_220 : i1 to i32
      %cond3A_222 = arith.constant 0 : i32
      %cond3A_223 = arith.cmpi ne, %convert_element_type3A_221, %cond3A_222 : i32
      scf.if %cond3A_223 {
        %dma_wait3A_269 = arith.constant 0 : i32
        %dma_wait3A_270 = arith.constant 0 : i32
        %dma_wait3A_271 = tpu.memref_slice %arg10[%dma_wait3A_269, %dma_wait3A_270] : memref<84x128xi32, #tpu.memory_space<vmem>> -> memref<1x128xi32, #tpu.memory_space<vmem>>
        %dma_wait3A_272 = tpu.memref_squeeze %dma_wait3A_271 : memref<1x128xi32, #tpu.memory_space<vmem>> -> memref<128xi32, #tpu.memory_space<vmem>>
        %dma_wait3A_273 = arith.constant 0 : i32
        %dma_wait3A_274 = arith.constant 0 : i32
        %dma_wait3A_275 = tpu.memref_slice %arg8[%dma_wait3A_273, %dma_wait3A_274] : memref<10240x64xf32, #tpu.memory_space<vmem_shared>> -> memref<10240x64xf32, #tpu.memory_space<vmem_shared>>
        tpu.wait_indirect_dma semaphore(%arg24 : memref<!tpu.dma_semaphore, #tpu.memory_space<semaphore_mem>>) src(%arg12 : memref<128x64xf32, #tpu.memory_space<vmem>>) dst(%dma_wait3A_275 : memref<10240x64xf32, #tpu.memory_space<vmem_shared>>)
      } else {
      }
      %add3A_224 = arith.constant 3 : i32
      %add3A_225 = arith.addi %add3A_218, %add3A_224 : i32
      %lt3A_226 = arith.constant 84 : i32
      %lt3A_227 = arith.cmpi slt, %add3A_225, %lt3A_226 : i32
      %convert_element_type3A_228 = arith.extui %lt3A_227 : i1 to i32
      %cond3A_229 = arith.constant 0 : i32
      %cond3A_230 = arith.cmpi ne, %convert_element_type3A_228, %cond3A_229 : i32
      scf.if %cond3A_230 {
        %add3A_269 = arith.constant 3 : i32
        %add3A_270 = arith.addi %add3A_218, %add3A_269 : i32
        %dma_start3A_271 = arith.constant 0 : i32
        %dma_start3A_272 = tpu.memref_slice %arg9[%add3A_270, %dma_start3A_271] : memref<84x128xi32, #tpu.memory_space<vmem>> -> memref<1x128xi32, #tpu.memory_space<vmem>>
        %dma_start3A_273 = tpu.memref_squeeze %dma_start3A_272 : memref<1x128xi32, #tpu.memory_space<vmem>> -> memref<128xi32, #tpu.memory_space<vmem>>
        %dma_start3A_274 = arith.constant 0 : i32
        %dma_start3A_275 = arith.constant 0 : i32
        %dma_start3A_276 = tpu.memref_slice %arg4[%dma_start3A_274, %dma_start3A_275] : memref<10240x64xf32, #tpu.memory_space<hbm>> -> memref<10240x64xf32, #tpu.memory_space<hbm>>
        tpu.enqueue_indirect_dma source(%dma_start3A_276 : memref<10240x64xf32, #tpu.memory_space<hbm>>) target(%arg12 : memref<128x64xf32, #tpu.memory_space<vmem>>) offsets(%dma_start3A_273 : memref<128xi32, #tpu.memory_space<vmem>>) semaphore(%arg18 : memref<!tpu.dma_semaphore, #tpu.memory_space<semaphore_mem>>)
      } else {
      }
      %dma_wait3A_231 = arith.constant 0 : i32
      %dma_wait3A_232 = tpu.memref_slice %arg9[%add3A_218, %dma_wait3A_231] : memref<84x128xi32, #tpu.memory_space<vmem>> -> memref<1x128xi32, #tpu.memory_space<vmem>>
      %dma_wait3A_233 = tpu.memref_squeeze %dma_wait3A_232 : memref<1x128xi32, #tpu.memory_space<vmem>> -> memref<128xi32, #tpu.memory_space<vmem>>
      %dma_wait3A_234 = arith.constant 0 : i32
      %dma_wait3A_235 = arith.constant 0 : i32
      %dma_wait3A_236 = tpu.memref_slice %arg4[%dma_wait3A_234, %dma_wait3A_235] : memref<10240x64xf32, #tpu.memory_space<hbm>> -> memref<10240x64xf32, #tpu.memory_space<hbm>>
      tpu.wait_indirect_dma semaphore(%arg21 : memref<!tpu.dma_semaphore, #tpu.memory_space<semaphore_mem>>) src(%dma_wait3A_236 : memref<10240x64xf32, #tpu.memory_space<hbm>>) dst(%arg15 : memref<128x64xf32, #tpu.memory_space<vmem>>)
      %dma_start3A_237 = arith.constant 0 : i32
      %dma_start3A_238 = tpu.memref_slice %arg10[%add3A_218, %dma_start3A_237] : memref<84x128xi32, #tpu.memory_space<vmem>> -> memref<1x128xi32, #tpu.memory_space<vmem>>
      %dma_start3A_239 = tpu.memref_squeeze %dma_start3A_238 : memref<1x128xi32, #tpu.memory_space<vmem>> -> memref<128xi32, #tpu.memory_space<vmem>>
      %dma_start3A_240 = arith.constant 0 : i32
      %dma_start3A_241 = arith.constant 0 : i32
      %dma_start3A_242 = tpu.memref_slice %arg8[%dma_start3A_240, %dma_start3A_241] : memref<10240x64xf32, #tpu.memory_space<vmem_shared>> -> memref<10240x64xf32, #tpu.memory_space<vmem_shared>>
      tpu.enqueue_indirect_dma source(%arg15 : memref<128x64xf32, #tpu.memory_space<vmem>>) target(%dma_start3A_242 : memref<10240x64xf32, #tpu.memory_space<vmem_shared>>) offsets(%dma_start3A_239 : memref<128xi32, #tpu.memory_space<vmem>>) semaphore(%arg27 : memref<!tpu.dma_semaphore, #tpu.memory_space<semaphore_mem>>) {add = true}
      %add3A_243 = arith.constant 5 : i32
      %add3A_244 = arith.addi %mul3A_116, %add3A_243 : i32
      %ge3A_245 = arith.constant 3 : i32
      %ge3A_246 = arith.cmpi sge, %add3A_244, %ge3A_245 : i32
      %convert_element_type3A_247 = arith.extui %ge3A_246 : i1 to i32
      %cond3A_248 = arith.constant 0 : i32
      %cond3A_249 = arith.cmpi ne, %convert_element_type3A_247, %cond3A_248 : i32
      scf.if %cond3A_249 {
        %dma_wait3A_269 = arith.constant 0 : i32
        %dma_wait3A_270 = arith.constant 0 : i32
        %dma_wait3A_271 = tpu.memref_slice %arg10[%dma_wait3A_269, %dma_wait3A_270] : memref<84x128xi32, #tpu.memory_space<vmem>> -> memref<1x128xi32, #tpu.memory_space<vmem>>
        %dma_wait3A_272 = tpu.memref_squeeze %dma_wait3A_271 : memref<1x128xi32, #tpu.memory_space<vmem>> -> memref<128xi32, #tpu.memory_space<vmem>>
        %dma_wait3A_273 = arith.constant 0 : i32
        %dma_wait3A_274 = arith.constant 0 : i32
        %dma_wait3A_275 = tpu.memref_slice %arg8[%dma_wait3A_273, %dma_wait3A_274] : memref<10240x64xf32, #tpu.memory_space<vmem_shared>> -> memref<10240x64xf32, #tpu.memory_space<vmem_shared>>
        tpu.wait_indirect_dma semaphore(%arg25 : memref<!tpu.dma_semaphore, #tpu.memory_space<semaphore_mem>>) src(%arg13 : memref<128x64xf32, #tpu.memory_space<vmem>>) dst(%dma_wait3A_275 : memref<10240x64xf32, #tpu.memory_space<vmem_shared>>)
      } else {
      }
      %add3A_250 = arith.constant 3 : i32
      %add3A_251 = arith.addi %add3A_244, %add3A_250 : i32
      %lt3A_252 = arith.constant 84 : i32
      %lt3A_253 = arith.cmpi slt, %add3A_251, %lt3A_252 : i32
      %convert_element_type3A_254 = arith.extui %lt3A_253 : i1 to i32
      %cond3A_255 = arith.constant 0 : i32
      %cond3A_256 = arith.cmpi ne, %convert_element_type3A_254, %cond3A_255 : i32
      scf.if %cond3A_256 {
        %add3A_269 = arith.constant 3 : i32
        %add3A_270 = arith.addi %add3A_244, %add3A_269 : i32
        %dma_start3A_271 = arith.constant 0 : i32
        %dma_start3A_272 = tpu.memref_slice %arg9[%add3A_270, %dma_start3A_271] : memref<84x128xi32, #tpu.memory_space<vmem>> -> memref<1x128xi32, #tpu.memory_space<vmem>>
        %dma_start3A_273 = tpu.memref_squeeze %dma_start3A_272 : memref<1x128xi32, #tpu.memory_space<vmem>> -> memref<128xi32, #tpu.memory_space<vmem>>
        %dma_start3A_274 = arith.constant 0 : i32
        %dma_start3A_275 = arith.constant 0 : i32
        %dma_start3A_276 = tpu.memref_slice %arg4[%dma_start3A_274, %dma_start3A_275] : memref<10240x64xf32, #tpu.memory_space<hbm>> -> memref<10240x64xf32, #tpu.memory_space<hbm>>
        tpu.enqueue_indirect_dma source(%dma_start3A_276 : memref<10240x64xf32, #tpu.memory_space<hbm>>) target(%arg13 : memref<128x64xf32, #tpu.memory_space<vmem>>) offsets(%dma_start3A_273 : memref<128xi32, #tpu.memory_space<vmem>>) semaphore(%arg19 : memref<!tpu.dma_semaphore, #tpu.memory_space<semaphore_mem>>)
      } else {
      }
      %dma_wait3A_257 = arith.constant 0 : i32
      %dma_wait3A_258 = tpu.memref_slice %arg9[%add3A_244, %dma_wait3A_257] : memref<84x128xi32, #tpu.memory_space<vmem>> -> memref<1x128xi32, #tpu.memory_space<vmem>>
      %dma_wait3A_259 = tpu.memref_squeeze %dma_wait3A_258 : memref<1x128xi32, #tpu.memory_space<vmem>> -> memref<128xi32, #tpu.memory_space<vmem>>
      %dma_wait3A_260 = arith.constant 0 : i32
      %dma_wait3A_261 = arith.constant 0 : i32
      %dma_wait3A_262 = tpu.memref_slice %arg4[%dma_wait3A_260, %dma_wait3A_261] : memref<10240x64xf32, #tpu.memory_space<hbm>> -> memref<10240x64xf32, #tpu.memory_space<hbm>>
      tpu.wait_indirect_dma semaphore(%arg22 : memref<!tpu.dma_semaphore, #tpu.memory_space<semaphore_mem>>) src(%dma_wait3A_262 : memref<10240x64xf32, #tpu.memory_space<hbm>>) dst(%arg16 : memref<128x64xf32, #tpu.memory_space<vmem>>)
      %dma_start3A_263 = arith.constant 0 : i32
      %dma_start3A_264 = tpu.memref_slice %arg10[%add3A_244, %dma_start3A_263] : memref<84x128xi32, #tpu.memory_space<vmem>> -> memref<1x128xi32, #tpu.memory_space<vmem>>
      %dma_start3A_265 = tpu.memref_squeeze %dma_start3A_264 : memref<1x128xi32, #tpu.memory_space<vmem>> -> memref<128xi32, #tpu.memory_space<vmem>>
      %dma_start3A_266 = arith.constant 0 : i32
      %dma_start3A_267 = arith.constant 0 : i32
      %dma_start3A_268 = tpu.memref_slice %arg8[%dma_start3A_266, %dma_start3A_267] : memref<10240x64xf32, #tpu.memory_space<vmem_shared>> -> memref<10240x64xf32, #tpu.memory_space<vmem_shared>>
      tpu.enqueue_indirect_dma source(%arg16 : memref<128x64xf32, #tpu.memory_space<vmem>>) target(%dma_start3A_268 : memref<10240x64xf32, #tpu.memory_space<vmem_shared>>) offsets(%dma_start3A_265 : memref<128xi32, #tpu.memory_space<vmem>>) semaphore(%arg28 : memref<!tpu.dma_semaphore, #tpu.memory_space<semaphore_mem>>) {add = true}
    }
    %scan3A_33 = arith.constant 14 : i32
    %dma_wait3A = arith.constant 0 : i32
    %dma_wait3A_34 = arith.constant 0 : i32
    %dma_wait3A_35 = tpu.memref_slice %arg10[%dma_wait3A, %dma_wait3A_34] : memref<84x128xi32, #tpu.memory_space<vmem>> -> memref<1x128xi32, #tpu.memory_space<vmem>>
    %dma_wait3A_36 = tpu.memref_squeeze %dma_wait3A_35 : memref<1x128xi32, #tpu.memory_space<vmem>> -> memref<128xi32, #tpu.memory_space<vmem>>
    %dma_wait3A_37 = arith.constant 0 : i32
    %dma_wait3A_38 = arith.constant 0 : i32
    %dma_wait3A_39 = tpu.memref_slice %arg8[%dma_wait3A_37, %dma_wait3A_38] : memref<10240x64xf32, #tpu.memory_space<vmem_shared>> -> memref<10240x64xf32, #tpu.memory_space<vmem_shared>>
    tpu.wait_indirect_dma semaphore(%arg26 : memref<!tpu.dma_semaphore, #tpu.memory_space<semaphore_mem>>) src(%arg14 : memref<128x64xf32, #tpu.memory_space<vmem>>) dst(%dma_wait3A_39 : memref<10240x64xf32, #tpu.memory_space<vmem_shared>>)
    %dma_wait3A_40 = arith.constant 0 : i32
    %dma_wait3A_41 = arith.constant 0 : i32
    %dma_wait3A_42 = tpu.memref_slice %arg10[%dma_wait3A_40, %dma_wait3A_41] : memref<84x128xi32, #tpu.memory_space<vmem>> -> memref<1x128xi32, #tpu.memory_space<vmem>>
    %dma_wait3A_43 = tpu.memref_squeeze %dma_wait3A_42 : memref<1x128xi32, #tpu.memory_space<vmem>> -> memref<128xi32, #tpu.memory_space<vmem>>
    %dma_wait3A_44 = arith.constant 0 : i32
    %dma_wait3A_45 = arith.constant 0 : i32
    %dma_wait3A_46 = tpu.memref_slice %arg8[%dma_wait3A_44, %dma_wait3A_45] : memref<10240x64xf32, #tpu.memory_space<vmem_shared>> -> memref<10240x64xf32, #tpu.memory_space<vmem_shared>>
    tpu.wait_indirect_dma semaphore(%arg27 : memref<!tpu.dma_semaphore, #tpu.memory_space<semaphore_mem>>) src(%arg15 : memref<128x64xf32, #tpu.memory_space<vmem>>) dst(%dma_wait3A_46 : memref<10240x64xf32, #tpu.memory_space<vmem_shared>>)
    %dma_wait3A_47 = arith.constant 0 : i32
    %dma_wait3A_48 = arith.constant 0 : i32
    %dma_wait3A_49 = tpu.memref_slice %arg10[%dma_wait3A_47, %dma_wait3A_48] : memref<84x128xi32, #tpu.memory_space<vmem>> -> memref<1x128xi32, #tpu.memory_space<vmem>>
    %dma_wait3A_50 = tpu.memref_squeeze %dma_wait3A_49 : memref<1x128xi32, #tpu.memory_space<vmem>> -> memref<128xi32, #tpu.memory_space<vmem>>
    %dma_wait3A_51 = arith.constant 0 : i32
    %dma_wait3A_52 = arith.constant 0 : i32
    %dma_wait3A_53 = tpu.memref_slice %arg8[%dma_wait3A_51, %dma_wait3A_52] : memref<10240x64xf32, #tpu.memory_space<vmem_shared>> -> memref<10240x64xf32, #tpu.memory_space<vmem_shared>>
    tpu.wait_indirect_dma semaphore(%arg28 : memref<!tpu.dma_semaphore, #tpu.memory_space<semaphore_mem>>) src(%arg16 : memref<128x64xf32, #tpu.memory_space<vmem>>) dst(%dma_wait3A_53 : memref<10240x64xf32, #tpu.memory_space<vmem_shared>>)
    %barrier3A_54 = arith.constant 0 : index
    tpu.barrier barrier_id(%barrier3A_54)
    %add3A_55 = arith.addi %mul3A_8, %mul3A_2 : i32
    "tpu.region"() ({
      %run_scoped3A = tpu.sem_alloc : memref<!tpu.dma_semaphore, #tpu.memory_space<semaphore_mem>>
      %dma_start3A_114 = arith.constant 0 : i32
      %dma_start3A_115 = tpu.memref_slice %arg7[%add3A_55, %dma_start3A_114] : memref<40960x64xf32, #tpu.memory_space<hbm>> -> memref<640x64xf32, #tpu.memory_space<hbm>>
      %dma_start3A_116 = arith.constant 0 : i32
      %dma_start3A_117 = tpu.memref_slice %arg8[%mul3A_2, %dma_start3A_116] : memref<10240x64xf32, #tpu.memory_space<vmem_shared>> -> memref<640x64xf32, #tpu.memory_space<vmem_shared>>
      tpu.enqueue_dma source(%dma_start3A_117 : memref<640x64xf32, #tpu.memory_space<vmem_shared>>) target(%dma_start3A_115 : memref<640x64xf32, #tpu.memory_space<hbm>>) target_semaphore(%run_scoped3A : memref<!tpu.dma_semaphore, #tpu.memory_space<semaphore_mem>>)
      %dma_wait3A_118 = arith.constant 0 : i32
      %dma_wait3A_119 = tpu.memref_slice %arg7[%add3A_55, %dma_wait3A_118] : memref<40960x64xf32, #tpu.memory_space<hbm>> -> memref<640x64xf32, #tpu.memory_space<hbm>>
      %dma_wait3A_120 = arith.constant 0 : i32
      %dma_wait3A_121 = tpu.memref_slice %arg8[%mul3A_2, %dma_wait3A_120] : memref<10240x64xf32, #tpu.memory_space<vmem_shared>> -> memref<640x64xf32, #tpu.memory_space<vmem_shared>>
      tpu.wait_dma2 semaphore(%run_scoped3A : memref<!tpu.dma_semaphore, #tpu.memory_space<semaphore_mem>>) src(%dma_wait3A_121 : memref<640x64xf32, #tpu.memory_space<vmem_shared>>) dst(%dma_wait3A_119 : memref<640x64xf32, #tpu.memory_space<hbm>>)
      tpu.yield
    }) : () -> ()
    %barrier3A_56 = arith.constant 0 : index
    tpu.barrier barrier_id(%barrier3A_56)
    %mul3A_57 = arith.constant 2 : i32
    %mul3A_58 = arith.muli %arg0, %mul3A_57 : i32
    %mul3A_59 = arith.constant 10240 : i32
    %mul3A_60 = arith.muli %mul3A_58, %mul3A_59 : i32
    %add3A_61 = arith.constant 10240 : i32
    %add3A_62 = arith.addi %mul3A_60, %add3A_61 : i32
    "tpu.region"() ({
      %run_scoped3A = tpu.sem_alloc : memref<!tpu.dma_semaphore, #tpu.memory_space<semaphore_mem>>
      %dma_start3A_114 = arith.constant 0 : i32
      %dma_start3A_115 = tpu.memref_slice %arg8[%mul3A_2, %dma_start3A_114] : memref<10240x64xf32, #tpu.memory_space<vmem_shared>> -> memref<640x64xf32, #tpu.memory_space<vmem_shared>>
      %dma_start3A_116 = arith.constant 0 : i32
      %dma_start3A_117 = tpu.memref_slice %arg6[%mul3A_2, %dma_start3A_116] : memref<10240x64xf32, #tpu.memory_space<hbm>> -> memref<640x64xf32, #tpu.memory_space<hbm>>
      tpu.enqueue_dma source(%dma_start3A_117 : memref<640x64xf32, #tpu.memory_space<hbm>>) target(%dma_start3A_115 : memref<640x64xf32, #tpu.memory_space<vmem_shared>>) target_semaphore(%run_scoped3A : memref<!tpu.dma_semaphore, #tpu.memory_space<semaphore_mem>>)
      %dma_wait3A_118 = arith.constant 0 : i32
      %dma_wait3A_119 = tpu.memref_slice %arg8[%mul3A_2, %dma_wait3A_118] : memref<10240x64xf32, #tpu.memory_space<vmem_shared>> -> memref<640x64xf32, #tpu.memory_space<vmem_shared>>
      %dma_wait3A_120 = arith.constant 0 : i32
      %dma_wait3A_121 = tpu.memref_slice %arg6[%mul3A_2, %dma_wait3A_120] : memref<10240x64xf32, #tpu.memory_space<hbm>> -> memref<640x64xf32, #tpu.memory_space<hbm>>
      tpu.wait_dma2 semaphore(%run_scoped3A : memref<!tpu.dma_semaphore, #tpu.memory_space<semaphore_mem>>) src(%dma_wait3A_121 : memref<640x64xf32, #tpu.memory_space<hbm>>) dst(%dma_wait3A_119 : memref<640x64xf32, #tpu.memory_space<vmem_shared>>)
      tpu.yield
    }) : () -> ()
    %barrier3A_63 = arith.constant 0 : index
    tpu.barrier barrier_id(%barrier3A_63)
    %dma_start3A_64 = arith.constant 0 : i32
    %dma_start3A_65 = arith.constant 0 : i32
    %dma_start3A_66 = tpu.memref_slice %arg9[%dma_start3A_64, %dma_start3A_65] : memref<84x128xi32, #tpu.memory_space<vmem>> -> memref<1x128xi32, #tpu.memory_space<vmem>>
    %dma_start3A_67 = tpu.memref_squeeze %dma_start3A_66 : memref<1x128xi32, #tpu.memory_space<vmem>> -> memref<128xi32, #tpu.memory_space<vmem>>
    %dma_start3A_68 = arith.constant 0 : i32
    %dma_start3A_69 = arith.constant 0 : i32
    %dma_start3A_70 = tpu.memref_slice %arg5[%dma_start3A_68, %dma_start3A_69] : memref<10240x64xf32, #tpu.memory_space<hbm>> -> memref<10240x64xf32, #tpu.memory_space<hbm>>
    tpu.enqueue_indirect_dma source(%dma_start3A_70 : memref<10240x64xf32, #tpu.memory_space<hbm>>) target(%arg11 : memref<128x64xf32, #tpu.memory_space<vmem>>) offsets(%dma_start3A_67 : memref<128xi32, #tpu.memory_space<vmem>>) semaphore(%arg17 : memref<!tpu.dma_semaphore, #tpu.memory_space<semaphore_mem>>)
    %dma_start3A_71 = arith.constant 1 : i32
    %dma_start3A_72 = arith.constant 0 : i32
    %dma_start3A_73 = tpu.memref_slice %arg9[%dma_start3A_71, %dma_start3A_72] : memref<84x128xi32, #tpu.memory_space<vmem>> -> memref<1x128xi32, #tpu.memory_space<vmem>>
    %dma_start3A_74 = tpu.memref_squeeze %dma_start3A_73 : memref<1x128xi32, #tpu.memory_space<vmem>> -> memref<128xi32, #tpu.memory_space<vmem>>
    %dma_start3A_75 = arith.constant 0 : i32
    %dma_start3A_76 = arith.constant 0 : i32
    %dma_start3A_77 = tpu.memref_slice %arg5[%dma_start3A_75, %dma_start3A_76] : memref<10240x64xf32, #tpu.memory_space<hbm>> -> memref<10240x64xf32, #tpu.memory_space<hbm>>
    tpu.enqueue_indirect_dma source(%dma_start3A_77 : memref<10240x64xf32, #tpu.memory_space<hbm>>) target(%arg12 : memref<128x64xf32, #tpu.memory_space<vmem>>) offsets(%dma_start3A_74 : memref<128xi32, #tpu.memory_space<vmem>>) semaphore(%arg18 : memref<!tpu.dma_semaphore, #tpu.memory_space<semaphore_mem>>)
    %dma_start3A_78 = arith.constant 2 : i32
    %dma_start3A_79 = arith.constant 0 : i32
    %dma_start3A_80 = tpu.memref_slice %arg9[%dma_start3A_78, %dma_start3A_79] : memref<84x128xi32, #tpu.memory_space<vmem>> -> memref<1x128xi32, #tpu.memory_space<vmem>>
    %dma_start3A_81 = tpu.memref_squeeze %dma_start3A_80 : memref<1x128xi32, #tpu.memory_space<vmem>> -> memref<128xi32, #tpu.memory_space<vmem>>
    %dma_start3A_82 = arith.constant 0 : i32
    %dma_start3A_83 = arith.constant 0 : i32
    %dma_start3A_84 = tpu.memref_slice %arg5[%dma_start3A_82, %dma_start3A_83] : memref<10240x64xf32, #tpu.memory_space<hbm>> -> memref<10240x64xf32, #tpu.memory_space<hbm>>
    tpu.enqueue_indirect_dma source(%dma_start3A_84 : memref<10240x64xf32, #tpu.memory_space<hbm>>) target(%arg13 : memref<128x64xf32, #tpu.memory_space<vmem>>) offsets(%dma_start3A_81 : memref<128xi32, #tpu.memory_space<vmem>>) semaphore(%arg19 : memref<!tpu.dma_semaphore, #tpu.memory_space<semaphore_mem>>)
    %scan3A_85 = arith.constant 0 : i32
    %scan3A_86 = arith.constant 0 : i32
    %scan3A_87 = arith.constant 14 : i32
    %scan3A_88 = arith.addi %scan3A_86, %scan3A_87 : i32
    %scan3A_89 = arith.constant 1 : i32
    scf.for %scan3A_114 = %scan3A_86 to %scan3A_88 step %scan3A_89  : i32 {
      %mul3A_115 = arith.constant 6 : i32
      %mul3A_116 = arith.muli %mul3A_115, %scan3A_114 : i32
      %add3A_117 = arith.constant 0 : i32
      %add3A_118 = arith.addi %mul3A_116, %add3A_117 : i32
      %ge3A = arith.constant 3 : i32
      %ge3A_119 = arith.cmpi sge, %add3A_118, %ge3A : i32
      %convert_element_type3A = arith.extui %ge3A_119 : i1 to i32
      %cond3A = arith.constant 0 : i32
      %cond3A_120 = arith.cmpi ne, %convert_element_type3A, %cond3A : i32
      scf.if %cond3A_120 {
        %dma_wait3A_269 = arith.constant 0 : i32
        %dma_wait3A_270 = arith.constant 0 : i32
        %dma_wait3A_271 = tpu.memref_slice %arg10[%dma_wait3A_269, %dma_wait3A_270] : memref<84x128xi32, #tpu.memory_space<vmem>> -> memref<1x128xi32, #tpu.memory_space<vmem>>
        %dma_wait3A_272 = tpu.memref_squeeze %dma_wait3A_271 : memref<1x128xi32, #tpu.memory_space<vmem>> -> memref<128xi32, #tpu.memory_space<vmem>>
        %dma_wait3A_273 = arith.constant 0 : i32
        %dma_wait3A_274 = arith.constant 0 : i32
        %dma_wait3A_275 = tpu.memref_slice %arg8[%dma_wait3A_273, %dma_wait3A_274] : memref<10240x64xf32, #tpu.memory_space<vmem_shared>> -> memref<10240x64xf32, #tpu.memory_space<vmem_shared>>
        tpu.wait_indirect_dma semaphore(%arg26 : memref<!tpu.dma_semaphore, #tpu.memory_space<semaphore_mem>>) src(%arg14 : memref<128x64xf32, #tpu.memory_space<vmem>>) dst(%dma_wait3A_275 : memref<10240x64xf32, #tpu.memory_space<vmem_shared>>)
      } else {
      }
      %add3A_121 = arith.constant 3 : i32
      %add3A_122 = arith.addi %add3A_118, %add3A_121 : i32
      %lt3A = arith.constant 84 : i32
      %lt3A_123 = arith.cmpi slt, %add3A_122, %lt3A : i32
      %convert_element_type3A_124 = arith.extui %lt3A_123 : i1 to i32
      %cond3A_125 = arith.constant 0 : i32
      %cond3A_126 = arith.cmpi ne, %convert_element_type3A_124, %cond3A_125 : i32
      scf.if %cond3A_126 {
        %add3A_269 = arith.constant 3 : i32
        %add3A_270 = arith.addi %add3A_118, %add3A_269 : i32
        %dma_start3A_271 = arith.constant 0 : i32
        %dma_start3A_272 = tpu.memref_slice %arg9[%add3A_270, %dma_start3A_271] : memref<84x128xi32, #tpu.memory_space<vmem>> -> memref<1x128xi32, #tpu.memory_space<vmem>>
        %dma_start3A_273 = tpu.memref_squeeze %dma_start3A_272 : memref<1x128xi32, #tpu.memory_space<vmem>> -> memref<128xi32, #tpu.memory_space<vmem>>
        %dma_start3A_274 = arith.constant 0 : i32
        %dma_start3A_275 = arith.constant 0 : i32
        %dma_start3A_276 = tpu.memref_slice %arg5[%dma_start3A_274, %dma_start3A_275] : memref<10240x64xf32, #tpu.memory_space<hbm>> -> memref<10240x64xf32, #tpu.memory_space<hbm>>
        tpu.enqueue_indirect_dma source(%dma_start3A_276 : memref<10240x64xf32, #tpu.memory_space<hbm>>) target(%arg14 : memref<128x64xf32, #tpu.memory_space<vmem>>) offsets(%dma_start3A_273 : memref<128xi32, #tpu.memory_space<vmem>>) semaphore(%arg20 : memref<!tpu.dma_semaphore, #tpu.memory_space<semaphore_mem>>)
      } else {
      }
      %dma_wait3A_127 = arith.constant 0 : i32
      %dma_wait3A_128 = tpu.memref_slice %arg9[%add3A_118, %dma_wait3A_127] : memref<84x128xi32, #tpu.memory_space<vmem>> -> memref<1x128xi32, #tpu.memory_space<vmem>>
      %dma_wait3A_129 = tpu.memref_squeeze %dma_wait3A_128 : memref<1x128xi32, #tpu.memory_space<vmem>> -> memref<128xi32, #tpu.memory_space<vmem>>
      %dma_wait3A_130 = arith.constant 0 : i32
      %dma_wait3A_131 = arith.constant 0 : i32
      %dma_wait3A_132 = tpu.memref_slice %arg5[%dma_wait3A_130, %dma_wait3A_131] : memref<10240x64xf32, #tpu.memory_space<hbm>> -> memref<10240x64xf32, #tpu.memory_space<hbm>>
      tpu.wait_indirect_dma semaphore(%arg17 : memref<!tpu.dma_semaphore, #tpu.memory_space<semaphore_mem>>) src(%dma_wait3A_132 : memref<10240x64xf32, #tpu.memory_space<hbm>>) dst(%arg11 : memref<128x64xf32, #tpu.memory_space<vmem>>)
      %dma_start3A_133 = arith.constant 0 : i32
      %dma_start3A_134 = tpu.memref_slice %arg10[%add3A_118, %dma_start3A_133] : memref<84x128xi32, #tpu.memory_space<vmem>> -> memref<1x128xi32, #tpu.memory_space<vmem>>
      %dma_start3A_135 = tpu.memref_squeeze %dma_start3A_134 : memref<1x128xi32, #tpu.memory_space<vmem>> -> memref<128xi32, #tpu.memory_space<vmem>>
      %dma_start3A_136 = arith.constant 0 : i32
      %dma_start3A_137 = arith.constant 0 : i32
      %dma_start3A_138 = tpu.memref_slice %arg8[%dma_start3A_136, %dma_start3A_137] : memref<10240x64xf32, #tpu.memory_space<vmem_shared>> -> memref<10240x64xf32, #tpu.memory_space<vmem_shared>>
      tpu.enqueue_indirect_dma source(%arg11 : memref<128x64xf32, #tpu.memory_space<vmem>>) target(%dma_start3A_138 : memref<10240x64xf32, #tpu.memory_space<vmem_shared>>) offsets(%dma_start3A_135 : memref<128xi32, #tpu.memory_space<vmem>>) semaphore(%arg23 : memref<!tpu.dma_semaphore, #tpu.memory_space<semaphore_mem>>) {add = true}
      %add3A_139 = arith.constant 1 : i32
      %add3A_140 = arith.addi %mul3A_116, %add3A_139 : i32
      %ge3A_141 = arith.constant 3 : i32
      %ge3A_142 = arith.cmpi sge, %add3A_140, %ge3A_141 : i32
      %convert_element_type3A_143 = arith.extui %ge3A_142 : i1 to i32
      %cond3A_144 = arith.constant 0 : i32
      %cond3A_145 = arith.cmpi ne, %convert_element_type3A_143, %cond3A_144 : i32
      scf.if %cond3A_145 {
        %dma_wait3A_269 = arith.constant 0 : i32
        %dma_wait3A_270 = arith.constant 0 : i32
        %dma_wait3A_271 = tpu.memref_slice %arg10[%dma_wait3A_269, %dma_wait3A_270] : memref<84x128xi32, #tpu.memory_space<vmem>> -> memref<1x128xi32, #tpu.memory_space<vmem>>
        %dma_wait3A_272 = tpu.memref_squeeze %dma_wait3A_271 : memref<1x128xi32, #tpu.memory_space<vmem>> -> memref<128xi32, #tpu.memory_space<vmem>>
        %dma_wait3A_273 = arith.constant 0 : i32
        %dma_wait3A_274 = arith.constant 0 : i32
        %dma_wait3A_275 = tpu.memref_slice %arg8[%dma_wait3A_273, %dma_wait3A_274] : memref<10240x64xf32, #tpu.memory_space<vmem_shared>> -> memref<10240x64xf32, #tpu.memory_space<vmem_shared>>
        tpu.wait_indirect_dma semaphore(%arg27 : memref<!tpu.dma_semaphore, #tpu.memory_space<semaphore_mem>>) src(%arg15 : memref<128x64xf32, #tpu.memory_space<vmem>>) dst(%dma_wait3A_275 : memref<10240x64xf32, #tpu.memory_space<vmem_shared>>)
      } else {
      }
      %add3A_146 = arith.constant 3 : i32
      %add3A_147 = arith.addi %add3A_140, %add3A_146 : i32
      %lt3A_148 = arith.constant 84 : i32
      %lt3A_149 = arith.cmpi slt, %add3A_147, %lt3A_148 : i32
      %convert_element_type3A_150 = arith.extui %lt3A_149 : i1 to i32
      %cond3A_151 = arith.constant 0 : i32
      %cond3A_152 = arith.cmpi ne, %convert_element_type3A_150, %cond3A_151 : i32
      scf.if %cond3A_152 {
        %add3A_269 = arith.constant 3 : i32
        %add3A_270 = arith.addi %add3A_140, %add3A_269 : i32
        %dma_start3A_271 = arith.constant 0 : i32
        %dma_start3A_272 = tpu.memref_slice %arg9[%add3A_270, %dma_start3A_271] : memref<84x128xi32, #tpu.memory_space<vmem>> -> memref<1x128xi32, #tpu.memory_space<vmem>>
        %dma_start3A_273 = tpu.memref_squeeze %dma_start3A_272 : memref<1x128xi32, #tpu.memory_space<vmem>> -> memref<128xi32, #tpu.memory_space<vmem>>
        %dma_start3A_274 = arith.constant 0 : i32
        %dma_start3A_275 = arith.constant 0 : i32
        %dma_start3A_276 = tpu.memref_slice %arg5[%dma_start3A_274, %dma_start3A_275] : memref<10240x64xf32, #tpu.memory_space<hbm>> -> memref<10240x64xf32, #tpu.memory_space<hbm>>
        tpu.enqueue_indirect_dma source(%dma_start3A_276 : memref<10240x64xf32, #tpu.memory_space<hbm>>) target(%arg15 : memref<128x64xf32, #tpu.memory_space<vmem>>) offsets(%dma_start3A_273 : memref<128xi32, #tpu.memory_space<vmem>>) semaphore(%arg21 : memref<!tpu.dma_semaphore, #tpu.memory_space<semaphore_mem>>)
      } else {
      }
      %dma_wait3A_153 = arith.constant 0 : i32
      %dma_wait3A_154 = tpu.memref_slice %arg9[%add3A_140, %dma_wait3A_153] : memref<84x128xi32, #tpu.memory_space<vmem>> -> memref<1x128xi32, #tpu.memory_space<vmem>>
      %dma_wait3A_155 = tpu.memref_squeeze %dma_wait3A_154 : memref<1x128xi32, #tpu.memory_space<vmem>> -> memref<128xi32, #tpu.memory_space<vmem>>
      %dma_wait3A_156 = arith.constant 0 : i32
      %dma_wait3A_157 = arith.constant 0 : i32
      %dma_wait3A_158 = tpu.memref_slice %arg5[%dma_wait3A_156, %dma_wait3A_157] : memref<10240x64xf32, #tpu.memory_space<hbm>> -> memref<10240x64xf32, #tpu.memory_space<hbm>>
      tpu.wait_indirect_dma semaphore(%arg18 : memref<!tpu.dma_semaphore, #tpu.memory_space<semaphore_mem>>) src(%dma_wait3A_158 : memref<10240x64xf32, #tpu.memory_space<hbm>>) dst(%arg12 : memref<128x64xf32, #tpu.memory_space<vmem>>)
      %dma_start3A_159 = arith.constant 0 : i32
      %dma_start3A_160 = tpu.memref_slice %arg10[%add3A_140, %dma_start3A_159] : memref<84x128xi32, #tpu.memory_space<vmem>> -> memref<1x128xi32, #tpu.memory_space<vmem>>
      %dma_start3A_161 = tpu.memref_squeeze %dma_start3A_160 : memref<1x128xi32, #tpu.memory_space<vmem>> -> memref<128xi32, #tpu.memory_space<vmem>>
      %dma_start3A_162 = arith.constant 0 : i32
      %dma_start3A_163 = arith.constant 0 : i32
      %dma_start3A_164 = tpu.memref_slice %arg8[%dma_start3A_162, %dma_start3A_163] : memref<10240x64xf32, #tpu.memory_space<vmem_shared>> -> memref<10240x64xf32, #tpu.memory_space<vmem_shared>>
      tpu.enqueue_indirect_dma source(%arg12 : memref<128x64xf32, #tpu.memory_space<vmem>>) target(%dma_start3A_164 : memref<10240x64xf32, #tpu.memory_space<vmem_shared>>) offsets(%dma_start3A_161 : memref<128xi32, #tpu.memory_space<vmem>>) semaphore(%arg24 : memref<!tpu.dma_semaphore, #tpu.memory_space<semaphore_mem>>) {add = true}
      %add3A_165 = arith.constant 2 : i32
      %add3A_166 = arith.addi %mul3A_116, %add3A_165 : i32
      %ge3A_167 = arith.constant 3 : i32
      %ge3A_168 = arith.cmpi sge, %add3A_166, %ge3A_167 : i32
      %convert_element_type3A_169 = arith.extui %ge3A_168 : i1 to i32
      %cond3A_170 = arith.constant 0 : i32
      %cond3A_171 = arith.cmpi ne, %convert_element_type3A_169, %cond3A_170 : i32
      scf.if %cond3A_171 {
        %dma_wait3A_269 = arith.constant 0 : i32
        %dma_wait3A_270 = arith.constant 0 : i32
        %dma_wait3A_271 = tpu.memref_slice %arg10[%dma_wait3A_269, %dma_wait3A_270] : memref<84x128xi32, #tpu.memory_space<vmem>> -> memref<1x128xi32, #tpu.memory_space<vmem>>
        %dma_wait3A_272 = tpu.memref_squeeze %dma_wait3A_271 : memref<1x128xi32, #tpu.memory_space<vmem>> -> memref<128xi32, #tpu.memory_space<vmem>>
        %dma_wait3A_273 = arith.constant 0 : i32
        %dma_wait3A_274 = arith.constant 0 : i32
        %dma_wait3A_275 = tpu.memref_slice %arg8[%dma_wait3A_273, %dma_wait3A_274] : memref<10240x64xf32, #tpu.memory_space<vmem_shared>> -> memref<10240x64xf32, #tpu.memory_space<vmem_shared>>
        tpu.wait_indirect_dma semaphore(%arg28 : memref<!tpu.dma_semaphore, #tpu.memory_space<semaphore_mem>>) src(%arg16 : memref<128x64xf32, #tpu.memory_space<vmem>>) dst(%dma_wait3A_275 : memref<10240x64xf32, #tpu.memory_space<vmem_shared>>)
      } else {
      }
      %add3A_172 = arith.constant 3 : i32
      %add3A_173 = arith.addi %add3A_166, %add3A_172 : i32
      %lt3A_174 = arith.constant 84 : i32
      %lt3A_175 = arith.cmpi slt, %add3A_173, %lt3A_174 : i32
      %convert_element_type3A_176 = arith.extui %lt3A_175 : i1 to i32
      %cond3A_177 = arith.constant 0 : i32
      %cond3A_178 = arith.cmpi ne, %convert_element_type3A_176, %cond3A_177 : i32
      scf.if %cond3A_178 {
        %add3A_269 = arith.constant 3 : i32
        %add3A_270 = arith.addi %add3A_166, %add3A_269 : i32
        %dma_start3A_271 = arith.constant 0 : i32
        %dma_start3A_272 = tpu.memref_slice %arg9[%add3A_270, %dma_start3A_271] : memref<84x128xi32, #tpu.memory_space<vmem>> -> memref<1x128xi32, #tpu.memory_space<vmem>>
        %dma_start3A_273 = tpu.memref_squeeze %dma_start3A_272 : memref<1x128xi32, #tpu.memory_space<vmem>> -> memref<128xi32, #tpu.memory_space<vmem>>
        %dma_start3A_274 = arith.constant 0 : i32
        %dma_start3A_275 = arith.constant 0 : i32
        %dma_start3A_276 = tpu.memref_slice %arg5[%dma_start3A_274, %dma_start3A_275] : memref<10240x64xf32, #tpu.memory_space<hbm>> -> memref<10240x64xf32, #tpu.memory_space<hbm>>
        tpu.enqueue_indirect_dma source(%dma_start3A_276 : memref<10240x64xf32, #tpu.memory_space<hbm>>) target(%arg16 : memref<128x64xf32, #tpu.memory_space<vmem>>) offsets(%dma_start3A_273 : memref<128xi32, #tpu.memory_space<vmem>>) semaphore(%arg22 : memref<!tpu.dma_semaphore, #tpu.memory_space<semaphore_mem>>)
      } else {
      }
      %dma_wait3A_179 = arith.constant 0 : i32
      %dma_wait3A_180 = tpu.memref_slice %arg9[%add3A_166, %dma_wait3A_179] : memref<84x128xi32, #tpu.memory_space<vmem>> -> memref<1x128xi32, #tpu.memory_space<vmem>>
      %dma_wait3A_181 = tpu.memref_squeeze %dma_wait3A_180 : memref<1x128xi32, #tpu.memory_space<vmem>> -> memref<128xi32, #tpu.memory_space<vmem>>
      %dma_wait3A_182 = arith.constant 0 : i32
      %dma_wait3A_183 = arith.constant 0 : i32
      %dma_wait3A_184 = tpu.memref_slice %arg5[%dma_wait3A_182, %dma_wait3A_183] : memref<10240x64xf32, #tpu.memory_space<hbm>> -> memref<10240x64xf32, #tpu.memory_space<hbm>>
      tpu.wait_indirect_dma semaphore(%arg19 : memref<!tpu.dma_semaphore, #tpu.memory_space<semaphore_mem>>) src(%dma_wait3A_184 : memref<10240x64xf32, #tpu.memory_space<hbm>>) dst(%arg13 : memref<128x64xf32, #tpu.memory_space<vmem>>)
      %dma_start3A_185 = arith.constant 0 : i32
      %dma_start3A_186 = tpu.memref_slice %arg10[%add3A_166, %dma_start3A_185] : memref<84x128xi32, #tpu.memory_space<vmem>> -> memref<1x128xi32, #tpu.memory_space<vmem>>
      %dma_start3A_187 = tpu.memref_squeeze %dma_start3A_186 : memref<1x128xi32, #tpu.memory_space<vmem>> -> memref<128xi32, #tpu.memory_space<vmem>>
      %dma_start3A_188 = arith.constant 0 : i32
      %dma_start3A_189 = arith.constant 0 : i32
      %dma_start3A_190 = tpu.memref_slice %arg8[%dma_start3A_188, %dma_start3A_189] : memref<10240x64xf32, #tpu.memory_space<vmem_shared>> -> memref<10240x64xf32, #tpu.memory_space<vmem_shared>>
      tpu.enqueue_indirect_dma source(%arg13 : memref<128x64xf32, #tpu.memory_space<vmem>>) target(%dma_start3A_190 : memref<10240x64xf32, #tpu.memory_space<vmem_shared>>) offsets(%dma_start3A_187 : memref<128xi32, #tpu.memory_space<vmem>>) semaphore(%arg25 : memref<!tpu.dma_semaphore, #tpu.memory_space<semaphore_mem>>) {add = true}
      %add3A_191 = arith.constant 3 : i32
      %add3A_192 = arith.addi %mul3A_116, %add3A_191 : i32
      %ge3A_193 = arith.constant 3 : i32
      %ge3A_194 = arith.cmpi sge, %add3A_192, %ge3A_193 : i32
      %convert_element_type3A_195 = arith.extui %ge3A_194 : i1 to i32
      %cond3A_196 = arith.constant 0 : i32
      %cond3A_197 = arith.cmpi ne, %convert_element_type3A_195, %cond3A_196 : i32
      scf.if %cond3A_197 {
        %dma_wait3A_269 = arith.constant 0 : i32
        %dma_wait3A_270 = arith.constant 0 : i32
        %dma_wait3A_271 = tpu.memref_slice %arg10[%dma_wait3A_269, %dma_wait3A_270] : memref<84x128xi32, #tpu.memory_space<vmem>> -> memref<1x128xi32, #tpu.memory_space<vmem>>
        %dma_wait3A_272 = tpu.memref_squeeze %dma_wait3A_271 : memref<1x128xi32, #tpu.memory_space<vmem>> -> memref<128xi32, #tpu.memory_space<vmem>>
        %dma_wait3A_273 = arith.constant 0 : i32
        %dma_wait3A_274 = arith.constant 0 : i32
        %dma_wait3A_275 = tpu.memref_slice %arg8[%dma_wait3A_273, %dma_wait3A_274] : memref<10240x64xf32, #tpu.memory_space<vmem_shared>> -> memref<10240x64xf32, #tpu.memory_space<vmem_shared>>
        tpu.wait_indirect_dma semaphore(%arg23 : memref<!tpu.dma_semaphore, #tpu.memory_space<semaphore_mem>>) src(%arg11 : memref<128x64xf32, #tpu.memory_space<vmem>>) dst(%dma_wait3A_275 : memref<10240x64xf32, #tpu.memory_space<vmem_shared>>)
      } else {
      }
      %add3A_198 = arith.constant 3 : i32
      %add3A_199 = arith.addi %add3A_192, %add3A_198 : i32
      %lt3A_200 = arith.constant 84 : i32
      %lt3A_201 = arith.cmpi slt, %add3A_199, %lt3A_200 : i32
      %convert_element_type3A_202 = arith.extui %lt3A_201 : i1 to i32
      %cond3A_203 = arith.constant 0 : i32
      %cond3A_204 = arith.cmpi ne, %convert_element_type3A_202, %cond3A_203 : i32
      scf.if %cond3A_204 {
        %add3A_269 = arith.constant 3 : i32
        %add3A_270 = arith.addi %add3A_192, %add3A_269 : i32
        %dma_start3A_271 = arith.constant 0 : i32
        %dma_start3A_272 = tpu.memref_slice %arg9[%add3A_270, %dma_start3A_271] : memref<84x128xi32, #tpu.memory_space<vmem>> -> memref<1x128xi32, #tpu.memory_space<vmem>>
        %dma_start3A_273 = tpu.memref_squeeze %dma_start3A_272 : memref<1x128xi32, #tpu.memory_space<vmem>> -> memref<128xi32, #tpu.memory_space<vmem>>
        %dma_start3A_274 = arith.constant 0 : i32
        %dma_start3A_275 = arith.constant 0 : i32
        %dma_start3A_276 = tpu.memref_slice %arg5[%dma_start3A_274, %dma_start3A_275] : memref<10240x64xf32, #tpu.memory_space<hbm>> -> memref<10240x64xf32, #tpu.memory_space<hbm>>
        tpu.enqueue_indirect_dma source(%dma_start3A_276 : memref<10240x64xf32, #tpu.memory_space<hbm>>) target(%arg11 : memref<128x64xf32, #tpu.memory_space<vmem>>) offsets(%dma_start3A_273 : memref<128xi32, #tpu.memory_space<vmem>>) semaphore(%arg17 : memref<!tpu.dma_semaphore, #tpu.memory_space<semaphore_mem>>)
      } else {
      }
      %dma_wait3A_205 = arith.constant 0 : i32
      %dma_wait3A_206 = tpu.memref_slice %arg9[%add3A_192, %dma_wait3A_205] : memref<84x128xi32, #tpu.memory_space<vmem>> -> memref<1x128xi32, #tpu.memory_space<vmem>>
      %dma_wait3A_207 = tpu.memref_squeeze %dma_wait3A_206 : memref<1x128xi32, #tpu.memory_space<vmem>> -> memref<128xi32, #tpu.memory_space<vmem>>
      %dma_wait3A_208 = arith.constant 0 : i32
      %dma_wait3A_209 = arith.constant 0 : i32
      %dma_wait3A_210 = tpu.memref_slice %arg5[%dma_wait3A_208, %dma_wait3A_209] : memref<10240x64xf32, #tpu.memory_space<hbm>> -> memref<10240x64xf32, #tpu.memory_space<hbm>>
      tpu.wait_indirect_dma semaphore(%arg20 : memref<!tpu.dma_semaphore, #tpu.memory_space<semaphore_mem>>) src(%dma_wait3A_210 : memref<10240x64xf32, #tpu.memory_space<hbm>>) dst(%arg14 : memref<128x64xf32, #tpu.memory_space<vmem>>)
      %dma_start3A_211 = arith.constant 0 : i32
      %dma_start3A_212 = tpu.memref_slice %arg10[%add3A_192, %dma_start3A_211] : memref<84x128xi32, #tpu.memory_space<vmem>> -> memref<1x128xi32, #tpu.memory_space<vmem>>
      %dma_start3A_213 = tpu.memref_squeeze %dma_start3A_212 : memref<1x128xi32, #tpu.memory_space<vmem>> -> memref<128xi32, #tpu.memory_space<vmem>>
      %dma_start3A_214 = arith.constant 0 : i32
      %dma_start3A_215 = arith.constant 0 : i32
      %dma_start3A_216 = tpu.memref_slice %arg8[%dma_start3A_214, %dma_start3A_215] : memref<10240x64xf32, #tpu.memory_space<vmem_shared>> -> memref<10240x64xf32, #tpu.memory_space<vmem_shared>>
      tpu.enqueue_indirect_dma source(%arg14 : memref<128x64xf32, #tpu.memory_space<vmem>>) target(%dma_start3A_216 : memref<10240x64xf32, #tpu.memory_space<vmem_shared>>) offsets(%dma_start3A_213 : memref<128xi32, #tpu.memory_space<vmem>>) semaphore(%arg26 : memref<!tpu.dma_semaphore, #tpu.memory_space<semaphore_mem>>) {add = true}
      %add3A_217 = arith.constant 4 : i32
      %add3A_218 = arith.addi %mul3A_116, %add3A_217 : i32
      %ge3A_219 = arith.constant 3 : i32
      %ge3A_220 = arith.cmpi sge, %add3A_218, %ge3A_219 : i32
      %convert_element_type3A_221 = arith.extui %ge3A_220 : i1 to i32
      %cond3A_222 = arith.constant 0 : i32
      %cond3A_223 = arith.cmpi ne, %convert_element_type3A_221, %cond3A_222 : i32
      scf.if %cond3A_223 {
        %dma_wait3A_269 = arith.constant 0 : i32
        %dma_wait3A_270 = arith.constant 0 : i32
        %dma_wait3A_271 = tpu.memref_slice %arg10[%dma_wait3A_269, %dma_wait3A_270] : memref<84x128xi32, #tpu.memory_space<vmem>> -> memref<1x128xi32, #tpu.memory_space<vmem>>
        %dma_wait3A_272 = tpu.memref_squeeze %dma_wait3A_271 : memref<1x128xi32, #tpu.memory_space<vmem>> -> memref<128xi32, #tpu.memory_space<vmem>>
        %dma_wait3A_273 = arith.constant 0 : i32
        %dma_wait3A_274 = arith.constant 0 : i32
        %dma_wait3A_275 = tpu.memref_slice %arg8[%dma_wait3A_273, %dma_wait3A_274] : memref<10240x64xf32, #tpu.memory_space<vmem_shared>> -> memref<10240x64xf32, #tpu.memory_space<vmem_shared>>
        tpu.wait_indirect_dma semaphore(%arg24 : memref<!tpu.dma_semaphore, #tpu.memory_space<semaphore_mem>>) src(%arg12 : memref<128x64xf32, #tpu.memory_space<vmem>>) dst(%dma_wait3A_275 : memref<10240x64xf32, #tpu.memory_space<vmem_shared>>)
      } else {
      }
      %add3A_224 = arith.constant 3 : i32
      %add3A_225 = arith.addi %add3A_218, %add3A_224 : i32
      %lt3A_226 = arith.constant 84 : i32
      %lt3A_227 = arith.cmpi slt, %add3A_225, %lt3A_226 : i32
      %convert_element_type3A_228 = arith.extui %lt3A_227 : i1 to i32
      %cond3A_229 = arith.constant 0 : i32
      %cond3A_230 = arith.cmpi ne, %convert_element_type3A_228, %cond3A_229 : i32
      scf.if %cond3A_230 {
        %add3A_269 = arith.constant 3 : i32
        %add3A_270 = arith.addi %add3A_218, %add3A_269 : i32
        %dma_start3A_271 = arith.constant 0 : i32
        %dma_start3A_272 = tpu.memref_slice %arg9[%add3A_270, %dma_start3A_271] : memref<84x128xi32, #tpu.memory_space<vmem>> -> memref<1x128xi32, #tpu.memory_space<vmem>>
        %dma_start3A_273 = tpu.memref_squeeze %dma_start3A_272 : memref<1x128xi32, #tpu.memory_space<vmem>> -> memref<128xi32, #tpu.memory_space<vmem>>
        %dma_start3A_274 = arith.constant 0 : i32
        %dma_start3A_275 = arith.constant 0 : i32
        %dma_start3A_276 = tpu.memref_slice %arg5[%dma_start3A_274, %dma_start3A_275] : memref<10240x64xf32, #tpu.memory_space<hbm>> -> memref<10240x64xf32, #tpu.memory_space<hbm>>
        tpu.enqueue_indirect_dma source(%dma_start3A_276 : memref<10240x64xf32, #tpu.memory_space<hbm>>) target(%arg12 : memref<128x64xf32, #tpu.memory_space<vmem>>) offsets(%dma_start3A_273 : memref<128xi32, #tpu.memory_space<vmem>>) semaphore(%arg18 : memref<!tpu.dma_semaphore, #tpu.memory_space<semaphore_mem>>)
      } else {
      }
      %dma_wait3A_231 = arith.constant 0 : i32
      %dma_wait3A_232 = tpu.memref_slice %arg9[%add3A_218, %dma_wait3A_231] : memref<84x128xi32, #tpu.memory_space<vmem>> -> memref<1x128xi32, #tpu.memory_space<vmem>>
      %dma_wait3A_233 = tpu.memref_squeeze %dma_wait3A_232 : memref<1x128xi32, #tpu.memory_space<vmem>> -> memref<128xi32, #tpu.memory_space<vmem>>
      %dma_wait3A_234 = arith.constant 0 : i32
      %dma_wait3A_235 = arith.constant 0 : i32
      %dma_wait3A_236 = tpu.memref_slice %arg5[%dma_wait3A_234, %dma_wait3A_235] : memref<10240x64xf32, #tpu.memory_space<hbm>> -> memref<10240x64xf32, #tpu.memory_space<hbm>>
      tpu.wait_indirect_dma semaphore(%arg21 : memref<!tpu.dma_semaphore, #tpu.memory_space<semaphore_mem>>) src(%dma_wait3A_236 : memref<10240x64xf32, #tpu.memory_space<hbm>>) dst(%arg15 : memref<128x64xf32, #tpu.memory_space<vmem>>)
      %dma_start3A_237 = arith.constant 0 : i32
      %dma_start3A_238 = tpu.memref_slice %arg10[%add3A_218, %dma_start3A_237] : memref<84x128xi32, #tpu.memory_space<vmem>> -> memref<1x128xi32, #tpu.memory_space<vmem>>
      %dma_start3A_239 = tpu.memref_squeeze %dma_start3A_238 : memref<1x128xi32, #tpu.memory_space<vmem>> -> memref<128xi32, #tpu.memory_space<vmem>>
      %dma_start3A_240 = arith.constant 0 : i32
      %dma_start3A_241 = arith.constant 0 : i32
      %dma_start3A_242 = tpu.memref_slice %arg8[%dma_start3A_240, %dma_start3A_241] : memref<10240x64xf32, #tpu.memory_space<vmem_shared>> -> memref<10240x64xf32, #tpu.memory_space<vmem_shared>>
      tpu.enqueue_indirect_dma source(%arg15 : memref<128x64xf32, #tpu.memory_space<vmem>>) target(%dma_start3A_242 : memref<10240x64xf32, #tpu.memory_space<vmem_shared>>) offsets(%dma_start3A_239 : memref<128xi32, #tpu.memory_space<vmem>>) semaphore(%arg27 : memref<!tpu.dma_semaphore, #tpu.memory_space<semaphore_mem>>) {add = true}
      %add3A_243 = arith.constant 5 : i32
      %add3A_244 = arith.addi %mul3A_116, %add3A_243 : i32
      %ge3A_245 = arith.constant 3 : i32
      %ge3A_246 = arith.cmpi sge, %add3A_244, %ge3A_245 : i32
      %convert_element_type3A_247 = arith.extui %ge3A_246 : i1 to i32
      %cond3A_248 = arith.constant 0 : i32
      %cond3A_249 = arith.cmpi ne, %convert_element_type3A_247, %cond3A_248 : i32
      scf.if %cond3A_249 {
        %dma_wait3A_269 = arith.constant 0 : i32
        %dma_wait3A_270 = arith.constant 0 : i32
        %dma_wait3A_271 = tpu.memref_slice %arg10[%dma_wait3A_269, %dma_wait3A_270] : memref<84x128xi32, #tpu.memory_space<vmem>> -> memref<1x128xi32, #tpu.memory_space<vmem>>
        %dma_wait3A_272 = tpu.memref_squeeze %dma_wait3A_271 : memref<1x128xi32, #tpu.memory_space<vmem>> -> memref<128xi32, #tpu.memory_space<vmem>>
        %dma_wait3A_273 = arith.constant 0 : i32
        %dma_wait3A_274 = arith.constant 0 : i32
        %dma_wait3A_275 = tpu.memref_slice %arg8[%dma_wait3A_273, %dma_wait3A_274] : memref<10240x64xf32, #tpu.memory_space<vmem_shared>> -> memref<10240x64xf32, #tpu.memory_space<vmem_shared>>
        tpu.wait_indirect_dma semaphore(%arg25 : memref<!tpu.dma_semaphore, #tpu.memory_space<semaphore_mem>>) src(%arg13 : memref<128x64xf32, #tpu.memory_space<vmem>>) dst(%dma_wait3A_275 : memref<10240x64xf32, #tpu.memory_space<vmem_shared>>)
      } else {
      }
      %add3A_250 = arith.constant 3 : i32
      %add3A_251 = arith.addi %add3A_244, %add3A_250 : i32
      %lt3A_252 = arith.constant 84 : i32
      %lt3A_253 = arith.cmpi slt, %add3A_251, %lt3A_252 : i32
      %convert_element_type3A_254 = arith.extui %lt3A_253 : i1 to i32
      %cond3A_255 = arith.constant 0 : i32
      %cond3A_256 = arith.cmpi ne, %convert_element_type3A_254, %cond3A_255 : i32
      scf.if %cond3A_256 {
        %add3A_269 = arith.constant 3 : i32
        %add3A_270 = arith.addi %add3A_244, %add3A_269 : i32
        %dma_start3A_271 = arith.constant 0 : i32
        %dma_start3A_272 = tpu.memref_slice %arg9[%add3A_270, %dma_start3A_271] : memref<84x128xi32, #tpu.memory_space<vmem>> -> memref<1x128xi32, #tpu.memory_space<vmem>>
        %dma_start3A_273 = tpu.memref_squeeze %dma_start3A_272 : memref<1x128xi32, #tpu.memory_space<vmem>> -> memref<128xi32, #tpu.memory_space<vmem>>
        %dma_start3A_274 = arith.constant 0 : i32
        %dma_start3A_275 = arith.constant 0 : i32
        %dma_start3A_276 = tpu.memref_slice %arg5[%dma_start3A_274, %dma_start3A_275] : memref<10240x64xf32, #tpu.memory_space<hbm>> -> memref<10240x64xf32, #tpu.memory_space<hbm>>
        tpu.enqueue_indirect_dma source(%dma_start3A_276 : memref<10240x64xf32, #tpu.memory_space<hbm>>) target(%arg13 : memref<128x64xf32, #tpu.memory_space<vmem>>) offsets(%dma_start3A_273 : memref<128xi32, #tpu.memory_space<vmem>>) semaphore(%arg19 : memref<!tpu.dma_semaphore, #tpu.memory_space<semaphore_mem>>)
      } else {
      }
      %dma_wait3A_257 = arith.constant 0 : i32
      %dma_wait3A_258 = tpu.memref_slice %arg9[%add3A_244, %dma_wait3A_257] : memref<84x128xi32, #tpu.memory_space<vmem>> -> memref<1x128xi32, #tpu.memory_space<vmem>>
      %dma_wait3A_259 = tpu.memref_squeeze %dma_wait3A_258 : memref<1x128xi32, #tpu.memory_space<vmem>> -> memref<128xi32, #tpu.memory_space<vmem>>
      %dma_wait3A_260 = arith.constant 0 : i32
      %dma_wait3A_261 = arith.constant 0 : i32
      %dma_wait3A_262 = tpu.memref_slice %arg5[%dma_wait3A_260, %dma_wait3A_261] : memref<10240x64xf32, #tpu.memory_space<hbm>> -> memref<10240x64xf32, #tpu.memory_space<hbm>>
      tpu.wait_indirect_dma semaphore(%arg22 : memref<!tpu.dma_semaphore, #tpu.memory_space<semaphore_mem>>) src(%dma_wait3A_262 : memref<10240x64xf32, #tpu.memory_space<hbm>>) dst(%arg16 : memref<128x64xf32, #tpu.memory_space<vmem>>)
      %dma_start3A_263 = arith.constant 0 : i32
      %dma_start3A_264 = tpu.memref_slice %arg10[%add3A_244, %dma_start3A_263] : memref<84x128xi32, #tpu.memory_space<vmem>> -> memref<1x128xi32, #tpu.memory_space<vmem>>
      %dma_start3A_265 = tpu.memref_squeeze %dma_start3A_264 : memref<1x128xi32, #tpu.memory_space<vmem>> -> memref<128xi32, #tpu.memory_space<vmem>>
      %dma_start3A_266 = arith.constant 0 : i32
      %dma_start3A_267 = arith.constant 0 : i32
      %dma_start3A_268 = tpu.memref_slice %arg8[%dma_start3A_266, %dma_start3A_267] : memref<10240x64xf32, #tpu.memory_space<vmem_shared>> -> memref<10240x64xf32, #tpu.memory_space<vmem_shared>>
      tpu.enqueue_indirect_dma source(%arg16 : memref<128x64xf32, #tpu.memory_space<vmem>>) target(%dma_start3A_268 : memref<10240x64xf32, #tpu.memory_space<vmem_shared>>) offsets(%dma_start3A_265 : memref<128xi32, #tpu.memory_space<vmem>>) semaphore(%arg28 : memref<!tpu.dma_semaphore, #tpu.memory_space<semaphore_mem>>) {add = true}
    }
    %scan3A_90 = arith.constant 14 : i32
    %dma_wait3A_91 = arith.constant 0 : i32
    %dma_wait3A_92 = arith.constant 0 : i32
    %dma_wait3A_93 = tpu.memref_slice %arg10[%dma_wait3A_91, %dma_wait3A_92] : memref<84x128xi32, #tpu.memory_space<vmem>> -> memref<1x128xi32, #tpu.memory_space<vmem>>
    %dma_wait3A_94 = tpu.memref_squeeze %dma_wait3A_93 : memref<1x128xi32, #tpu.memory_space<vmem>> -> memref<128xi32, #tpu.memory_space<vmem>>
    %dma_wait3A_95 = arith.constant 0 : i32
    %dma_wait3A_96 = arith.constant 0 : i32
    %dma_wait3A_97 = tpu.memref_slice %arg8[%dma_wait3A_95, %dma_wait3A_96] : memref<10240x64xf32, #tpu.memory_space<vmem_shared>> -> memref<10240x64xf32, #tpu.memory_space<vmem_shared>>
    tpu.wait_indirect_dma semaphore(%arg26 : memref<!tpu.dma_semaphore, #tpu.memory_space<semaphore_mem>>) src(%arg14 : memref<128x64xf32, #tpu.memory_space<vmem>>) dst(%dma_wait3A_97 : memref<10240x64xf32, #tpu.memory_space<vmem_shared>>)
    %dma_wait3A_98 = arith.constant 0 : i32
    %dma_wait3A_99 = arith.constant 0 : i32
    %dma_wait3A_100 = tpu.memref_slice %arg10[%dma_wait3A_98, %dma_wait3A_99] : memref<84x128xi32, #tpu.memory_space<vmem>> -> memref<1x128xi32, #tpu.memory_space<vmem>>
    %dma_wait3A_101 = tpu.memref_squeeze %dma_wait3A_100 : memref<1x128xi32, #tpu.memory_space<vmem>> -> memref<128xi32, #tpu.memory_space<vmem>>
    %dma_wait3A_102 = arith.constant 0 : i32
    %dma_wait3A_103 = arith.constant 0 : i32
    %dma_wait3A_104 = tpu.memref_slice %arg8[%dma_wait3A_102, %dma_wait3A_103] : memref<10240x64xf32, #tpu.memory_space<vmem_shared>> -> memref<10240x64xf32, #tpu.memory_space<vmem_shared>>
    tpu.wait_indirect_dma semaphore(%arg27 : memref<!tpu.dma_semaphore, #tpu.memory_space<semaphore_mem>>) src(%arg15 : memref<128x64xf32, #tpu.memory_space<vmem>>) dst(%dma_wait3A_104 : memref<10240x64xf32, #tpu.memory_space<vmem_shared>>)
    %dma_wait3A_105 = arith.constant 0 : i32
    %dma_wait3A_106 = arith.constant 0 : i32
    %dma_wait3A_107 = tpu.memref_slice %arg10[%dma_wait3A_105, %dma_wait3A_106] : memref<84x128xi32, #tpu.memory_space<vmem>> -> memref<1x128xi32, #tpu.memory_space<vmem>>
    %dma_wait3A_108 = tpu.memref_squeeze %dma_wait3A_107 : memref<1x128xi32, #tpu.memory_space<vmem>> -> memref<128xi32, #tpu.memory_space<vmem>>
    %dma_wait3A_109 = arith.constant 0 : i32
    %dma_wait3A_110 = arith.constant 0 : i32
    %dma_wait3A_111 = tpu.memref_slice %arg8[%dma_wait3A_109, %dma_wait3A_110] : memref<10240x64xf32, #tpu.memory_space<vmem_shared>> -> memref<10240x64xf32, #tpu.memory_space<vmem_shared>>
    tpu.wait_indirect_dma semaphore(%arg28 : memref<!tpu.dma_semaphore, #tpu.memory_space<semaphore_mem>>) src(%arg16 : memref<128x64xf32, #tpu.memory_space<vmem>>) dst(%dma_wait3A_111 : memref<10240x64xf32, #tpu.memory_space<vmem_shared>>)
    %barrier3A_112 = arith.constant 0 : index
    tpu.barrier barrier_id(%barrier3A_112)
    %add3A_113 = arith.addi %add3A_62, %mul3A_2 : i32
    "tpu.region"() ({
      %run_scoped3A = tpu.sem_alloc : memref<!tpu.dma_semaphore, #tpu.memory_space<semaphore_mem>>
      %dma_start3A_114 = arith.constant 0 : i32
      %dma_start3A_115 = tpu.memref_slice %arg7[%add3A_113, %dma_start3A_114] : memref<40960x64xf32, #tpu.memory_space<hbm>> -> memref<640x64xf32, #tpu.memory_space<hbm>>
      %dma_start3A_116 = arith.constant 0 : i32
      %dma_start3A_117 = tpu.memref_slice %arg8[%mul3A_2, %dma_start3A_116] : memref<10240x64xf32, #tpu.memory_space<vmem_shared>> -> memref<640x64xf32, #tpu.memory_space<vmem_shared>>
      tpu.enqueue_dma source(%dma_start3A_117 : memref<640x64xf32, #tpu.memory_space<vmem_shared>>) target(%dma_start3A_115 : memref<640x64xf32, #tpu.memory_space<hbm>>) target_semaphore(%run_scoped3A : memref<!tpu.dma_semaphore, #tpu.memory_space<semaphore_mem>>)
      %dma_wait3A_118 = arith.constant 0 : i32
      %dma_wait3A_119 = tpu.memref_slice %arg7[%add3A_113, %dma_wait3A_118] : memref<40960x64xf32, #tpu.memory_space<hbm>> -> memref<640x64xf32, #tpu.memory_space<hbm>>
      %dma_wait3A_120 = arith.constant 0 : i32
      %dma_wait3A_121 = tpu.memref_slice %arg8[%mul3A_2, %dma_wait3A_120] : memref<10240x64xf32, #tpu.memory_space<vmem_shared>> -> memref<640x64xf32, #tpu.memory_space<vmem_shared>>
      tpu.wait_dma2 semaphore(%run_scoped3A : memref<!tpu.dma_semaphore, #tpu.memory_space<semaphore_mem>>) src(%dma_wait3A_121 : memref<640x64xf32, #tpu.memory_space<vmem_shared>>) dst(%dma_wait3A_119 : memref<640x64xf32, #tpu.memory_space<hbm>>)
      tpu.yield
    }) : () -> ()
    return
  }
}

#map = affine_map<(d0, d1) -> (0, 0)>
module attributes {stable_mosaic.version = 14 : i64} {
  func.func @_prop_call(%arg0: i32, %arg1: i32, %arg2: memref<2688x128xi32, #tpu.memory_space<hbm>>, %arg3: memref<2688x128xi32, #tpu.memory_space<hbm>>, %arg4: memref<10240x64xf32, #tpu.memory_space<hbm>>, %arg5: memref<10240x64xf32, #tpu.memory_space<hbm>>, %arg6: memref<10240x64xf32, #tpu.memory_space<hbm>>, %arg7: memref<40960x64xf32, #tpu.memory_space<hbm>>, %arg8: memref<10240x64xf32, #tpu.memory_space<vmem_shared>>, %arg9: memref<84x128xi32, #tpu.memory_space<vmem>>, %arg10: memref<84x128xi32, #tpu.memory_space<vmem>>, %arg11: memref<128x64xf32, #tpu.memory_space<vmem>>, %arg12: memref<128x64xf32, #tpu.memory_space<vmem>>, %arg13: memref<128x64xf32, #tpu.memory_space<vmem>>, %arg14: memref<128x64xf32, #tpu.memory_space<vmem>>, %arg15: memref<128x64xf32, #tpu.memory_space<vmem>>, %arg16: memref<128x64xf32, #tpu.memory_space<vmem>>, %arg17: memref<!tpu.dma_semaphore, #tpu.memory_space<semaphore_mem>>, %arg18: memref<!tpu.dma_semaphore, #tpu.memory_space<semaphore_mem>>, %arg19: memref<!tpu.dma_semaphore, #tpu.memory_space<semaphore_mem>>, %arg20: memref<!tpu.dma_semaphore, #tpu.memory_space<semaphore_mem>>, %arg21: memref<!tpu.dma_semaphore, #tpu.memory_space<semaphore_mem>>, %arg22: memref<!tpu.dma_semaphore, #tpu.memory_space<semaphore_mem>>, %arg23: memref<!tpu.dma_semaphore, #tpu.memory_space<semaphore_mem>>, %arg24: memref<!tpu.dma_semaphore, #tpu.memory_space<semaphore_mem>>, %arg25: memref<!tpu.dma_semaphore, #tpu.memory_space<semaphore_mem>>, %arg26: memref<!tpu.dma_semaphore, #tpu.memory_space<semaphore_mem>>, %arg27: memref<!tpu.dma_semaphore, #tpu.memory_space<semaphore_mem>>, %arg28: memref<!tpu.dma_semaphore, #tpu.memory_space<semaphore_mem>>) attributes {dimension_semantics = [#tpu.dimension_semantics<core_parallel>, #tpu.dimension_semantics<subcore_parallel>], iteration_bounds = array<i64: 2, 16>, scalar_prefetch = 0 : i64, scratch_operands = 21 : i64, tpu.core_type = #tpu.core_type<sc_vector_subcore>, window_params = [{transform_indices = #map}, {transform_indices = #map}, {transform_indices = #map}, {transform_indices = #map}, {transform_indices = #map}, {transform_indices = #map}]} {
    %mul3A = arith.constant 16 : i32
    %mul3A_0 = arith.muli %arg0, %mul3A : i32
    %add3A = arith.addi %mul3A_0, %arg1 : i32
    %mul3A_1 = arith.constant 640 : i32
    %mul3A_2 = arith.muli %arg1, %mul3A_1 : i32
    %mul3A_3 = arith.constant 84 : i32
    %mul3A_4 = arith.muli %add3A, %mul3A_3 : i32
    "tpu.region"() ({
      %run_scoped3A = tpu.sem_alloc : memref<!tpu.dma_semaphore, #tpu.memory_space<semaphore_mem>>
      %dma_start3A_114 = arith.constant 0 : i32
      %dma_start3A_115 = tpu.memref_slice %arg2[%mul3A_4, %dma_start3A_114] : memref<2688x128xi32, #tpu.memory_space<hbm>> -> memref<84x128xi32, #tpu.memory_space<hbm>>
      %dma_start3A_116 = arith.constant 0 : i32
      %dma_start3A_117 = tpu.memref_slice %arg2[%mul3A_4, %dma_start3A_116] : memref<2688x128xi32, #tpu.memory_space<hbm>> -> memref<84x128xi32, #tpu.memory_space<hbm>>
      tpu.enqueue_dma source(%dma_start3A_117 : memref<84x128xi32, #tpu.memory_space<hbm>>) target(%arg9 : memref<84x128xi32, #tpu.memory_space<vmem>>) target_semaphore(%run_scoped3A : memref<!tpu.dma_semaphore, #tpu.memory_space<semaphore_mem>>)
      %dma_wait3A_118 = arith.constant 0 : i32
      %dma_wait3A_119 = tpu.memref_slice %arg2[%mul3A_4, %dma_wait3A_118] : memref<2688x128xi32, #tpu.memory_space<hbm>> -> memref<84x128xi32, #tpu.memory_space<hbm>>
      %dma_wait3A_120 = arith.constant 0 : i32
      %dma_wait3A_121 = tpu.memref_slice %arg2[%mul3A_4, %dma_wait3A_120] : memref<2688x128xi32, #tpu.memory_space<hbm>> -> memref<84x128xi32, #tpu.memory_space<hbm>>
      tpu.wait_dma2 semaphore(%run_scoped3A : memref<!tpu.dma_semaphore, #tpu.memory_space<semaphore_mem>>) src(%dma_wait3A_121 : memref<84x128xi32, #tpu.memory_space<hbm>>) dst(%arg9 : memref<84x128xi32, #tpu.memory_space<vmem>>)
      tpu.yield
    }) : () -> ()
    "tpu.region"() ({
      %run_scoped3A = tpu.sem_alloc : memref<!tpu.dma_semaphore, #tpu.memory_space<semaphore_mem>>
      %dma_start3A_114 = arith.constant 0 : i32
      %dma_start3A_115 = tpu.memref_slice %arg3[%mul3A_4, %dma_start3A_114] : memref<2688x128xi32, #tpu.memory_space<hbm>> -> memref<84x128xi32, #tpu.memory_space<hbm>>
      %dma_start3A_116 = arith.constant 0 : i32
      %dma_start3A_117 = tpu.memref_slice %arg3[%mul3A_4, %dma_start3A_116] : memref<2688x128xi32, #tpu.memory_space<hbm>> -> memref<84x128xi32, #tpu.memory_space<hbm>>
      tpu.enqueue_dma source(%dma_start3A_117 : memref<84x128xi32, #tpu.memory_space<hbm>>) target(%arg10 : memref<84x128xi32, #tpu.memory_space<vmem>>) target_semaphore(%run_scoped3A : memref<!tpu.dma_semaphore, #tpu.memory_space<semaphore_mem>>)
      %dma_wait3A_118 = arith.constant 0 : i32
      %dma_wait3A_119 = tpu.memref_slice %arg3[%mul3A_4, %dma_wait3A_118] : memref<2688x128xi32, #tpu.memory_space<hbm>> -> memref<84x128xi32, #tpu.memory_space<hbm>>
      %dma_wait3A_120 = arith.constant 0 : i32
      %dma_wait3A_121 = tpu.memref_slice %arg3[%mul3A_4, %dma_wait3A_120] : memref<2688x128xi32, #tpu.memory_space<hbm>> -> memref<84x128xi32, #tpu.memory_space<hbm>>
      tpu.wait_dma2 semaphore(%run_scoped3A : memref<!tpu.dma_semaphore, #tpu.memory_space<semaphore_mem>>) src(%dma_wait3A_121 : memref<84x128xi32, #tpu.memory_space<hbm>>) dst(%arg10 : memref<84x128xi32, #tpu.memory_space<vmem>>)
      tpu.yield
    }) : () -> ()
    %mul3A_5 = arith.constant 2 : i32
    %mul3A_6 = arith.muli %arg0, %mul3A_5 : i32
    %mul3A_7 = arith.constant 10240 : i32
    %mul3A_8 = arith.muli %mul3A_6, %mul3A_7 : i32
    "tpu.region"() ({
      %run_scoped3A = tpu.sem_alloc : memref<!tpu.dma_semaphore, #tpu.memory_space<semaphore_mem>>
      %dma_start3A_114 = arith.constant 0 : i32
      %dma_start3A_115 = tpu.memref_slice %arg8[%mul3A_2, %dma_start3A_114] : memref<10240x64xf32, #tpu.memory_space<vmem_shared>> -> memref<640x64xf32, #tpu.memory_space<vmem_shared>>
      %dma_start3A_116 = arith.constant 0 : i32
      %dma_start3A_117 = tpu.memref_slice %arg6[%mul3A_2, %dma_start3A_116] : memref<10240x64xf32, #tpu.memory_space<hbm>> -> memref<640x64xf32, #tpu.memory_space<hbm>>
      tpu.enqueue_dma source(%dma_start3A_117 : memref<640x64xf32, #tpu.memory_space<hbm>>) target(%dma_start3A_115 : memref<640x64xf32, #tpu.memory_space<vmem_shared>>) target_semaphore(%run_scoped3A : memref<!tpu.dma_semaphore, #tpu.memory_space<semaphore_mem>>)
      %dma_wait3A_118 = arith.constant 0 : i32
      %dma_wait3A_119 = tpu.memref_slice %arg8[%mul3A_2, %dma_wait3A_118] : memref<10240x64xf32, #tpu.memory_space<vmem_shared>> -> memref<640x64xf32, #tpu.memory_space<vmem_shared>>
      %dma_wait3A_120 = arith.constant 0 : i32
      %dma_wait3A_121 = tpu.memref_slice %arg6[%mul3A_2, %dma_wait3A_120] : memref<10240x64xf32, #tpu.memory_space<hbm>> -> memref<640x64xf32, #tpu.memory_space<hbm>>
      tpu.wait_dma2 semaphore(%run_scoped3A : memref<!tpu.dma_semaphore, #tpu.memory_space<semaphore_mem>>) src(%dma_wait3A_121 : memref<640x64xf32, #tpu.memory_space<hbm>>) dst(%dma_wait3A_119 : memref<640x64xf32, #tpu.memory_space<vmem_shared>>)
      tpu.yield
    }) : () -> ()
    %barrier3A = arith.constant 0 : index
    tpu.barrier barrier_id(%barrier3A)
    %dma_start3A = arith.constant 0 : i32
    %dma_start3A_9 = arith.constant 0 : i32
    %dma_start3A_10 = tpu.memref_slice %arg9[%dma_start3A, %dma_start3A_9] : memref<84x128xi32, #tpu.memory_space<vmem>> -> memref<1x128xi32, #tpu.memory_space<vmem>>
    %dma_start3A_11 = tpu.memref_squeeze %dma_start3A_10 : memref<1x128xi32, #tpu.memory_space<vmem>> -> memref<128xi32, #tpu.memory_space<vmem>>
    %dma_start3A_12 = arith.constant 0 : i32
    %dma_start3A_13 = arith.constant 0 : i32
    %dma_start3A_14 = tpu.memref_slice %arg4[%dma_start3A_12, %dma_start3A_13] : memref<10240x64xf32, #tpu.memory_space<hbm>> -> memref<10240x64xf32, #tpu.memory_space<hbm>>
    tpu.enqueue_indirect_dma source(%dma_start3A_14 : memref<10240x64xf32, #tpu.memory_space<hbm>>) target(%arg11 : memref<128x64xf32, #tpu.memory_space<vmem>>) offsets(%dma_start3A_11 : memref<128xi32, #tpu.memory_space<vmem>>) semaphore(%arg17 : memref<!tpu.dma_semaphore, #tpu.memory_space<semaphore_mem>>)
    %dma_start3A_15 = arith.constant 1 : i32
    %dma_start3A_16 = arith.constant 0 : i32
    %dma_start3A_17 = tpu.memref_slice %arg9[%dma_start3A_15, %dma_start3A_16] : memref<84x128xi32, #tpu.memory_space<vmem>> -> memref<1x128xi32, #tpu.memory_space<vmem>>
    %dma_start3A_18 = tpu.memref_squeeze %dma_start3A_17 : memref<1x128xi32, #tpu.memory_space<vmem>> -> memref<128xi32, #tpu.memory_space<vmem>>
    %dma_start3A_19 = arith.constant 0 : i32
    %dma_start3A_20 = arith.constant 0 : i32
    %dma_start3A_21 = tpu.memref_slice %arg4[%dma_start3A_19, %dma_start3A_20] : memref<10240x64xf32, #tpu.memory_space<hbm>> -> memref<10240x64xf32, #tpu.memory_space<hbm>>
    tpu.enqueue_indirect_dma source(%dma_start3A_21 : memref<10240x64xf32, #tpu.memory_space<hbm>>) target(%arg12 : memref<128x64xf32, #tpu.memory_space<vmem>>) offsets(%dma_start3A_18 : memref<128xi32, #tpu.memory_space<vmem>>) semaphore(%arg18 : memref<!tpu.dma_semaphore, #tpu.memory_space<semaphore_mem>>)
    %dma_start3A_22 = arith.constant 2 : i32
    %dma_start3A_23 = arith.constant 0 : i32
    %dma_start3A_24 = tpu.memref_slice %arg9[%dma_start3A_22, %dma_start3A_23] : memref<84x128xi32, #tpu.memory_space<vmem>> -> memref<1x128xi32, #tpu.memory_space<vmem>>
    %dma_start3A_25 = tpu.memref_squeeze %dma_start3A_24 : memref<1x128xi32, #tpu.memory_space<vmem>> -> memref<128xi32, #tpu.memory_space<vmem>>
    %dma_start3A_26 = arith.constant 0 : i32
    %dma_start3A_27 = arith.constant 0 : i32
    %dma_start3A_28 = tpu.memref_slice %arg4[%dma_start3A_26, %dma_start3A_27] : memref<10240x64xf32, #tpu.memory_space<hbm>> -> memref<10240x64xf32, #tpu.memory_space<hbm>>
    tpu.enqueue_indirect_dma source(%dma_start3A_28 : memref<10240x64xf32, #tpu.memory_space<hbm>>) target(%arg13 : memref<128x64xf32, #tpu.memory_space<vmem>>) offsets(%dma_start3A_25 : memref<128xi32, #tpu.memory_space<vmem>>) semaphore(%arg19 : memref<!tpu.dma_semaphore, #tpu.memory_space<semaphore_mem>>)
    %scan3A = arith.constant 0 : i32
    %scan3A_29 = arith.constant 0 : i32
    %scan3A_30 = arith.constant 14 : i32
    %scan3A_31 = arith.addi %scan3A_29, %scan3A_30 : i32
    %scan3A_32 = arith.constant 1 : i32
    scf.for %scan3A_114 = %scan3A_29 to %scan3A_31 step %scan3A_32  : i32 {
      %mul3A_115 = arith.constant 6 : i32
      %mul3A_116 = arith.muli %mul3A_115, %scan3A_114 : i32
      %add3A_117 = arith.constant 0 : i32
      %add3A_118 = arith.addi %mul3A_116, %add3A_117 : i32
      %ge3A = arith.constant 3 : i32
      %ge3A_119 = arith.cmpi sge, %add3A_118, %ge3A : i32
      %convert_element_type3A = arith.extui %ge3A_119 : i1 to i32
      %cond3A = arith.constant 0 : i32
      %cond3A_120 = arith.cmpi ne, %convert_element_type3A, %cond3A : i32
      scf.if %cond3A_120 {
        %dma_wait3A_269 = arith.constant 0 : i32
        %dma_wait3A_270 = arith.constant 0 : i32
        %dma_wait3A_271 = tpu.memref_slice %arg10[%dma_wait3A_269, %dma_wait3A_270] : memref<84x128xi32, #tpu.memory_space<vmem>> -> memref<1x128xi32, #tpu.memory_space<vmem>>
        %dma_wait3A_272 = tpu.memref_squeeze %dma_wait3A_271 : memref<1x128xi32, #tpu.memory_space<vmem>> -> memref<128xi32, #tpu.memory_space<vmem>>
        %dma_wait3A_273 = arith.constant 0 : i32
        %dma_wait3A_274 = arith.constant 0 : i32
        %dma_wait3A_275 = tpu.memref_slice %arg8[%dma_wait3A_273, %dma_wait3A_274] : memref<10240x64xf32, #tpu.memory_space<vmem_shared>> -> memref<10240x64xf32, #tpu.memory_space<vmem_shared>>
        tpu.wait_indirect_dma semaphore(%arg26 : memref<!tpu.dma_semaphore, #tpu.memory_space<semaphore_mem>>) src(%arg14 : memref<128x64xf32, #tpu.memory_space<vmem>>) dst(%dma_wait3A_275 : memref<10240x64xf32, #tpu.memory_space<vmem_shared>>)
      } else {
      }
      %add3A_121 = arith.constant 3 : i32
      %add3A_122 = arith.addi %add3A_118, %add3A_121 : i32
      %lt3A = arith.constant 84 : i32
      %lt3A_123 = arith.cmpi slt, %add3A_122, %lt3A : i32
      %convert_element_type3A_124 = arith.extui %lt3A_123 : i1 to i32
      %cond3A_125 = arith.constant 0 : i32
      %cond3A_126 = arith.cmpi ne, %convert_element_type3A_124, %cond3A_125 : i32
      scf.if %cond3A_126 {
        %add3A_269 = arith.constant 3 : i32
        %add3A_270 = arith.addi %add3A_118, %add3A_269 : i32
        %dma_start3A_271 = arith.constant 0 : i32
        %dma_start3A_272 = tpu.memref_slice %arg9[%add3A_270, %dma_start3A_271] : memref<84x128xi32, #tpu.memory_space<vmem>> -> memref<1x128xi32, #tpu.memory_space<vmem>>
        %dma_start3A_273 = tpu.memref_squeeze %dma_start3A_272 : memref<1x128xi32, #tpu.memory_space<vmem>> -> memref<128xi32, #tpu.memory_space<vmem>>
        %dma_start3A_274 = arith.constant 0 : i32
        %dma_start3A_275 = arith.constant 0 : i32
        %dma_start3A_276 = tpu.memref_slice %arg4[%dma_start3A_274, %dma_start3A_275] : memref<10240x64xf32, #tpu.memory_space<hbm>> -> memref<10240x64xf32, #tpu.memory_space<hbm>>
        tpu.enqueue_indirect_dma source(%dma_start3A_276 : memref<10240x64xf32, #tpu.memory_space<hbm>>) target(%arg14 : memref<128x64xf32, #tpu.memory_space<vmem>>) offsets(%dma_start3A_273 : memref<128xi32, #tpu.memory_space<vmem>>) semaphore(%arg20 : memref<!tpu.dma_semaphore, #tpu.memory_space<semaphore_mem>>)
      } else {
      }
      %dma_wait3A_127 = arith.constant 0 : i32
      %dma_wait3A_128 = tpu.memref_slice %arg9[%add3A_118, %dma_wait3A_127] : memref<84x128xi32, #tpu.memory_space<vmem>> -> memref<1x128xi32, #tpu.memory_space<vmem>>
      %dma_wait3A_129 = tpu.memref_squeeze %dma_wait3A_128 : memref<1x128xi32, #tpu.memory_space<vmem>> -> memref<128xi32, #tpu.memory_space<vmem>>
      %dma_wait3A_130 = arith.constant 0 : i32
      %dma_wait3A_131 = arith.constant 0 : i32
      %dma_wait3A_132 = tpu.memref_slice %arg4[%dma_wait3A_130, %dma_wait3A_131] : memref<10240x64xf32, #tpu.memory_space<hbm>> -> memref<10240x64xf32, #tpu.memory_space<hbm>>
      tpu.wait_indirect_dma semaphore(%arg17 : memref<!tpu.dma_semaphore, #tpu.memory_space<semaphore_mem>>) src(%dma_wait3A_132 : memref<10240x64xf32, #tpu.memory_space<hbm>>) dst(%arg11 : memref<128x64xf32, #tpu.memory_space<vmem>>)
      %dma_start3A_133 = arith.constant 0 : i32
      %dma_start3A_134 = tpu.memref_slice %arg10[%add3A_118, %dma_start3A_133] : memref<84x128xi32, #tpu.memory_space<vmem>> -> memref<1x128xi32, #tpu.memory_space<vmem>>
      %dma_start3A_135 = tpu.memref_squeeze %dma_start3A_134 : memref<1x128xi32, #tpu.memory_space<vmem>> -> memref<128xi32, #tpu.memory_space<vmem>>
      %dma_start3A_136 = arith.constant 0 : i32
      %dma_start3A_137 = arith.constant 0 : i32
      %dma_start3A_138 = tpu.memref_slice %arg8[%dma_start3A_136, %dma_start3A_137] : memref<10240x64xf32, #tpu.memory_space<vmem_shared>> -> memref<10240x64xf32, #tpu.memory_space<vmem_shared>>
      tpu.enqueue_indirect_dma source(%arg11 : memref<128x64xf32, #tpu.memory_space<vmem>>) target(%dma_start3A_138 : memref<10240x64xf32, #tpu.memory_space<vmem_shared>>) offsets(%dma_start3A_135 : memref<128xi32, #tpu.memory_space<vmem>>) semaphore(%arg23 : memref<!tpu.dma_semaphore, #tpu.memory_space<semaphore_mem>>) {add = true}
      %add3A_139 = arith.constant 1 : i32
      %add3A_140 = arith.addi %mul3A_116, %add3A_139 : i32
      %ge3A_141 = arith.constant 3 : i32
      %ge3A_142 = arith.cmpi sge, %add3A_140, %ge3A_141 : i32
      %convert_element_type3A_143 = arith.extui %ge3A_142 : i1 to i32
      %cond3A_144 = arith.constant 0 : i32
      %cond3A_145 = arith.cmpi ne, %convert_element_type3A_143, %cond3A_144 : i32
      scf.if %cond3A_145 {
        %dma_wait3A_269 = arith.constant 0 : i32
        %dma_wait3A_270 = arith.constant 0 : i32
        %dma_wait3A_271 = tpu.memref_slice %arg10[%dma_wait3A_269, %dma_wait3A_270] : memref<84x128xi32, #tpu.memory_space<vmem>> -> memref<1x128xi32, #tpu.memory_space<vmem>>
        %dma_wait3A_272 = tpu.memref_squeeze %dma_wait3A_271 : memref<1x128xi32, #tpu.memory_space<vmem>> -> memref<128xi32, #tpu.memory_space<vmem>>
        %dma_wait3A_273 = arith.constant 0 : i32
        %dma_wait3A_274 = arith.constant 0 : i32
        %dma_wait3A_275 = tpu.memref_slice %arg8[%dma_wait3A_273, %dma_wait3A_274] : memref<10240x64xf32, #tpu.memory_space<vmem_shared>> -> memref<10240x64xf32, #tpu.memory_space<vmem_shared>>
        tpu.wait_indirect_dma semaphore(%arg27 : memref<!tpu.dma_semaphore, #tpu.memory_space<semaphore_mem>>) src(%arg15 : memref<128x64xf32, #tpu.memory_space<vmem>>) dst(%dma_wait3A_275 : memref<10240x64xf32, #tpu.memory_space<vmem_shared>>)
      } else {
      }
      %add3A_146 = arith.constant 3 : i32
      %add3A_147 = arith.addi %add3A_140, %add3A_146 : i32
      %lt3A_148 = arith.constant 84 : i32
      %lt3A_149 = arith.cmpi slt, %add3A_147, %lt3A_148 : i32
      %convert_element_type3A_150 = arith.extui %lt3A_149 : i1 to i32
      %cond3A_151 = arith.constant 0 : i32
      %cond3A_152 = arith.cmpi ne, %convert_element_type3A_150, %cond3A_151 : i32
      scf.if %cond3A_152 {
        %add3A_269 = arith.constant 3 : i32
        %add3A_270 = arith.addi %add3A_140, %add3A_269 : i32
        %dma_start3A_271 = arith.constant 0 : i32
        %dma_start3A_272 = tpu.memref_slice %arg9[%add3A_270, %dma_start3A_271] : memref<84x128xi32, #tpu.memory_space<vmem>> -> memref<1x128xi32, #tpu.memory_space<vmem>>
        %dma_start3A_273 = tpu.memref_squeeze %dma_start3A_272 : memref<1x128xi32, #tpu.memory_space<vmem>> -> memref<128xi32, #tpu.memory_space<vmem>>
        %dma_start3A_274 = arith.constant 0 : i32
        %dma_start3A_275 = arith.constant 0 : i32
        %dma_start3A_276 = tpu.memref_slice %arg4[%dma_start3A_274, %dma_start3A_275] : memref<10240x64xf32, #tpu.memory_space<hbm>> -> memref<10240x64xf32, #tpu.memory_space<hbm>>
        tpu.enqueue_indirect_dma source(%dma_start3A_276 : memref<10240x64xf32, #tpu.memory_space<hbm>>) target(%arg15 : memref<128x64xf32, #tpu.memory_space<vmem>>) offsets(%dma_start3A_273 : memref<128xi32, #tpu.memory_space<vmem>>) semaphore(%arg21 : memref<!tpu.dma_semaphore, #tpu.memory_space<semaphore_mem>>)
      } else {
      }
      %dma_wait3A_153 = arith.constant 0 : i32
      %dma_wait3A_154 = tpu.memref_slice %arg9[%add3A_140, %dma_wait3A_153] : memref<84x128xi32, #tpu.memory_space<vmem>> -> memref<1x128xi32, #tpu.memory_space<vmem>>
      %dma_wait3A_155 = tpu.memref_squeeze %dma_wait3A_154 : memref<1x128xi32, #tpu.memory_space<vmem>> -> memref<128xi32, #tpu.memory_space<vmem>>
      %dma_wait3A_156 = arith.constant 0 : i32
      %dma_wait3A_157 = arith.constant 0 : i32
      %dma_wait3A_158 = tpu.memref_slice %arg4[%dma_wait3A_156, %dma_wait3A_157] : memref<10240x64xf32, #tpu.memory_space<hbm>> -> memref<10240x64xf32, #tpu.memory_space<hbm>>
      tpu.wait_indirect_dma semaphore(%arg18 : memref<!tpu.dma_semaphore, #tpu.memory_space<semaphore_mem>>) src(%dma_wait3A_158 : memref<10240x64xf32, #tpu.memory_space<hbm>>) dst(%arg12 : memref<128x64xf32, #tpu.memory_space<vmem>>)
      %dma_start3A_159 = arith.constant 0 : i32
      %dma_start3A_160 = tpu.memref_slice %arg10[%add3A_140, %dma_start3A_159] : memref<84x128xi32, #tpu.memory_space<vmem>> -> memref<1x128xi32, #tpu.memory_space<vmem>>
      %dma_start3A_161 = tpu.memref_squeeze %dma_start3A_160 : memref<1x128xi32, #tpu.memory_space<vmem>> -> memref<128xi32, #tpu.memory_space<vmem>>
      %dma_start3A_162 = arith.constant 0 : i32
      %dma_start3A_163 = arith.constant 0 : i32
      %dma_start3A_164 = tpu.memref_slice %arg8[%dma_start3A_162, %dma_start3A_163] : memref<10240x64xf32, #tpu.memory_space<vmem_shared>> -> memref<10240x64xf32, #tpu.memory_space<vmem_shared>>
      tpu.enqueue_indirect_dma source(%arg12 : memref<128x64xf32, #tpu.memory_space<vmem>>) target(%dma_start3A_164 : memref<10240x64xf32, #tpu.memory_space<vmem_shared>>) offsets(%dma_start3A_161 : memref<128xi32, #tpu.memory_space<vmem>>) semaphore(%arg24 : memref<!tpu.dma_semaphore, #tpu.memory_space<semaphore_mem>>) {add = true}
      %add3A_165 = arith.constant 2 : i32
      %add3A_166 = arith.addi %mul3A_116, %add3A_165 : i32
      %ge3A_167 = arith.constant 3 : i32
      %ge3A_168 = arith.cmpi sge, %add3A_166, %ge3A_167 : i32
      %convert_element_type3A_169 = arith.extui %ge3A_168 : i1 to i32
      %cond3A_170 = arith.constant 0 : i32
      %cond3A_171 = arith.cmpi ne, %convert_element_type3A_169, %cond3A_170 : i32
      scf.if %cond3A_171 {
        %dma_wait3A_269 = arith.constant 0 : i32
        %dma_wait3A_270 = arith.constant 0 : i32
        %dma_wait3A_271 = tpu.memref_slice %arg10[%dma_wait3A_269, %dma_wait3A_270] : memref<84x128xi32, #tpu.memory_space<vmem>> -> memref<1x128xi32, #tpu.memory_space<vmem>>
        %dma_wait3A_272 = tpu.memref_squeeze %dma_wait3A_271 : memref<1x128xi32, #tpu.memory_space<vmem>> -> memref<128xi32, #tpu.memory_space<vmem>>
        %dma_wait3A_273 = arith.constant 0 : i32
        %dma_wait3A_274 = arith.constant 0 : i32
        %dma_wait3A_275 = tpu.memref_slice %arg8[%dma_wait3A_273, %dma_wait3A_274] : memref<10240x64xf32, #tpu.memory_space<vmem_shared>> -> memref<10240x64xf32, #tpu.memory_space<vmem_shared>>
        tpu.wait_indirect_dma semaphore(%arg28 : memref<!tpu.dma_semaphore, #tpu.memory_space<semaphore_mem>>) src(%arg16 : memref<128x64xf32, #tpu.memory_space<vmem>>) dst(%dma_wait3A_275 : memref<10240x64xf32, #tpu.memory_space<vmem_shared>>)
      } else {
      }
      %add3A_172 = arith.constant 3 : i32
      %add3A_173 = arith.addi %add3A_166, %add3A_172 : i32
      %lt3A_174 = arith.constant 84 : i32
      %lt3A_175 = arith.cmpi slt, %add3A_173, %lt3A_174 : i32
      %convert_element_type3A_176 = arith.extui %lt3A_175 : i1 to i32
      %cond3A_177 = arith.constant 0 : i32
      %cond3A_178 = arith.cmpi ne, %convert_element_type3A_176, %cond3A_177 : i32
      scf.if %cond3A_178 {
        %add3A_269 = arith.constant 3 : i32
        %add3A_270 = arith.addi %add3A_166, %add3A_269 : i32
        %dma_start3A_271 = arith.constant 0 : i32
        %dma_start3A_272 = tpu.memref_slice %arg9[%add3A_270, %dma_start3A_271] : memref<84x128xi32, #tpu.memory_space<vmem>> -> memref<1x128xi32, #tpu.memory_space<vmem>>
        %dma_start3A_273 = tpu.memref_squeeze %dma_start3A_272 : memref<1x128xi32, #tpu.memory_space<vmem>> -> memref<128xi32, #tpu.memory_space<vmem>>
        %dma_start3A_274 = arith.constant 0 : i32
        %dma_start3A_275 = arith.constant 0 : i32
        %dma_start3A_276 = tpu.memref_slice %arg4[%dma_start3A_274, %dma_start3A_275] : memref<10240x64xf32, #tpu.memory_space<hbm>> -> memref<10240x64xf32, #tpu.memory_space<hbm>>
        tpu.enqueue_indirect_dma source(%dma_start3A_276 : memref<10240x64xf32, #tpu.memory_space<hbm>>) target(%arg16 : memref<128x64xf32, #tpu.memory_space<vmem>>) offsets(%dma_start3A_273 : memref<128xi32, #tpu.memory_space<vmem>>) semaphore(%arg22 : memref<!tpu.dma_semaphore, #tpu.memory_space<semaphore_mem>>)
      } else {
      }
      %dma_wait3A_179 = arith.constant 0 : i32
      %dma_wait3A_180 = tpu.memref_slice %arg9[%add3A_166, %dma_wait3A_179] : memref<84x128xi32, #tpu.memory_space<vmem>> -> memref<1x128xi32, #tpu.memory_space<vmem>>
      %dma_wait3A_181 = tpu.memref_squeeze %dma_wait3A_180 : memref<1x128xi32, #tpu.memory_space<vmem>> -> memref<128xi32, #tpu.memory_space<vmem>>
      %dma_wait3A_182 = arith.constant 0 : i32
      %dma_wait3A_183 = arith.constant 0 : i32
      %dma_wait3A_184 = tpu.memref_slice %arg4[%dma_wait3A_182, %dma_wait3A_183] : memref<10240x64xf32, #tpu.memory_space<hbm>> -> memref<10240x64xf32, #tpu.memory_space<hbm>>
      tpu.wait_indirect_dma semaphore(%arg19 : memref<!tpu.dma_semaphore, #tpu.memory_space<semaphore_mem>>) src(%dma_wait3A_184 : memref<10240x64xf32, #tpu.memory_space<hbm>>) dst(%arg13 : memref<128x64xf32, #tpu.memory_space<vmem>>)
      %dma_start3A_185 = arith.constant 0 : i32
      %dma_start3A_186 = tpu.memref_slice %arg10[%add3A_166, %dma_start3A_185] : memref<84x128xi32, #tpu.memory_space<vmem>> -> memref<1x128xi32, #tpu.memory_space<vmem>>
      %dma_start3A_187 = tpu.memref_squeeze %dma_start3A_186 : memref<1x128xi32, #tpu.memory_space<vmem>> -> memref<128xi32, #tpu.memory_space<vmem>>
      %dma_start3A_188 = arith.constant 0 : i32
      %dma_start3A_189 = arith.constant 0 : i32
      %dma_start3A_190 = tpu.memref_slice %arg8[%dma_start3A_188, %dma_start3A_189] : memref<10240x64xf32, #tpu.memory_space<vmem_shared>> -> memref<10240x64xf32, #tpu.memory_space<vmem_shared>>
      tpu.enqueue_indirect_dma source(%arg13 : memref<128x64xf32, #tpu.memory_space<vmem>>) target(%dma_start3A_190 : memref<10240x64xf32, #tpu.memory_space<vmem_shared>>) offsets(%dma_start3A_187 : memref<128xi32, #tpu.memory_space<vmem>>) semaphore(%arg25 : memref<!tpu.dma_semaphore, #tpu.memory_space<semaphore_mem>>) {add = true}
      %add3A_191 = arith.constant 3 : i32
      %add3A_192 = arith.addi %mul3A_116, %add3A_191 : i32
      %ge3A_193 = arith.constant 3 : i32
      %ge3A_194 = arith.cmpi sge, %add3A_192, %ge3A_193 : i32
      %convert_element_type3A_195 = arith.extui %ge3A_194 : i1 to i32
      %cond3A_196 = arith.constant 0 : i32
      %cond3A_197 = arith.cmpi ne, %convert_element_type3A_195, %cond3A_196 : i32
      scf.if %cond3A_197 {
        %dma_wait3A_269 = arith.constant 0 : i32
        %dma_wait3A_270 = arith.constant 0 : i32
        %dma_wait3A_271 = tpu.memref_slice %arg10[%dma_wait3A_269, %dma_wait3A_270] : memref<84x128xi32, #tpu.memory_space<vmem>> -> memref<1x128xi32, #tpu.memory_space<vmem>>
        %dma_wait3A_272 = tpu.memref_squeeze %dma_wait3A_271 : memref<1x128xi32, #tpu.memory_space<vmem>> -> memref<128xi32, #tpu.memory_space<vmem>>
        %dma_wait3A_273 = arith.constant 0 : i32
        %dma_wait3A_274 = arith.constant 0 : i32
        %dma_wait3A_275 = tpu.memref_slice %arg8[%dma_wait3A_273, %dma_wait3A_274] : memref<10240x64xf32, #tpu.memory_space<vmem_shared>> -> memref<10240x64xf32, #tpu.memory_space<vmem_shared>>
        tpu.wait_indirect_dma semaphore(%arg23 : memref<!tpu.dma_semaphore, #tpu.memory_space<semaphore_mem>>) src(%arg11 : memref<128x64xf32, #tpu.memory_space<vmem>>) dst(%dma_wait3A_275 : memref<10240x64xf32, #tpu.memory_space<vmem_shared>>)
      } else {
      }
      %add3A_198 = arith.constant 3 : i32
      %add3A_199 = arith.addi %add3A_192, %add3A_198 : i32
      %lt3A_200 = arith.constant 84 : i32
      %lt3A_201 = arith.cmpi slt, %add3A_199, %lt3A_200 : i32
      %convert_element_type3A_202 = arith.extui %lt3A_201 : i1 to i32
      %cond3A_203 = arith.constant 0 : i32
      %cond3A_204 = arith.cmpi ne, %convert_element_type3A_202, %cond3A_203 : i32
      scf.if %cond3A_204 {
        %add3A_269 = arith.constant 3 : i32
        %add3A_270 = arith.addi %add3A_192, %add3A_269 : i32
        %dma_start3A_271 = arith.constant 0 : i32
        %dma_start3A_272 = tpu.memref_slice %arg9[%add3A_270, %dma_start3A_271] : memref<84x128xi32, #tpu.memory_space<vmem>> -> memref<1x128xi32, #tpu.memory_space<vmem>>
        %dma_start3A_273 = tpu.memref_squeeze %dma_start3A_272 : memref<1x128xi32, #tpu.memory_space<vmem>> -> memref<128xi32, #tpu.memory_space<vmem>>
        %dma_start3A_274 = arith.constant 0 : i32
        %dma_start3A_275 = arith.constant 0 : i32
        %dma_start3A_276 = tpu.memref_slice %arg4[%dma_start3A_274, %dma_start3A_275] : memref<10240x64xf32, #tpu.memory_space<hbm>> -> memref<10240x64xf32, #tpu.memory_space<hbm>>
        tpu.enqueue_indirect_dma source(%dma_start3A_276 : memref<10240x64xf32, #tpu.memory_space<hbm>>) target(%arg11 : memref<128x64xf32, #tpu.memory_space<vmem>>) offsets(%dma_start3A_273 : memref<128xi32, #tpu.memory_space<vmem>>) semaphore(%arg17 : memref<!tpu.dma_semaphore, #tpu.memory_space<semaphore_mem>>)
      } else {
      }
      %dma_wait3A_205 = arith.constant 0 : i32
      %dma_wait3A_206 = tpu.memref_slice %arg9[%add3A_192, %dma_wait3A_205] : memref<84x128xi32, #tpu.memory_space<vmem>> -> memref<1x128xi32, #tpu.memory_space<vmem>>
      %dma_wait3A_207 = tpu.memref_squeeze %dma_wait3A_206 : memref<1x128xi32, #tpu.memory_space<vmem>> -> memref<128xi32, #tpu.memory_space<vmem>>
      %dma_wait3A_208 = arith.constant 0 : i32
      %dma_wait3A_209 = arith.constant 0 : i32
      %dma_wait3A_210 = tpu.memref_slice %arg4[%dma_wait3A_208, %dma_wait3A_209] : memref<10240x64xf32, #tpu.memory_space<hbm>> -> memref<10240x64xf32, #tpu.memory_space<hbm>>
      tpu.wait_indirect_dma semaphore(%arg20 : memref<!tpu.dma_semaphore, #tpu.memory_space<semaphore_mem>>) src(%dma_wait3A_210 : memref<10240x64xf32, #tpu.memory_space<hbm>>) dst(%arg14 : memref<128x64xf32, #tpu.memory_space<vmem>>)
      %dma_start3A_211 = arith.constant 0 : i32
      %dma_start3A_212 = tpu.memref_slice %arg10[%add3A_192, %dma_start3A_211] : memref<84x128xi32, #tpu.memory_space<vmem>> -> memref<1x128xi32, #tpu.memory_space<vmem>>
      %dma_start3A_213 = tpu.memref_squeeze %dma_start3A_212 : memref<1x128xi32, #tpu.memory_space<vmem>> -> memref<128xi32, #tpu.memory_space<vmem>>
      %dma_start3A_214 = arith.constant 0 : i32
      %dma_start3A_215 = arith.constant 0 : i32
      %dma_start3A_216 = tpu.memref_slice %arg8[%dma_start3A_214, %dma_start3A_215] : memref<10240x64xf32, #tpu.memory_space<vmem_shared>> -> memref<10240x64xf32, #tpu.memory_space<vmem_shared>>
      tpu.enqueue_indirect_dma source(%arg14 : memref<128x64xf32, #tpu.memory_space<vmem>>) target(%dma_start3A_216 : memref<10240x64xf32, #tpu.memory_space<vmem_shared>>) offsets(%dma_start3A_213 : memref<128xi32, #tpu.memory_space<vmem>>) semaphore(%arg26 : memref<!tpu.dma_semaphore, #tpu.memory_space<semaphore_mem>>) {add = true}
      %add3A_217 = arith.constant 4 : i32
      %add3A_218 = arith.addi %mul3A_116, %add3A_217 : i32
      %ge3A_219 = arith.constant 3 : i32
      %ge3A_220 = arith.cmpi sge, %add3A_218, %ge3A_219 : i32
      %convert_element_type3A_221 = arith.extui %ge3A_220 : i1 to i32
      %cond3A_222 = arith.constant 0 : i32
      %cond3A_223 = arith.cmpi ne, %convert_element_type3A_221, %cond3A_222 : i32
      scf.if %cond3A_223 {
        %dma_wait3A_269 = arith.constant 0 : i32
        %dma_wait3A_270 = arith.constant 0 : i32
        %dma_wait3A_271 = tpu.memref_slice %arg10[%dma_wait3A_269, %dma_wait3A_270] : memref<84x128xi32, #tpu.memory_space<vmem>> -> memref<1x128xi32, #tpu.memory_space<vmem>>
        %dma_wait3A_272 = tpu.memref_squeeze %dma_wait3A_271 : memref<1x128xi32, #tpu.memory_space<vmem>> -> memref<128xi32, #tpu.memory_space<vmem>>
        %dma_wait3A_273 = arith.constant 0 : i32
        %dma_wait3A_274 = arith.constant 0 : i32
        %dma_wait3A_275 = tpu.memref_slice %arg8[%dma_wait3A_273, %dma_wait3A_274] : memref<10240x64xf32, #tpu.memory_space<vmem_shared>> -> memref<10240x64xf32, #tpu.memory_space<vmem_shared>>
        tpu.wait_indirect_dma semaphore(%arg24 : memref<!tpu.dma_semaphore, #tpu.memory_space<semaphore_mem>>) src(%arg12 : memref<128x64xf32, #tpu.memory_space<vmem>>) dst(%dma_wait3A_275 : memref<10240x64xf32, #tpu.memory_space<vmem_shared>>)
      } else {
      }
      %add3A_224 = arith.constant 3 : i32
      %add3A_225 = arith.addi %add3A_218, %add3A_224 : i32
      %lt3A_226 = arith.constant 84 : i32
      %lt3A_227 = arith.cmpi slt, %add3A_225, %lt3A_226 : i32
      %convert_element_type3A_228 = arith.extui %lt3A_227 : i1 to i32
      %cond3A_229 = arith.constant 0 : i32
      %cond3A_230 = arith.cmpi ne, %convert_element_type3A_228, %cond3A_229 : i32
      scf.if %cond3A_230 {
        %add3A_269 = arith.constant 3 : i32
        %add3A_270 = arith.addi %add3A_218, %add3A_269 : i32
        %dma_start3A_271 = arith.constant 0 : i32
        %dma_start3A_272 = tpu.memref_slice %arg9[%add3A_270, %dma_start3A_271] : memref<84x128xi32, #tpu.memory_space<vmem>> -> memref<1x128xi32, #tpu.memory_space<vmem>>
        %dma_start3A_273 = tpu.memref_squeeze %dma_start3A_272 : memref<1x128xi32, #tpu.memory_space<vmem>> -> memref<128xi32, #tpu.memory_space<vmem>>
        %dma_start3A_274 = arith.constant 0 : i32
        %dma_start3A_275 = arith.constant 0 : i32
        %dma_start3A_276 = tpu.memref_slice %arg4[%dma_start3A_274, %dma_start3A_275] : memref<10240x64xf32, #tpu.memory_space<hbm>> -> memref<10240x64xf32, #tpu.memory_space<hbm>>
        tpu.enqueue_indirect_dma source(%dma_start3A_276 : memref<10240x64xf32, #tpu.memory_space<hbm>>) target(%arg12 : memref<128x64xf32, #tpu.memory_space<vmem>>) offsets(%dma_start3A_273 : memref<128xi32, #tpu.memory_space<vmem>>) semaphore(%arg18 : memref<!tpu.dma_semaphore, #tpu.memory_space<semaphore_mem>>)
      } else {
      }
      %dma_wait3A_231 = arith.constant 0 : i32
      %dma_wait3A_232 = tpu.memref_slice %arg9[%add3A_218, %dma_wait3A_231] : memref<84x128xi32, #tpu.memory_space<vmem>> -> memref<1x128xi32, #tpu.memory_space<vmem>>
      %dma_wait3A_233 = tpu.memref_squeeze %dma_wait3A_232 : memref<1x128xi32, #tpu.memory_space<vmem>> -> memref<128xi32, #tpu.memory_space<vmem>>
      %dma_wait3A_234 = arith.constant 0 : i32
      %dma_wait3A_235 = arith.constant 0 : i32
      %dma_wait3A_236 = tpu.memref_slice %arg4[%dma_wait3A_234, %dma_wait3A_235] : memref<10240x64xf32, #tpu.memory_space<hbm>> -> memref<10240x64xf32, #tpu.memory_space<hbm>>
      tpu.wait_indirect_dma semaphore(%arg21 : memref<!tpu.dma_semaphore, #tpu.memory_space<semaphore_mem>>) src(%dma_wait3A_236 : memref<10240x64xf32, #tpu.memory_space<hbm>>) dst(%arg15 : memref<128x64xf32, #tpu.memory_space<vmem>>)
      %dma_start3A_237 = arith.constant 0 : i32
      %dma_start3A_238 = tpu.memref_slice %arg10[%add3A_218, %dma_start3A_237] : memref<84x128xi32, #tpu.memory_space<vmem>> -> memref<1x128xi32, #tpu.memory_space<vmem>>
      %dma_start3A_239 = tpu.memref_squeeze %dma_start3A_238 : memref<1x128xi32, #tpu.memory_space<vmem>> -> memref<128xi32, #tpu.memory_space<vmem>>
      %dma_start3A_240 = arith.constant 0 : i32
      %dma_start3A_241 = arith.constant 0 : i32
      %dma_start3A_242 = tpu.memref_slice %arg8[%dma_start3A_240, %dma_start3A_241] : memref<10240x64xf32, #tpu.memory_space<vmem_shared>> -> memref<10240x64xf32, #tpu.memory_space<vmem_shared>>
      tpu.enqueue_indirect_dma source(%arg15 : memref<128x64xf32, #tpu.memory_space<vmem>>) target(%dma_start3A_242 : memref<10240x64xf32, #tpu.memory_space<vmem_shared>>) offsets(%dma_start3A_239 : memref<128xi32, #tpu.memory_space<vmem>>) semaphore(%arg27 : memref<!tpu.dma_semaphore, #tpu.memory_space<semaphore_mem>>) {add = true}
      %add3A_243 = arith.constant 5 : i32
      %add3A_244 = arith.addi %mul3A_116, %add3A_243 : i32
      %ge3A_245 = arith.constant 3 : i32
      %ge3A_246 = arith.cmpi sge, %add3A_244, %ge3A_245 : i32
      %convert_element_type3A_247 = arith.extui %ge3A_246 : i1 to i32
      %cond3A_248 = arith.constant 0 : i32
      %cond3A_249 = arith.cmpi ne, %convert_element_type3A_247, %cond3A_248 : i32
      scf.if %cond3A_249 {
        %dma_wait3A_269 = arith.constant 0 : i32
        %dma_wait3A_270 = arith.constant 0 : i32
        %dma_wait3A_271 = tpu.memref_slice %arg10[%dma_wait3A_269, %dma_wait3A_270] : memref<84x128xi32, #tpu.memory_space<vmem>> -> memref<1x128xi32, #tpu.memory_space<vmem>>
        %dma_wait3A_272 = tpu.memref_squeeze %dma_wait3A_271 : memref<1x128xi32, #tpu.memory_space<vmem>> -> memref<128xi32, #tpu.memory_space<vmem>>
        %dma_wait3A_273 = arith.constant 0 : i32
        %dma_wait3A_274 = arith.constant 0 : i32
        %dma_wait3A_275 = tpu.memref_slice %arg8[%dma_wait3A_273, %dma_wait3A_274] : memref<10240x64xf32, #tpu.memory_space<vmem_shared>> -> memref<10240x64xf32, #tpu.memory_space<vmem_shared>>
        tpu.wait_indirect_dma semaphore(%arg25 : memref<!tpu.dma_semaphore, #tpu.memory_space<semaphore_mem>>) src(%arg13 : memref<128x64xf32, #tpu.memory_space<vmem>>) dst(%dma_wait3A_275 : memref<10240x64xf32, #tpu.memory_space<vmem_shared>>)
      } else {
      }
      %add3A_250 = arith.constant 3 : i32
      %add3A_251 = arith.addi %add3A_244, %add3A_250 : i32
      %lt3A_252 = arith.constant 84 : i32
      %lt3A_253 = arith.cmpi slt, %add3A_251, %lt3A_252 : i32
      %convert_element_type3A_254 = arith.extui %lt3A_253 : i1 to i32
      %cond3A_255 = arith.constant 0 : i32
      %cond3A_256 = arith.cmpi ne, %convert_element_type3A_254, %cond3A_255 : i32
      scf.if %cond3A_256 {
        %add3A_269 = arith.constant 3 : i32
        %add3A_270 = arith.addi %add3A_244, %add3A_269 : i32
        %dma_start3A_271 = arith.constant 0 : i32
        %dma_start3A_272 = tpu.memref_slice %arg9[%add3A_270, %dma_start3A_271] : memref<84x128xi32, #tpu.memory_space<vmem>> -> memref<1x128xi32, #tpu.memory_space<vmem>>
        %dma_start3A_273 = tpu.memref_squeeze %dma_start3A_272 : memref<1x128xi32, #tpu.memory_space<vmem>> -> memref<128xi32, #tpu.memory_space<vmem>>
        %dma_start3A_274 = arith.constant 0 : i32
        %dma_start3A_275 = arith.constant 0 : i32
        %dma_start3A_276 = tpu.memref_slice %arg4[%dma_start3A_274, %dma_start3A_275] : memref<10240x64xf32, #tpu.memory_space<hbm>> -> memref<10240x64xf32, #tpu.memory_space<hbm>>
        tpu.enqueue_indirect_dma source(%dma_start3A_276 : memref<10240x64xf32, #tpu.memory_space<hbm>>) target(%arg13 : memref<128x64xf32, #tpu.memory_space<vmem>>) offsets(%dma_start3A_273 : memref<128xi32, #tpu.memory_space<vmem>>) semaphore(%arg19 : memref<!tpu.dma_semaphore, #tpu.memory_space<semaphore_mem>>)
      } else {
      }
      %dma_wait3A_257 = arith.constant 0 : i32
      %dma_wait3A_258 = tpu.memref_slice %arg9[%add3A_244, %dma_wait3A_257] : memref<84x128xi32, #tpu.memory_space<vmem>> -> memref<1x128xi32, #tpu.memory_space<vmem>>
      %dma_wait3A_259 = tpu.memref_squeeze %dma_wait3A_258 : memref<1x128xi32, #tpu.memory_space<vmem>> -> memref<128xi32, #tpu.memory_space<vmem>>
      %dma_wait3A_260 = arith.constant 0 : i32
      %dma_wait3A_261 = arith.constant 0 : i32
      %dma_wait3A_262 = tpu.memref_slice %arg4[%dma_wait3A_260, %dma_wait3A_261] : memref<10240x64xf32, #tpu.memory_space<hbm>> -> memref<10240x64xf32, #tpu.memory_space<hbm>>
      tpu.wait_indirect_dma semaphore(%arg22 : memref<!tpu.dma_semaphore, #tpu.memory_space<semaphore_mem>>) src(%dma_wait3A_262 : memref<10240x64xf32, #tpu.memory_space<hbm>>) dst(%arg16 : memref<128x64xf32, #tpu.memory_space<vmem>>)
      %dma_start3A_263 = arith.constant 0 : i32
      %dma_start3A_264 = tpu.memref_slice %arg10[%add3A_244, %dma_start3A_263] : memref<84x128xi32, #tpu.memory_space<vmem>> -> memref<1x128xi32, #tpu.memory_space<vmem>>
      %dma_start3A_265 = tpu.memref_squeeze %dma_start3A_264 : memref<1x128xi32, #tpu.memory_space<vmem>> -> memref<128xi32, #tpu.memory_space<vmem>>
      %dma_start3A_266 = arith.constant 0 : i32
      %dma_start3A_267 = arith.constant 0 : i32
      %dma_start3A_268 = tpu.memref_slice %arg8[%dma_start3A_266, %dma_start3A_267] : memref<10240x64xf32, #tpu.memory_space<vmem_shared>> -> memref<10240x64xf32, #tpu.memory_space<vmem_shared>>
      tpu.enqueue_indirect_dma source(%arg16 : memref<128x64xf32, #tpu.memory_space<vmem>>) target(%dma_start3A_268 : memref<10240x64xf32, #tpu.memory_space<vmem_shared>>) offsets(%dma_start3A_265 : memref<128xi32, #tpu.memory_space<vmem>>) semaphore(%arg28 : memref<!tpu.dma_semaphore, #tpu.memory_space<semaphore_mem>>) {add = true}
    }
    %scan3A_33 = arith.constant 14 : i32
    %dma_wait3A = arith.constant 0 : i32
    %dma_wait3A_34 = arith.constant 0 : i32
    %dma_wait3A_35 = tpu.memref_slice %arg10[%dma_wait3A, %dma_wait3A_34] : memref<84x128xi32, #tpu.memory_space<vmem>> -> memref<1x128xi32, #tpu.memory_space<vmem>>
    %dma_wait3A_36 = tpu.memref_squeeze %dma_wait3A_35 : memref<1x128xi32, #tpu.memory_space<vmem>> -> memref<128xi32, #tpu.memory_space<vmem>>
    %dma_wait3A_37 = arith.constant 0 : i32
    %dma_wait3A_38 = arith.constant 0 : i32
    %dma_wait3A_39 = tpu.memref_slice %arg8[%dma_wait3A_37, %dma_wait3A_38] : memref<10240x64xf32, #tpu.memory_space<vmem_shared>> -> memref<10240x64xf32, #tpu.memory_space<vmem_shared>>
    tpu.wait_indirect_dma semaphore(%arg26 : memref<!tpu.dma_semaphore, #tpu.memory_space<semaphore_mem>>) src(%arg14 : memref<128x64xf32, #tpu.memory_space<vmem>>) dst(%dma_wait3A_39 : memref<10240x64xf32, #tpu.memory_space<vmem_shared>>)
    %dma_wait3A_40 = arith.constant 0 : i32
    %dma_wait3A_41 = arith.constant 0 : i32
    %dma_wait3A_42 = tpu.memref_slice %arg10[%dma_wait3A_40, %dma_wait3A_41] : memref<84x128xi32, #tpu.memory_space<vmem>> -> memref<1x128xi32, #tpu.memory_space<vmem>>
    %dma_wait3A_43 = tpu.memref_squeeze %dma_wait3A_42 : memref<1x128xi32, #tpu.memory_space<vmem>> -> memref<128xi32, #tpu.memory_space<vmem>>
    %dma_wait3A_44 = arith.constant 0 : i32
    %dma_wait3A_45 = arith.constant 0 : i32
    %dma_wait3A_46 = tpu.memref_slice %arg8[%dma_wait3A_44, %dma_wait3A_45] : memref<10240x64xf32, #tpu.memory_space<vmem_shared>> -> memref<10240x64xf32, #tpu.memory_space<vmem_shared>>
    tpu.wait_indirect_dma semaphore(%arg27 : memref<!tpu.dma_semaphore, #tpu.memory_space<semaphore_mem>>) src(%arg15 : memref<128x64xf32, #tpu.memory_space<vmem>>) dst(%dma_wait3A_46 : memref<10240x64xf32, #tpu.memory_space<vmem_shared>>)
    %dma_wait3A_47 = arith.constant 0 : i32
    %dma_wait3A_48 = arith.constant 0 : i32
    %dma_wait3A_49 = tpu.memref_slice %arg10[%dma_wait3A_47, %dma_wait3A_48] : memref<84x128xi32, #tpu.memory_space<vmem>> -> memref<1x128xi32, #tpu.memory_space<vmem>>
    %dma_wait3A_50 = tpu.memref_squeeze %dma_wait3A_49 : memref<1x128xi32, #tpu.memory_space<vmem>> -> memref<128xi32, #tpu.memory_space<vmem>>
    %dma_wait3A_51 = arith.constant 0 : i32
    %dma_wait3A_52 = arith.constant 0 : i32
    %dma_wait3A_53 = tpu.memref_slice %arg8[%dma_wait3A_51, %dma_wait3A_52] : memref<10240x64xf32, #tpu.memory_space<vmem_shared>> -> memref<10240x64xf32, #tpu.memory_space<vmem_shared>>
    tpu.wait_indirect_dma semaphore(%arg28 : memref<!tpu.dma_semaphore, #tpu.memory_space<semaphore_mem>>) src(%arg16 : memref<128x64xf32, #tpu.memory_space<vmem>>) dst(%dma_wait3A_53 : memref<10240x64xf32, #tpu.memory_space<vmem_shared>>)
    %barrier3A_54 = arith.constant 0 : index
    tpu.barrier barrier_id(%barrier3A_54)
    %add3A_55 = arith.addi %mul3A_8, %mul3A_2 : i32
    "tpu.region"() ({
      %run_scoped3A = tpu.sem_alloc : memref<!tpu.dma_semaphore, #tpu.memory_space<semaphore_mem>>
      %dma_start3A_114 = arith.constant 0 : i32
      %dma_start3A_115 = tpu.memref_slice %arg7[%add3A_55, %dma_start3A_114] : memref<40960x64xf32, #tpu.memory_space<hbm>> -> memref<640x64xf32, #tpu.memory_space<hbm>>
      %dma_start3A_116 = arith.constant 0 : i32
      %dma_start3A_117 = tpu.memref_slice %arg8[%mul3A_2, %dma_start3A_116] : memref<10240x64xf32, #tpu.memory_space<vmem_shared>> -> memref<640x64xf32, #tpu.memory_space<vmem_shared>>
      tpu.enqueue_dma source(%dma_start3A_117 : memref<640x64xf32, #tpu.memory_space<vmem_shared>>) target(%dma_start3A_115 : memref<640x64xf32, #tpu.memory_space<hbm>>) target_semaphore(%run_scoped3A : memref<!tpu.dma_semaphore, #tpu.memory_space<semaphore_mem>>)
      %dma_wait3A_118 = arith.constant 0 : i32
      %dma_wait3A_119 = tpu.memref_slice %arg7[%add3A_55, %dma_wait3A_118] : memref<40960x64xf32, #tpu.memory_space<hbm>> -> memref<640x64xf32, #tpu.memory_space<hbm>>
      %dma_wait3A_120 = arith.constant 0 : i32
      %dma_wait3A_121 = tpu.memref_slice %arg8[%mul3A_2, %dma_wait3A_120] : memref<10240x64xf32, #tpu.memory_space<vmem_shared>> -> memref<640x64xf32, #tpu.memory_space<vmem_shared>>
      tpu.wait_dma2 semaphore(%run_scoped3A : memref<!tpu.dma_semaphore, #tpu.memory_space<semaphore_mem>>) src(%dma_wait3A_121 : memref<640x64xf32, #tpu.memory_space<vmem_shared>>) dst(%dma_wait3A_119 : memref<640x64xf32, #tpu.memory_space<hbm>>)
      tpu.yield
    }) : () -> ()
    %barrier3A_56 = arith.constant 0 : index
    tpu.barrier barrier_id(%barrier3A_56)
    %mul3A_57 = arith.constant 2 : i32
    %mul3A_58 = arith.muli %arg0, %mul3A_57 : i32
    %mul3A_59 = arith.constant 10240 : i32
    %mul3A_60 = arith.muli %mul3A_58, %mul3A_59 : i32
    %add3A_61 = arith.constant 10240 : i32
    %add3A_62 = arith.addi %mul3A_60, %add3A_61 : i32
    "tpu.region"() ({
      %run_scoped3A = tpu.sem_alloc : memref<!tpu.dma_semaphore, #tpu.memory_space<semaphore_mem>>
      %dma_start3A_114 = arith.constant 0 : i32
      %dma_start3A_115 = tpu.memref_slice %arg8[%mul3A_2, %dma_start3A_114] : memref<10240x64xf32, #tpu.memory_space<vmem_shared>> -> memref<640x64xf32, #tpu.memory_space<vmem_shared>>
      %dma_start3A_116 = arith.constant 0 : i32
      %dma_start3A_117 = tpu.memref_slice %arg6[%mul3A_2, %dma_start3A_116] : memref<10240x64xf32, #tpu.memory_space<hbm>> -> memref<640x64xf32, #tpu.memory_space<hbm>>
      tpu.enqueue_dma source(%dma_start3A_117 : memref<640x64xf32, #tpu.memory_space<hbm>>) target(%dma_start3A_115 : memref<640x64xf32, #tpu.memory_space<vmem_shared>>) target_semaphore(%run_scoped3A : memref<!tpu.dma_semaphore, #tpu.memory_space<semaphore_mem>>)
      %dma_wait3A_118 = arith.constant 0 : i32
      %dma_wait3A_119 = tpu.memref_slice %arg8[%mul3A_2, %dma_wait3A_118] : memref<10240x64xf32, #tpu.memory_space<vmem_shared>> -> memref<640x64xf32, #tpu.memory_space<vmem_shared>>
      %dma_wait3A_120 = arith.constant 0 : i32
      %dma_wait3A_121 = tpu.memref_slice %arg6[%mul3A_2, %dma_wait3A_120] : memref<10240x64xf32, #tpu.memory_space<hbm>> -> memref<640x64xf32, #tpu.memory_space<hbm>>
      tpu.wait_dma2 semaphore(%run_scoped3A : memref<!tpu.dma_semaphore, #tpu.memory_space<semaphore_mem>>) src(%dma_wait3A_121 : memref<640x64xf32, #tpu.memory_space<hbm>>) dst(%dma_wait3A_119 : memref<640x64xf32, #tpu.memory_space<vmem_shared>>)
      tpu.yield
    }) : () -> ()
    %barrier3A_63 = arith.constant 0 : index
    tpu.barrier barrier_id(%barrier3A_63)
    %dma_start3A_64 = arith.constant 0 : i32
    %dma_start3A_65 = arith.constant 0 : i32
    %dma_start3A_66 = tpu.memref_slice %arg9[%dma_start3A_64, %dma_start3A_65] : memref<84x128xi32, #tpu.memory_space<vmem>> -> memref<1x128xi32, #tpu.memory_space<vmem>>
    %dma_start3A_67 = tpu.memref_squeeze %dma_start3A_66 : memref<1x128xi32, #tpu.memory_space<vmem>> -> memref<128xi32, #tpu.memory_space<vmem>>
    %dma_start3A_68 = arith.constant 0 : i32
    %dma_start3A_69 = arith.constant 0 : i32
    %dma_start3A_70 = tpu.memref_slice %arg5[%dma_start3A_68, %dma_start3A_69] : memref<10240x64xf32, #tpu.memory_space<hbm>> -> memref<10240x64xf32, #tpu.memory_space<hbm>>
    tpu.enqueue_indirect_dma source(%dma_start3A_70 : memref<10240x64xf32, #tpu.memory_space<hbm>>) target(%arg11 : memref<128x64xf32, #tpu.memory_space<vmem>>) offsets(%dma_start3A_67 : memref<128xi32, #tpu.memory_space<vmem>>) semaphore(%arg17 : memref<!tpu.dma_semaphore, #tpu.memory_space<semaphore_mem>>)
    %dma_start3A_71 = arith.constant 1 : i32
    %dma_start3A_72 = arith.constant 0 : i32
    %dma_start3A_73 = tpu.memref_slice %arg9[%dma_start3A_71, %dma_start3A_72] : memref<84x128xi32, #tpu.memory_space<vmem>> -> memref<1x128xi32, #tpu.memory_space<vmem>>
    %dma_start3A_74 = tpu.memref_squeeze %dma_start3A_73 : memref<1x128xi32, #tpu.memory_space<vmem>> -> memref<128xi32, #tpu.memory_space<vmem>>
    %dma_start3A_75 = arith.constant 0 : i32
    %dma_start3A_76 = arith.constant 0 : i32
    %dma_start3A_77 = tpu.memref_slice %arg5[%dma_start3A_75, %dma_start3A_76] : memref<10240x64xf32, #tpu.memory_space<hbm>> -> memref<10240x64xf32, #tpu.memory_space<hbm>>
    tpu.enqueue_indirect_dma source(%dma_start3A_77 : memref<10240x64xf32, #tpu.memory_space<hbm>>) target(%arg12 : memref<128x64xf32, #tpu.memory_space<vmem>>) offsets(%dma_start3A_74 : memref<128xi32, #tpu.memory_space<vmem>>) semaphore(%arg18 : memref<!tpu.dma_semaphore, #tpu.memory_space<semaphore_mem>>)
    %dma_start3A_78 = arith.constant 2 : i32
    %dma_start3A_79 = arith.constant 0 : i32
    %dma_start3A_80 = tpu.memref_slice %arg9[%dma_start3A_78, %dma_start3A_79] : memref<84x128xi32, #tpu.memory_space<vmem>> -> memref<1x128xi32, #tpu.memory_space<vmem>>
    %dma_start3A_81 = tpu.memref_squeeze %dma_start3A_80 : memref<1x128xi32, #tpu.memory_space<vmem>> -> memref<128xi32, #tpu.memory_space<vmem>>
    %dma_start3A_82 = arith.constant 0 : i32
    %dma_start3A_83 = arith.constant 0 : i32
    %dma_start3A_84 = tpu.memref_slice %arg5[%dma_start3A_82, %dma_start3A_83] : memref<10240x64xf32, #tpu.memory_space<hbm>> -> memref<10240x64xf32, #tpu.memory_space<hbm>>
    tpu.enqueue_indirect_dma source(%dma_start3A_84 : memref<10240x64xf32, #tpu.memory_space<hbm>>) target(%arg13 : memref<128x64xf32, #tpu.memory_space<vmem>>) offsets(%dma_start3A_81 : memref<128xi32, #tpu.memory_space<vmem>>) semaphore(%arg19 : memref<!tpu.dma_semaphore, #tpu.memory_space<semaphore_mem>>)
    %scan3A_85 = arith.constant 0 : i32
    %scan3A_86 = arith.constant 0 : i32
    %scan3A_87 = arith.constant 14 : i32
    %scan3A_88 = arith.addi %scan3A_86, %scan3A_87 : i32
    %scan3A_89 = arith.constant 1 : i32
    scf.for %scan3A_114 = %scan3A_86 to %scan3A_88 step %scan3A_89  : i32 {
      %mul3A_115 = arith.constant 6 : i32
      %mul3A_116 = arith.muli %mul3A_115, %scan3A_114 : i32
      %add3A_117 = arith.constant 0 : i32
      %add3A_118 = arith.addi %mul3A_116, %add3A_117 : i32
      %ge3A = arith.constant 3 : i32
      %ge3A_119 = arith.cmpi sge, %add3A_118, %ge3A : i32
      %convert_element_type3A = arith.extui %ge3A_119 : i1 to i32
      %cond3A = arith.constant 0 : i32
      %cond3A_120 = arith.cmpi ne, %convert_element_type3A, %cond3A : i32
      scf.if %cond3A_120 {
        %dma_wait3A_269 = arith.constant 0 : i32
        %dma_wait3A_270 = arith.constant 0 : i32
        %dma_wait3A_271 = tpu.memref_slice %arg10[%dma_wait3A_269, %dma_wait3A_270] : memref<84x128xi32, #tpu.memory_space<vmem>> -> memref<1x128xi32, #tpu.memory_space<vmem>>
        %dma_wait3A_272 = tpu.memref_squeeze %dma_wait3A_271 : memref<1x128xi32, #tpu.memory_space<vmem>> -> memref<128xi32, #tpu.memory_space<vmem>>
        %dma_wait3A_273 = arith.constant 0 : i32
        %dma_wait3A_274 = arith.constant 0 : i32
        %dma_wait3A_275 = tpu.memref_slice %arg8[%dma_wait3A_273, %dma_wait3A_274] : memref<10240x64xf32, #tpu.memory_space<vmem_shared>> -> memref<10240x64xf32, #tpu.memory_space<vmem_shared>>
        tpu.wait_indirect_dma semaphore(%arg26 : memref<!tpu.dma_semaphore, #tpu.memory_space<semaphore_mem>>) src(%arg14 : memref<128x64xf32, #tpu.memory_space<vmem>>) dst(%dma_wait3A_275 : memref<10240x64xf32, #tpu.memory_space<vmem_shared>>)
      } else {
      }
      %add3A_121 = arith.constant 3 : i32
      %add3A_122 = arith.addi %add3A_118, %add3A_121 : i32
      %lt3A = arith.constant 84 : i32
      %lt3A_123 = arith.cmpi slt, %add3A_122, %lt3A : i32
      %convert_element_type3A_124 = arith.extui %lt3A_123 : i1 to i32
      %cond3A_125 = arith.constant 0 : i32
      %cond3A_126 = arith.cmpi ne, %convert_element_type3A_124, %cond3A_125 : i32
      scf.if %cond3A_126 {
        %add3A_269 = arith.constant 3 : i32
        %add3A_270 = arith.addi %add3A_118, %add3A_269 : i32
        %dma_start3A_271 = arith.constant 0 : i32
        %dma_start3A_272 = tpu.memref_slice %arg9[%add3A_270, %dma_start3A_271] : memref<84x128xi32, #tpu.memory_space<vmem>> -> memref<1x128xi32, #tpu.memory_space<vmem>>
        %dma_start3A_273 = tpu.memref_squeeze %dma_start3A_272 : memref<1x128xi32, #tpu.memory_space<vmem>> -> memref<128xi32, #tpu.memory_space<vmem>>
        %dma_start3A_274 = arith.constant 0 : i32
        %dma_start3A_275 = arith.constant 0 : i32
        %dma_start3A_276 = tpu.memref_slice %arg5[%dma_start3A_274, %dma_start3A_275] : memref<10240x64xf32, #tpu.memory_space<hbm>> -> memref<10240x64xf32, #tpu.memory_space<hbm>>
        tpu.enqueue_indirect_dma source(%dma_start3A_276 : memref<10240x64xf32, #tpu.memory_space<hbm>>) target(%arg14 : memref<128x64xf32, #tpu.memory_space<vmem>>) offsets(%dma_start3A_273 : memref<128xi32, #tpu.memory_space<vmem>>) semaphore(%arg20 : memref<!tpu.dma_semaphore, #tpu.memory_space<semaphore_mem>>)
      } else {
      }
      %dma_wait3A_127 = arith.constant 0 : i32
      %dma_wait3A_128 = tpu.memref_slice %arg9[%add3A_118, %dma_wait3A_127] : memref<84x128xi32, #tpu.memory_space<vmem>> -> memref<1x128xi32, #tpu.memory_space<vmem>>
      %dma_wait3A_129 = tpu.memref_squeeze %dma_wait3A_128 : memref<1x128xi32, #tpu.memory_space<vmem>> -> memref<128xi32, #tpu.memory_space<vmem>>
      %dma_wait3A_130 = arith.constant 0 : i32
      %dma_wait3A_131 = arith.constant 0 : i32
      %dma_wait3A_132 = tpu.memref_slice %arg5[%dma_wait3A_130, %dma_wait3A_131] : memref<10240x64xf32, #tpu.memory_space<hbm>> -> memref<10240x64xf32, #tpu.memory_space<hbm>>
      tpu.wait_indirect_dma semaphore(%arg17 : memref<!tpu.dma_semaphore, #tpu.memory_space<semaphore_mem>>) src(%dma_wait3A_132 : memref<10240x64xf32, #tpu.memory_space<hbm>>) dst(%arg11 : memref<128x64xf32, #tpu.memory_space<vmem>>)
      %dma_start3A_133 = arith.constant 0 : i32
      %dma_start3A_134 = tpu.memref_slice %arg10[%add3A_118, %dma_start3A_133] : memref<84x128xi32, #tpu.memory_space<vmem>> -> memref<1x128xi32, #tpu.memory_space<vmem>>
      %dma_start3A_135 = tpu.memref_squeeze %dma_start3A_134 : memref<1x128xi32, #tpu.memory_space<vmem>> -> memref<128xi32, #tpu.memory_space<vmem>>
      %dma_start3A_136 = arith.constant 0 : i32
      %dma_start3A_137 = arith.constant 0 : i32
      %dma_start3A_138 = tpu.memref_slice %arg8[%dma_start3A_136, %dma_start3A_137] : memref<10240x64xf32, #tpu.memory_space<vmem_shared>> -> memref<10240x64xf32, #tpu.memory_space<vmem_shared>>
      tpu.enqueue_indirect_dma source(%arg11 : memref<128x64xf32, #tpu.memory_space<vmem>>) target(%dma_start3A_138 : memref<10240x64xf32, #tpu.memory_space<vmem_shared>>) offsets(%dma_start3A_135 : memref<128xi32, #tpu.memory_space<vmem>>) semaphore(%arg23 : memref<!tpu.dma_semaphore, #tpu.memory_space<semaphore_mem>>) {add = true}
      %add3A_139 = arith.constant 1 : i32
      %add3A_140 = arith.addi %mul3A_116, %add3A_139 : i32
      %ge3A_141 = arith.constant 3 : i32
      %ge3A_142 = arith.cmpi sge, %add3A_140, %ge3A_141 : i32
      %convert_element_type3A_143 = arith.extui %ge3A_142 : i1 to i32
      %cond3A_144 = arith.constant 0 : i32
      %cond3A_145 = arith.cmpi ne, %convert_element_type3A_143, %cond3A_144 : i32
      scf.if %cond3A_145 {
        %dma_wait3A_269 = arith.constant 0 : i32
        %dma_wait3A_270 = arith.constant 0 : i32
        %dma_wait3A_271 = tpu.memref_slice %arg10[%dma_wait3A_269, %dma_wait3A_270] : memref<84x128xi32, #tpu.memory_space<vmem>> -> memref<1x128xi32, #tpu.memory_space<vmem>>
        %dma_wait3A_272 = tpu.memref_squeeze %dma_wait3A_271 : memref<1x128xi32, #tpu.memory_space<vmem>> -> memref<128xi32, #tpu.memory_space<vmem>>
        %dma_wait3A_273 = arith.constant 0 : i32
        %dma_wait3A_274 = arith.constant 0 : i32
        %dma_wait3A_275 = tpu.memref_slice %arg8[%dma_wait3A_273, %dma_wait3A_274] : memref<10240x64xf32, #tpu.memory_space<vmem_shared>> -> memref<10240x64xf32, #tpu.memory_space<vmem_shared>>
        tpu.wait_indirect_dma semaphore(%arg27 : memref<!tpu.dma_semaphore, #tpu.memory_space<semaphore_mem>>) src(%arg15 : memref<128x64xf32, #tpu.memory_space<vmem>>) dst(%dma_wait3A_275 : memref<10240x64xf32, #tpu.memory_space<vmem_shared>>)
      } else {
      }
      %add3A_146 = arith.constant 3 : i32
      %add3A_147 = arith.addi %add3A_140, %add3A_146 : i32
      %lt3A_148 = arith.constant 84 : i32
      %lt3A_149 = arith.cmpi slt, %add3A_147, %lt3A_148 : i32
      %convert_element_type3A_150 = arith.extui %lt3A_149 : i1 to i32
      %cond3A_151 = arith.constant 0 : i32
      %cond3A_152 = arith.cmpi ne, %convert_element_type3A_150, %cond3A_151 : i32
      scf.if %cond3A_152 {
        %add3A_269 = arith.constant 3 : i32
        %add3A_270 = arith.addi %add3A_140, %add3A_269 : i32
        %dma_start3A_271 = arith.constant 0 : i32
        %dma_start3A_272 = tpu.memref_slice %arg9[%add3A_270, %dma_start3A_271] : memref<84x128xi32, #tpu.memory_space<vmem>> -> memref<1x128xi32, #tpu.memory_space<vmem>>
        %dma_start3A_273 = tpu.memref_squeeze %dma_start3A_272 : memref<1x128xi32, #tpu.memory_space<vmem>> -> memref<128xi32, #tpu.memory_space<vmem>>
        %dma_start3A_274 = arith.constant 0 : i32
        %dma_start3A_275 = arith.constant 0 : i32
        %dma_start3A_276 = tpu.memref_slice %arg5[%dma_start3A_274, %dma_start3A_275] : memref<10240x64xf32, #tpu.memory_space<hbm>> -> memref<10240x64xf32, #tpu.memory_space<hbm>>
        tpu.enqueue_indirect_dma source(%dma_start3A_276 : memref<10240x64xf32, #tpu.memory_space<hbm>>) target(%arg15 : memref<128x64xf32, #tpu.memory_space<vmem>>) offsets(%dma_start3A_273 : memref<128xi32, #tpu.memory_space<vmem>>) semaphore(%arg21 : memref<!tpu.dma_semaphore, #tpu.memory_space<semaphore_mem>>)
      } else {
      }
      %dma_wait3A_153 = arith.constant 0 : i32
      %dma_wait3A_154 = tpu.memref_slice %arg9[%add3A_140, %dma_wait3A_153] : memref<84x128xi32, #tpu.memory_space<vmem>> -> memref<1x128xi32, #tpu.memory_space<vmem>>
      %dma_wait3A_155 = tpu.memref_squeeze %dma_wait3A_154 : memref<1x128xi32, #tpu.memory_space<vmem>> -> memref<128xi32, #tpu.memory_space<vmem>>
      %dma_wait3A_156 = arith.constant 0 : i32
      %dma_wait3A_157 = arith.constant 0 : i32
      %dma_wait3A_158 = tpu.memref_slice %arg5[%dma_wait3A_156, %dma_wait3A_157] : memref<10240x64xf32, #tpu.memory_space<hbm>> -> memref<10240x64xf32, #tpu.memory_space<hbm>>
      tpu.wait_indirect_dma semaphore(%arg18 : memref<!tpu.dma_semaphore, #tpu.memory_space<semaphore_mem>>) src(%dma_wait3A_158 : memref<10240x64xf32, #tpu.memory_space<hbm>>) dst(%arg12 : memref<128x64xf32, #tpu.memory_space<vmem>>)
      %dma_start3A_159 = arith.constant 0 : i32
      %dma_start3A_160 = tpu.memref_slice %arg10[%add3A_140, %dma_start3A_159] : memref<84x128xi32, #tpu.memory_space<vmem>> -> memref<1x128xi32, #tpu.memory_space<vmem>>
      %dma_start3A_161 = tpu.memref_squeeze %dma_start3A_160 : memref<1x128xi32, #tpu.memory_space<vmem>> -> memref<128xi32, #tpu.memory_space<vmem>>
      %dma_start3A_162 = arith.constant 0 : i32
      %dma_start3A_163 = arith.constant 0 : i32
      %dma_start3A_164 = tpu.memref_slice %arg8[%dma_start3A_162, %dma_start3A_163] : memref<10240x64xf32, #tpu.memory_space<vmem_shared>> -> memref<10240x64xf32, #tpu.memory_space<vmem_shared>>
      tpu.enqueue_indirect_dma source(%arg12 : memref<128x64xf32, #tpu.memory_space<vmem>>) target(%dma_start3A_164 : memref<10240x64xf32, #tpu.memory_space<vmem_shared>>) offsets(%dma_start3A_161 : memref<128xi32, #tpu.memory_space<vmem>>) semaphore(%arg24 : memref<!tpu.dma_semaphore, #tpu.memory_space<semaphore_mem>>) {add = true}
      %add3A_165 = arith.constant 2 : i32
      %add3A_166 = arith.addi %mul3A_116, %add3A_165 : i32
      %ge3A_167 = arith.constant 3 : i32
      %ge3A_168 = arith.cmpi sge, %add3A_166, %ge3A_167 : i32
      %convert_element_type3A_169 = arith.extui %ge3A_168 : i1 to i32
      %cond3A_170 = arith.constant 0 : i32
      %cond3A_171 = arith.cmpi ne, %convert_element_type3A_169, %cond3A_170 : i32
      scf.if %cond3A_171 {
        %dma_wait3A_269 = arith.constant 0 : i32
        %dma_wait3A_270 = arith.constant 0 : i32
        %dma_wait3A_271 = tpu.memref_slice %arg10[%dma_wait3A_269, %dma_wait3A_270] : memref<84x128xi32, #tpu.memory_space<vmem>> -> memref<1x128xi32, #tpu.memory_space<vmem>>
        %dma_wait3A_272 = tpu.memref_squeeze %dma_wait3A_271 : memref<1x128xi32, #tpu.memory_space<vmem>> -> memref<128xi32, #tpu.memory_space<vmem>>
        %dma_wait3A_273 = arith.constant 0 : i32
        %dma_wait3A_274 = arith.constant 0 : i32
        %dma_wait3A_275 = tpu.memref_slice %arg8[%dma_wait3A_273, %dma_wait3A_274] : memref<10240x64xf32, #tpu.memory_space<vmem_shared>> -> memref<10240x64xf32, #tpu.memory_space<vmem_shared>>
        tpu.wait_indirect_dma semaphore(%arg28 : memref<!tpu.dma_semaphore, #tpu.memory_space<semaphore_mem>>) src(%arg16 : memref<128x64xf32, #tpu.memory_space<vmem>>) dst(%dma_wait3A_275 : memref<10240x64xf32, #tpu.memory_space<vmem_shared>>)
      } else {
      }
      %add3A_172 = arith.constant 3 : i32
      %add3A_173 = arith.addi %add3A_166, %add3A_172 : i32
      %lt3A_174 = arith.constant 84 : i32
      %lt3A_175 = arith.cmpi slt, %add3A_173, %lt3A_174 : i32
      %convert_element_type3A_176 = arith.extui %lt3A_175 : i1 to i32
      %cond3A_177 = arith.constant 0 : i32
      %cond3A_178 = arith.cmpi ne, %convert_element_type3A_176, %cond3A_177 : i32
      scf.if %cond3A_178 {
        %add3A_269 = arith.constant 3 : i32
        %add3A_270 = arith.addi %add3A_166, %add3A_269 : i32
        %dma_start3A_271 = arith.constant 0 : i32
        %dma_start3A_272 = tpu.memref_slice %arg9[%add3A_270, %dma_start3A_271] : memref<84x128xi32, #tpu.memory_space<vmem>> -> memref<1x128xi32, #tpu.memory_space<vmem>>
        %dma_start3A_273 = tpu.memref_squeeze %dma_start3A_272 : memref<1x128xi32, #tpu.memory_space<vmem>> -> memref<128xi32, #tpu.memory_space<vmem>>
        %dma_start3A_274 = arith.constant 0 : i32
        %dma_start3A_275 = arith.constant 0 : i32
        %dma_start3A_276 = tpu.memref_slice %arg5[%dma_start3A_274, %dma_start3A_275] : memref<10240x64xf32, #tpu.memory_space<hbm>> -> memref<10240x64xf32, #tpu.memory_space<hbm>>
        tpu.enqueue_indirect_dma source(%dma_start3A_276 : memref<10240x64xf32, #tpu.memory_space<hbm>>) target(%arg16 : memref<128x64xf32, #tpu.memory_space<vmem>>) offsets(%dma_start3A_273 : memref<128xi32, #tpu.memory_space<vmem>>) semaphore(%arg22 : memref<!tpu.dma_semaphore, #tpu.memory_space<semaphore_mem>>)
      } else {
      }
      %dma_wait3A_179 = arith.constant 0 : i32
      %dma_wait3A_180 = tpu.memref_slice %arg9[%add3A_166, %dma_wait3A_179] : memref<84x128xi32, #tpu.memory_space<vmem>> -> memref<1x128xi32, #tpu.memory_space<vmem>>
      %dma_wait3A_181 = tpu.memref_squeeze %dma_wait3A_180 : memref<1x128xi32, #tpu.memory_space<vmem>> -> memref<128xi32, #tpu.memory_space<vmem>>
      %dma_wait3A_182 = arith.constant 0 : i32
      %dma_wait3A_183 = arith.constant 0 : i32
      %dma_wait3A_184 = tpu.memref_slice %arg5[%dma_wait3A_182, %dma_wait3A_183] : memref<10240x64xf32, #tpu.memory_space<hbm>> -> memref<10240x64xf32, #tpu.memory_space<hbm>>
      tpu.wait_indirect_dma semaphore(%arg19 : memref<!tpu.dma_semaphore, #tpu.memory_space<semaphore_mem>>) src(%dma_wait3A_184 : memref<10240x64xf32, #tpu.memory_space<hbm>>) dst(%arg13 : memref<128x64xf32, #tpu.memory_space<vmem>>)
      %dma_start3A_185 = arith.constant 0 : i32
      %dma_start3A_186 = tpu.memref_slice %arg10[%add3A_166, %dma_start3A_185] : memref<84x128xi32, #tpu.memory_space<vmem>> -> memref<1x128xi32, #tpu.memory_space<vmem>>
      %dma_start3A_187 = tpu.memref_squeeze %dma_start3A_186 : memref<1x128xi32, #tpu.memory_space<vmem>> -> memref<128xi32, #tpu.memory_space<vmem>>
      %dma_start3A_188 = arith.constant 0 : i32
      %dma_start3A_189 = arith.constant 0 : i32
      %dma_start3A_190 = tpu.memref_slice %arg8[%dma_start3A_188, %dma_start3A_189] : memref<10240x64xf32, #tpu.memory_space<vmem_shared>> -> memref<10240x64xf32, #tpu.memory_space<vmem_shared>>
      tpu.enqueue_indirect_dma source(%arg13 : memref<128x64xf32, #tpu.memory_space<vmem>>) target(%dma_start3A_190 : memref<10240x64xf32, #tpu.memory_space<vmem_shared>>) offsets(%dma_start3A_187 : memref<128xi32, #tpu.memory_space<vmem>>) semaphore(%arg25 : memref<!tpu.dma_semaphore, #tpu.memory_space<semaphore_mem>>) {add = true}
      %add3A_191 = arith.constant 3 : i32
      %add3A_192 = arith.addi %mul3A_116, %add3A_191 : i32
      %ge3A_193 = arith.constant 3 : i32
      %ge3A_194 = arith.cmpi sge, %add3A_192, %ge3A_193 : i32
      %convert_element_type3A_195 = arith.extui %ge3A_194 : i1 to i32
      %cond3A_196 = arith.constant 0 : i32
      %cond3A_197 = arith.cmpi ne, %convert_element_type3A_195, %cond3A_196 : i32
      scf.if %cond3A_197 {
        %dma_wait3A_269 = arith.constant 0 : i32
        %dma_wait3A_270 = arith.constant 0 : i32
        %dma_wait3A_271 = tpu.memref_slice %arg10[%dma_wait3A_269, %dma_wait3A_270] : memref<84x128xi32, #tpu.memory_space<vmem>> -> memref<1x128xi32, #tpu.memory_space<vmem>>
        %dma_wait3A_272 = tpu.memref_squeeze %dma_wait3A_271 : memref<1x128xi32, #tpu.memory_space<vmem>> -> memref<128xi32, #tpu.memory_space<vmem>>
        %dma_wait3A_273 = arith.constant 0 : i32
        %dma_wait3A_274 = arith.constant 0 : i32
        %dma_wait3A_275 = tpu.memref_slice %arg8[%dma_wait3A_273, %dma_wait3A_274] : memref<10240x64xf32, #tpu.memory_space<vmem_shared>> -> memref<10240x64xf32, #tpu.memory_space<vmem_shared>>
        tpu.wait_indirect_dma semaphore(%arg23 : memref<!tpu.dma_semaphore, #tpu.memory_space<semaphore_mem>>) src(%arg11 : memref<128x64xf32, #tpu.memory_space<vmem>>) dst(%dma_wait3A_275 : memref<10240x64xf32, #tpu.memory_space<vmem_shared>>)
      } else {
      }
      %add3A_198 = arith.constant 3 : i32
      %add3A_199 = arith.addi %add3A_192, %add3A_198 : i32
      %lt3A_200 = arith.constant 84 : i32
      %lt3A_201 = arith.cmpi slt, %add3A_199, %lt3A_200 : i32
      %convert_element_type3A_202 = arith.extui %lt3A_201 : i1 to i32
      %cond3A_203 = arith.constant 0 : i32
      %cond3A_204 = arith.cmpi ne, %convert_element_type3A_202, %cond3A_203 : i32
      scf.if %cond3A_204 {
        %add3A_269 = arith.constant 3 : i32
        %add3A_270 = arith.addi %add3A_192, %add3A_269 : i32
        %dma_start3A_271 = arith.constant 0 : i32
        %dma_start3A_272 = tpu.memref_slice %arg9[%add3A_270, %dma_start3A_271] : memref<84x128xi32, #tpu.memory_space<vmem>> -> memref<1x128xi32, #tpu.memory_space<vmem>>
        %dma_start3A_273 = tpu.memref_squeeze %dma_start3A_272 : memref<1x128xi32, #tpu.memory_space<vmem>> -> memref<128xi32, #tpu.memory_space<vmem>>
        %dma_start3A_274 = arith.constant 0 : i32
        %dma_start3A_275 = arith.constant 0 : i32
        %dma_start3A_276 = tpu.memref_slice %arg5[%dma_start3A_274, %dma_start3A_275] : memref<10240x64xf32, #tpu.memory_space<hbm>> -> memref<10240x64xf32, #tpu.memory_space<hbm>>
        tpu.enqueue_indirect_dma source(%dma_start3A_276 : memref<10240x64xf32, #tpu.memory_space<hbm>>) target(%arg11 : memref<128x64xf32, #tpu.memory_space<vmem>>) offsets(%dma_start3A_273 : memref<128xi32, #tpu.memory_space<vmem>>) semaphore(%arg17 : memref<!tpu.dma_semaphore, #tpu.memory_space<semaphore_mem>>)
      } else {
      }
      %dma_wait3A_205 = arith.constant 0 : i32
      %dma_wait3A_206 = tpu.memref_slice %arg9[%add3A_192, %dma_wait3A_205] : memref<84x128xi32, #tpu.memory_space<vmem>> -> memref<1x128xi32, #tpu.memory_space<vmem>>
      %dma_wait3A_207 = tpu.memref_squeeze %dma_wait3A_206 : memref<1x128xi32, #tpu.memory_space<vmem>> -> memref<128xi32, #tpu.memory_space<vmem>>
      %dma_wait3A_208 = arith.constant 0 : i32
      %dma_wait3A_209 = arith.constant 0 : i32
      %dma_wait3A_210 = tpu.memref_slice %arg5[%dma_wait3A_208, %dma_wait3A_209] : memref<10240x64xf32, #tpu.memory_space<hbm>> -> memref<10240x64xf32, #tpu.memory_space<hbm>>
      tpu.wait_indirect_dma semaphore(%arg20 : memref<!tpu.dma_semaphore, #tpu.memory_space<semaphore_mem>>) src(%dma_wait3A_210 : memref<10240x64xf32, #tpu.memory_space<hbm>>) dst(%arg14 : memref<128x64xf32, #tpu.memory_space<vmem>>)
      %dma_start3A_211 = arith.constant 0 : i32
      %dma_start3A_212 = tpu.memref_slice %arg10[%add3A_192, %dma_start3A_211] : memref<84x128xi32, #tpu.memory_space<vmem>> -> memref<1x128xi32, #tpu.memory_space<vmem>>
      %dma_start3A_213 = tpu.memref_squeeze %dma_start3A_212 : memref<1x128xi32, #tpu.memory_space<vmem>> -> memref<128xi32, #tpu.memory_space<vmem>>
      %dma_start3A_214 = arith.constant 0 : i32
      %dma_start3A_215 = arith.constant 0 : i32
      %dma_start3A_216 = tpu.memref_slice %arg8[%dma_start3A_214, %dma_start3A_215] : memref<10240x64xf32, #tpu.memory_space<vmem_shared>> -> memref<10240x64xf32, #tpu.memory_space<vmem_shared>>
      tpu.enqueue_indirect_dma source(%arg14 : memref<128x64xf32, #tpu.memory_space<vmem>>) target(%dma_start3A_216 : memref<10240x64xf32, #tpu.memory_space<vmem_shared>>) offsets(%dma_start3A_213 : memref<128xi32, #tpu.memory_space<vmem>>) semaphore(%arg26 : memref<!tpu.dma_semaphore, #tpu.memory_space<semaphore_mem>>) {add = true}
      %add3A_217 = arith.constant 4 : i32
      %add3A_218 = arith.addi %mul3A_116, %add3A_217 : i32
      %ge3A_219 = arith.constant 3 : i32
      %ge3A_220 = arith.cmpi sge, %add3A_218, %ge3A_219 : i32
      %convert_element_type3A_221 = arith.extui %ge3A_220 : i1 to i32
      %cond3A_222 = arith.constant 0 : i32
      %cond3A_223 = arith.cmpi ne, %convert_element_type3A_221, %cond3A_222 : i32
      scf.if %cond3A_223 {
        %dma_wait3A_269 = arith.constant 0 : i32
        %dma_wait3A_270 = arith.constant 0 : i32
        %dma_wait3A_271 = tpu.memref_slice %arg10[%dma_wait3A_269, %dma_wait3A_270] : memref<84x128xi32, #tpu.memory_space<vmem>> -> memref<1x128xi32, #tpu.memory_space<vmem>>
        %dma_wait3A_272 = tpu.memref_squeeze %dma_wait3A_271 : memref<1x128xi32, #tpu.memory_space<vmem>> -> memref<128xi32, #tpu.memory_space<vmem>>
        %dma_wait3A_273 = arith.constant 0 : i32
        %dma_wait3A_274 = arith.constant 0 : i32
        %dma_wait3A_275 = tpu.memref_slice %arg8[%dma_wait3A_273, %dma_wait3A_274] : memref<10240x64xf32, #tpu.memory_space<vmem_shared>> -> memref<10240x64xf32, #tpu.memory_space<vmem_shared>>
        tpu.wait_indirect_dma semaphore(%arg24 : memref<!tpu.dma_semaphore, #tpu.memory_space<semaphore_mem>>) src(%arg12 : memref<128x64xf32, #tpu.memory_space<vmem>>) dst(%dma_wait3A_275 : memref<10240x64xf32, #tpu.memory_space<vmem_shared>>)
      } else {
      }
      %add3A_224 = arith.constant 3 : i32
      %add3A_225 = arith.addi %add3A_218, %add3A_224 : i32
      %lt3A_226 = arith.constant 84 : i32
      %lt3A_227 = arith.cmpi slt, %add3A_225, %lt3A_226 : i32
      %convert_element_type3A_228 = arith.extui %lt3A_227 : i1 to i32
      %cond3A_229 = arith.constant 0 : i32
      %cond3A_230 = arith.cmpi ne, %convert_element_type3A_228, %cond3A_229 : i32
      scf.if %cond3A_230 {
        %add3A_269 = arith.constant 3 : i32
        %add3A_270 = arith.addi %add3A_218, %add3A_269 : i32
        %dma_start3A_271 = arith.constant 0 : i32
        %dma_start3A_272 = tpu.memref_slice %arg9[%add3A_270, %dma_start3A_271] : memref<84x128xi32, #tpu.memory_space<vmem>> -> memref<1x128xi32, #tpu.memory_space<vmem>>
        %dma_start3A_273 = tpu.memref_squeeze %dma_start3A_272 : memref<1x128xi32, #tpu.memory_space<vmem>> -> memref<128xi32, #tpu.memory_space<vmem>>
        %dma_start3A_274 = arith.constant 0 : i32
        %dma_start3A_275 = arith.constant 0 : i32
        %dma_start3A_276 = tpu.memref_slice %arg5[%dma_start3A_274, %dma_start3A_275] : memref<10240x64xf32, #tpu.memory_space<hbm>> -> memref<10240x64xf32, #tpu.memory_space<hbm>>
        tpu.enqueue_indirect_dma source(%dma_start3A_276 : memref<10240x64xf32, #tpu.memory_space<hbm>>) target(%arg12 : memref<128x64xf32, #tpu.memory_space<vmem>>) offsets(%dma_start3A_273 : memref<128xi32, #tpu.memory_space<vmem>>) semaphore(%arg18 : memref<!tpu.dma_semaphore, #tpu.memory_space<semaphore_mem>>)
      } else {
      }
      %dma_wait3A_231 = arith.constant 0 : i32
      %dma_wait3A_232 = tpu.memref_slice %arg9[%add3A_218, %dma_wait3A_231] : memref<84x128xi32, #tpu.memory_space<vmem>> -> memref<1x128xi32, #tpu.memory_space<vmem>>
      %dma_wait3A_233 = tpu.memref_squeeze %dma_wait3A_232 : memref<1x128xi32, #tpu.memory_space<vmem>> -> memref<128xi32, #tpu.memory_space<vmem>>
      %dma_wait3A_234 = arith.constant 0 : i32
      %dma_wait3A_235 = arith.constant 0 : i32
      %dma_wait3A_236 = tpu.memref_slice %arg5[%dma_wait3A_234, %dma_wait3A_235] : memref<10240x64xf32, #tpu.memory_space<hbm>> -> memref<10240x64xf32, #tpu.memory_space<hbm>>
      tpu.wait_indirect_dma semaphore(%arg21 : memref<!tpu.dma_semaphore, #tpu.memory_space<semaphore_mem>>) src(%dma_wait3A_236 : memref<10240x64xf32, #tpu.memory_space<hbm>>) dst(%arg15 : memref<128x64xf32, #tpu.memory_space<vmem>>)
      %dma_start3A_237 = arith.constant 0 : i32
      %dma_start3A_238 = tpu.memref_slice %arg10[%add3A_218, %dma_start3A_237] : memref<84x128xi32, #tpu.memory_space<vmem>> -> memref<1x128xi32, #tpu.memory_space<vmem>>
      %dma_start3A_239 = tpu.memref_squeeze %dma_start3A_238 : memref<1x128xi32, #tpu.memory_space<vmem>> -> memref<128xi32, #tpu.memory_space<vmem>>
      %dma_start3A_240 = arith.constant 0 : i32
      %dma_start3A_241 = arith.constant 0 : i32
      %dma_start3A_242 = tpu.memref_slice %arg8[%dma_start3A_240, %dma_start3A_241] : memref<10240x64xf32, #tpu.memory_space<vmem_shared>> -> memref<10240x64xf32, #tpu.memory_space<vmem_shared>>
      tpu.enqueue_indirect_dma source(%arg15 : memref<128x64xf32, #tpu.memory_space<vmem>>) target(%dma_start3A_242 : memref<10240x64xf32, #tpu.memory_space<vmem_shared>>) offsets(%dma_start3A_239 : memref<128xi32, #tpu.memory_space<vmem>>) semaphore(%arg27 : memref<!tpu.dma_semaphore, #tpu.memory_space<semaphore_mem>>) {add = true}
      %add3A_243 = arith.constant 5 : i32
      %add3A_244 = arith.addi %mul3A_116, %add3A_243 : i32
      %ge3A_245 = arith.constant 3 : i32
      %ge3A_246 = arith.cmpi sge, %add3A_244, %ge3A_245 : i32
      %convert_element_type3A_247 = arith.extui %ge3A_246 : i1 to i32
      %cond3A_248 = arith.constant 0 : i32
      %cond3A_249 = arith.cmpi ne, %convert_element_type3A_247, %cond3A_248 : i32
      scf.if %cond3A_249 {
        %dma_wait3A_269 = arith.constant 0 : i32
        %dma_wait3A_270 = arith.constant 0 : i32
        %dma_wait3A_271 = tpu.memref_slice %arg10[%dma_wait3A_269, %dma_wait3A_270] : memref<84x128xi32, #tpu.memory_space<vmem>> -> memref<1x128xi32, #tpu.memory_space<vmem>>
        %dma_wait3A_272 = tpu.memref_squeeze %dma_wait3A_271 : memref<1x128xi32, #tpu.memory_space<vmem>> -> memref<128xi32, #tpu.memory_space<vmem>>
        %dma_wait3A_273 = arith.constant 0 : i32
        %dma_wait3A_274 = arith.constant 0 : i32
        %dma_wait3A_275 = tpu.memref_slice %arg8[%dma_wait3A_273, %dma_wait3A_274] : memref<10240x64xf32, #tpu.memory_space<vmem_shared>> -> memref<10240x64xf32, #tpu.memory_space<vmem_shared>>
        tpu.wait_indirect_dma semaphore(%arg25 : memref<!tpu.dma_semaphore, #tpu.memory_space<semaphore_mem>>) src(%arg13 : memref<128x64xf32, #tpu.memory_space<vmem>>) dst(%dma_wait3A_275 : memref<10240x64xf32, #tpu.memory_space<vmem_shared>>)
      } else {
      }
      %add3A_250 = arith.constant 3 : i32
      %add3A_251 = arith.addi %add3A_244, %add3A_250 : i32
      %lt3A_252 = arith.constant 84 : i32
      %lt3A_253 = arith.cmpi slt, %add3A_251, %lt3A_252 : i32
      %convert_element_type3A_254 = arith.extui %lt3A_253 : i1 to i32
      %cond3A_255 = arith.constant 0 : i32
      %cond3A_256 = arith.cmpi ne, %convert_element_type3A_254, %cond3A_255 : i32
      scf.if %cond3A_256 {
        %add3A_269 = arith.constant 3 : i32
        %add3A_270 = arith.addi %add3A_244, %add3A_269 : i32
        %dma_start3A_271 = arith.constant 0 : i32
        %dma_start3A_272 = tpu.memref_slice %arg9[%add3A_270, %dma_start3A_271] : memref<84x128xi32, #tpu.memory_space<vmem>> -> memref<1x128xi32, #tpu.memory_space<vmem>>
        %dma_start3A_273 = tpu.memref_squeeze %dma_start3A_272 : memref<1x128xi32, #tpu.memory_space<vmem>> -> memref<128xi32, #tpu.memory_space<vmem>>
        %dma_start3A_274 = arith.constant 0 : i32
        %dma_start3A_275 = arith.constant 0 : i32
        %dma_start3A_276 = tpu.memref_slice %arg5[%dma_start3A_274, %dma_start3A_275] : memref<10240x64xf32, #tpu.memory_space<hbm>> -> memref<10240x64xf32, #tpu.memory_space<hbm>>
        tpu.enqueue_indirect_dma source(%dma_start3A_276 : memref<10240x64xf32, #tpu.memory_space<hbm>>) target(%arg13 : memref<128x64xf32, #tpu.memory_space<vmem>>) offsets(%dma_start3A_273 : memref<128xi32, #tpu.memory_space<vmem>>) semaphore(%arg19 : memref<!tpu.dma_semaphore, #tpu.memory_space<semaphore_mem>>)
      } else {
      }
      %dma_wait3A_257 = arith.constant 0 : i32
      %dma_wait3A_258 = tpu.memref_slice %arg9[%add3A_244, %dma_wait3A_257] : memref<84x128xi32, #tpu.memory_space<vmem>> -> memref<1x128xi32, #tpu.memory_space<vmem>>
      %dma_wait3A_259 = tpu.memref_squeeze %dma_wait3A_258 : memref<1x128xi32, #tpu.memory_space<vmem>> -> memref<128xi32, #tpu.memory_space<vmem>>
      %dma_wait3A_260 = arith.constant 0 : i32
      %dma_wait3A_261 = arith.constant 0 : i32
      %dma_wait3A_262 = tpu.memref_slice %arg5[%dma_wait3A_260, %dma_wait3A_261] : memref<10240x64xf32, #tpu.memory_space<hbm>> -> memref<10240x64xf32, #tpu.memory_space<hbm>>
      tpu.wait_indirect_dma semaphore(%arg22 : memref<!tpu.dma_semaphore, #tpu.memory_space<semaphore_mem>>) src(%dma_wait3A_262 : memref<10240x64xf32, #tpu.memory_space<hbm>>) dst(%arg16 : memref<128x64xf32, #tpu.memory_space<vmem>>)
      %dma_start3A_263 = arith.constant 0 : i32
      %dma_start3A_264 = tpu.memref_slice %arg10[%add3A_244, %dma_start3A_263] : memref<84x128xi32, #tpu.memory_space<vmem>> -> memref<1x128xi32, #tpu.memory_space<vmem>>
      %dma_start3A_265 = tpu.memref_squeeze %dma_start3A_264 : memref<1x128xi32, #tpu.memory_space<vmem>> -> memref<128xi32, #tpu.memory_space<vmem>>
      %dma_start3A_266 = arith.constant 0 : i32
      %dma_start3A_267 = arith.constant 0 : i32
      %dma_start3A_268 = tpu.memref_slice %arg8[%dma_start3A_266, %dma_start3A_267] : memref<10240x64xf32, #tpu.memory_space<vmem_shared>> -> memref<10240x64xf32, #tpu.memory_space<vmem_shared>>
      tpu.enqueue_indirect_dma source(%arg16 : memref<128x64xf32, #tpu.memory_space<vmem>>) target(%dma_start3A_268 : memref<10240x64xf32, #tpu.memory_space<vmem_shared>>) offsets(%dma_start3A_265 : memref<128xi32, #tpu.memory_space<vmem>>) semaphore(%arg28 : memref<!tpu.dma_semaphore, #tpu.memory_space<semaphore_mem>>) {add = true}
    }
    %scan3A_90 = arith.constant 14 : i32
    %dma_wait3A_91 = arith.constant 0 : i32
    %dma_wait3A_92 = arith.constant 0 : i32
    %dma_wait3A_93 = tpu.memref_slice %arg10[%dma_wait3A_91, %dma_wait3A_92] : memref<84x128xi32, #tpu.memory_space<vmem>> -> memref<1x128xi32, #tpu.memory_space<vmem>>
    %dma_wait3A_94 = tpu.memref_squeeze %dma_wait3A_93 : memref<1x128xi32, #tpu.memory_space<vmem>> -> memref<128xi32, #tpu.memory_space<vmem>>
    %dma_wait3A_95 = arith.constant 0 : i32
    %dma_wait3A_96 = arith.constant 0 : i32
    %dma_wait3A_97 = tpu.memref_slice %arg8[%dma_wait3A_95, %dma_wait3A_96] : memref<10240x64xf32, #tpu.memory_space<vmem_shared>> -> memref<10240x64xf32, #tpu.memory_space<vmem_shared>>
    tpu.wait_indirect_dma semaphore(%arg26 : memref<!tpu.dma_semaphore, #tpu.memory_space<semaphore_mem>>) src(%arg14 : memref<128x64xf32, #tpu.memory_space<vmem>>) dst(%dma_wait3A_97 : memref<10240x64xf32, #tpu.memory_space<vmem_shared>>)
    %dma_wait3A_98 = arith.constant 0 : i32
    %dma_wait3A_99 = arith.constant 0 : i32
    %dma_wait3A_100 = tpu.memref_slice %arg10[%dma_wait3A_98, %dma_wait3A_99] : memref<84x128xi32, #tpu.memory_space<vmem>> -> memref<1x128xi32, #tpu.memory_space<vmem>>
    %dma_wait3A_101 = tpu.memref_squeeze %dma_wait3A_100 : memref<1x128xi32, #tpu.memory_space<vmem>> -> memref<128xi32, #tpu.memory_space<vmem>>
    %dma_wait3A_102 = arith.constant 0 : i32
    %dma_wait3A_103 = arith.constant 0 : i32
    %dma_wait3A_104 = tpu.memref_slice %arg8[%dma_wait3A_102, %dma_wait3A_103] : memref<10240x64xf32, #tpu.memory_space<vmem_shared>> -> memref<10240x64xf32, #tpu.memory_space<vmem_shared>>
    tpu.wait_indirect_dma semaphore(%arg27 : memref<!tpu.dma_semaphore, #tpu.memory_space<semaphore_mem>>) src(%arg15 : memref<128x64xf32, #tpu.memory_space<vmem>>) dst(%dma_wait3A_104 : memref<10240x64xf32, #tpu.memory_space<vmem_shared>>)
    %dma_wait3A_105 = arith.constant 0 : i32
    %dma_wait3A_106 = arith.constant 0 : i32
    %dma_wait3A_107 = tpu.memref_slice %arg10[%dma_wait3A_105, %dma_wait3A_106] : memref<84x128xi32, #tpu.memory_space<vmem>> -> memref<1x128xi32, #tpu.memory_space<vmem>>
    %dma_wait3A_108 = tpu.memref_squeeze %dma_wait3A_107 : memref<1x128xi32, #tpu.memory_space<vmem>> -> memref<128xi32, #tpu.memory_space<vmem>>
    %dma_wait3A_109 = arith.constant 0 : i32
    %dma_wait3A_110 = arith.constant 0 : i32
    %dma_wait3A_111 = tpu.memref_slice %arg8[%dma_wait3A_109, %dma_wait3A_110] : memref<10240x64xf32, #tpu.memory_space<vmem_shared>> -> memref<10240x64xf32, #tpu.memory_space<vmem_shared>>
    tpu.wait_indirect_dma semaphore(%arg28 : memref<!tpu.dma_semaphore, #tpu.memory_space<semaphore_mem>>) src(%arg16 : memref<128x64xf32, #tpu.memory_space<vmem>>) dst(%dma_wait3A_111 : memref<10240x64xf32, #tpu.memory_space<vmem_shared>>)
    %barrier3A_112 = arith.constant 0 : index
    tpu.barrier barrier_id(%barrier3A_112)
    %add3A_113 = arith.addi %add3A_62, %mul3A_2 : i32
    "tpu.region"() ({
      %run_scoped3A = tpu.sem_alloc : memref<!tpu.dma_semaphore, #tpu.memory_space<semaphore_mem>>
      %dma_start3A_114 = arith.constant 0 : i32
      %dma_start3A_115 = tpu.memref_slice %arg7[%add3A_113, %dma_start3A_114] : memref<40960x64xf32, #tpu.memory_space<hbm>> -> memref<640x64xf32, #tpu.memory_space<hbm>>
      %dma_start3A_116 = arith.constant 0 : i32
      %dma_start3A_117 = tpu.memref_slice %arg8[%mul3A_2, %dma_start3A_116] : memref<10240x64xf32, #tpu.memory_space<vmem_shared>> -> memref<640x64xf32, #tpu.memory_space<vmem_shared>>
      tpu.enqueue_dma source(%dma_start3A_117 : memref<640x64xf32, #tpu.memory_space<vmem_shared>>) target(%dma_start3A_115 : memref<640x64xf32, #tpu.memory_space<hbm>>) target_semaphore(%run_scoped3A : memref<!tpu.dma_semaphore, #tpu.memory_space<semaphore_mem>>)
      %dma_wait3A_118 = arith.constant 0 : i32
      %dma_wait3A_119 = tpu.memref_slice %arg7[%add3A_113, %dma_wait3A_118] : memref<40960x64xf32, #tpu.memory_space<hbm>> -> memref<640x64xf32, #tpu.memory_space<hbm>>
      %dma_wait3A_120 = arith.constant 0 : i32
      %dma_wait3A_121 = tpu.memref_slice %arg8[%mul3A_2, %dma_wait3A_120] : memref<10240x64xf32, #tpu.memory_space<vmem_shared>> -> memref<640x64xf32, #tpu.memory_space<vmem_shared>>
      tpu.wait_dma2 semaphore(%run_scoped3A : memref<!tpu.dma_semaphore, #tpu.memory_space<semaphore_mem>>) src(%dma_wait3A_121 : memref<640x64xf32, #tpu.memory_space<vmem_shared>>) dst(%dma_wait3A_119 : memref<640x64xf32, #tpu.memory_space<hbm>>)
      tpu.yield
    }) : () -> ()
    return
  }
}

module attributes {stable_mosaic.version = 14 : i64} {
  func.func @_first_body(%arg0: i32, %arg1: memref<256x128xf32, #tpu.memory_space<vmem>>, %arg2: memref<128x128xf32, #tpu.memory_space<vmem>>, %arg3: memref<256x16xf32, #tpu.memory_space<vmem>>, %arg4: memref<256x16xf32, #tpu.memory_space<vmem>>, %arg5: memref<256x128xf32, #tpu.memory_space<vmem>>, %arg6: memref<256x64xf32, #tpu.memory_space<vmem>>, %arg7: memref<256x64xf32, #tpu.memory_space<vmem>>) attributes {dimension_semantics = [#tpu.dimension_semantics<arbitrary>], iteration_bounds = array<i64: 40>, scalar_prefetch = 0 : i64, scratch_operands = 0 : i64, tpu.core_type = #tpu.core_type<tc>, window_params = [{transform_indices = @transform_0, window_bounds = array<i64: 256, 128>}, {pipeline_mode = #tpu.pipeline_mode<synchronous>, transform_indices = @transform_1, window_bounds = array<i64: 128, 128>}, {transform_indices = @transform_2, window_bounds = array<i64: 256, 16>}, {transform_indices = @transform_3, window_bounds = array<i64: 256, 16>}, {transform_indices = @transform_4, window_bounds = array<i64: 256, 128>}, {transform_indices = @transform_5, window_bounds = array<i64: 256, 64>}, {transform_indices = @transform_6, window_bounds = array<i64: 256, 64>}]} {
    %get3A = arith.constant 0 : index
    %get3A_0 = arith.constant 0 : index
    %get3A_1 = vector.load %arg3[%get3A, %get3A_0] : memref<256x16xf32, #tpu.memory_space<vmem>>, vector<256x1xf32>
    %get3A_2 = arith.constant 0 : index
    %get3A_3 = arith.constant 0 : index
    %get3A_4 = vector.load %arg4[%get3A_2, %get3A_3] : memref<256x16xf32, #tpu.memory_space<vmem>>, vector<256x1xf32>
    %add3A = arith.addf %get3A_1, %get3A_4 : vector<256x1xf32>
    %gt3A = arith.constant 0.000000e+00 : f32
    %gt3A_5 = vector.broadcast %gt3A : f32 to vector<256x1xf32>
    %gt3A_6 = arith.cmpf ogt, %add3A, %gt3A_5 : vector<256x1xf32>
    %max3A = arith.constant 9.99999996E-13 : f32
    %max3A_7 = vector.broadcast %max3A : f32 to vector<256x1xf32>
    %max3A_8 = arith.maximumf %add3A, %max3A_7 : vector<256x1xf32>
    %rsqrt3A = math.rsqrt %max3A_8 : vector<256x1xf32>
    %jit3A = arith.constant 0.000000e+00 : f32
    %broadcast_in_dim3A = vector.broadcast %jit3A : f32 to vector<256x1xf32>
    %select_n3A = arith.select %gt3A_6, %rsqrt3A, %broadcast_in_dim3A : vector<256x1xi1>, vector<256x1xf32>
    %broadcast_in_dim3A_9 = vector.shape_cast %select_n3A : vector<256x1xf32> to vector<256x1xf32>
    %broadcast_in_dim3A_10 = vector.broadcast %broadcast_in_dim3A_9 : vector<256x1xf32> to vector<256x128xf32>
    %swap3A = arith.constant 0 : index
    %swap3A_11 = arith.constant 0 : index
    %swap3A_12 = vector.load %arg5[%swap3A, %swap3A_11] : memref<256x128xf32, #tpu.memory_space<vmem>>, vector<256x128xf32>
    tpu.vector_store %arg5[%swap3A, %swap3A_11], %broadcast_in_dim3A_10 {strides = array<i32>} : memref<256x128xf32, #tpu.memory_space<vmem>>, vector<256x128xf32>,
    %get3A_13 = arith.constant 0 : index
    %get3A_14 = arith.constant 0 : index
    %get3A_15 = vector.load %arg1[%get3A_13, %get3A_14] : memref<256x128xf32, #tpu.memory_space<vmem>>, vector<256x128xf32>
    %get3A_16 = arith.constant 0 : index
    %get3A_17 = arith.constant 0 : index
    %get3A_18 = vector.load %arg2[%get3A_16, %get3A_17] : memref<128x128xf32, #tpu.memory_space<vmem>>, vector<128x128xf32>
    %dot_general3A = arith.constant dense<0.000000e+00> : vector<256x128xf32>
    %dot_general3A_19 = tpu.matmul %get3A_15, %get3A_18, %dot_general3A {dimension_numbers = #tpu.dot_dimension_numbers<[1], [0], [0], [1], [0, 0, 1, 1], [], []>, transpose_lhs_hint = false} : vector<256x128xf32>, vector<128x128xf32>, vector<256x128xf32> -> vector<256x128xf32>
    %mul3A = arith.mulf %broadcast_in_dim3A_10, %dot_general3A_19 : vector<256x128xf32>
    %slice3A = vector.extract_strided_slice %mul3A {offsets = [0, 0], sizes = [256, 64], strides = [1, 1]} : vector<256x128xf32> to vector<256x64xf32>
    %swap3A_20 = arith.constant 0 : index
    %swap3A_21 = arith.constant 0 : index
    %swap3A_22 = vector.load %arg6[%swap3A_20, %swap3A_21] : memref<256x64xf32, #tpu.memory_space<vmem>>, vector<256x64xf32>
    tpu.vector_store %arg6[%swap3A_20, %swap3A_21], %slice3A {strides = array<i32>} : memref<256x64xf32, #tpu.memory_space<vmem>>, vector<256x64xf32>,
    %slice3A_23 = vector.extract_strided_slice %mul3A {offsets = [0, 64], sizes = [256, 64], strides = [1, 1]} : vector<256x128xf32> to vector<256x64xf32>
    %swap3A_24 = arith.constant 0 : index
    %swap3A_25 = arith.constant 0 : index
    %swap3A_26 = vector.load %arg7[%swap3A_24, %swap3A_25] : memref<256x64xf32, #tpu.memory_space<vmem>>, vector<256x64xf32>
    tpu.vector_store %arg7[%swap3A_24, %swap3A_25], %slice3A_23 {strides = array<i32>} : memref<256x64xf32, #tpu.memory_space<vmem>>, vector<256x64xf32>,
    return
  }
  func.func @transform_0(%arg0: i32) -> (i32, i32) {
    %c0_i32 = arith.constant 0 : i32
    %c0_i32_0 = arith.constant 0 : i32
    return %arg0, %c0_i32 : i32, i32
  }
  func.func @transform_1(%arg0: i32) -> (i32, i32) {
    %c0_i32 = arith.constant 0 : i32
    %c0_i32_0 = arith.constant 0 : i32
    %c0_i32_1 = arith.constant 0 : i32
    return %c0_i32, %c0_i32_0 : i32, i32
  }
  func.func @transform_2(%arg0: i32) -> (i32, i32) {
    %c0_i32 = arith.constant 0 : i32
    %c0_i32_0 = arith.constant 0 : i32
    return %arg0, %c0_i32 : i32, i32
  }
  func.func @transform_3(%arg0: i32) -> (i32, i32) {
    %add3A = arith.constant 40 : i32
    %add3A_0 = arith.addi %arg0, %add3A : i32
    %c0_i32 = arith.constant 0 : i32
    %c0_i32_1 = arith.constant 0 : i32
    return %add3A_0, %c0_i32 : i32, i32
  }
  func.func @transform_4(%arg0: i32) -> (i32, i32) {
    %c0_i32 = arith.constant 0 : i32
    %c0_i32_0 = arith.constant 0 : i32
    return %arg0, %c0_i32 : i32, i32
  }
  func.func @transform_5(%arg0: i32) -> (i32, i32) {
    %c0_i32 = arith.constant 0 : i32
    %c0_i32_0 = arith.constant 0 : i32
    return %arg0, %c0_i32 : i32, i32
  }
  func.func @transform_6(%arg0: i32) -> (i32, i32) {
    %c0_i32 = arith.constant 0 : i32
    %c0_i32_0 = arith.constant 0 : i32
    return %arg0, %c0_i32 : i32, i32
  }
}

module attributes {stable_mosaic.version = 14 : i64} {
  func.func @_mix_body(%arg0: i32, %arg1: memref<256x64xf32, #tpu.memory_space<vmem>>, %arg2: memref<256x64xf32, #tpu.memory_space<vmem>>, %arg3: memref<256x64xf32, #tpu.memory_space<vmem>>, %arg4: memref<256x64xf32, #tpu.memory_space<vmem>>, %arg5: memref<256x128xf32, #tpu.memory_space<vmem>>, %arg6: memref<1x128xf32, #tpu.memory_space<vmem>>, %arg7: memref<128x128xf32, #tpu.memory_space<vmem>>, %arg8: memref<256x64xf32, #tpu.memory_space<vmem>>, %arg9: memref<256x64xf32, #tpu.memory_space<vmem>>) attributes {dimension_semantics = [#tpu.dimension_semantics<arbitrary>], iteration_bounds = array<i64: 40>, scalar_prefetch = 0 : i64, scratch_operands = 0 : i64, tpu.core_type = #tpu.core_type<tc>, window_params = [{transform_indices = @transform_0, window_bounds = array<i64: 256, 64>}, {transform_indices = @transform_1, window_bounds = array<i64: 256, 64>}, {transform_indices = @transform_2, window_bounds = array<i64: 256, 64>}, {transform_indices = @transform_3, window_bounds = array<i64: 256, 64>}, {transform_indices = @transform_4, window_bounds = array<i64: 256, 128>}, {pipeline_mode = #tpu.pipeline_mode<synchronous>, transform_indices = @transform_5, window_bounds = array<i64: 1, 128>}, {pipeline_mode = #tpu.pipeline_mode<synchronous>, transform_indices = @transform_6, window_bounds = array<i64: 128, 128>}, {transform_indices = @transform_7, window_bounds = array<i64: 256, 64>}, {transform_indices = @transform_8, window_bounds = array<i64: 256, 64>}]} {
    %get3A = arith.constant 0 : index
    %get3A_0 = arith.constant 0 : index
    %get3A_1 = vector.load %arg1[%get3A, %get3A_0] : memref<256x64xf32, #tpu.memory_space<vmem>>, vector<256x64xf32>
    %get3A_2 = arith.constant 0 : index
    %get3A_3 = arith.constant 0 : index
    %get3A_4 = vector.load %arg2[%get3A_2, %get3A_3] : memref<256x64xf32, #tpu.memory_space<vmem>>, vector<256x64xf32>
    %add3A = arith.addf %get3A_1, %get3A_4 : vector<256x64xf32>
    %get3A_5 = arith.constant 0 : index
    %get3A_6 = arith.constant 0 : index
    %get3A_7 = vector.load %arg3[%get3A_5, %get3A_6] : memref<256x64xf32, #tpu.memory_space<vmem>>, vector<256x64xf32>
    %get3A_8 = arith.constant 0 : index
    %get3A_9 = arith.constant 0 : index
    %get3A_10 = vector.load %arg4[%get3A_8, %get3A_9] : memref<256x64xf32, #tpu.memory_space<vmem>>, vector<256x64xf32>
    %add3A_11 = arith.addf %get3A_7, %get3A_10 : vector<256x64xf32>
    %concatenate3A = tpu.concatenate %add3A, %add3A_11 in 1 : vector<256x64xf32>, vector<256x64xf32> -> vector<256x128xf32>
    %get3A_12 = arith.constant 0 : index
    %get3A_13 = arith.constant 0 : index
    %get3A_14 = vector.load %arg5[%get3A_12, %get3A_13] : memref<256x128xf32, #tpu.memory_space<vmem>>, vector<256x128xf32>
    %mul3A = arith.mulf %get3A_14, %concatenate3A : vector<256x128xf32>
    %get3A_15 = arith.constant 0 : index
    %get3A_16 = arith.constant 0 : index
    %get3A_17 = vector.load %arg6[%get3A_15, %get3A_16] : memref<1x128xf32, #tpu.memory_space<vmem>>, vector<1x128xf32>
    %add3A_18 = vector.broadcast %get3A_17 : vector<1x128xf32> to vector<256x128xf32>
    %add3A_19 = arith.addf %mul3A, %add3A_18 : vector<256x128xf32>
    %max3A = arith.constant 0.000000e+00 : f32
    %max3A_20 = vector.broadcast %max3A : f32 to vector<256x128xf32>
    %max3A_21 = arith.maximumf %add3A_19, %max3A_20 : vector<256x128xf32>
    %get3A_22 = arith.constant 0 : index
    %get3A_23 = arith.constant 0 : index
    %get3A_24 = vector.load %arg5[%get3A_22, %get3A_23] : memref<256x128xf32, #tpu.memory_space<vmem>>, vector<256x128xf32>
    %get3A_25 = arith.constant 0 : index
    %get3A_26 = arith.constant 0 : index
    %get3A_27 = vector.load %arg7[%get3A_25, %get3A_26] : memref<128x128xf32, #tpu.memory_space<vmem>>, vector<128x128xf32>
    %dot_general3A = arith.constant dense<0.000000e+00> : vector<256x128xf32>
    %dot_general3A_28 = tpu.matmul %max3A_21, %get3A_27, %dot_general3A {dimension_numbers = #tpu.dot_dimension_numbers<[1], [0], [0], [1], [0, 0, 1, 1], [], []>, transpose_lhs_hint = false} : vector<256x128xf32>, vector<128x128xf32>, vector<256x128xf32> -> vector<256x128xf32>
    %mul3A_29 = arith.mulf %get3A_24, %dot_general3A_28 : vector<256x128xf32>
    %slice3A = vector.extract_strided_slice %mul3A_29 {offsets = [0, 0], sizes = [256, 64], strides = [1, 1]} : vector<256x128xf32> to vector<256x64xf32>
    %swap3A = arith.constant 0 : index
    %swap3A_30 = arith.constant 0 : index
    %swap3A_31 = vector.load %arg8[%swap3A, %swap3A_30] : memref<256x64xf32, #tpu.memory_space<vmem>>, vector<256x64xf32>
    tpu.vector_store %arg8[%swap3A, %swap3A_30], %slice3A {strides = array<i32>} : memref<256x64xf32, #tpu.memory_space<vmem>>, vector<256x64xf32>,
    %slice3A_32 = vector.extract_strided_slice %mul3A_29 {offsets = [0, 64], sizes = [256, 64], strides = [1, 1]} : vector<256x128xf32> to vector<256x64xf32>
    %swap3A_33 = arith.constant 0 : index
    %swap3A_34 = arith.constant 0 : index
    %swap3A_35 = vector.load %arg9[%swap3A_33, %swap3A_34] : memref<256x64xf32, #tpu.memory_space<vmem>>, vector<256x64xf32>
    tpu.vector_store %arg9[%swap3A_33, %swap3A_34], %slice3A_32 {strides = array<i32>} : memref<256x64xf32, #tpu.memory_space<vmem>>, vector<256x64xf32>,
    return
  }
  func.func @transform_0(%arg0: i32) -> (i32, i32) {
    %c0_i32 = arith.constant 0 : i32
    %c0_i32_0 = arith.constant 0 : i32
    return %arg0, %c0_i32 : i32, i32
  }
  func.func @transform_1(%arg0: i32) -> (i32, i32) {
    %add3A = arith.constant 80 : i32
    %add3A_0 = arith.addi %arg0, %add3A : i32
    %c0_i32 = arith.constant 0 : i32
    %c0_i32_1 = arith.constant 0 : i32
    return %add3A_0, %c0_i32 : i32, i32
  }
  func.func @transform_2(%arg0: i32) -> (i32, i32) {
    %add3A = arith.constant 40 : i32
    %add3A_0 = arith.addi %arg0, %add3A : i32
    %c0_i32 = arith.constant 0 : i32
    %c0_i32_1 = arith.constant 0 : i32
    return %add3A_0, %c0_i32 : i32, i32
  }
  func.func @transform_3(%arg0: i32) -> (i32, i32) {
    %add3A = arith.constant 120 : i32
    %add3A_0 = arith.addi %arg0, %add3A : i32
    %c0_i32 = arith.constant 0 : i32
    %c0_i32_1 = arith.constant 0 : i32
    return %add3A_0, %c0_i32 : i32, i32
  }
  func.func @transform_4(%arg0: i32) -> (i32, i32) {
    %c0_i32 = arith.constant 0 : i32
    %c0_i32_0 = arith.constant 0 : i32
    return %arg0, %c0_i32 : i32, i32
  }
  func.func @transform_5(%arg0: i32) -> (i32, i32) {
    %c0_i32 = arith.constant 0 : i32
    %c0_i32_0 = arith.constant 0 : i32
    %c0_i32_1 = arith.constant 0 : i32
    return %c0_i32, %c0_i32_0 : i32, i32
  }
  func.func @transform_6(%arg0: i32) -> (i32, i32) {
    %c0_i32 = arith.constant 0 : i32
    %c0_i32_0 = arith.constant 0 : i32
    %c0_i32_1 = arith.constant 0 : i32
    return %c0_i32, %c0_i32_0 : i32, i32
  }
  func.func @transform_7(%arg0: i32) -> (i32, i32) {
    %c0_i32 = arith.constant 0 : i32
    %c0_i32_0 = arith.constant 0 : i32
    return %arg0, %c0_i32 : i32, i32
  }
  func.func @transform_8(%arg0: i32) -> (i32, i32) {
    %c0_i32 = arith.constant 0 : i32
    %c0_i32_0 = arith.constant 0 : i32
    return %arg0, %c0_i32 : i32, i32
  }
}

module attributes {stable_mosaic.version = 14 : i64} {
  func.func @_final_body(%arg0: i32, %arg1: memref<256x64xf32, #tpu.memory_space<vmem>>, %arg2: memref<256x64xf32, #tpu.memory_space<vmem>>, %arg3: memref<256x64xf32, #tpu.memory_space<vmem>>, %arg4: memref<256x64xf32, #tpu.memory_space<vmem>>, %arg5: memref<256x128xf32, #tpu.memory_space<vmem>>, %arg6: memref<1x128xf32, #tpu.memory_space<vmem>>, %arg7: memref<256x128xf32, #tpu.memory_space<vmem>>) attributes {dimension_semantics = [#tpu.dimension_semantics<arbitrary>], iteration_bounds = array<i64: 40>, scalar_prefetch = 0 : i64, scratch_operands = 0 : i64, tpu.core_type = #tpu.core_type<tc>, window_params = [{transform_indices = @transform_0, window_bounds = array<i64: 256, 64>}, {transform_indices = @transform_1, window_bounds = array<i64: 256, 64>}, {transform_indices = @transform_2, window_bounds = array<i64: 256, 64>}, {transform_indices = @transform_3, window_bounds = array<i64: 256, 64>}, {transform_indices = @transform_4, window_bounds = array<i64: 256, 128>}, {pipeline_mode = #tpu.pipeline_mode<synchronous>, transform_indices = @transform_5, window_bounds = array<i64: 1, 128>}, {transform_indices = @transform_6, window_bounds = array<i64: 256, 128>}]} {
    %get3A = arith.constant 0 : index
    %get3A_0 = arith.constant 0 : index
    %get3A_1 = vector.load %arg1[%get3A, %get3A_0] : memref<256x64xf32, #tpu.memory_space<vmem>>, vector<256x64xf32>
    %get3A_2 = arith.constant 0 : index
    %get3A_3 = arith.constant 0 : index
    %get3A_4 = vector.load %arg2[%get3A_2, %get3A_3] : memref<256x64xf32, #tpu.memory_space<vmem>>, vector<256x64xf32>
    %add3A = arith.addf %get3A_1, %get3A_4 : vector<256x64xf32>
    %get3A_5 = arith.constant 0 : index
    %get3A_6 = arith.constant 0 : index
    %get3A_7 = vector.load %arg3[%get3A_5, %get3A_6] : memref<256x64xf32, #tpu.memory_space<vmem>>, vector<256x64xf32>
    %get3A_8 = arith.constant 0 : index
    %get3A_9 = arith.constant 0 : index
    %get3A_10 = vector.load %arg4[%get3A_8, %get3A_9] : memref<256x64xf32, #tpu.memory_space<vmem>>, vector<256x64xf32>
    %add3A_11 = arith.addf %get3A_7, %get3A_10 : vector<256x64xf32>
    %concatenate3A = tpu.concatenate %add3A, %add3A_11 in 1 : vector<256x64xf32>, vector<256x64xf32> -> vector<256x128xf32>
    %get3A_12 = arith.constant 0 : index
    %get3A_13 = arith.constant 0 : index
    %get3A_14 = vector.load %arg5[%get3A_12, %get3A_13] : memref<256x128xf32, #tpu.memory_space<vmem>>, vector<256x128xf32>
    %mul3A = arith.mulf %get3A_14, %concatenate3A : vector<256x128xf32>
    %get3A_15 = arith.constant 0 : index
    %get3A_16 = arith.constant 0 : index
    %get3A_17 = vector.load %arg6[%get3A_15, %get3A_16] : memref<1x128xf32, #tpu.memory_space<vmem>>, vector<1x128xf32>
    %add3A_18 = vector.broadcast %get3A_17 : vector<1x128xf32> to vector<256x128xf32>
    %add3A_19 = arith.addf %mul3A, %add3A_18 : vector<256x128xf32>
    %swap3A = arith.constant 0 : index
    %swap3A_20 = arith.constant 0 : index
    %swap3A_21 = vector.load %arg7[%swap3A, %swap3A_20] : memref<256x128xf32, #tpu.memory_space<vmem>>, vector<256x128xf32>
    tpu.vector_store %arg7[%swap3A, %swap3A_20], %add3A_19 {strides = array<i32>} : memref<256x128xf32, #tpu.memory_space<vmem>>, vector<256x128xf32>,
    return
  }
  func.func @transform_0(%arg0: i32) -> (i32, i32) {
    %c0_i32 = arith.constant 0 : i32
    %c0_i32_0 = arith.constant 0 : i32
    return %arg0, %c0_i32 : i32, i32
  }
  func.func @transform_1(%arg0: i32) -> (i32, i32) {
    %add3A = arith.constant 80 : i32
    %add3A_0 = arith.addi %arg0, %add3A : i32
    %c0_i32 = arith.constant 0 : i32
    %c0_i32_1 = arith.constant 0 : i32
    return %add3A_0, %c0_i32 : i32, i32
  }
  func.func @transform_2(%arg0: i32) -> (i32, i32) {
    %add3A = arith.constant 40 : i32
    %add3A_0 = arith.addi %arg0, %add3A : i32
    %c0_i32 = arith.constant 0 : i32
    %c0_i32_1 = arith.constant 0 : i32
    return %add3A_0, %c0_i32 : i32, i32
  }
  func.func @transform_3(%arg0: i32) -> (i32, i32) {
    %add3A = arith.constant 120 : i32
    %add3A_0 = arith.addi %arg0, %add3A : i32
    %c0_i32 = arith.constant 0 : i32
    %c0_i32_1 = arith.constant 0 : i32
    return %add3A_0, %c0_i32 : i32, i32
  }
  func.func @transform_4(%arg0: i32) -> (i32, i32) {
    %c0_i32 = arith.constant 0 : i32
    %c0_i32_0 = arith.constant 0 : i32
    return %arg0, %c0_i32 : i32, i32
  }
  func.func @transform_5(%arg0: i32) -> (i32, i32) {
    %c0_i32 = arith.constant 0 : i32
    %c0_i32_0 = arith.constant 0 : i32
    %c0_i32_1 = arith.constant 0 : i32
    return %c0_i32, %c0_i32_0 : i32, i32
  }
  func.func @transform_6(%arg0: i32) -> (i32, i32) {
    %c0_i32 = arith.constant 0 : i32
    %c0_i32_0 = arith.constant 0 : i32
    return %arg0, %c0_i32 : i32, i32
  }
}

</mosaic_0001>

<sc_bundles>
// kernel: kernel.10.cloned.1.call-start
scs
__scs_entry_jumppad:
0x0: {  	(pc) =	sbr.rel $0x88, $3  }
0x1: {  	(tag) =	ssettag $0x0;
	lr =	simm.s32 $0x1  }
0x2: {  	[smem:$0x3F99] =	sst lr;
	_ =	strace $0xD0000000  }
0x3: {  	_ = 	snop  }
0x4: {  	_ = 	snop  }
0x5: {  	_ = 	snop  }
0x6: {  	_ = 	snop  }
0x7: {  	_ = 	snop  }
__scs_overlays_trampoline_lowered:
0x8: {  	[smem:$0x3FA8] =	sst s0  }
0x9: {  	[smem:$0x3FA9] =	sst s1  }
0xa: {  	[smem:$0x3FAA] =	sst s2  }
0xb: {  	[smem:$0x3FAB] =	sst s3  }
0xc: {  	[smem:$0x3FAC] =	sst s4  }
0xd: {  	[smem:$0x3FAD] =	sst s5  }
0xe: {  	[smem:$0x3FAE] =	sst s6  }
0xf: {  	[smem:$0x3FAF] =	sst s7  }
0x10: {  	[smem:$0x3FB0] =	sst s8  }
0x11: {  	[smem:$0x3FB1] =	sst s9;
	s0 =	simm.s32 @!p0 $0x0  }
0x12: {  	s1 =	sld [smem:$0x3F97];
	s0 =	simm.s32 @p0 $0x1  }
0x13: {  	[smem:$0x3FB2] =	sst s0;
	s0 =	simm.s32 @!p1 $0x0  }
0x14: {  	s2 =	sld [smem:$0x3F96];
	s0 =	simm.s32 @p1 $0x1  }
0x15: {  	[smem:$0x3FB3] =	sst s0;
	s0 =	simm.s32 @!p2 $0x0  }
0x16: {  	s3 =	sld [smem:$0x3FDB];
	s0 =	simm.s32 @p2 $0x1  }
0x17: {  	s4 =	simm.s32 $0x1BF5;
	[smem:$0x3FB5] =	sst s0  }
0x18: {  	s0 =	sld [smem:$0x3F98];
	_ =	swait.ge [sflag:s4], $0x0  }
0x19: {  	s7 =	sld [smem:$0x3F99]  }
0x1a: {  	s8 =	sadd.s32 $0xFFFFE003, lr  }
0x1b: {  	s9 =	sadd.s32 $0xFFFFFEF7, lr;
	s5 =	simm.s32 $0xFFFFFFFF;
	p2 =	slt.u32 s8, $0xFFFFF086  }
0x1c: {  	p1 =	slt.u32 s9, $0xF7A;
	s5 =	simm.s32 @!p2 $0x0  }
0x1d: {  	s5 =	simm.s32 @p1 $0x1;
	p0 =	seq.s32 s7, s2  }
0x1e: {  	s7 =	smul.u32 @!p0 $0xF7A, s2;
	p2 =	seq.s32 @!p0 s5, $0x0  }
0x1f: {  	s9 =	smul.u32 $0xF7A, s1;
	s8 =	simm.s32 @!p0 $0x1BF5;
	p2 =	por !p2, p0  }
0x20: {  	[sflag:s8] =	ssyncset.s32 @!p0 $0xFFFFF086;
	s6 =	sadd.s32 @!p0 s3, s7;
	s7 =	simm.s32 @!p0 $0x108  }
0x21: {  	s3 =	sadd.s32 s3, s9;
	s6 =	sadd.s32 @!p0 $0x88, s6;
	s7 =	simm.s32 @p2 $0x1082  }
0x22: {  	[simem:s7], [sflag:s8] =	dma.local @!p0 [hbm:s6], $0xF7A  }
0x23: {  	s9 =	sor.u32 $0xD0000000, s2;
	s6 =	simm.s32 $0x108;
	_ =	swait.ge @!p0 [sflag:s8], $0x0  }
0x24: {  	s3 =	sadd.s32 $0x88, s3;
	s6 =	simm.s32 @!p1 $0x1082;
	[sflag:s4] =	ssyncset.s32 $0xFFFFF086  }
0x25: {  	[simem:s6], [sflag:s4] =	dma.local [hbm:s3], $0xF7A  }
0x26: {  	[smem:$0x3F99] =	sst s1;
	(tag) =	ssettag s2;
	_ =	strace s9  }
0x27: {  	s1 =	sld [smem:$0x3FA9]  }
0x28: {  	s2 =	sld [smem:$0x3FAA]  }
0x29: {  	s4 =	sld [smem:$0x3FAC]  }
0x2a: {  	p0 =	seq.s32 s5, $0x0;
	s5 =	sld [smem:$0x3FAD]  }
0x2b: {  	s6 =	sld [smem:$0x3FAE]  }
0x2c: {  	s7 =	sld [smem:$0x3FAF]  }
0x2d: {  	s3 =	simm.s32 $0x108;
	s8 =	sld [smem:$0x3FB0]  }
0x2e: {  	s3 =	simm.s32 @!p0 $0x1082;
	s9 =	sld [smem:$0x3FB1]  }
0x2f: {  	lr =	sadd.s32 s0, s3;
	s0 =	sld [smem:$0x3FA8]  }
0x30: {  	s3 =	sld [smem:$0x3FAB]  }
0x31: {  	[smem:$0x3FB4] =	sst s10  }
0x32: {  	s10 =	sld [smem:$0x3FB2];
	_ =	sdelay $0x3  }
0x33: {  	p0 =	seq.s32 s10, $0x1;
	s10 =	sld [smem:$0x3FB4];
	_ =	sdelay $0x3  }
0x34: {  	[smem:$0x3FB4] =	sst s10  }
0x35: {  	s10 =	sld [smem:$0x3FB3];
	_ =	sdelay $0x3  }
0x36: {  	p1 =	seq.s32 s10, $0x1;
	s10 =	sld [smem:$0x3FB4];
	_ =	sdelay $0x3  }
0x37: {  	[smem:$0x3FB4] =	sst s10  }
0x38: {  	s10 =	sld [smem:$0x3FB5]  }
0x39: {  	_ = 	snop;
	(pc) =	sbr.ind lr, $3  }
0x3a: {  	_ = 	snop  }
0x3b: {  	_ = 	snop  }
0x3c: {  	p2 =	seq.s32 s10, $0x1;
	s10 =	sld [smem:$0x3FB4]  }
0x3d: {  	_ =	shalt  }
0x3e: {  	_ =	shalt  }
0x3f: {  	_ =	shalt  }
0x40: {  	_ =	shalt  }
0x41: {  	_ =	shalt  }
0x42: {  	_ =	shalt  }
0x43: {  	_ =	shalt  }
0x44: {  	_ =	shalt  }
0x45: {  	_ =	shalt  }
0x46: {  	_ =	shalt  }
0x47: {  	_ =	shalt  }
0x48: {  	_ =	shalt  }
0x49: {  	_ =	shalt  }
0x4a: {  	_ =	shalt  }
0x4b: {  	_ =	shalt  }
0x4c: {  	_ =	shalt  }
0x4d: {  	_ =	shalt  }
0x4e: {  	_ =	shalt  }
0x4f: {  	_ =	shalt  }
0x50: {  	_ =	shalt  }
0x51: {  	_ =	shalt  }
0x52: {  	_ =	shalt  }
0x53: {  	_ =	shalt  }
0x54: {  	_ =	shalt  }
0x55: {  	_ =	shalt  }
0x56: {  	_ =	shalt  }
0x57: {  	_ =	shalt  }
0x58: {  	_ =	shalt  }
0x59: {  	_ =	shalt  }
0x5a: {  	_ =	shalt  }
0x5b: {  	_ =	shalt  }
0x5c: {  	_ =	shalt  }
0x5d: {  	_ =	shalt  }
0x5e: {  	_ =	shalt  }
0x5f: {  	_ =	shalt  }
0x60: {  	_ =	shalt  }
0x61: {  	_ =	shalt  }
0x62: {  	_ =	shalt  }
0x63: {  	_ =	shalt  }
0x64: {  	_ =	shalt  }
0x65: {  	_ =	shalt  }
0x66: {  	_ =	shalt  }
0x67: {  	_ =	shalt  }
0x68: {  	_ =	shalt  }
0x69: {  	_ =	shalt  }
0x6a: {  	_ =	shalt  }
0x6b: {  	_ =	shalt  }
0x6c: {  	_ =	shalt  }
0x6d: {  	_ =	shalt  }
0x6e: {  	_ =	shalt  }
0x6f: {  	_ =	shalt  }
0x70: {  	_ =	shalt  }
0x71: {  	_ =	shalt  }
0x72: {  	_ =	shalt  }
0x73: {  	_ =	shalt  }
0x74: {  	_ =	shalt  }
0x75: {  	_ =	shalt  }
0x76: {  	_ =	shalt  }
0x77: {  	_ =	shalt  }
0x78: {  	_ =	shalt  }
0x79: {  	_ =	shalt  }
0x7a: {  	_ =	shalt  }
0x7b: {  	_ =	shalt  }
0x7c: {  	_ =	shalt  }
0x7d: {  	_ =	shalt  }
0x7e: {  	_ =	shalt  }
0x7f: {  	_ =	shalt  }
0x80: {  	_ =	shalt  }
0x81: {  	_ =	shalt  }
0x82: {  	_ =	shalt  }
0x83: {  	_ =	shalt  }
0x84: {  	_ =	shalt  }
0x85: {  	_ =	shalt  }
0x86: {  	_ =	shalt  }
0x87: {  	_ =	shalt  }
.Lfunc_end0:
.L_simem_size_0:
called_computation_lowered:
.L_overlay_start_0:
0x88: {  	s2 =	sld [smem:$0x3FD9]  }
0x89: {  	s3 =	sld [smem:$0x3FFE];
	_ =	sdelay $0x1  }
0x8a: {  	s1 =	srdreg.scid  }
0x8b: {  	s0 =	sand.u32 $0x1, s1  }
0x8c: {  	s17 =	sshll.u32 s0, $0xA;
	s2 =	sadd.s32 s3, s2  }
0x8d: {  	s2 =	sadd.s32 s2, s17  }
0x8e: {  	[smem:$0x3FC0] =	sst s2  }
0x8f: {  	_ = 	snop  }
0x90: {  	s2 =	sld [smem:$0x3FD0];
	(tm) =	ssettm $0x1  }
0x91: {  	s18 =	sld [smem:$0x3FFB];
	_ =	sdelay $0x3  }
0x92: {  	_ =	strace s18  }
0x93: {  	s3 =	sld [smem:$0x3FFC];
	_ =	sdelay $0x3  }
0x94: {  	_ =	strace s3  }
0x95: {  	s3 =	sld [smem:$0x3FFD];
	_ =	sdelay $0x3  }
0x96: {  	_ =	strace s3  }
0x97: {  	_ =	strace $0x8FFFFFFF  }
0x98: {  	s19 =	sld [smem:$0x3FDB];
	_ =	sdelay $0x1  }
0x99: {  	s4 =	simm.s32 $_scs_section_size  }
0x9a: {  	s5 =	simm.s32 $_size__tile_overlayer_lowered;
	s6 =	simm.s32 $_tile_overlayer_lowered  }
0x9b: {  	s22 =	simm.s32 $0x1BFF;
	s21 =	sshll.u32 s6, $0x1;
	s3 =	sadd.s32 s4, s19  }
0x9c: {  	s7 =	simm.s32 $0x0;
	s20 =	sshll.u32 s5, $0x1;
	s5 =	sadd.s32 s21, s3  }
0x9d: {  	[timem:s7], [sflag:s22] =	dma.local [hbm:s5], s20  }
0x9e: {  	_ =	swait.ge [sflag:s22], s20  }
0x9f: {  	s4 =	ssub.s32 $0x0, s20;
	[sflag:s22] =	ssyncset.done $0x0  }
0xa0: {  	[sflag:s22] =	ssyncadd.s32 s4;
	_ =	sdelay $0x1  }
0xa1: {  	s23 =	simm.s32 $0x1B8B  }
0xa2: {  	_ =	swait.ge [sflag:s23], $0x1  }
0xa3: {  	[sflag:s23] =	ssyncset.done $0x0  }
0xa4: {  	s25 =	simm.s32 $0x1B8E;
	s24 =	sld [smem:$0x3FFE];
	[sflag:s23] =	ssyncadd.s32 $0xFFFFFFFF  }
0xa5: {  	s26 =	simm.s32 $execute0_lowered;
	[smem:$0x3FD2] =	sst s25  }
0xa6: {  	s5 =	sshll.u32 s26, $0x1;
	_ =	strace $0x80000046;
	[dreg:$0x1] =	wrdreg $0xFFFFFFFF  }
0xa7: {  	s28 =	simm.s32 $_size_execute0_lowered;
	s3 =	sadd.s32 s3, s5;
	[dreg:$0x0] =	wrdreg $0x0  }
0xa8: {  	s5 =	sshll.u32 s28, $0x1;
	[dreg:$0x2] =	wrdreg s3  }
0xa9: {  	[dreg:$0x3] =	wrdreg s5  }
0xaa: {  	[dreg:$0x4] =	wrdreg $0xC0  }
0xab: {  	_ =	task [dreg:s7], $0x5FFFF  }
0xac: {  	[dreg:$0x1] =	wrdreg $0xFFFFFFFF  }
0xad: {  	[dreg:$0x0] =	wrdreg $0x60  }
0xae: {  	[dreg:$0x2] =	wrdreg s24  }
0xaf: {  	[dreg:$0x3] =	wrdreg s2  }
0xb0: {  	[dreg:$0x4] =	wrdreg $0x0  }
0xb1: {  	[dreg:$0x5] =	wrdreg $0x9  }
0xb2: {  	_ =	task.clear_ibuf [dreg:s7], $0x6FFFF;
	_ =	strace $0x90000046  }
0xb3: {  	s29 =	simm.s32 $0x9;
	_ =	strace $0x80000048  }
0xb4: {  	_ =	swait.ge [sflag:s29], $0x1  }
0xb5: {  	[sflag:s29] =	ssyncadd.s32 $0xFFFFFFFF  }
0xb6: {  	_ =	strace $0x90000048  }
0xb7: {  	_ =	sfence  }
0xb8: {  	s30 =	sld [smem:$0x0];
	_ =	sdelay $0x2  }
0xb9: {  	s31 =	sshll.u32 s1, $0xD;
	s1 =	sshrl.u32 s1, $0x2  }
0xba: {  	s3 =	sand.u32 $0x4000, s31;
	s1 =	sadd.s32 s1, s30  }
0xbb: {  	s0 =	sor.u32 s3, s0;
	s1 =	sshll.u32 s1, $0x11  }
0xbc: {  	s0 =	sor.u32 s1, s0  }
0xbd: {  	s0 =	sadd.s32 $0x8F2B, s0  }
0xbe: {  	[sflag:s0] =	ssyncadd.remote.s32 $0x1  }
0xbf: {  	_ =	sfence.sel $0xFFFF  }
0xc0: {  	[dreg:$0x0] =	wrdreg $0xFFFFFFFF;
	(pc) =	sbr.abs _section_cstart, $3  }
0xc1: {  	[dreg:$0x1] =	wrdreg $0xFFFFFFFF  }
0xc2: {  	_ =	task.clear_ibuf [dreg:s7], $0x2FFFF;
	_ =	strace $0x9FFFFFFF  }
0xc3: {  	(tm) =	ssettm $0x7FFFFFFF  }
tec
execute0_lowered:
.L_overlay_start_1:
0x0: {  	(tag) =	ssettag $0x1  }
0x1: {  	s5 =	rddreg [dreg:$0x0]  }
0x2: {  	s8 =	rddreg [dreg:$0x1]  }
0x3: {  	s0 =	srdreg.scid;
	s2 =	rddreg [dreg:$0x2]  }
0x4: {  	s3 =	simm.s32 $0x0;
	s6 =	sand.u32 $0x1, s0;
	s0 =	stileid.u32  }
0x5: {  	s14 =	simm.s32 $0x80;
	s15 =	simm.s32 $0x0;
	s7 =	smul.u32 $0x2800, s0  }
0x6: {  	[smem:$0x7FF] =	sst s3;
	s1 =	sshll.u32 s6, $0x4;
	s12 =	smul.u32 $0x500, s0  }
0x7: {  	s11 =	ssub.s32 $0x2, s6;
	s13 =	smul.u32 $0x5000, s6;
	s31 =	sshll.u32 s0, $0x6  }
0x8: {  	s4 =	sor.u32 s0, s1;
	s1 =	rddreg [dreg:$0x3];
	_ =	strace $0x80000047  }
0x9: {  	s29 =	sshrl.u32 s11, $0x1;
	s6 =	sor.u32 $0x1C01, s31;
	s4 =	smul.u32 $0x540, s4  }
0xa: {  	s10 =	sshrl.u32 s7, $0x3;
	s30 =	sadd.s32 s7, s2;
	s12 =	sadd.s32 s12, s13  }
0xb: {  	s13 =	simm.s32 $0x2800;
	s8 =	sadd.s32 s8, s12;
	s12 =	simm.s32 $0x5200  }
0xc: {  	s9 =	sadd.s32 s4, s5;
	s4 =	sadd.s32 $0xCA00, s5;
	s5 =	sadd.s32 s10, s5  }
0xd: {  	s10 =	ssub.s32 s11, s29;
	s11 =	simm.s32 $0x1;
	s5 =	sadd.s32 $0xCC00, s5  }
0xe: {  	s7 =	sadd.s32 $0x2200, s9;
	s9 =	smax.u32 s10, $0x1;
	s10 =	sshrl.u32 s30, $0x3  }
.LBB2_1:
0xf: {  	[spmem:s10], [sflag:s6] =	dma.local [hbm:s5], $0x500  }
0x10: {  	_ =	swait.ge [sflag:s11], $0x500  }
0x11: {  	[sflag:s11] =	ssyncset.done $0x0  }
0x12: {  	[sflag:s11] =	ssyncadd.s32 $0xFFFFFB00  }
0x13: {  	[tilespmem:s12], [sflag:$0x1] =	stream.linear.gather [hbm4b:s4+s3], $0x800, $0x38;
	[tilespmem:$0x5A00] =	vst v63  }
0x14: {  	_ =	swait.ge [sflag:s11], $0x800  }
0x15: {  	[sflag:s11] =	ssyncset.done $0x0  }
0x16: {  	[sflag:s11] =	ssyncadd.s32 $0xFFFFF800  }
0x17: {  	[tilespmem:s13], [sflag:$0x1] =	stream.linear.gather [hbm4b:s7+s3], $0x2A00, $0x38;
	[tilespmem:$0x5A00] =	vst v63  }
0x18: {  	_ =	swait.ge [sflag:s11], $0x2A00  }
0x19: {  	[sflag:s11] =	ssyncset.done $0x0  }
0x1a: {  	[sflag:s11] =	ssyncadd.s32 $0xFFFFD600  }
0x1b: {  	s16 =	simm.s32 $0x2800;
	[bflag:$0x0] =	sbarrier.arrive $0xFFFF  }
0x1c: {  	[spmem:s2] =	stream.indirect.scatter.add.f32 [tilespmem:s12], [sflag:$0x1], $0x10, s16, s14, $0xb8;
	[tilespmem:$0x5A00] =	vst v63  }
0x1d: {  	s16 =	simm.s32 $0x200;
	_ =	swait.ge [sflag:s11], $0x800  }
.LBB2_2:
0x1e: {  	s17 =	sshra.s32 s16, $0x2;
	[sflag:s11] =	ssyncset.done $0x0;
	p0 =	sne.s32 s16, $0xA600  }
.Ltmp0:
0x1f: {  	s17 =	sadd.s32 $0x2800, s17;
	[sflag:s11] =	ssyncadd.s32 $0xFFFFF800;
	(pc) =	sbr.rel @p0 .LBB2_2-.Ltmp0, $3  }
0x20: {  	[spmem:s2] =	stream.indirect.scatter.add.f32 [tilespmem:s12], [sflag:$0x1], $0x10, s17, s14, $0xb8;
	[tilespmem:$0x5A00] =	vst v63  }
0x21: {  	s16 =	sadd.s32 $0x200, s16;
	_ =	sdelay $0x1  }
0x22: {  	_ =	swait.ge [sflag:s11], $0x800  }
0x23: {  	[sflag:s11] =	ssyncset.done $0x0;
	s15 =	sadd.s32 $0x1, s15  }
0x24: {  	[sflag:s11] =	ssyncadd.s32 $0xFFFFF800;
	p0 =	sne.s32 s15, s9  }
.Ltmp1:
0x25: {  	[bflag:$0x0] =	sbarrier.arrive $0xFFFF;
	(pc) =	sbr.rel @p0 .LBB2_1-.Ltmp1, $4  }
0x26: {  	[hbm:s8], [sflag:s6] =	dma.local [spmem:s10], $0x500  }
0x27: {  	_ =	swait.ge [sflag:s11], $0x500  }
0x28: {  	[sflag:s11] =	ssyncset.done $0x0  }
0x29: {  	[sflag:s11] =	ssyncadd.s32 $0xFFFFFB00  }
0x2a: {  	_ =	sfence.sel $0x180000  }
0x2b: {  	[bflag:$0x0] =	sbarrier.arrive $0xFFFF  }
0x2c: {  	p0 =	sne.s32 s0, $0x0;
	_ =	strace $0x90000047  }
0x2d: {  	s0 =	sadd.s32 @!p0 $0x100000, s1;
	[bflag:$0x2] =	sbarrier.arrive $0xFFFF  }
0x2e: {  	[sflag:s0] =	ssyncadd.tile.s32 @!p0 $0x1;
	_ =	shalt  }
.Lfunc_end2:
_tile_overlayer_lowered:
.L_overlay_start_2:
0x2f: {  	(tag) =	ssettag $0x2  }
0x30: {  	s0 =	rddreg [dreg:$0x0];
	s2 =	stileid.u32  }
0x31: {  	s1 =	rddreg [dreg:$0x1];
	p0 =	sne.s32 s2, $0x0  }
0x32: {  	s3 =	rddreg [dreg:$0x2];
	[bflag:$0x3] =	sbarrier.arrive $0xFFFF;
	s2 =	simm.s32 @!p0 $0x1C01  }
0x33: {  	[timem:s3], [sflag:s2] =	dma.local @!p0 [hbm:s0], s1  }
0x34: {  	s0 =	simm.s32 @!p0 $0x1  }
0x35: {  	_ =	swait.ge @!p0 [sflag:s0], s1  }
0x36: {  	s1 =	ssub.s32 @!p0 $0x0, s1;
	[sflag:s0] =	ssyncset.done @!p0 $0x0  }
0x37: {  	[sflag:s0] =	ssyncadd.s32 @!p0 s1  }
0x38: {  	[bflag:$0x3] =	sbarrier.arrive $0xFFFF  }
0x39: {  	_ =	shalt  }

// kernel: kernel.13.cloned.1.call-start
scs
__scs_entry_jumppad:
0x0: {  	(pc) =	sbr.rel $0x88, $3  }
0x1: {  	(tag) =	ssettag $0x0;
	lr =	simm.s32 $0x1  }
0x2: {  	[smem:$0x3F99] =	sst lr;
	_ =	strace $0xD0000000  }
0x3: {  	_ = 	snop  }
0x4: {  	_ = 	snop  }
0x5: {  	_ = 	snop  }
0x6: {  	_ = 	snop  }
0x7: {  	_ = 	snop  }
__scs_overlays_trampoline_lowered:
0x8: {  	[smem:$0x3FA8] =	sst s0  }
0x9: {  	[smem:$0x3FA9] =	sst s1  }
0xa: {  	[smem:$0x3FAA] =	sst s2  }
0xb: {  	[smem:$0x3FAB] =	sst s3  }
0xc: {  	[smem:$0x3FAC] =	sst s4  }
0xd: {  	[smem:$0x3FAD] =	sst s5  }
0xe: {  	[smem:$0x3FAE] =	sst s6  }
0xf: {  	[smem:$0x3FAF] =	sst s7  }
0x10: {  	[smem:$0x3FB0] =	sst s8  }
0x11: {  	[smem:$0x3FB1] =	sst s9;
	s0 =	simm.s32 @!p0 $0x0  }
0x12: {  	s1 =	sld [smem:$0x3F97];
	s0 =	simm.s32 @p0 $0x1  }
0x13: {  	[smem:$0x3FB2] =	sst s0;
	s0 =	simm.s32 @!p1 $0x0  }
0x14: {  	s2 =	sld [smem:$0x3F96];
	s0 =	simm.s32 @p1 $0x1  }
0x15: {  	[smem:$0x3FB3] =	sst s0;
	s0 =	simm.s32 @!p2 $0x0  }
0x16: {  	s3 =	sld [smem:$0x3FDB];
	s0 =	simm.s32 @p2 $0x1  }
0x17: {  	s4 =	simm.s32 $0x1BF5;
	[smem:$0x3FB5] =	sst s0  }
0x18: {  	s0 =	sld [smem:$0x3F98];
	_ =	swait.ge [sflag:s4], $0x0  }
0x19: {  	s7 =	sld [smem:$0x3F99]  }
0x1a: {  	s8 =	sadd.s32 $0xFFFFE003, lr  }
0x1b: {  	s9 =	sadd.s32 $0xFFFFFEF7, lr;
	s5 =	simm.s32 $0xFFFFFFFF;
	p2 =	slt.u32 s8, $0xFFFFF086  }
0x1c: {  	p1 =	slt.u32 s9, $0xF7A;
	s5 =	simm.s32 @!p2 $0x0  }
0x1d: {  	s5 =	simm.s32 @p1 $0x1;
	p0 =	seq.s32 s7, s2  }
0x1e: {  	s7 =	smul.u32 @!p0 $0xF7A, s2;
	p2 =	seq.s32 @!p0 s5, $0x0  }
0x1f: {  	s9 =	smul.u32 $0xF7A, s1;
	s8 =	simm.s32 @!p0 $0x1BF5;
	p2 =	por !p2, p0  }
0x20: {  	[sflag:s8] =	ssyncset.s32 @!p0 $0xFFFFF086;
	s6 =	sadd.s32 @!p0 s3, s7;
	s7 =	simm.s32 @!p0 $0x108  }
0x21: {  	s3 =	sadd.s32 s3, s9;
	s6 =	sadd.s32 @!p0 $0x88, s6;
	s7 =	simm.s32 @p2 $0x1082  }
0x22: {  	[simem:s7], [sflag:s8] =	dma.local @!p0 [hbm:s6], $0xF7A  }
0x23: {  	s9 =	sor.u32 $0xD0000000, s2;
	s6 =	simm.s32 $0x108;
	_ =	swait.ge @!p0 [sflag:s8], $0x0  }
0x24: {  	s3 =	sadd.s32 $0x88, s3;
	s6 =	simm.s32 @!p1 $0x1082;
	[sflag:s4] =	ssyncset.s32 $0xFFFFF086  }
0x25: {  	[simem:s6], [sflag:s4] =	dma.local [hbm:s3], $0xF7A  }
0x26: {  	[smem:$0x3F99] =	sst s1;
	(tag) =	ssettag s2;
	_ =	strace s9  }
0x27: {  	s1 =	sld [smem:$0x3FA9]  }
0x28: {  	s2 =	sld [smem:$0x3FAA]  }
0x29: {  	s4 =	sld [smem:$0x3FAC]  }
0x2a: {  	p0 =	seq.s32 s5, $0x0;
	s5 =	sld [smem:$0x3FAD]  }
0x2b: {  	s6 =	sld [smem:$0x3FAE]  }
0x2c: {  	s7 =	sld [smem:$0x3FAF]  }
0x2d: {  	s3 =	simm.s32 $0x108;
	s8 =	sld [smem:$0x3FB0]  }
0x2e: {  	s3 =	simm.s32 @!p0 $0x1082;
	s9 =	sld [smem:$0x3FB1]  }
0x2f: {  	lr =	sadd.s32 s0, s3;
	s0 =	sld [smem:$0x3FA8]  }
0x30: {  	s3 =	sld [smem:$0x3FAB]  }
0x31: {  	[smem:$0x3FB4] =	sst s10  }
0x32: {  	s10 =	sld [smem:$0x3FB2];
	_ =	sdelay $0x3  }
0x33: {  	p0 =	seq.s32 s10, $0x1;
	s10 =	sld [smem:$0x3FB4];
	_ =	sdelay $0x3  }
0x34: {  	[smem:$0x3FB4] =	sst s10  }
0x35: {  	s10 =	sld [smem:$0x3FB3];
	_ =	sdelay $0x3  }
0x36: {  	p1 =	seq.s32 s10, $0x1;
	s10 =	sld [smem:$0x3FB4];
	_ =	sdelay $0x3  }
0x37: {  	[smem:$0x3FB4] =	sst s10  }
0x38: {  	s10 =	sld [smem:$0x3FB5]  }
0x39: {  	_ = 	snop;
	(pc) =	sbr.ind lr, $3  }
0x3a: {  	_ = 	snop  }
0x3b: {  	_ = 	snop  }
0x3c: {  	p2 =	seq.s32 s10, $0x1;
	s10 =	sld [smem:$0x3FB4]  }
0x3d: {  	_ =	shalt  }
0x3e: {  	_ =	shalt  }
0x3f: {  	_ =	shalt  }
0x40: {  	_ =	shalt  }
0x41: {  	_ =	shalt  }
0x42: {  	_ =	shalt  }
0x43: {  	_ =	shalt  }
0x44: {  	_ =	shalt  }
0x45: {  	_ =	shalt  }
0x46: {  	_ =	shalt  }
0x47: {  	_ =	shalt  }
0x48: {  	_ =	shalt  }
0x49: {  	_ =	shalt  }
0x4a: {  	_ =	shalt  }
0x4b: {  	_ =	shalt  }
0x4c: {  	_ =	shalt  }
0x4d: {  	_ =	shalt  }
0x4e: {  	_ =	shalt  }
0x4f: {  	_ =	shalt  }
0x50: {  	_ =	shalt  }
0x51: {  	_ =	shalt  }
0x52: {  	_ =	shalt  }
0x53: {  	_ =	shalt  }
0x54: {  	_ =	shalt  }
0x55: {  	_ =	shalt  }
0x56: {  	_ =	shalt  }
0x57: {  	_ =	shalt  }
0x58: {  	_ =	shalt  }
0x59: {  	_ =	shalt  }
0x5a: {  	_ =	shalt  }
0x5b: {  	_ =	shalt  }
0x5c: {  	_ =	shalt  }
0x5d: {  	_ =	shalt  }
0x5e: {  	_ =	shalt  }
0x5f: {  	_ =	shalt  }
0x60: {  	_ =	shalt  }
0x61: {  	_ =	shalt  }
0x62: {  	_ =	shalt  }
0x63: {  	_ =	shalt  }
0x64: {  	_ =	shalt  }
0x65: {  	_ =	shalt  }
0x66: {  	_ =	shalt  }
0x67: {  	_ =	shalt  }
0x68: {  	_ =	shalt  }
0x69: {  	_ =	shalt  }
0x6a: {  	_ =	shalt  }
0x6b: {  	_ =	shalt  }
0x6c: {  	_ =	shalt  }
0x6d: {  	_ =	shalt  }
0x6e: {  	_ =	shalt  }
0x6f: {  	_ =	shalt  }
0x70: {  	_ =	shalt  }
0x71: {  	_ =	shalt  }
0x72: {  	_ =	shalt  }
0x73: {  	_ =	shalt  }
0x74: {  	_ =	shalt  }
0x75: {  	_ =	shalt  }
0x76: {  	_ =	shalt  }
0x77: {  	_ =	shalt  }
0x78: {  	_ =	shalt  }
0x79: {  	_ =	shalt  }
0x7a: {  	_ =	shalt  }
0x7b: {  	_ =	shalt  }
0x7c: {  	_ =	shalt  }
0x7d: {  	_ =	shalt  }
0x7e: {  	_ =	shalt  }
0x7f: {  	_ =	shalt  }
0x80: {  	_ =	shalt  }
0x81: {  	_ =	shalt  }
0x82: {  	_ =	shalt  }
0x83: {  	_ =	shalt  }
0x84: {  	_ =	shalt  }
0x85: {  	_ =	shalt  }
0x86: {  	_ =	shalt  }
0x87: {  	_ =	shalt  }
.Lfunc_end0:
.L_simem_size_0:
called_computation.1_lowered:
.L_overlay_start_0:
0x88: {  	s2 =	sld [smem:$0x3FD9]  }
0x89: {  	s3 =	sld [smem:$0x3FFE];
	_ =	sdelay $0x1  }
0x8a: {  	s1 =	srdreg.scid  }
0x8b: {  	s0 =	sand.u32 $0x1, s1  }
0x8c: {  	s17 =	sshll.u32 s0, $0xA;
	s2 =	sadd.s32 s3, s2  }
0x8d: {  	s2 =	sadd.s32 s2, s17  }
0x8e: {  	[smem:$0x3FC0] =	sst s2  }
0x8f: {  	_ = 	snop  }
0x90: {  	s2 =	sld [smem:$0x3FD0];
	(tm) =	ssettm $0x1  }
0x91: {  	s18 =	sld [smem:$0x3FFB];
	_ =	sdelay $0x3  }
0x92: {  	_ =	strace s18  }
0x93: {  	s3 =	sld [smem:$0x3FFC];
	_ =	sdelay $0x3  }
0x94: {  	_ =	strace s3  }
0x95: {  	s3 =	sld [smem:$0x3FFD];
	_ =	sdelay $0x3  }
0x96: {  	_ =	strace s3  }
0x97: {  	_ =	strace $0x8FFFFFFF  }
0x98: {  	s19 =	sld [smem:$0x3FDB];
	_ =	sdelay $0x1  }
0x99: {  	s4 =	simm.s32 $_scs_section_size  }
0x9a: {  	s5 =	simm.s32 $_size__tile_overlayer_lowered;
	s6 =	simm.s32 $_tile_overlayer_lowered  }
0x9b: {  	s22 =	simm.s32 $0x1BFF;
	s21 =	sshll.u32 s6, $0x1;
	s3 =	sadd.s32 s4, s19  }
0x9c: {  	s7 =	simm.s32 $0x0;
	s20 =	sshll.u32 s5, $0x1;
	s5 =	sadd.s32 s21, s3  }
0x9d: {  	[timem:s7], [sflag:s22] =	dma.local [hbm:s5], s20  }
0x9e: {  	_ =	swait.ge [sflag:s22], s20  }
0x9f: {  	s4 =	ssub.s32 $0x0, s20;
	[sflag:s22] =	ssyncset.done $0x0  }
0xa0: {  	[sflag:s22] =	ssyncadd.s32 s4;
	_ =	sdelay $0x1  }
0xa1: {  	s23 =	simm.s32 $0x1B8B  }
0xa2: {  	_ =	swait.ge [sflag:s23], $0x1  }
0xa3: {  	[sflag:s23] =	ssyncset.done $0x0  }
0xa4: {  	s25 =	simm.s32 $0x1B8E;
	s24 =	sld [smem:$0x3FFE];
	[sflag:s23] =	ssyncadd.s32 $0xFFFFFFFF  }
0xa5: {  	s26 =	simm.s32 $execute0_lowered;
	[smem:$0x3FD2] =	sst s25  }
0xa6: {  	s5 =	sshll.u32 s26, $0x1;
	_ =	strace $0x80000049;
	[dreg:$0x1] =	wrdreg $0xFFFFFFFF  }
0xa7: {  	s28 =	simm.s32 $_size_execute0_lowered;
	s3 =	sadd.s32 s3, s5;
	[dreg:$0x0] =	wrdreg $0x0  }
0xa8: {  	s5 =	sshll.u32 s28, $0x1;
	[dreg:$0x2] =	wrdreg s3  }
0xa9: {  	[dreg:$0x3] =	wrdreg s5  }
0xaa: {  	[dreg:$0x4] =	wrdreg $0xC0  }
0xab: {  	_ =	task [dreg:s7], $0x5FFFF  }
0xac: {  	[dreg:$0x1] =	wrdreg $0xFFFFFFFF  }
0xad: {  	[dreg:$0x0] =	wrdreg $0x60  }
0xae: {  	[dreg:$0x2] =	wrdreg s24  }
0xaf: {  	[dreg:$0x3] =	wrdreg s2  }
0xb0: {  	[dreg:$0x4] =	wrdreg $0x0  }
0xb1: {  	[dreg:$0x5] =	wrdreg $0x9  }
0xb2: {  	_ =	task.clear_ibuf [dreg:s7], $0x6FFFF;
	_ =	strace $0x90000049  }
0xb3: {  	s29 =	simm.s32 $0x9;
	_ =	strace $0x8000004B  }
0xb4: {  	_ =	swait.ge [sflag:s29], $0x1  }
0xb5: {  	[sflag:s29] =	ssyncadd.s32 $0xFFFFFFFF  }
0xb6: {  	_ =	strace $0x9000004B  }
0xb7: {  	_ =	sfence  }
0xb8: {  	s30 =	sld [smem:$0x0];
	_ =	sdelay $0x2  }
0xb9: {  	s31 =	sshll.u32 s1, $0xD;
	s1 =	sshrl.u32 s1, $0x2  }
0xba: {  	s3 =	sand.u32 $0x4000, s31;
	s1 =	sadd.s32 s1, s30  }
0xbb: {  	s0 =	sor.u32 s3, s0;
	s1 =	sshll.u32 s1, $0x11  }
0xbc: {  	s0 =	sor.u32 s1, s0  }
0xbd: {  	s0 =	sadd.s32 $0x8F2B, s0  }
0xbe: {  	[sflag:s0] =	ssyncadd.remote.s32 $0x1  }
0xbf: {  	_ =	sfence.sel $0xFFFF  }
0xc0: {  	[dreg:$0x0] =	wrdreg $0xFFFFFFFF;
	(pc) =	sbr.abs _section_cstart, $3  }
0xc1: {  	[dreg:$0x1] =	wrdreg $0xFFFFFFFF  }
0xc2: {  	_ =	task.clear_ibuf [dreg:s7], $0x2FFFF;
	_ =	strace $0x9FFFFFFF  }
0xc3: {  	(tm) =	ssettm $0x7FFFFFFF  }
tec
execute0_lowered:
.L_overlay_start_1:
0x0: {  	(tag) =	ssettag $0x1  }
0x1: {  	s4 =	rddreg [dreg:$0x0]  }
0x2: {  	s0 =	srdreg.scid;
	s2 =	rddreg [dreg:$0x1]  }
0x3: {  	s10 =	stileid.u32;
	s3 =	rddreg [dreg:$0x2]  }
0x4: {  	s5 =	simm.s32 $0x0;
	s13 =	simm.s32 $0xD;
	s17 =	simm.s32 $0x80  }
0x5: {  	s18 =	simm.s32 $0xF400;
	s20 =	simm.s32 $0x11400;
	s28 =	simm.s32 $0x17400  }
0x6: {  	s29 =	simm.s32 $0x2;
	s31 =	simm.s32 $0x6;
	s6 =	smul.u32 $0xA000, s10  }
0x7: {  	s11 =	simm.s32 $0xC;
	s0 =	sand.u32 $0x1, s0;
	s7 =	smul.u32 $0x280, s10  }
0x8: {  	[smem:$0x7FF] =	sst s5;
	s5 =	sadd.s32 $0x1C400, s4;
	s30 =	sshll.u32 s10, $0x6  }
0x9: {  	s1 =	sshll.u32 s0, $0x4;
	s8 =	smul.u32 $0x5000, s0;
	_ =	strace $0x8000004A  }
0xa: {  	s0 =	ssub.s32 $0x2, s0;
	s14 =	sor.u32 $0x1C0D, s30;
	s1 =	sor.u32 s10, s1  }
0xb: {  	s9 =	sshrl.u32 s6, $0x3;
	s22 =	sshrl.u32 s0, $0x1;
	s24 =	sadd.s32 s6, s3  }
0xc: {  	s6 =	simm.s32 $0x7;
	s10 =	simm.s32 $0xB;
	[dreg:$0xa] =	wrdreg s14  }
0xd: {  	s1 =	smul.u32 $0x540, s1;
	s7 =	sadd.s32 s7, s8;
	s21 =	sadd.s32 s9, s4  }
0xe: {  	s0 =	ssub.s32 s0, s22;
	s15 =	sshrl.u32 s24, $0x3;
	s22 =	simm.s32 $0x13400  }
0xf: {  	s24 =	simm.s32 $0x15400;
	s25 =	sadd.s32 $0x30400, s21;
	[dreg:$0xb] =	wrdreg s15  }
0x10: {  	s0 =	smax.u32 s0, $0x1;
	s1 =	sadd.s32 s1, s4;
	[dreg:$0x6] =	wrdreg s25  }
0x11: {  	s7 =	sshll.u32 s7, $0x3;
	[dreg:$0x9] =	wrdreg s0;
	s23 =	sadd.s32 $0x11C00, s1  }
0x12: {  	s4 =	sadd.s32 s7, s4;
	s1 =	sadd.s32 $0x2200, s1;
	[dreg:$0x4] =	wrdreg s23  }
0x13: {  	s21 =	simm.s32 $0x5;
	s26 =	sadd.s32 $0x44400, s4;
	[dreg:$0x5] =	wrdreg s1  }
0x14: {  	s25 =	simm.s32 $0x1;
	s4 =	sadd.s32 $0x58400, s4;
	[dreg:$0x7] =	wrdreg s26  }
0x15: {  	s0 =	simm.s32 $0x3;
	s7 =	simm.s32 $0xA;
	[dreg:$0x8] =	wrdreg s4  }
0x16: {  	s1 =	simm.s32 $0x19400;
	s26 =	simm.s32 $0x9;
	s23 =	simm.s32 $0x0  }
.LBB2_1:
0x17: {  	s4 =	simm.s32 $0x0;
	s8 =	rddreg [dreg:$0x4];
	s9 =	simm.s32 $0xA000  }
0x18: {  	[tilespmem:s9], [sflag:$0xD] =	stream.linear.gather [hbm4b:s8+s4], $0x2A00, $0x38;
	[tilespmem:$0x1B400] =	vst v63  }
0x19: {  	_ =	swait.ge [sflag:s13], $0x2A00  }
0x1a: {  	[sflag:s13] =	ssyncset.done $0x0  }
0x1b: {  	s12 =	simm.s32 $0xCA00;
	s19 =	rddreg [dreg:$0x5];
	[sflag:s13] =	ssyncadd.s32 $0xFFFFD600  }
0x1c: {  	[tilespmem:s12], [sflag:$0xD] =	stream.linear.gather [hbm4b:s19+s4], $0x2A00, $0x38;
	[tilespmem:$0x1B400] =	vst v63  }
0x1d: {  	_ =	swait.ge [sflag:s13], $0x2A00  }
0x1e: {  	[sflag:s13] =	ssyncset.done $0x0  }
0x1f: {  	s16 =	rddreg [dreg:$0x6];
	[sflag:s13] =	ssyncadd.s32 $0xFFFFD600  }
0x20: {  	[spmem:s15], [sflag:s14] =	dma.local [hbm:s16], $0x1400  }
0x21: {  	_ =	swait.ge [sflag:s13], $0x1400  }
0x22: {  	[sflag:s13] =	ssyncset.done $0x0  }
0x23: {  	[sflag:s13] =	ssyncadd.s32 $0xFFFFEC00  }
0x24: {  	[bflag:$0x0] =	sbarrier.arrive $0xFFFF  }
0x25: {  	[tilespmem:s18], [sflag:$0x1] =	stream.indirect.gather [hbm4b:s2+s17], $0x40, s9, s17, $0xb8;
	[tilespmem:$0x1B400] =	vst v63  }
0x26: {  	s19 =	simm.s32 $0xA080  }
0x27: {  	[tilespmem:s20], [sflag:$0x2] =	stream.indirect.gather [hbm4b:s2+s17], $0x40, s19, s17, $0xb8;
	[tilespmem:$0x1B400] =	vst v63  }
0x28: {  	s8 =	simm.s32 $0xA100  }
0x29: {  	[tilespmem:s22], [sflag:$0x3] =	stream.indirect.gather [hbm4b:s2+s17], $0x40, s8, s17, $0xb8;
	[tilespmem:$0x1B400] =	vst v63  }
0x2a: {  	s9 =	simm.s32 $0xA180  }
0x2b: {  	[tilespmem:s24], [sflag:$0x4] =	stream.indirect.gather [hbm4b:s2+s17], $0x40, s9, s17, $0xb8;
	[tilespmem:$0x1B400] =	vst v63  }
0x2c: {  	_ =	swait.ge [sflag:s25], $0x2000  }
0x2d: {  	[sflag:s25] =	ssyncset.done $0x0  }
0x2e: {  	[sflag:s25] =	ssyncadd.s32 $0xFFFFE000  }
0x2f: {  	[spmem:s3] =	stream.indirect.scatter.add.f32 [tilespmem:s18], [sflag:$0x7], $0x40, s12, s17, $0xb8;
	[tilespmem:$0x1B400] =	vst v63  }
0x30: {  	s12 =	simm.s32 $0xA200  }
0x31: {  	[tilespmem:s28], [sflag:$0x5] =	stream.indirect.gather [hbm4b:s2+s17], $0x40, s12, s17, $0xb8;
	[tilespmem:$0x1B400] =	vst v63  }
0x32: {  	_ =	swait.ge [sflag:s29], $0x2000  }
0x33: {  	[sflag:s29] =	ssyncset.done $0x0  }
0x34: {  	s14 =	simm.s32 $0xCA80;
	[sflag:s29] =	ssyncadd.s32 $0xFFFFE000  }
0x35: {  	[spmem:s3] =	stream.indirect.scatter.add.f32 [tilespmem:s20], [sflag:$0x8], $0x40, s14, s17, $0xb8;
	[tilespmem:$0x1B400] =	vst v63  }
0x36: {  	s15 =	simm.s32 $0xA280  }
0x37: {  	[tilespmem:s1], [sflag:$0x6] =	stream.indirect.gather [hbm4b:s2+s17], $0x40, s15, s17, $0xb8;
	[tilespmem:$0x1B400] =	vst v63  }
0x38: {  	_ =	swait.ge [sflag:s0], $0x2000  }
0x39: {  	[sflag:s0] =	ssyncset.done $0x0  }
0x3a: {  	s16 =	simm.s32 $0xCB00;
	[sflag:s0] =	ssyncadd.s32 $0xFFFFE000  }
0x3b: {  	[spmem:s3] =	stream.indirect.scatter.add.f32 [tilespmem:s22], [sflag:$0x9], $0x40, s16, s17, $0xb8;
	[tilespmem:$0x1B400] =	vst v63  }
0x3c: {  	_ =	swait.ge [sflag:s6], $0x2000  }
0x3d: {  	[sflag:s6] =	ssyncset.done $0x0  }
0x3e: {  	s19 =	simm.s32 $0xA300;
	s8 =	simm.s32 $0x4;
	[sflag:s6] =	ssyncadd.s32 $0xFFFFE000  }
0x3f: {  	[tilespmem:s18], [sflag:$0x1] =	stream.indirect.gather [hbm4b:s2+s17], $0x40, s19, s17, $0xb8;
	[tilespmem:$0x1B400] =	vst v63  }
0x40: {  	_ =	swait.ge [sflag:s8], $0x2000  }
0x41: {  	[sflag:s8] =	ssyncset.done $0x0  }
0x42: {  	s9 =	simm.s32 $0xCB80;
	s12 =	simm.s32 $0x8;
	[sflag:s8] =	ssyncadd.s32 $0xFFFFE000  }
0x43: {  	[spmem:s3] =	stream.indirect.scatter.add.f32 [tilespmem:s24], [sflag:$0xA], $0x40, s9, s17, $0xb8;
	[tilespmem:$0x1B400] =	vst v63  }
0x44: {  	_ =	swait.ge [sflag:s12], $0x2000  }
0x45: {  	[sflag:s12] =	ssyncset.done $0x0  }
0x46: {  	s14 =	simm.s32 $0xA380;
	[sflag:s12] =	ssyncadd.s32 $0xFFFFE000  }
0x47: {  	[tilespmem:s20], [sflag:$0x2] =	stream.indirect.gather [hbm4b:s2+s17], $0x40, s14, s17, $0xb8;
	[tilespmem:$0x1B400] =	vst v63  }
0x48: {  	_ =	swait.ge [sflag:s21], $0x2000  }
0x49: {  	[sflag:s21] =	ssyncset.done $0x0  }
0x4a: {  	s15 =	simm.s32 $0xCC00;
	[sflag:s21] =	ssyncadd.s32 $0xFFFFE000  }
0x4b: {  	[spmem:s3] =	stream.indirect.scatter.add.f32 [tilespmem:s28], [sflag:$0xB], $0x40, s15, s17, $0xb8;
	[tilespmem:$0x1B400] =	vst v63  }
0x4c: {  	_ =	swait.ge [sflag:s26], $0x2000  }
0x4d: {  	[sflag:s26] =	ssyncset.done $0x0  }
0x4e: {  	s16 =	simm.s32 $0xA400;
	[sflag:s26] =	ssyncadd.s32 $0xFFFFE000  }
0x4f: {  	[tilespmem:s22], [sflag:$0x3] =	stream.indirect.gather [hbm4b:s2+s17], $0x40, s16, s17, $0xb8;
	[tilespmem:$0x1B400] =	vst v63  }
0x50: {  	_ =	swait.ge [sflag:s31], $0x2000  }
0x51: {  	[sflag:s31] =	ssyncset.done $0x0  }
0x52: {  	s19 =	simm.s32 $0xCC80;
	[sflag:s31] =	ssyncadd.s32 $0xFFFFE000  }
0x53: {  	[spmem:s3] =	stream.indirect.scatter.add.f32 [tilespmem:s1], [sflag:$0xC], $0x40, s19, s17, $0xb8;
	[tilespmem:$0x1B400] =	vst v63  }
0x54: {  	_ =	swait.ge [sflag:s7], $0x2000  }
0x55: {  	[sflag:s7] =	ssyncset.done $0x0  }
0x56: {  	s8 =	simm.s32 $0xA480;
	[sflag:s7] =	ssyncadd.s32 $0xFFFFE000  }
0x57: {  	[tilespmem:s24], [sflag:$0x4] =	stream.indirect.gather [hbm4b:s2+s17], $0x40, s8, s17, $0xb8;
	[tilespmem:$0x1B400] =	vst v63  }
0x58: {  	_ =	swait.ge [sflag:s25], $0x2000  }
0x59: {  	[sflag:s25] =	ssyncset.done $0x0  }
0x5a: {  	s9 =	simm.s32 $0xCD00;
	[sflag:s25] =	ssyncadd.s32 $0xFFFFE000  }
0x5b: {  	[spmem:s3] =	stream.indirect.scatter.add.f32 [tilespmem:s18], [sflag:$0x7], $0x40, s9, s17, $0xb8;
	[tilespmem:$0x1B400] =	vst v63  }
0x5c: {  	_ =	swait.ge [sflag:s10], $0x2000  }
0x5d: {  	[sflag:s10] =	ssyncset.done $0x0  }
0x5e: {  	s12 =	simm.s32 $0xA500;
	[sflag:s10] =	ssyncadd.s32 $0xFFFFE000  }
0x5f: {  	[tilespmem:s28], [sflag:$0x5] =	stream.indirect.gather [hbm4b:s2+s17], $0x40, s12, s17, $0xb8;
	[tilespmem:$0x1B400] =	vst v63  }
0x60: {  	_ =	swait.ge [sflag:s29], $0x2000  }
0x61: {  	[sflag:s29] =	ssyncset.done $0x0  }
0x62: {  	s14 =	simm.s32 $0xCD80;
	[sflag:s29] =	ssyncadd.s32 $0xFFFFE000  }
0x63: {  	[spmem:s3] =	stream.indirect.scatter.add.f32 [tilespmem:s20], [sflag:$0x8], $0x40, s14, s17, $0xb8;
	[tilespmem:$0x1B400] =	vst v63  }
0x64: {  	_ =	swait.ge [sflag:s11], $0x2000  }
0x65: {  	[sflag:s11] =	ssyncset.done $0x0  }
0x66: {  	s15 =	simm.s32 $0xA580;
	[sflag:s11] =	ssyncadd.s32 $0xFFFFE000  }
0x67: {  	[tilespmem:s1], [sflag:$0x6] =	stream.indirect.gather [hbm4b:s2+s17], $0x40, s15, s17, $0xb8;
	[tilespmem:$0x1B400] =	vst v63  }
0x68: {  	_ =	swait.ge [sflag:s0], $0x2000  }
0x69: {  	[sflag:s0] =	ssyncset.done $0x0  }
0x6a: {  	s16 =	simm.s32 $0xCE00;
	[sflag:s0] =	ssyncadd.s32 $0xFFFFE000  }
0x6b: {  	[spmem:s3] =	stream.indirect.scatter.add.f32 [tilespmem:s22], [sflag:$0x9], $0x40, s16, s17, $0xb8;
	[tilespmem:$0x1B400] =	vst v63  }
0x6c: {  	_ =	swait.ge [sflag:s6], $0x2000  }
0x6d: {  	p0 =	por $0x0, $0x0;
	[sflag:s6] =	ssyncset.done $0x0  }
0x6e: {  	s4 =	simm.s32 @p0 $0x4;
	[sflag:s6] =	ssyncadd.s32 $0xFFFFE000  }
0x6f: {  	_ =	swait.ge @p0 [sflag:s4], $0x2000  }
0x70: {  	s30 =	simm.s32 @p0 $0x15400;
	[sflag:s4] =	ssyncset.done @p0 $0x0  }
0x71: {  	s12 =	simm.s32 @p0 $0xCE80;
	[sflag:s4] =	ssyncadd.s32 @p0 $0xFFFFE000;
	s4 =	simm.s32 @p0 $0x80  }
0x72: {  	[spmem:s3] =	stream.indirect.scatter.add.f32 @p0 [tilespmem:s30], [sflag:$0xA], $0x40, s12, s4, $0xb8;
	[tilespmem:$0x1B400] =	vst v63  }
0x73: {  	s4 =	simm.s32 @p0 $0x8  }
0x74: {  	_ =	swait.ge @p0 [sflag:s4], $0x2000  }
0x75: {  	s12 =	simm.s32 @!p0 $0xA600;
	[sflag:s4] =	ssyncset.done @p0 $0x0  }
0x76: {  	s30 =	simm.s32 @!p0 $0xF400;
	[sflag:s4] =	ssyncadd.s32 @p0 $0xFFFFE000;
	s4 =	simm.s32 @!p0 $0x80  }
0x77: {  	[tilespmem:s30], [sflag:$0x1] =	stream.indirect.gather @!p0 [hbm4b:s2+s4], $0x40, s12, s4, $0xb8;
	[tilespmem:$0x1B400] =	vst v63  }
0x78: {  	s12 =	simm.s32 @!p0 $0x4  }
0x79: {  	_ =	swait.ge @!p0 [sflag:s12], $0x2000  }
0x7a: {  	[sflag:s12] =	ssyncset.done @!p0 $0x0  }
0x7b: {  	s30 =	simm.s32 @!p0 $0xCE80;
	[sflag:s12] =	ssyncadd.s32 @!p0 $0xFFFFE000;
	s12 =	simm.s32 @!p0 $0x15400  }
0x7c: {  	[spmem:s3] =	stream.indirect.scatter.add.f32 @!p0 [tilespmem:s12], [sflag:$0xA], $0x40, s30, s4, $0xb8;
	[tilespmem:$0x1B400] =	vst v63  }
0x7d: {  	s12 =	simm.s32 @!p0 $0x8  }
0x7e: {  	_ =	swait.ge @!p0 [sflag:s12], $0x2000  }
0x7f: {  	[sflag:s12] =	ssyncset.done @!p0 $0x0  }
0x80: {  	s30 =	simm.s32 @!p0 $0xA680;
	[sflag:s12] =	ssyncadd.s32 @!p0 $0xFFFFE000;
	s12 =	simm.s32 @!p0 $0x11400  }
0x81: {  	[tilespmem:s12], [sflag:$0x2] =	stream.indirect.gather @!p0 [hbm4b:s2+s4], $0x40, s30, s4, $0xb8;
	[tilespmem:$0x1B400] =	vst v63  }
0x82: {  	_ =	swait.ge [sflag:s21], $0x2000  }
0x83: {  	[sflag:s21] =	ssyncset.done $0x0  }
0x84: {  	s19 =	simm.s32 $0xCF00;
	[sflag:s21] =	ssyncadd.s32 $0xFFFFE000  }
0x85: {  	[spmem:s3] =	stream.indirect.scatter.add.f32 [tilespmem:s28], [sflag:$0xB], $0x40, s19, s17, $0xb8;
	[tilespmem:$0x1B400] =	vst v63  }
0x86: {  	_ =	swait.ge [sflag:s26], $0x2000  }
0x87: {  	[sflag:s26] =	ssyncset.done $0x0  }
0x88: {  	s12 =	simm.s32 @!p0 $0xA700;
	s30 =	simm.s32 @!p0 $0x13400;
	[sflag:s26] =	ssyncadd.s32 $0xFFFFE000  }
0x89: {  	[tilespmem:s30], [sflag:$0x3] =	stream.indirect.gather @!p0 [hbm4b:s2+s4], $0x40, s12, s4, $0xb8;
	[tilespmem:$0x1B400] =	vst v63  }
0x8a: {  	_ =	swait.ge [sflag:s31], $0x2000  }
0x8b: {  	[sflag:s31] =	ssyncset.done $0x0  }
0x8c: {  	s30 =	simm.s32 $0xC00;
	s4 =	simm.s32 $0xCF80;
	[sflag:s31] =	ssyncadd.s32 $0xFFFFE000  }
.LBB2_2:
0x8d: {  	[spmem:s3] =	stream.indirect.scatter.add.f32 [tilespmem:s1], [sflag:$0xC], $0x40, s4, s17, $0xb8;
	[tilespmem:$0x1B400] =	vst v63  }
0x8e: {  	s12 =	smov.u32 s30;
	s30 =	sadd.s32 $0xC00, s30;
	_ =	swait.ge [sflag:s7], $0x2000  }
0x8f: {  	s4 =	sshra.s32 s12, $0x2;
	p0 =	sne.s32 s30, $0x9C00;
	[sflag:s7] =	ssyncset.done $0x0  }
0x90: {  	s14 =	sadd.s32 $0xA480, s4;
	[sflag:s7] =	ssyncadd.s32 $0xFFFFE000  }
0x91: {  	[tilespmem:s24], [sflag:$0x4] =	stream.indirect.gather [hbm4b:s2+s17], $0x40, s14, s17, $0xb8;
	[tilespmem:$0x1B400] =	vst v63  }
0x92: {  	_ =	swait.ge [sflag:s25], $0x2000  }
0x93: {  	[sflag:s25] =	ssyncset.done $0x0  }
0x94: {  	s14 =	sadd.s32 $0xCD00, s4;
	[sflag:s25] =	ssyncadd.s32 $0xFFFFE000  }
0x95: {  	[spmem:s3] =	stream.indirect.scatter.add.f32 [tilespmem:s18], [sflag:$0x7], $0x40, s14, s17, $0xb8;
	[tilespmem:$0x1B400] =	vst v63  }
0x96: {  	_ =	swait.ge [sflag:s10], $0x2000  }
0x97: {  	[sflag:s10] =	ssyncset.done $0x0  }
0x98: {  	s14 =	sadd.s32 $0xA500, s4;
	[sflag:s10] =	ssyncadd.s32 $0xFFFFE000  }
0x99: {  	[tilespmem:s28], [sflag:$0x5] =	stream.indirect.gather [hbm4b:s2+s17], $0x40, s14, s17, $0xb8;
	[tilespmem:$0x1B400] =	vst v63  }
0x9a: {  	_ =	swait.ge [sflag:s29], $0x2000  }
0x9b: {  	[sflag:s29] =	ssyncset.done $0x0  }
0x9c: {  	s14 =	sadd.s32 $0xCD80, s4;
	[sflag:s29] =	ssyncadd.s32 $0xFFFFE000  }
0x9d: {  	[spmem:s3] =	stream.indirect.scatter.add.f32 [tilespmem:s20], [sflag:$0x8], $0x40, s14, s17, $0xb8;
	[tilespmem:$0x1B400] =	vst v63  }
0x9e: {  	_ =	swait.ge [sflag:s11], $0x2000  }
0x9f: {  	[sflag:s11] =	ssyncset.done $0x0  }
0xa0: {  	s14 =	sadd.s32 $0xA580, s4;
	[sflag:s11] =	ssyncadd.s32 $0xFFFFE000  }
0xa1: {  	[tilespmem:s1], [sflag:$0x6] =	stream.indirect.gather [hbm4b:s2+s17], $0x40, s14, s17, $0xb8;
	[tilespmem:$0x1B400] =	vst v63  }
0xa2: {  	_ =	swait.ge [sflag:s0], $0x2000  }
0xa3: {  	[sflag:s0] =	ssyncset.done $0x0  }
0xa4: {  	s14 =	sadd.s32 $0xCE00, s4;
	[sflag:s0] =	ssyncadd.s32 $0xFFFFE000  }
0xa5: {  	[spmem:s3] =	stream.indirect.scatter.add.f32 [tilespmem:s22], [sflag:$0x9], $0x40, s14, s17, $0xb8;
	[tilespmem:$0x1B400] =	vst v63  }
0xa6: {  	_ =	swait.ge [sflag:s6], $0x2000  }
0xa7: {  	p1 =	seq.s32 s12, $0x9000;
	[sflag:s6] =	ssyncset.done $0x0  }
0xa8: {  	s8 =	sshra.s32 @p1 s12, $0x2;
	s14 =	simm.s32 @p1 $0x4;
	[sflag:s6] =	ssyncadd.s32 $0xFFFFE000  }
0xa9: {  	s12 =	sshra.s32 @!p1 s12, $0x2;
	s8 =	sadd.s32 @p1 $0xCE80, s8;
	_ =	swait.ge @p1 [sflag:s14], $0x2000  }
0xaa: {  	s9 =	simm.s32 @p1 $0x8;
	s19 =	sadd.s32 @!p1 $0xA600, s12;
	[sflag:s14] =	ssyncset.done @p1 $0x0  }
0xab: {  	s15 =	simm.s32 @p1 $0x15400;
	[sflag:s14] =	ssyncadd.s32 @p1 $0xFFFFE000;
	s14 =	simm.s32 @p1 $0x80  }
0xac: {  	[spmem:s3] =	stream.indirect.scatter.add.f32 @p1 [tilespmem:s15], [sflag:$0xA], $0x40, s8, s14, $0xb8;
	[tilespmem:$0x1B400] =	vst v63  }
0xad: {  	s8 =	sadd.s32 @!p1 $0xCE80, s12;
	s14 =	sadd.s32 @!p1 $0xA680, s12;
	_ =	swait.ge @p1 [sflag:s9], $0x2000  }
0xae: {  	s15 =	simm.s32 @!p1 $0x4;
	s12 =	sadd.s32 @!p1 $0xA700, s12;
	[sflag:s9] =	ssyncset.done @p1 $0x0  }
0xaf: {  	s16 =	simm.s32 @!p1 $0xF400;
	[sflag:s9] =	ssyncadd.s32 @p1 $0xFFFFE000;
	s9 =	simm.s32 @!p1 $0x80  }
0xb0: {  	[tilespmem:s16], [sflag:$0x1] =	stream.indirect.gather @!p1 [hbm4b:s2+s9], $0x40, s19, s9, $0xb8;
	[tilespmem:$0x1B400] =	vst v63  }
0xb1: {  	_ =	swait.ge @!p1 [sflag:s15], $0x2000  }
0xb2: {  	[sflag:s15] =	ssyncset.done @!p1 $0x0  }
0xb3: {  	s16 =	simm.s32 @!p1 $0x8;
	[sflag:s15] =	ssyncadd.s32 @!p1 $0xFFFFE000;
	s15 =	simm.s32 @!p1 $0x15400  }
0xb4: {  	[spmem:s3] =	stream.indirect.scatter.add.f32 @!p1 [tilespmem:s15], [sflag:$0xA], $0x40, s8, s9, $0xb8;
	[tilespmem:$0x1B400] =	vst v63  }
0xb5: {  	_ =	swait.ge @!p1 [sflag:s16], $0x2000  }
0xb6: {  	[sflag:s16] =	ssyncset.done @!p1 $0x0  }
0xb7: {  	s8 =	simm.s32 @!p1 $0x11400;
	[sflag:s16] =	ssyncadd.s32 @!p1 $0xFFFFE000  }
0xb8: {  	[tilespmem:s8], [sflag:$0x2] =	stream.indirect.gather @!p1 [hbm4b:s2+s9], $0x40, s14, s9, $0xb8;
	[tilespmem:$0x1B400] =	vst v63  }
0xb9: {  	_ =	swait.ge [sflag:s21], $0x2000  }
0xba: {  	[sflag:s21] =	ssyncset.done $0x0  }
0xbb: {  	s8 =	sadd.s32 $0xCF00, s4;
	[sflag:s21] =	ssyncadd.s32 $0xFFFFE000  }
0xbc: {  	[spmem:s3] =	stream.indirect.scatter.add.f32 [tilespmem:s28], [sflag:$0xB], $0x40, s8, s17, $0xb8;
	[tilespmem:$0x1B400] =	vst v63  }
0xbd: {  	_ =	swait.ge [sflag:s26], $0x2000  }
0xbe: {  	[sflag:s26] =	ssyncset.done $0x0  }
.Ltmp0:
0xbf: {  	s8 =	simm.s32 @!p1 $0x13400;
	[sflag:s26] =	ssyncadd.s32 $0xFFFFE000;
	(pc) =	sbr.rel @p0 .LBB2_2-.Ltmp0, $4  }
0xc0: {  	[tilespmem:s8], [sflag:$0x3] =	stream.indirect.gather @!p1 [hbm4b:s2+s9], $0x40, s12, s9, $0xb8;
	[tilespmem:$0x1B400] =	vst v63  }
0xc1: {  	_ =	swait.ge [sflag:s31], $0x2000  }
0xc2: {  	[sflag:s31] =	ssyncset.done $0x0  }
0xc3: {  	s4 =	sadd.s32 $0xCF80, s4;
	[sflag:s31] =	ssyncadd.s32 $0xFFFFE000  }
0xc4: {  	[spmem:s3] =	stream.indirect.scatter.add.f32 [tilespmem:s1], [sflag:$0xC], $0x40, s4, s17, $0xb8;
	[tilespmem:$0x1B400] =	vst v63  }
0xc5: {  	_ =	swait.ge [sflag:s7], $0x2000  }
0xc6: {  	[sflag:s7] =	ssyncset.done $0x0  }
0xc7: {  	[sflag:s7] =	ssyncadd.s32 $0xFFFFE000  }
0xc8: {  	_ =	swait.ge [sflag:s10], $0x2000  }
0xc9: {  	[sflag:s10] =	ssyncset.done $0x0  }
0xca: {  	[sflag:s10] =	ssyncadd.s32 $0xFFFFE000  }
0xcb: {  	_ =	swait.ge [sflag:s11], $0x2000  }
0xcc: {  	[sflag:s11] =	ssyncset.done $0x0  }
0xcd: {  	[sflag:s11] =	ssyncadd.s32 $0xFFFFE000  }
0xce: {  	[bflag:$0x0] =	sbarrier.arrive $0xFFFF  }
0xcf: {  	s12 =	rddreg [dreg:$0x7]  }
0xd0: {  	s8 =	rddreg [dreg:$0xa]  }
0xd1: {  	s9 =	rddreg [dreg:$0xb]  }
0xd2: {  	[hbm:s12], [sflag:s8] =	dma.local [spmem:s9], $0x1400  }
0xd3: {  	_ =	swait.ge [sflag:s13], $0x1400  }
0xd4: {  	[sflag:s13] =	ssyncset.done $0x0  }
0xd5: {  	[sflag:s13] =	ssyncadd.s32 $0xFFFFEC00  }
0xd6: {  	[bflag:$0x0] =	sbarrier.arrive $0xFFFF  }
0xd7: {  	s14 =	rddreg [dreg:$0x6]  }
0xd8: {  	[spmem:s9], [sflag:s8] =	dma.local [hbm:s14], $0x1400  }
0xd9: {  	_ =	swait.ge [sflag:s13], $0x1400  }
0xda: {  	[sflag:s13] =	ssyncset.done $0x0  }
0xdb: {  	[sflag:s13] =	ssyncadd.s32 $0xFFFFEC00  }
0xdc: {  	s15 =	simm.s32 $0xA000;
	[bflag:$0x0] =	sbarrier.arrive $0xFFFF  }
0xdd: {  	[tilespmem:s18], [sflag:$0x1] =	stream.indirect.gather [hbm4b:s5+s17], $0x40, s15, s17, $0xb8;
	[tilespmem:$0x1B400] =	vst v63  }
0xde: {  	s16 =	simm.s32 $0xA080  }
0xdf: {  	[tilespmem:s20], [sflag:$0x2] =	stream.indirect.gather [hbm4b:s5+s17], $0x40, s16, s17, $0xb8;
	[tilespmem:$0x1B400] =	vst v63  }
0xe0: {  	s19 =	simm.s32 $0xA100  }
0xe1: {  	[tilespmem:s22], [sflag:$0x3] =	stream.indirect.gather [hbm4b:s5+s17], $0x40, s19, s17, $0xb8;
	[tilespmem:$0x1B400] =	vst v63  }
0xe2: {  	s8 =	simm.s32 $0xA180  }
0xe3: {  	[tilespmem:s24], [sflag:$0x4] =	stream.indirect.gather [hbm4b:s5+s17], $0x40, s8, s17, $0xb8;
	[tilespmem:$0x1B400] =	vst v63  }
0xe4: {  	_ =	swait.ge [sflag:s25], $0x2000  }
0xe5: {  	[sflag:s25] =	ssyncset.done $0x0  }
0xe6: {  	s9 =	simm.s32 $0xCA00;
	[sflag:s25] =	ssyncadd.s32 $0xFFFFE000  }
0xe7: {  	[spmem:s3] =	stream.indirect.scatter.add.f32 [tilespmem:s18], [sflag:$0x7], $0x40, s9, s17, $0xb8;
	[tilespmem:$0x1B400] =	vst v63  }
0xe8: {  	s12 =	simm.s32 $0xA200  }
0xe9: {  	[tilespmem:s28], [sflag:$0x5] =	stream.indirect.gather [hbm4b:s5+s17], $0x40, s12, s17, $0xb8;
	[tilespmem:$0x1B400] =	vst v63  }
0xea: {  	_ =	swait.ge [sflag:s29], $0x2000  }
0xeb: {  	[sflag:s29] =	ssyncset.done $0x0  }
0xec: {  	s14 =	simm.s32 $0xCA80;
	[sflag:s29] =	ssyncadd.s32 $0xFFFFE000  }
0xed: {  	[spmem:s3] =	stream.indirect.scatter.add.f32 [tilespmem:s20], [sflag:$0x8], $0x40, s14, s17, $0xb8;
	[tilespmem:$0x1B400] =	vst v63  }
0xee: {  	s15 =	simm.s32 $0xA280  }
0xef: {  	[tilespmem:s1], [sflag:$0x6] =	stream.indirect.gather [hbm4b:s5+s17], $0x40, s15, s17, $0xb8;
	[tilespmem:$0x1B400] =	vst v63  }
0xf0: {  	_ =	swait.ge [sflag:s0], $0x2000  }
0xf1: {  	[sflag:s0] =	ssyncset.done $0x0  }
0xf2: {  	s16 =	simm.s32 $0xCB00;
	[sflag:s0] =	ssyncadd.s32 $0xFFFFE000  }
0xf3: {  	[spmem:s3] =	stream.indirect.scatter.add.f32 [tilespmem:s22], [sflag:$0x9], $0x40, s16, s17, $0xb8;
	[tilespmem:$0x1B400] =	vst v63  }
0xf4: {  	_ =	swait.ge [sflag:s6], $0x2000  }
0xf5: {  	[sflag:s6] =	ssyncset.done $0x0  }
0xf6: {  	s19 =	simm.s32 $0xA300;
	s8 =	simm.s32 $0x4;
	[sflag:s6] =	ssyncadd.s32 $0xFFFFE000  }
0xf7: {  	[tilespmem:s18], [sflag:$0x1] =	stream.indirect.gather [hbm4b:s5+s17], $0x40, s19, s17, $0xb8;
	[tilespmem:$0x1B400] =	vst v63  }
0xf8: {  	_ =	swait.ge [sflag:s8], $0x2000  }
0xf9: {  	[sflag:s8] =	ssyncset.done $0x0  }
0xfa: {  	s9 =	simm.s32 $0xCB80;
	s12 =	simm.s32 $0x8;
	[sflag:s8] =	ssyncadd.s32 $0xFFFFE000  }
0xfb: {  	[spmem:s3] =	stream.indirect.scatter.add.f32 [tilespmem:s24], [sflag:$0xA], $0x40, s9, s17, $0xb8;
	[tilespmem:$0x1B400] =	vst v63  }
0xfc: {  	_ =	swait.ge [sflag:s12], $0x2000  }
0xfd: {  	[sflag:s12] =	ssyncset.done $0x0  }
0xfe: {  	s14 =	simm.s32 $0xA380;
	[sflag:s12] =	ssyncadd.s32 $0xFFFFE000  }
0xff: {  	[tilespmem:s20], [sflag:$0x2] =	stream.indirect.gather [hbm4b:s5+s17], $0x40, s14, s17, $0xb8;
	[tilespmem:$0x1B400] =	vst v63  }
0x100: {  	_ =	swait.ge [sflag:s21], $0x2000  }
0x101: {  	[sflag:s21] =	ssyncset.done $0x0  }
0x102: {  	s15 =	simm.s32 $0xCC00;
	[sflag:s21] =	ssyncadd.s32 $0xFFFFE000  }
0x103: {  	[spmem:s3] =	stream.indirect.scatter.add.f32 [tilespmem:s28], [sflag:$0xB], $0x40, s15, s17, $0xb8;
	[tilespmem:$0x1B400] =	vst v63  }
0x104: {  	_ =	swait.ge [sflag:s26], $0x2000  }
0x105: {  	[sflag:s26] =	ssyncset.done $0x0  }
0x106: {  	s16 =	simm.s32 $0xA400;
	[sflag:s26] =	ssyncadd.s32 $0xFFFFE000  }
0x107: {  	[tilespmem:s22], [sflag:$0x3] =	stream.indirect.gather [hbm4b:s5+s17], $0x40, s16, s17, $0xb8;
	[tilespmem:$0x1B400] =	vst v63  }
0x108: {  	_ =	swait.ge [sflag:s31], $0x2000  }
0x109: {  	[sflag:s31] =	ssyncset.done $0x0  }
0x10a: {  	s19 =	simm.s32 $0xCC80;
	[sflag:s31] =	ssyncadd.s32 $0xFFFFE000  }
0x10b: {  	[spmem:s3] =	stream.indirect.scatter.add.f32 [tilespmem:s1], [sflag:$0xC], $0x40, s19, s17, $0xb8;
	[tilespmem:$0x1B400] =	vst v63  }
0x10c: {  	_ =	swait.ge [sflag:s7], $0x2000  }
0x10d: {  	[sflag:s7] =	ssyncset.done $0x0  }
0x10e: {  	s8 =	simm.s32 $0xA480;
	[sflag:s7] =	ssyncadd.s32 $0xFFFFE000  }
0x10f: {  	[tilespmem:s24], [sflag:$0x4] =	stream.indirect.gather [hbm4b:s5+s17], $0x40, s8, s17, $0xb8;
	[tilespmem:$0x1B400] =	vst v63  }
0x110: {  	_ =	swait.ge [sflag:s25], $0x2000  }
0x111: {  	[sflag:s25] =	ssyncset.done $0x0  }
0x112: {  	s9 =	simm.s32 $0xCD00;
	[sflag:s25] =	ssyncadd.s32 $0xFFFFE000  }
0x113: {  	[spmem:s3] =	stream.indirect.scatter.add.f32 [tilespmem:s18], [sflag:$0x7], $0x40, s9, s17, $0xb8;
	[tilespmem:$0x1B400] =	vst v63  }
0x114: {  	_ =	swait.ge [sflag:s10], $0x2000  }
0x115: {  	[sflag:s10] =	ssyncset.done $0x0  }
0x116: {  	s12 =	simm.s32 $0xA500;
	[sflag:s10] =	ssyncadd.s32 $0xFFFFE000  }
0x117: {  	[tilespmem:s28], [sflag:$0x5] =	stream.indirect.gather [hbm4b:s5+s17], $0x40, s12, s17, $0xb8;
	[tilespmem:$0x1B400] =	vst v63  }
0x118: {  	_ =	swait.ge [sflag:s29], $0x2000  }
0x119: {  	[sflag:s29] =	ssyncset.done $0x0  }
0x11a: {  	s14 =	simm.s32 $0xCD80;
	[sflag:s29] =	ssyncadd.s32 $0xFFFFE000  }
0x11b: {  	[spmem:s3] =	stream.indirect.scatter.add.f32 [tilespmem:s20], [sflag:$0x8], $0x40, s14, s17, $0xb8;
	[tilespmem:$0x1B400] =	vst v63  }
0x11c: {  	_ =	swait.ge [sflag:s11], $0x2000  }
0x11d: {  	[sflag:s11] =	ssyncset.done $0x0  }
0x11e: {  	s15 =	simm.s32 $0xA580;
	[sflag:s11] =	ssyncadd.s32 $0xFFFFE000  }
0x11f: {  	[tilespmem:s1], [sflag:$0x6] =	stream.indirect.gather [hbm4b:s5+s17], $0x40, s15, s17, $0xb8;
	[tilespmem:$0x1B400] =	vst v63  }
0x120: {  	_ =	swait.ge [sflag:s0], $0x2000  }
0x121: {  	[sflag:s0] =	ssyncset.done $0x0  }
0x122: {  	s16 =	simm.s32 $0xCE00;
	[sflag:s0] =	ssyncadd.s32 $0xFFFFE000  }
0x123: {  	[spmem:s3] =	stream.indirect.scatter.add.f32 [tilespmem:s22], [sflag:$0x9], $0x40, s16, s17, $0xb8;
	[tilespmem:$0x1B400] =	vst v63  }
0x124: {  	_ =	swait.ge [sflag:s6], $0x2000  }
0x125: {  	p0 =	por $0x0, $0x0;
	[sflag:s6] =	ssyncset.done $0x0  }
0x126: {  	s4 =	simm.s32 @p0 $0x4;
	[sflag:s6] =	ssyncadd.s32 $0xFFFFE000  }
0x127: {  	_ =	swait.ge @p0 [sflag:s4], $0x2000  }
0x128: {  	s8 =	simm.s32 @p0 $0xCE80;
	[sflag:s4] =	ssyncset.done @p0 $0x0  }
0x129: {  	s9 =	simm.s32 @p0 $0x15400;
	[sflag:s4] =	ssyncadd.s32 @p0 $0xFFFFE000;
	s4 =	simm.s32 @p0 $0x80  }
0x12a: {  	[spmem:s3] =	stream.indirect.scatter.add.f32 @p0 [tilespmem:s9], [sflag:$0xA], $0x40, s8, s4, $0xb8;
	[tilespmem:$0x1B400] =	vst v63  }
0x12b: {  	s4 =	simm.s32 @p0 $0x8  }
0x12c: {  	_ =	swait.ge @p0 [sflag:s4], $0x2000  }
0x12d: {  	s8 =	simm.s32 @!p0 $0xA600;
	[sflag:s4] =	ssyncset.done @p0 $0x0  }
0x12e: {  	s9 =	simm.s32 @!p0 $0xF400;
	[sflag:s4] =	ssyncadd.s32 @p0 $0xFFFFE000;
	s4 =	simm.s32 @!p0 $0x80  }
0x12f: {  	[tilespmem:s9], [sflag:$0x1] =	stream.indirect.gather @!p0 [hbm4b:s5+s4], $0x40, s8, s4, $0xb8;
	[tilespmem:$0x1B400] =	vst v63  }
0x130: {  	s8 =	simm.s32 @!p0 $0x4  }
0x131: {  	_ =	swait.ge @!p0 [sflag:s8], $0x2000  }
0x132: {  	[sflag:s8] =	ssyncset.done @!p0 $0x0  }
0x133: {  	s9 =	simm.s32 @!p0 $0xCE80;
	[sflag:s8] =	ssyncadd.s32 @!p0 $0xFFFFE000;
	s8 =	simm.s32 @!p0 $0x15400  }
0x134: {  	[spmem:s3] =	stream.indirect.scatter.add.f32 @!p0 [tilespmem:s8], [sflag:$0xA], $0x40, s9, s4, $0xb8;
	[tilespmem:$0x1B400] =	vst v63  }
0x135: {  	s8 =	simm.s32 @!p0 $0x8  }
0x136: {  	_ =	swait.ge @!p0 [sflag:s8], $0x2000  }
0x137: {  	[sflag:s8] =	ssyncset.done @!p0 $0x0  }
0x138: {  	s9 =	simm.s32 @!p0 $0xA680;
	[sflag:s8] =	ssyncadd.s32 @!p0 $0xFFFFE000;
	s8 =	simm.s32 @!p0 $0x11400  }
0x139: {  	[tilespmem:s8], [sflag:$0x2] =	stream.indirect.gather @!p0 [hbm4b:s5+s4], $0x40, s9, s4, $0xb8;
	[tilespmem:$0x1B400] =	vst v63  }
0x13a: {  	_ =	swait.ge [sflag:s21], $0x2000  }
0x13b: {  	[sflag:s21] =	ssyncset.done $0x0  }
0x13c: {  	s19 =	simm.s32 $0xCF00;
	[sflag:s21] =	ssyncadd.s32 $0xFFFFE000  }
0x13d: {  	[spmem:s3] =	stream.indirect.scatter.add.f32 [tilespmem:s28], [sflag:$0xB], $0x40, s19, s17, $0xb8;
	[tilespmem:$0x1B400] =	vst v63  }
0x13e: {  	_ =	swait.ge [sflag:s26], $0x2000  }
0x13f: {  	[sflag:s26] =	ssyncset.done $0x0  }
0x140: {  	s8 =	simm.s32 @!p0 $0xA700;
	s9 =	simm.s32 @!p0 $0x13400;
	[sflag:s26] =	ssyncadd.s32 $0xFFFFE000  }
0x141: {  	[tilespmem:s9], [sflag:$0x3] =	stream.indirect.gather @!p0 [hbm4b:s5+s4], $0x40, s8, s4, $0xb8;
	[tilespmem:$0x1B400] =	vst v63  }
0x142: {  	_ =	swait.ge [sflag:s31], $0x2000  }
0x143: {  	[sflag:s31] =	ssyncset.done $0x0  }
0x144: {  	s30 =	simm.s32 $0xC00;
	s4 =	simm.s32 $0xCF80;
	[sflag:s31] =	ssyncadd.s32 $0xFFFFE000  }
.LBB2_4:
0x145: {  	[spmem:s3] =	stream.indirect.scatter.add.f32 [tilespmem:s1], [sflag:$0xC], $0x40, s4, s17, $0xb8;
	[tilespmem:$0x1B400] =	vst v63  }
0x146: {  	s12 =	smov.u32 s30;
	s30 =	sadd.s32 $0xC00, s30;
	_ =	swait.ge [sflag:s7], $0x2000  }
0x147: {  	s4 =	sshra.s32 s12, $0x2;
	p0 =	sne.s32 s30, $0x9C00;
	[sflag:s7] =	ssyncset.done $0x0  }
0x148: {  	s8 =	sadd.s32 $0xA480, s4;
	[sflag:s7] =	ssyncadd.s32 $0xFFFFE000  }
0x149: {  	[tilespmem:s24], [sflag:$0x4] =	stream.indirect.gather [hbm4b:s5+s17], $0x40, s8, s17, $0xb8;
	[tilespmem:$0x1B400] =	vst v63  }
0x14a: {  	_ =	swait.ge [sflag:s25], $0x2000  }
0x14b: {  	[sflag:s25] =	ssyncset.done $0x0  }
0x14c: {  	s8 =	sadd.s32 $0xCD00, s4;
	[sflag:s25] =	ssyncadd.s32 $0xFFFFE000  }
0x14d: {  	[spmem:s3] =	stream.indirect.scatter.add.f32 [tilespmem:s18], [sflag:$0x7], $0x40, s8, s17, $0xb8;
	[tilespmem:$0x1B400] =	vst v63  }
0x14e: {  	_ =	swait.ge [sflag:s10], $0x2000  }
0x14f: {  	[sflag:s10] =	ssyncset.done $0x0  }
0x150: {  	s8 =	sadd.s32 $0xA500, s4;
	[sflag:s10] =	ssyncadd.s32 $0xFFFFE000  }
0x151: {  	[tilespmem:s28], [sflag:$0x5] =	stream.indirect.gather [hbm4b:s5+s17], $0x40, s8, s17, $0xb8;
	[tilespmem:$0x1B400] =	vst v63  }
0x152: {  	_ =	swait.ge [sflag:s29], $0x2000  }
0x153: {  	[sflag:s29] =	ssyncset.done $0x0  }
0x154: {  	s8 =	sadd.s32 $0xCD80, s4;
	[sflag:s29] =	ssyncadd.s32 $0xFFFFE000  }
0x155: {  	[spmem:s3] =	stream.indirect.scatter.add.f32 [tilespmem:s20], [sflag:$0x8], $0x40, s8, s17, $0xb8;
	[tilespmem:$0x1B400] =	vst v63  }
0x156: {  	_ =	swait.ge [sflag:s11], $0x2000  }
0x157: {  	[sflag:s11] =	ssyncset.done $0x0  }
0x158: {  	s8 =	sadd.s32 $0xA580, s4;
	[sflag:s11] =	ssyncadd.s32 $0xFFFFE000  }
0x159: {  	[tilespmem:s1], [sflag:$0x6] =	stream.indirect.gather [hbm4b:s5+s17], $0x40, s8, s17, $0xb8;
	[tilespmem:$0x1B400] =	vst v63  }
0x15a: {  	_ =	swait.ge [sflag:s0], $0x2000  }
0x15b: {  	[sflag:s0] =	ssyncset.done $0x0  }
0x15c: {  	s8 =	sadd.s32 $0xCE00, s4;
	[sflag:s0] =	ssyncadd.s32 $0xFFFFE000  }
0x15d: {  	[spmem:s3] =	stream.indirect.scatter.add.f32 [tilespmem:s22], [sflag:$0x9], $0x40, s8, s17, $0xb8;
	[tilespmem:$0x1B400] =	vst v63  }
0x15e: {  	_ =	swait.ge [sflag:s6], $0x2000  }
0x15f: {  	p1 =	seq.s32 s12, $0x9000;
	[sflag:s6] =	ssyncset.done $0x0  }
0x160: {  	s9 =	sshra.s32 @p1 s12, $0x2;
	s8 =	simm.s32 @p1 $0x4;
	[sflag:s6] =	ssyncadd.s32 $0xFFFFE000  }
0x161: {  	s12 =	sshra.s32 @!p1 s12, $0x2;
	s9 =	sadd.s32 @p1 $0xCE80, s9;
	_ =	swait.ge @p1 [sflag:s8], $0x2000  }
0x162: {  	s14 =	simm.s32 @p1 $0x8;
	s15 =	sadd.s32 @!p1 $0xA600, s12;
	[sflag:s8] =	ssyncset.done @p1 $0x0  }
0x163: {  	s16 =	simm.s32 @p1 $0x15400;
	[sflag:s8] =	ssyncadd.s32 @p1 $0xFFFFE000;
	s8 =	simm.s32 @p1 $0x80  }
0x164: {  	[spmem:s3] =	stream.indirect.scatter.add.f32 @p1 [tilespmem:s16], [sflag:$0xA], $0x40, s9, s8, $0xb8;
	[tilespmem:$0x1B400] =	vst v63  }
0x165: {  	s8 =	sadd.s32 @!p1 $0xCE80, s12;
	s9 =	sadd.s32 @!p1 $0xA680, s12;
	_ =	swait.ge @p1 [sflag:s14], $0x2000  }
0x166: {  	s16 =	simm.s32 @!p1 $0x4;
	s12 =	sadd.s32 @!p1 $0xA700, s12;
	[sflag:s14] =	ssyncset.done @p1 $0x0  }
0x167: {  	s19 =	simm.s32 @!p1 $0xF400;
	[sflag:s14] =	ssyncadd.s32 @p1 $0xFFFFE000;
	s14 =	simm.s32 @!p1 $0x80  }
0x168: {  	[tilespmem:s19], [sflag:$0x1] =	stream.indirect.gather @!p1 [hbm4b:s5+s14], $0x40, s15, s14, $0xb8;
	[tilespmem:$0x1B400] =	vst v63  }
0x169: {  	_ =	swait.ge @!p1 [sflag:s16], $0x2000  }
0x16a: {  	[sflag:s16] =	ssyncset.done @!p1 $0x0  }
0x16b: {  	s15 =	simm.s32 @!p1 $0x15400;
	[sflag:s16] =	ssyncadd.s32 @!p1 $0xFFFFE000;
	s16 =	simm.s32 @!p1 $0x8  }
0x16c: {  	[spmem:s3] =	stream.indirect.scatter.add.f32 @!p1 [tilespmem:s15], [sflag:$0xA], $0x40, s8, s14, $0xb8;
	[tilespmem:$0x1B400] =	vst v63  }
0x16d: {  	_ =	swait.ge @!p1 [sflag:s16], $0x2000  }
0x16e: {  	[sflag:s16] =	ssyncset.done @!p1 $0x0  }
0x16f: {  	s8 =	simm.s32 @!p1 $0x11400;
	[sflag:s16] =	ssyncadd.s32 @!p1 $0xFFFFE000  }
0x170: {  	[tilespmem:s8], [sflag:$0x2] =	stream.indirect.gather @!p1 [hbm4b:s5+s14], $0x40, s9, s14, $0xb8;
	[tilespmem:$0x1B400] =	vst v63  }
0x171: {  	_ =	swait.ge [sflag:s21], $0x2000  }
0x172: {  	[sflag:s21] =	ssyncset.done $0x0  }
0x173: {  	s8 =	sadd.s32 $0xCF00, s4;
	[sflag:s21] =	ssyncadd.s32 $0xFFFFE000  }
0x174: {  	[spmem:s3] =	stream.indirect.scatter.add.f32 [tilespmem:s28], [sflag:$0xB], $0x40, s8, s17, $0xb8;
	[tilespmem:$0x1B400] =	vst v63  }
0x175: {  	_ =	swait.ge [sflag:s26], $0x2000  }
0x176: {  	[sflag:s26] =	ssyncset.done $0x0  }
.Ltmp1:
0x177: {  	s8 =	simm.s32 @!p1 $0x13400;
	[sflag:s26] =	ssyncadd.s32 $0xFFFFE000;
	(pc) =	sbr.rel @p0 .LBB2_4-.Ltmp1, $4  }
0x178: {  	[tilespmem:s8], [sflag:$0x3] =	stream.indirect.gather @!p1 [hbm4b:s5+s14], $0x40, s12, s14, $0xb8;
	[tilespmem:$0x1B400] =	vst v63  }
0x179: {  	_ =	swait.ge [sflag:s31], $0x2000  }
0x17a: {  	[sflag:s31] =	ssyncset.done $0x0  }
0x17b: {  	s4 =	sadd.s32 $0xCF80, s4;
	[sflag:s31] =	ssyncadd.s32 $0xFFFFE000  }
0x17c: {  	[spmem:s3] =	stream.indirect.scatter.add.f32 [tilespmem:s1], [sflag:$0xC], $0x40, s4, s17, $0xb8;
	[tilespmem:$0x1B400] =	vst v63  }
0x17d: {  	_ =	swait.ge [sflag:s7], $0x2000  }
0x17e: {  	[sflag:s7] =	ssyncset.done $0x0  }
0x17f: {  	[sflag:s7] =	ssyncadd.s32 $0xFFFFE000  }
0x180: {  	_ =	swait.ge [sflag:s10], $0x2000  }
0x181: {  	[sflag:s10] =	ssyncset.done $0x0  }
0x182: {  	[sflag:s10] =	ssyncadd.s32 $0xFFFFE000  }
0x183: {  	_ =	swait.ge [sflag:s11], $0x2000  }
0x184: {  	[sflag:s11] =	ssyncset.done $0x0  }
0x185: {  	[sflag:s11] =	ssyncadd.s32 $0xFFFFE000  }
0x186: {  	[bflag:$0x0] =	sbarrier.arrive $0xFFFF  }
0x187: {  	s19 =	rddreg [dreg:$0x8]  }
0x188: {  	s14 =	rddreg [dreg:$0xa]  }
0x189: {  	s15 =	rddreg [dreg:$0xb]  }
0x18a: {  	[hbm:s19], [sflag:s14] =	dma.local [spmem:s15], $0x1400  }
0x18b: {  	_ =	swait.ge [sflag:s13], $0x1400  }
0x18c: {  	s23 =	sadd.s32 $0x1, s23;
	s30 =	rddreg [dreg:$0x9]  }
0x18d: {  	p0 =	sne.s32 s23, s30  }
.Ltmp2:
0x18e: {  	_ = 	snop;
	(pc) =	sbr.rel @p0 .LBB2_1-.Ltmp2, $3  }
0x18f: {  	_ =	sdelay $0x1  }
0x190: {  	[sflag:s13] =	ssyncset.done $0x0  }
0x191: {  	[sflag:s13] =	ssyncadd.s32 $0xFFFFEC00  }
0x192: {  	_ =	sfence.sel $0x180000  }
0x193: {  	[bflag:$0x0] =	sbarrier.arrive $0xFFFF  }
0x194: {  	_ =	strace $0x9000004A  }
0x195: {  	s0 =	stileid.u32;
	[bflag:$0x2] =	sbarrier.arrive $0xFFFF  }
0x196: {  	p0 =	sne.s32 s0, $0x0;
	s0 =	rddreg [dreg:$0x3]  }
0x197: {  	s0 =	sadd.s32 @!p0 $0x100000, s0  }
0x198: {  	[sflag:s0] =	ssyncadd.tile.s32 @!p0 $0x1;
	_ =	shalt  }
.Lfunc_end2:
_tile_overlayer_lowered:
.L_overlay_start_2:
0x199: {  	(tag) =	ssettag $0x2  }
0x19a: {  	s0 =	rddreg [dreg:$0x0];
	s2 =	stileid.u32  }
0x19b: {  	s1 =	rddreg [dreg:$0x1];
	p0 =	sne.s32 s2, $0x0  }
0x19c: {  	s3 =	rddreg [dreg:$0x2];
	[bflag:$0x3] =	sbarrier.arrive $0xFFFF;
	s2 =	simm.s32 @!p0 $0x1C0D  }
0x19d: {  	[timem:s3], [sflag:s2] =	dma.local @!p0 [hbm:s0], s1  }
0x19e: {  	s0 =	simm.s32 @!p0 $0xD  }
0x19f: {  	_ =	swait.ge @!p0 [sflag:s0], s1  }
0x1a0: {  	s1 =	ssub.s32 @!p0 $0x0, s1;
	[sflag:s0] =	ssyncset.done @!p0 $0x0  }
0x1a1: {  	[sflag:s0] =	ssyncadd.s32 @!p0 s1  }
0x1a2: {  	[bflag:$0x3] =	sbarrier.arrive $0xFFFF  }
0x1a3: {  	_ =	shalt  }

// kernel: kernel.16.cloned.1.call-start
scs
__scs_entry_jumppad:
0x0: {  	(pc) =	sbr.rel $0x88, $3  }
0x1: {  	(tag) =	ssettag $0x0;
	lr =	simm.s32 $0x1  }
0x2: {  	[smem:$0x3F99] =	sst lr;
	_ =	strace $0xD0000000  }
0x3: {  	_ = 	snop  }
0x4: {  	_ = 	snop  }
0x5: {  	_ = 	snop  }
0x6: {  	_ = 	snop  }
0x7: {  	_ = 	snop  }
__scs_overlays_trampoline_lowered:
0x8: {  	[smem:$0x3FA8] =	sst s0  }
0x9: {  	[smem:$0x3FA9] =	sst s1  }
0xa: {  	[smem:$0x3FAA] =	sst s2  }
0xb: {  	[smem:$0x3FAB] =	sst s3  }
0xc: {  	[smem:$0x3FAC] =	sst s4  }
0xd: {  	[smem:$0x3FAD] =	sst s5  }
0xe: {  	[smem:$0x3FAE] =	sst s6  }
0xf: {  	[smem:$0x3FAF] =	sst s7  }
0x10: {  	[smem:$0x3FB0] =	sst s8  }
0x11: {  	[smem:$0x3FB1] =	sst s9;
	s0 =	simm.s32 @!p0 $0x0  }
0x12: {  	s1 =	sld [smem:$0x3F97];
	s0 =	simm.s32 @p0 $0x1  }
0x13: {  	[smem:$0x3FB2] =	sst s0;
	s0 =	simm.s32 @!p1 $0x0  }
0x14: {  	s2 =	sld [smem:$0x3F96];
	s0 =	simm.s32 @p1 $0x1  }
0x15: {  	[smem:$0x3FB3] =	sst s0;
	s0 =	simm.s32 @!p2 $0x0  }
0x16: {  	s3 =	sld [smem:$0x3FDB];
	s0 =	simm.s32 @p2 $0x1  }
0x17: {  	s4 =	simm.s32 $0x1BF5;
	[smem:$0x3FB5] =	sst s0  }
0x18: {  	s0 =	sld [smem:$0x3F98];
	_ =	swait.ge [sflag:s4], $0x0  }
0x19: {  	s7 =	sld [smem:$0x3F99]  }
0x1a: {  	s8 =	sadd.s32 $0xFFFFE003, lr  }
0x1b: {  	s9 =	sadd.s32 $0xFFFFFEF7, lr;
	s5 =	simm.s32 $0xFFFFFFFF;
	p2 =	slt.u32 s8, $0xFFFFF086  }
0x1c: {  	p1 =	slt.u32 s9, $0xF7A;
	s5 =	simm.s32 @!p2 $0x0  }
0x1d: {  	s5 =	simm.s32 @p1 $0x1;
	p0 =	seq.s32 s7, s2  }
0x1e: {  	s7 =	smul.u32 @!p0 $0xF7A, s2;
	p2 =	seq.s32 @!p0 s5, $0x0  }
0x1f: {  	s9 =	smul.u32 $0xF7A, s1;
	s8 =	simm.s32 @!p0 $0x1BF5;
	p2 =	por !p2, p0  }
0x20: {  	[sflag:s8] =	ssyncset.s32 @!p0 $0xFFFFF086;
	s6 =	sadd.s32 @!p0 s3, s7;
	s7 =	simm.s32 @!p0 $0x108  }
0x21: {  	s3 =	sadd.s32 s3, s9;
	s6 =	sadd.s32 @!p0 $0x88, s6;
	s7 =	simm.s32 @p2 $0x1082  }
0x22: {  	[simem:s7], [sflag:s8] =	dma.local @!p0 [hbm:s6], $0xF7A  }
0x23: {  	s9 =	sor.u32 $0xD0000000, s2;
	s6 =	simm.s32 $0x108;
	_ =	swait.ge @!p0 [sflag:s8], $0x0  }
0x24: {  	s3 =	sadd.s32 $0x88, s3;
	s6 =	simm.s32 @!p1 $0x1082;
	[sflag:s4] =	ssyncset.s32 $0xFFFFF086  }
0x25: {  	[simem:s6], [sflag:s4] =	dma.local [hbm:s3], $0xF7A  }
0x26: {  	[smem:$0x3F99] =	sst s1;
	(tag) =	ssettag s2;
	_ =	strace s9  }
0x27: {  	s1 =	sld [smem:$0x3FA9]  }
0x28: {  	s2 =	sld [smem:$0x3FAA]  }
0x29: {  	s4 =	sld [smem:$0x3FAC]  }
0x2a: {  	p0 =	seq.s32 s5, $0x0;
	s5 =	sld [smem:$0x3FAD]  }
0x2b: {  	s6 =	sld [smem:$0x3FAE]  }
0x2c: {  	s7 =	sld [smem:$0x3FAF]  }
0x2d: {  	s3 =	simm.s32 $0x108;
	s8 =	sld [smem:$0x3FB0]  }
0x2e: {  	s3 =	simm.s32 @!p0 $0x1082;
	s9 =	sld [smem:$0x3FB1]  }
0x2f: {  	lr =	sadd.s32 s0, s3;
	s0 =	sld [smem:$0x3FA8]  }
0x30: {  	s3 =	sld [smem:$0x3FAB]  }
0x31: {  	[smem:$0x3FB4] =	sst s10  }
0x32: {  	s10 =	sld [smem:$0x3FB2];
	_ =	sdelay $0x3  }
0x33: {  	p0 =	seq.s32 s10, $0x1;
	s10 =	sld [smem:$0x3FB4];
	_ =	sdelay $0x3  }
0x34: {  	[smem:$0x3FB4] =	sst s10  }
0x35: {  	s10 =	sld [smem:$0x3FB3];
	_ =	sdelay $0x3  }
0x36: {  	p1 =	seq.s32 s10, $0x1;
	s10 =	sld [smem:$0x3FB4];
	_ =	sdelay $0x3  }
0x37: {  	[smem:$0x3FB4] =	sst s10  }
0x38: {  	s10 =	sld [smem:$0x3FB5]  }
0x39: {  	_ = 	snop;
	(pc) =	sbr.ind lr, $3  }
0x3a: {  	_ = 	snop  }
0x3b: {  	_ = 	snop  }
0x3c: {  	p2 =	seq.s32 s10, $0x1;
	s10 =	sld [smem:$0x3FB4]  }
0x3d: {  	_ =	shalt  }
0x3e: {  	_ =	shalt  }
0x3f: {  	_ =	shalt  }
0x40: {  	_ =	shalt  }
0x41: {  	_ =	shalt  }
0x42: {  	_ =	shalt  }
0x43: {  	_ =	shalt  }
0x44: {  	_ =	shalt  }
0x45: {  	_ =	shalt  }
0x46: {  	_ =	shalt  }
0x47: {  	_ =	shalt  }
0x48: {  	_ =	shalt  }
0x49: {  	_ =	shalt  }
0x4a: {  	_ =	shalt  }
0x4b: {  	_ =	shalt  }
0x4c: {  	_ =	shalt  }
0x4d: {  	_ =	shalt  }
0x4e: {  	_ =	shalt  }
0x4f: {  	_ =	shalt  }
0x50: {  	_ =	shalt  }
0x51: {  	_ =	shalt  }
0x52: {  	_ =	shalt  }
0x53: {  	_ =	shalt  }
0x54: {  	_ =	shalt  }
0x55: {  	_ =	shalt  }
0x56: {  	_ =	shalt  }
0x57: {  	_ =	shalt  }
0x58: {  	_ =	shalt  }
0x59: {  	_ =	shalt  }
0x5a: {  	_ =	shalt  }
0x5b: {  	_ =	shalt  }
0x5c: {  	_ =	shalt  }
0x5d: {  	_ =	shalt  }
0x5e: {  	_ =	shalt  }
0x5f: {  	_ =	shalt  }
0x60: {  	_ =	shalt  }
0x61: {  	_ =	shalt  }
0x62: {  	_ =	shalt  }
0x63: {  	_ =	shalt  }
0x64: {  	_ =	shalt  }
0x65: {  	_ =	shalt  }
0x66: {  	_ =	shalt  }
0x67: {  	_ =	shalt  }
0x68: {  	_ =	shalt  }
0x69: {  	_ =	shalt  }
0x6a: {  	_ =	shalt  }
0x6b: {  	_ =	shalt  }
0x6c: {  	_ =	shalt  }
0x6d: {  	_ =	shalt  }
0x6e: {  	_ =	shalt  }
0x6f: {  	_ =	shalt  }
0x70: {  	_ =	shalt  }
0x71: {  	_ =	shalt  }
0x72: {  	_ =	shalt  }
0x73: {  	_ =	shalt  }
0x74: {  	_ =	shalt  }
0x75: {  	_ =	shalt  }
0x76: {  	_ =	shalt  }
0x77: {  	_ =	shalt  }
0x78: {  	_ =	shalt  }
0x79: {  	_ =	shalt  }
0x7a: {  	_ =	shalt  }
0x7b: {  	_ =	shalt  }
0x7c: {  	_ =	shalt  }
0x7d: {  	_ =	shalt  }
0x7e: {  	_ =	shalt  }
0x7f: {  	_ =	shalt  }
0x80: {  	_ =	shalt  }
0x81: {  	_ =	shalt  }
0x82: {  	_ =	shalt  }
0x83: {  	_ =	shalt  }
0x84: {  	_ =	shalt  }
0x85: {  	_ =	shalt  }
0x86: {  	_ =	shalt  }
0x87: {  	_ =	shalt  }
.Lfunc_end0:
.L_simem_size_0:
called_computation.2_lowered:
.L_overlay_start_0:
0x88: {  	s2 =	sld [smem:$0x3FD9]  }
0x89: {  	s3 =	sld [smem:$0x3FFE];
	_ =	sdelay $0x1  }
0x8a: {  	s1 =	srdreg.scid  }
0x8b: {  	s0 =	sand.u32 $0x1, s1  }
0x8c: {  	s17 =	sshll.u32 s0, $0xA;
	s2 =	sadd.s32 s3, s2  }
0x8d: {  	s2 =	sadd.s32 s2, s17  }
0x8e: {  	[smem:$0x3FC0] =	sst s2  }
0x8f: {  	_ = 	snop  }
0x90: {  	s2 =	sld [smem:$0x3FD0];
	(tm) =	ssettm $0x1  }
0x91: {  	s18 =	sld [smem:$0x3FFB];
	_ =	sdelay $0x3  }
0x92: {  	_ =	strace s18  }
0x93: {  	s3 =	sld [smem:$0x3FFC];
	_ =	sdelay $0x3  }
0x94: {  	_ =	strace s3  }
0x95: {  	s3 =	sld [smem:$0x3FFD];
	_ =	sdelay $0x3  }
0x96: {  	_ =	strace s3  }
0x97: {  	_ =	strace $0x8FFFFFFF  }
0x98: {  	s19 =	sld [smem:$0x3FDB];
	_ =	sdelay $0x1  }
0x99: {  	s4 =	simm.s32 $_scs_section_size  }
0x9a: {  	s5 =	simm.s32 $_size__tile_overlayer_lowered;
	s6 =	simm.s32 $_tile_overlayer_lowered  }
0x9b: {  	s22 =	simm.s32 $0x1BFF;
	s21 =	sshll.u32 s6, $0x1;
	s3 =	sadd.s32 s4, s19  }
0x9c: {  	s7 =	simm.s32 $0x0;
	s20 =	sshll.u32 s5, $0x1;
	s5 =	sadd.s32 s21, s3  }
0x9d: {  	[timem:s7], [sflag:s22] =	dma.local [hbm:s5], s20  }
0x9e: {  	_ =	swait.ge [sflag:s22], s20  }
0x9f: {  	s4 =	ssub.s32 $0x0, s20;
	[sflag:s22] =	ssyncset.done $0x0  }
0xa0: {  	[sflag:s22] =	ssyncadd.s32 s4;
	_ =	sdelay $0x1  }
0xa1: {  	s23 =	simm.s32 $0x1B8B  }
0xa2: {  	_ =	swait.ge [sflag:s23], $0x1  }
0xa3: {  	[sflag:s23] =	ssyncset.done $0x0  }
0xa4: {  	s25 =	simm.s32 $0x1B8E;
	s24 =	sld [smem:$0x3FFE];
	[sflag:s23] =	ssyncadd.s32 $0xFFFFFFFF  }
0xa5: {  	s26 =	simm.s32 $execute0_lowered;
	[smem:$0x3FD2] =	sst s25  }
0xa6: {  	s5 =	sshll.u32 s26, $0x1;
	_ =	strace $0x8000004C;
	[dreg:$0x1] =	wrdreg $0xFFFFFFFF  }
0xa7: {  	s28 =	simm.s32 $_size_execute0_lowered;
	s3 =	sadd.s32 s3, s5;
	[dreg:$0x0] =	wrdreg $0x0  }
0xa8: {  	s5 =	sshll.u32 s28, $0x1;
	[dreg:$0x2] =	wrdreg s3  }
0xa9: {  	[dreg:$0x3] =	wrdreg s5  }
0xaa: {  	[dreg:$0x4] =	wrdreg $0xC0  }
0xab: {  	_ =	task [dreg:s7], $0x5FFFF  }
0xac: {  	[dreg:$0x1] =	wrdreg $0xFFFFFFFF  }
0xad: {  	[dreg:$0x0] =	wrdreg $0x60  }
0xae: {  	[dreg:$0x2] =	wrdreg s24  }
0xaf: {  	[dreg:$0x3] =	wrdreg s2  }
0xb0: {  	[dreg:$0x4] =	wrdreg $0x0  }
0xb1: {  	[dreg:$0x5] =	wrdreg $0x9  }
0xb2: {  	_ =	task.clear_ibuf [dreg:s7], $0x6FFFF;
	_ =	strace $0x9000004C  }
0xb3: {  	s29 =	simm.s32 $0x9;
	_ =	strace $0x8000004E  }
0xb4: {  	_ =	swait.ge [sflag:s29], $0x1  }
0xb5: {  	[sflag:s29] =	ssyncadd.s32 $0xFFFFFFFF  }
0xb6: {  	_ =	strace $0x9000004E  }
0xb7: {  	_ =	sfence  }
0xb8: {  	s30 =	sld [smem:$0x0];
	_ =	sdelay $0x2  }
0xb9: {  	s31 =	sshll.u32 s1, $0xD;
	s1 =	sshrl.u32 s1, $0x2  }
0xba: {  	s3 =	sand.u32 $0x4000, s31;
	s1 =	sadd.s32 s1, s30  }
0xbb: {  	s0 =	sor.u32 s3, s0;
	s1 =	sshll.u32 s1, $0x11  }
0xbc: {  	s0 =	sor.u32 s1, s0  }
0xbd: {  	s0 =	sadd.s32 $0x8F2B, s0  }
0xbe: {  	[sflag:s0] =	ssyncadd.remote.s32 $0x1  }
0xbf: {  	_ =	sfence.sel $0xFFFF  }
0xc0: {  	[dreg:$0x0] =	wrdreg $0xFFFFFFFF;
	(pc) =	sbr.abs _section_cstart, $3  }
0xc1: {  	[dreg:$0x1] =	wrdreg $0xFFFFFFFF  }
0xc2: {  	_ =	task.clear_ibuf [dreg:s7], $0x2FFFF;
	_ =	strace $0x9FFFFFFF  }
0xc3: {  	(tm) =	ssettm $0x7FFFFFFF  }
tec
execute0_lowered:
.L_overlay_start_1:
0x0: {  	(tag) =	ssettag $0x1  }
0x1: {  	s4 =	rddreg [dreg:$0x0]  }
0x2: {  	s0 =	srdreg.scid;
	s2 =	rddreg [dreg:$0x1]  }
0x3: {  	s10 =	stileid.u32;
	s3 =	rddreg [dreg:$0x2]  }
0x4: {  	s5 =	simm.s32 $0x0;
	s13 =	simm.s32 $0xD;
	s17 =	simm.s32 $0x80  }
0x5: {  	s18 =	simm.s32 $0xF400;
	s20 =	simm.s32 $0x11400;
	s28 =	simm.s32 $0x17400  }
0x6: {  	s29 =	simm.s32 $0x2;
	s31 =	simm.s32 $0x6;
	s6 =	smul.u32 $0xA000, s10  }
0x7: {  	s11 =	simm.s32 $0xC;
	s0 =	sand.u32 $0x1, s0;
	s7 =	smul.u32 $0x280, s10  }
0x8: {  	[smem:$0x7FF] =	sst s5;
	s5 =	sadd.s32 $0x1C400, s4;
	s30 =	sshll.u32 s10, $0x6  }
0x9: {  	s1 =	sshll.u32 s0, $0x4;
	s8 =	smul.u32 $0x5000, s0;
	_ =	strace $0x8000004D  }
0xa: {  	s0 =	ssub.s32 $0x2, s0;
	s14 =	sor.u32 $0x1C0D, s30;
	s1 =	sor.u32 s10, s1  }
0xb: {  	s9 =	sshrl.u32 s6, $0x3;
	s22 =	sshrl.u32 s0, $0x1;
	s24 =	sadd.s32 s6, s3  }
0xc: {  	s6 =	simm.s32 $0x7;
	s10 =	simm.s32 $0xB;
	[dreg:$0xa] =	wrdreg s14  }
0xd: {  	s1 =	smul.u32 $0x540, s1;
	s7 =	sadd.s32 s7, s8;
	s21 =	sadd.s32 s9, s4  }
0xe: {  	s0 =	ssub.s32 s0, s22;
	s15 =	sshrl.u32 s24, $0x3;
	s22 =	simm.s32 $0x13400  }
0xf: {  	s24 =	simm.s32 $0x15400;
	s25 =	sadd.s32 $0x30400, s21;
	[dreg:$0xb] =	wrdreg s15  }
0x10: {  	s0 =	smax.u32 s0, $0x1;
	s1 =	sadd.s32 s1, s4;
	[dreg:$0x6] =	wrdreg s25  }
0x11: {  	s7 =	sshll.u32 s7, $0x3;
	[dreg:$0x9] =	wrdreg s0;
	s23 =	sadd.s32 $0x11C00, s1  }
0x12: {  	s4 =	sadd.s32 s7, s4;
	s1 =	sadd.s32 $0x2200, s1;
	[dreg:$0x4] =	wrdreg s23  }
0x13: {  	s21 =	simm.s32 $0x5;
	s26 =	sadd.s32 $0x44400, s4;
	[dreg:$0x5] =	wrdreg s1  }
0x14: {  	s25 =	simm.s32 $0x1;
	s4 =	sadd.s32 $0x58400, s4;
	[dreg:$0x7] =	wrdreg s26  }
0x15: {  	s0 =	simm.s32 $0x3;
	s7 =	simm.s32 $0xA;
	[dreg:$0x8] =	wrdreg s4  }
0x16: {  	s1 =	simm.s32 $0x19400;
	s26 =	simm.s32 $0x9;
	s23 =	simm.s32 $0x0  }
.LBB2_1:
0x17: {  	s4 =	simm.s32 $0x0;
	s8 =	rddreg [dreg:$0x4];
	s9 =	simm.s32 $0xA000  }
0x18: {  	[tilespmem:s9], [sflag:$0xD] =	stream.linear.gather [hbm4b:s8+s4], $0x2A00, $0x38;
	[tilespmem:$0x1B400] =	vst v63  }
0x19: {  	_ =	swait.ge [sflag:s13], $0x2A00  }
0x1a: {  	[sflag:s13] =	ssyncset.done $0x0  }
0x1b: {  	s12 =	simm.s32 $0xCA00;
	s19 =	rddreg [dreg:$0x5];
	[sflag:s13] =	ssyncadd.s32 $0xFFFFD600  }
0x1c: {  	[tilespmem:s12], [sflag:$0xD] =	stream.linear.gather [hbm4b:s19+s4], $0x2A00, $0x38;
	[tilespmem:$0x1B400] =	vst v63  }
0x1d: {  	_ =	swait.ge [sflag:s13], $0x2A00  }
0x1e: {  	[sflag:s13] =	ssyncset.done $0x0  }
0x1f: {  	s16 =	rddreg [dreg:$0x6];
	[sflag:s13] =	ssyncadd.s32 $0xFFFFD600  }
0x20: {  	[spmem:s15], [sflag:s14] =	dma.local [hbm:s16], $0x1400  }
0x21: {  	_ =	swait.ge [sflag:s13], $0x1400  }
0x22: {  	[sflag:s13] =	ssyncset.done $0x0  }
0x23: {  	[sflag:s13] =	ssyncadd.s32 $0xFFFFEC00  }
0x24: {  	[bflag:$0x0] =	sbarrier.arrive $0xFFFF  }
0x25: {  	[tilespmem:s18], [sflag:$0x1] =	stream.indirect.gather [hbm4b:s2+s17], $0x40, s9, s17, $0xb8;
	[tilespmem:$0x1B400] =	vst v63  }
0x26: {  	s19 =	simm.s32 $0xA080  }
0x27: {  	[tilespmem:s20], [sflag:$0x2] =	stream.indirect.gather [hbm4b:s2+s17], $0x40, s19, s17, $0xb8;
	[tilespmem:$0x1B400] =	vst v63  }
0x28: {  	s8 =	simm.s32 $0xA100  }
0x29: {  	[tilespmem:s22], [sflag:$0x3] =	stream.indirect.gather [hbm4b:s2+s17], $0x40, s8, s17, $0xb8;
	[tilespmem:$0x1B400] =	vst v63  }
0x2a: {  	s9 =	simm.s32 $0xA180  }
0x2b: {  	[tilespmem:s24], [sflag:$0x4] =	stream.indirect.gather [hbm4b:s2+s17], $0x40, s9, s17, $0xb8;
	[tilespmem:$0x1B400] =	vst v63  }
0x2c: {  	_ =	swait.ge [sflag:s25], $0x2000  }
0x2d: {  	[sflag:s25] =	ssyncset.done $0x0  }
0x2e: {  	[sflag:s25] =	ssyncadd.s32 $0xFFFFE000  }
0x2f: {  	[spmem:s3] =	stream.indirect.scatter.add.f32 [tilespmem:s18], [sflag:$0x7], $0x40, s12, s17, $0xb8;
	[tilespmem:$0x1B400] =	vst v63  }
0x30: {  	s12 =	simm.s32 $0xA200  }
0x31: {  	[tilespmem:s28], [sflag:$0x5] =	stream.indirect.gather [hbm4b:s2+s17], $0x40, s12, s17, $0xb8;
	[tilespmem:$0x1B400] =	vst v63  }
0x32: {  	_ =	swait.ge [sflag:s29], $0x2000  }
0x33: {  	[sflag:s29] =	ssyncset.done $0x0  }
0x34: {  	s14 =	simm.s32 $0xCA80;
	[sflag:s29] =	ssyncadd.s32 $0xFFFFE000  }
0x35: {  	[spmem:s3] =	stream.indirect.scatter.add.f32 [tilespmem:s20], [sflag:$0x8], $0x40, s14, s17, $0xb8;
	[tilespmem:$0x1B400] =	vst v63  }
0x36: {  	s15 =	simm.s32 $0xA280  }
0x37: {  	[tilespmem:s1], [sflag:$0x6] =	stream.indirect.gather [hbm4b:s2+s17], $0x40, s15, s17, $0xb8;
	[tilespmem:$0x1B400] =	vst v63  }
0x38: {  	_ =	swait.ge [sflag:s0], $0x2000  }
0x39: {  	[sflag:s0] =	ssyncset.done $0x0  }
0x3a: {  	s16 =	simm.s32 $0xCB00;
	[sflag:s0] =	ssyncadd.s32 $0xFFFFE000  }
0x3b: {  	[spmem:s3] =	stream.indirect.scatter.add.f32 [tilespmem:s22], [sflag:$0x9], $0x40, s16, s17, $0xb8;
	[tilespmem:$0x1B400] =	vst v63  }
0x3c: {  	_ =	swait.ge [sflag:s6], $0x2000  }
0x3d: {  	[sflag:s6] =	ssyncset.done $0x0  }
0x3e: {  	s19 =	simm.s32 $0xA300;
	s8 =	simm.s32 $0x4;
	[sflag:s6] =	ssyncadd.s32 $0xFFFFE000  }
0x3f: {  	[tilespmem:s18], [sflag:$0x1] =	stream.indirect.gather [hbm4b:s2+s17], $0x40, s19, s17, $0xb8;
	[tilespmem:$0x1B400] =	vst v63  }
0x40: {  	_ =	swait.ge [sflag:s8], $0x2000  }
0x41: {  	[sflag:s8] =	ssyncset.done $0x0  }
0x42: {  	s9 =	simm.s32 $0xCB80;
	s12 =	simm.s32 $0x8;
	[sflag:s8] =	ssyncadd.s32 $0xFFFFE000  }
0x43: {  	[spmem:s3] =	stream.indirect.scatter.add.f32 [tilespmem:s24], [sflag:$0xA], $0x40, s9, s17, $0xb8;
	[tilespmem:$0x1B400] =	vst v63  }
0x44: {  	_ =	swait.ge [sflag:s12], $0x2000  }
0x45: {  	[sflag:s12] =	ssyncset.done $0x0  }
0x46: {  	s14 =	simm.s32 $0xA380;
	[sflag:s12] =	ssyncadd.s32 $0xFFFFE000  }
0x47: {  	[tilespmem:s20], [sflag:$0x2] =	stream.indirect.gather [hbm4b:s2+s17], $0x40, s14, s17, $0xb8;
	[tilespmem:$0x1B400] =	vst v63  }
0x48: {  	_ =	swait.ge [sflag:s21], $0x2000  }
0x49: {  	[sflag:s21] =	ssyncset.done $0x0  }
0x4a: {  	s15 =	simm.s32 $0xCC00;
	[sflag:s21] =	ssyncadd.s32 $0xFFFFE000  }
0x4b: {  	[spmem:s3] =	stream.indirect.scatter.add.f32 [tilespmem:s28], [sflag:$0xB], $0x40, s15, s17, $0xb8;
	[tilespmem:$0x1B400] =	vst v63  }
0x4c: {  	_ =	swait.ge [sflag:s26], $0x2000  }
0x4d: {  	[sflag:s26] =	ssyncset.done $0x0  }
0x4e: {  	s16 =	simm.s32 $0xA400;
	[sflag:s26] =	ssyncadd.s32 $0xFFFFE000  }
0x4f: {  	[tilespmem:s22], [sflag:$0x3] =	stream.indirect.gather [hbm4b:s2+s17], $0x40, s16, s17, $0xb8;
	[tilespmem:$0x1B400] =	vst v63  }
0x50: {  	_ =	swait.ge [sflag:s31], $0x2000  }
0x51: {  	[sflag:s31] =	ssyncset.done $0x0  }
0x52: {  	s19 =	simm.s32 $0xCC80;
	[sflag:s31] =	ssyncadd.s32 $0xFFFFE000  }
0x53: {  	[spmem:s3] =	stream.indirect.scatter.add.f32 [tilespmem:s1], [sflag:$0xC], $0x40, s19, s17, $0xb8;
	[tilespmem:$0x1B400] =	vst v63  }
0x54: {  	_ =	swait.ge [sflag:s7], $0x2000  }
0x55: {  	[sflag:s7] =	ssyncset.done $0x0  }
0x56: {  	s8 =	simm.s32 $0xA480;
	[sflag:s7] =	ssyncadd.s32 $0xFFFFE000  }
0x57: {  	[tilespmem:s24], [sflag:$0x4] =	stream.indirect.gather [hbm4b:s2+s17], $0x40, s8, s17, $0xb8;
	[tilespmem:$0x1B400] =	vst v63  }
0x58: {  	_ =	swait.ge [sflag:s25], $0x2000  }
0x59: {  	[sflag:s25] =	ssyncset.done $0x0  }
0x5a: {  	s9 =	simm.s32 $0xCD00;
	[sflag:s25] =	ssyncadd.s32 $0xFFFFE000  }
0x5b: {  	[spmem:s3] =	stream.indirect.scatter.add.f32 [tilespmem:s18], [sflag:$0x7], $0x40, s9, s17, $0xb8;
	[tilespmem:$0x1B400] =	vst v63  }
0x5c: {  	_ =	swait.ge [sflag:s10], $0x2000  }
0x5d: {  	[sflag:s10] =	ssyncset.done $0x0  }
0x5e: {  	s12 =	simm.s32 $0xA500;
	[sflag:s10] =	ssyncadd.s32 $0xFFFFE000  }
0x5f: {  	[tilespmem:s28], [sflag:$0x5] =	stream.indirect.gather [hbm4b:s2+s17], $0x40, s12, s17, $0xb8;
	[tilespmem:$0x1B400] =	vst v63  }
0x60: {  	_ =	swait.ge [sflag:s29], $0x2000  }
0x61: {  	[sflag:s29] =	ssyncset.done $0x0  }
0x62: {  	s14 =	simm.s32 $0xCD80;
	[sflag:s29] =	ssyncadd.s32 $0xFFFFE000  }
0x63: {  	[spmem:s3] =	stream.indirect.scatter.add.f32 [tilespmem:s20], [sflag:$0x8], $0x40, s14, s17, $0xb8;
	[tilespmem:$0x1B400] =	vst v63  }
0x64: {  	_ =	swait.ge [sflag:s11], $0x2000  }
0x65: {  	[sflag:s11] =	ssyncset.done $0x0  }
0x66: {  	s15 =	simm.s32 $0xA580;
	[sflag:s11] =	ssyncadd.s32 $0xFFFFE000  }
0x67: {  	[tilespmem:s1], [sflag:$0x6] =	stream.indirect.gather [hbm4b:s2+s17], $0x40, s15, s17, $0xb8;
	[tilespmem:$0x1B400] =	vst v63  }
0x68: {  	_ =	swait.ge [sflag:s0], $0x2000  }
0x69: {  	[sflag:s0] =	ssyncset.done $0x0  }
0x6a: {  	s16 =	simm.s32 $0xCE00;
	[sflag:s0] =	ssyncadd.s32 $0xFFFFE000  }
0x6b: {  	[spmem:s3] =	stream.indirect.scatter.add.f32 [tilespmem:s22], [sflag:$0x9], $0x40, s16, s17, $0xb8;
	[tilespmem:$0x1B400] =	vst v63  }
0x6c: {  	_ =	swait.ge [sflag:s6], $0x2000  }
0x6d: {  	p0 =	por $0x0, $0x0;
	[sflag:s6] =	ssyncset.done $0x0  }
0x6e: {  	s4 =	simm.s32 @p0 $0x4;
	[sflag:s6] =	ssyncadd.s32 $0xFFFFE000  }
0x6f: {  	_ =	swait.ge @p0 [sflag:s4], $0x2000  }
0x70: {  	s30 =	simm.s32 @p0 $0x15400;
	[sflag:s4] =	ssyncset.done @p0 $0x0  }
0x71: {  	s12 =	simm.s32 @p0 $0xCE80;
	[sflag:s4] =	ssyncadd.s32 @p0 $0xFFFFE000;
	s4 =	simm.s32 @p0 $0x80  }
0x72: {  	[spmem:s3] =	stream.indirect.scatter.add.f32 @p0 [tilespmem:s30], [sflag:$0xA], $0x40, s12, s4, $0xb8;
	[tilespmem:$0x1B400] =	vst v63  }
0x73: {  	s4 =	simm.s32 @p0 $0x8  }
0x74: {  	_ =	swait.ge @p0 [sflag:s4], $0x2000  }
0x75: {  	s12 =	simm.s32 @!p0 $0xA600;
	[sflag:s4] =	ssyncset.done @p0 $0x0  }
0x76: {  	s30 =	simm.s32 @!p0 $0xF400;
	[sflag:s4] =	ssyncadd.s32 @p0 $0xFFFFE000;
	s4 =	simm.s32 @!p0 $0x80  }
0x77: {  	[tilespmem:s30], [sflag:$0x1] =	stream.indirect.gather @!p0 [hbm4b:s2+s4], $0x40, s12, s4, $0xb8;
	[tilespmem:$0x1B400] =	vst v63  }
0x78: {  	s12 =	simm.s32 @!p0 $0x4  }
0x79: {  	_ =	swait.ge @!p0 [sflag:s12], $0x2000  }
0x7a: {  	[sflag:s12] =	ssyncset.done @!p0 $0x0  }
0x7b: {  	s30 =	simm.s32 @!p0 $0xCE80;
	[sflag:s12] =	ssyncadd.s32 @!p0 $0xFFFFE000;
	s12 =	simm.s32 @!p0 $0x15400  }
0x7c: {  	[spmem:s3] =	stream.indirect.scatter.add.f32 @!p0 [tilespmem:s12], [sflag:$0xA], $0x40, s30, s4, $0xb8;
	[tilespmem:$0x1B400] =	vst v63  }
0x7d: {  	s12 =	simm.s32 @!p0 $0x8  }
0x7e: {  	_ =	swait.ge @!p0 [sflag:s12], $0x2000  }
0x7f: {  	[sflag:s12] =	ssyncset.done @!p0 $0x0  }
0x80: {  	s30 =	simm.s32 @!p0 $0xA680;
	[sflag:s12] =	ssyncadd.s32 @!p0 $0xFFFFE000;
	s12 =	simm.s32 @!p0 $0x11400  }
0x81: {  	[tilespmem:s12], [sflag:$0x2] =	stream.indirect.gather @!p0 [hbm4b:s2+s4], $0x40, s30, s4, $0xb8;
	[tilespmem:$0x1B400] =	vst v63  }
0x82: {  	_ =	swait.ge [sflag:s21], $0x2000  }
0x83: {  	[sflag:s21] =	ssyncset.done $0x0  }
0x84: {  	s19 =	simm.s32 $0xCF00;
	[sflag:s21] =	ssyncadd.s32 $0xFFFFE000  }
0x85: {  	[spmem:s3] =	stream.indirect.scatter.add.f32 [tilespmem:s28], [sflag:$0xB], $0x40, s19, s17, $0xb8;
	[tilespmem:$0x1B400] =	vst v63  }
0x86: {  	_ =	swait.ge [sflag:s26], $0x2000  }
0x87: {  	[sflag:s26] =	ssyncset.done $0x0  }
0x88: {  	s12 =	simm.s32 @!p0 $0xA700;
	s30 =	simm.s32 @!p0 $0x13400;
	[sflag:s26] =	ssyncadd.s32 $0xFFFFE000  }
0x89: {  	[tilespmem:s30], [sflag:$0x3] =	stream.indirect.gather @!p0 [hbm4b:s2+s4], $0x40, s12, s4, $0xb8;
	[tilespmem:$0x1B400] =	vst v63  }
0x8a: {  	_ =	swait.ge [sflag:s31], $0x2000  }
0x8b: {  	[sflag:s31] =	ssyncset.done $0x0  }
0x8c: {  	s30 =	simm.s32 $0xC00;
	s4 =	simm.s32 $0xCF80;
	[sflag:s31] =	ssyncadd.s32 $0xFFFFE000  }
.LBB2_2:
0x8d: {  	[spmem:s3] =	stream.indirect.scatter.add.f32 [tilespmem:s1], [sflag:$0xC], $0x40, s4, s17, $0xb8;
	[tilespmem:$0x1B400] =	vst v63  }
0x8e: {  	s12 =	smov.u32 s30;
	s30 =	sadd.s32 $0xC00, s30;
	_ =	swait.ge [sflag:s7], $0x2000  }
0x8f: {  	s4 =	sshra.s32 s12, $0x2;
	p0 =	sne.s32 s30, $0x9C00;
	[sflag:s7] =	ssyncset.done $0x0  }
0x90: {  	s14 =	sadd.s32 $0xA480, s4;
	[sflag:s7] =	ssyncadd.s32 $0xFFFFE000  }
0x91: {  	[tilespmem:s24], [sflag:$0x4] =	stream.indirect.gather [hbm4b:s2+s17], $0x40, s14, s17, $0xb8;
	[tilespmem:$0x1B400] =	vst v63  }
0x92: {  	_ =	swait.ge [sflag:s25], $0x2000  }
0x93: {  	[sflag:s25] =	ssyncset.done $0x0  }
0x94: {  	s14 =	sadd.s32 $0xCD00, s4;
	[sflag:s25] =	ssyncadd.s32 $0xFFFFE000  }
0x95: {  	[spmem:s3] =	stream.indirect.scatter.add.f32 [tilespmem:s18], [sflag:$0x7], $0x40, s14, s17, $0xb8;
	[tilespmem:$0x1B400] =	vst v63  }
0x96: {  	_ =	swait.ge [sflag:s10], $0x2000  }
0x97: {  	[sflag:s10] =	ssyncset.done $0x0  }
0x98: {  	s14 =	sadd.s32 $0xA500, s4;
	[sflag:s10] =	ssyncadd.s32 $0xFFFFE000  }
0x99: {  	[tilespmem:s28], [sflag:$0x5] =	stream.indirect.gather [hbm4b:s2+s17], $0x40, s14, s17, $0xb8;
	[tilespmem:$0x1B400] =	vst v63  }
0x9a: {  	_ =	swait.ge [sflag:s29], $0x2000  }
0x9b: {  	[sflag:s29] =	ssyncset.done $0x0  }
0x9c: {  	s14 =	sadd.s32 $0xCD80, s4;
	[sflag:s29] =	ssyncadd.s32 $0xFFFFE000  }
0x9d: {  	[spmem:s3] =	stream.indirect.scatter.add.f32 [tilespmem:s20], [sflag:$0x8], $0x40, s14, s17, $0xb8;
	[tilespmem:$0x1B400] =	vst v63  }
0x9e: {  	_ =	swait.ge [sflag:s11], $0x2000  }
0x9f: {  	[sflag:s11] =	ssyncset.done $0x0  }
0xa0: {  	s14 =	sadd.s32 $0xA580, s4;
	[sflag:s11] =	ssyncadd.s32 $0xFFFFE000  }
0xa1: {  	[tilespmem:s1], [sflag:$0x6] =	stream.indirect.gather [hbm4b:s2+s17], $0x40, s14, s17, $0xb8;
	[tilespmem:$0x1B400] =	vst v63  }
0xa2: {  	_ =	swait.ge [sflag:s0], $0x2000  }
0xa3: {  	[sflag:s0] =	ssyncset.done $0x0  }
0xa4: {  	s14 =	sadd.s32 $0xCE00, s4;
	[sflag:s0] =	ssyncadd.s32 $0xFFFFE000  }
0xa5: {  	[spmem:s3] =	stream.indirect.scatter.add.f32 [tilespmem:s22], [sflag:$0x9], $0x40, s14, s17, $0xb8;
	[tilespmem:$0x1B400] =	vst v63  }
0xa6: {  	_ =	swait.ge [sflag:s6], $0x2000  }
0xa7: {  	p1 =	seq.s32 s12, $0x9000;
	[sflag:s6] =	ssyncset.done $0x0  }
0xa8: {  	s8 =	sshra.s32 @p1 s12, $0x2;
	s14 =	simm.s32 @p1 $0x4;
	[sflag:s6] =	ssyncadd.s32 $0xFFFFE000  }
0xa9: {  	s12 =	sshra.s32 @!p1 s12, $0x2;
	s8 =	sadd.s32 @p1 $0xCE80, s8;
	_ =	swait.ge @p1 [sflag:s14], $0x2000  }
0xaa: {  	s9 =	simm.s32 @p1 $0x8;
	s19 =	sadd.s32 @!p1 $0xA600, s12;
	[sflag:s14] =	ssyncset.done @p1 $0x0  }
0xab: {  	s15 =	simm.s32 @p1 $0x15400;
	[sflag:s14] =	ssyncadd.s32 @p1 $0xFFFFE000;
	s14 =	simm.s32 @p1 $0x80  }
0xac: {  	[spmem:s3] =	stream.indirect.scatter.add.f32 @p1 [tilespmem:s15], [sflag:$0xA], $0x40, s8, s14, $0xb8;
	[tilespmem:$0x1B400] =	vst v63  }
0xad: {  	s8 =	sadd.s32 @!p1 $0xCE80, s12;
	s14 =	sadd.s32 @!p1 $0xA680, s12;
	_ =	swait.ge @p1 [sflag:s9], $0x2000  }
0xae: {  	s15 =	simm.s32 @!p1 $0x4;
	s12 =	sadd.s32 @!p1 $0xA700, s12;
	[sflag:s9] =	ssyncset.done @p1 $0x0  }
0xaf: {  	s16 =	simm.s32 @!p1 $0xF400;
	[sflag:s9] =	ssyncadd.s32 @p1 $0xFFFFE000;
	s9 =	simm.s32 @!p1 $0x80  }
0xb0: {  	[tilespmem:s16], [sflag:$0x1] =	stream.indirect.gather @!p1 [hbm4b:s2+s9], $0x40, s19, s9, $0xb8;
	[tilespmem:$0x1B400] =	vst v63  }
0xb1: {  	_ =	swait.ge @!p1 [sflag:s15], $0x2000  }
0xb2: {  	[sflag:s15] =	ssyncset.done @!p1 $0x0  }
0xb3: {  	s16 =	simm.s32 @!p1 $0x8;
	[sflag:s15] =	ssyncadd.s32 @!p1 $0xFFFFE000;
	s15 =	simm.s32 @!p1 $0x15400  }
0xb4: {  	[spmem:s3] =	stream.indirect.scatter.add.f32 @!p1 [tilespmem:s15], [sflag:$0xA], $0x40, s8, s9, $0xb8;
	[tilespmem:$0x1B400] =	vst v63  }
0xb5: {  	_ =	swait.ge @!p1 [sflag:s16], $0x2000  }
0xb6: {  	[sflag:s16] =	ssyncset.done @!p1 $0x0  }
0xb7: {  	s8 =	simm.s32 @!p1 $0x11400;
	[sflag:s16] =	ssyncadd.s32 @!p1 $0xFFFFE000  }
0xb8: {  	[tilespmem:s8], [sflag:$0x2] =	stream.indirect.gather @!p1 [hbm4b:s2+s9], $0x40, s14, s9, $0xb8;
	[tilespmem:$0x1B400] =	vst v63  }
0xb9: {  	_ =	swait.ge [sflag:s21], $0x2000  }
0xba: {  	[sflag:s21] =	ssyncset.done $0x0  }
0xbb: {  	s8 =	sadd.s32 $0xCF00, s4;
	[sflag:s21] =	ssyncadd.s32 $0xFFFFE000  }
0xbc: {  	[spmem:s3] =	stream.indirect.scatter.add.f32 [tilespmem:s28], [sflag:$0xB], $0x40, s8, s17, $0xb8;
	[tilespmem:$0x1B400] =	vst v63  }
0xbd: {  	_ =	swait.ge [sflag:s26], $0x2000  }
0xbe: {  	[sflag:s26] =	ssyncset.done $0x0  }
.Ltmp0:
0xbf: {  	s8 =	simm.s32 @!p1 $0x13400;
	[sflag:s26] =	ssyncadd.s32 $0xFFFFE000;
	(pc) =	sbr.rel @p0 .LBB2_2-.Ltmp0, $4  }
0xc0: {  	[tilespmem:s8], [sflag:$0x3] =	stream.indirect.gather @!p1 [hbm4b:s2+s9], $0x40, s12, s9, $0xb8;
	[tilespmem:$0x1B400] =	vst v63  }
0xc1: {  	_ =	swait.ge [sflag:s31], $0x2000  }
0xc2: {  	[sflag:s31] =	ssyncset.done $0x0  }
0xc3: {  	s4 =	sadd.s32 $0xCF80, s4;
	[sflag:s31] =	ssyncadd.s32 $0xFFFFE000  }
0xc4: {  	[spmem:s3] =	stream.indirect.scatter.add.f32 [tilespmem:s1], [sflag:$0xC], $0x40, s4, s17, $0xb8;
	[tilespmem:$0x1B400] =	vst v63  }
0xc5: {  	_ =	swait.ge [sflag:s7], $0x2000  }
0xc6: {  	[sflag:s7] =	ssyncset.done $0x0  }
0xc7: {  	[sflag:s7] =	ssyncadd.s32 $0xFFFFE000  }
0xc8: {  	_ =	swait.ge [sflag:s10], $0x2000  }
0xc9: {  	[sflag:s10] =	ssyncset.done $0x0  }
0xca: {  	[sflag:s10] =	ssyncadd.s32 $0xFFFFE000  }
0xcb: {  	_ =	swait.ge [sflag:s11], $0x2000  }
0xcc: {  	[sflag:s11] =	ssyncset.done $0x0  }
0xcd: {  	[sflag:s11] =	ssyncadd.s32 $0xFFFFE000  }
0xce: {  	[bflag:$0x0] =	sbarrier.arrive $0xFFFF  }
0xcf: {  	s12 =	rddreg [dreg:$0x7]  }
0xd0: {  	s8 =	rddreg [dreg:$0xa]  }
0xd1: {  	s9 =	rddreg [dreg:$0xb]  }
0xd2: {  	[hbm:s12], [sflag:s8] =	dma.local [spmem:s9], $0x1400  }
0xd3: {  	_ =	swait.ge [sflag:s13], $0x1400  }
0xd4: {  	[sflag:s13] =	ssyncset.done $0x0  }
0xd5: {  	[sflag:s13] =	ssyncadd.s32 $0xFFFFEC00  }
0xd6: {  	[bflag:$0x0] =	sbarrier.arrive $0xFFFF  }
0xd7: {  	s14 =	rddreg [dreg:$0x6]  }
0xd8: {  	[spmem:s9], [sflag:s8] =	dma.local [hbm:s14], $0x1400  }
0xd9: {  	_ =	swait.ge [sflag:s13], $0x1400  }
0xda: {  	[sflag:s13] =	ssyncset.done $0x0  }
0xdb: {  	[sflag:s13] =	ssyncadd.s32 $0xFFFFEC00  }
0xdc: {  	s15 =	simm.s32 $0xA000;
	[bflag:$0x0] =	sbarrier.arrive $0xFFFF  }
0xdd: {  	[tilespmem:s18], [sflag:$0x1] =	stream.indirect.gather [hbm4b:s5+s17], $0x40, s15, s17, $0xb8;
	[tilespmem:$0x1B400] =	vst v63  }
0xde: {  	s16 =	simm.s32 $0xA080  }
0xdf: {  	[tilespmem:s20], [sflag:$0x2] =	stream.indirect.gather [hbm4b:s5+s17], $0x40, s16, s17, $0xb8;
	[tilespmem:$0x1B400] =	vst v63  }
0xe0: {  	s19 =	simm.s32 $0xA100  }
0xe1: {  	[tilespmem:s22], [sflag:$0x3] =	stream.indirect.gather [hbm4b:s5+s17], $0x40, s19, s17, $0xb8;
	[tilespmem:$0x1B400] =	vst v63  }
0xe2: {  	s8 =	simm.s32 $0xA180  }
0xe3: {  	[tilespmem:s24], [sflag:$0x4] =	stream.indirect.gather [hbm4b:s5+s17], $0x40, s8, s17, $0xb8;
	[tilespmem:$0x1B400] =	vst v63  }
0xe4: {  	_ =	swait.ge [sflag:s25], $0x2000  }
0xe5: {  	[sflag:s25] =	ssyncset.done $0x0  }
0xe6: {  	s9 =	simm.s32 $0xCA00;
	[sflag:s25] =	ssyncadd.s32 $0xFFFFE000  }
0xe7: {  	[spmem:s3] =	stream.indirect.scatter.add.f32 [tilespmem:s18], [sflag:$0x7], $0x40, s9, s17, $0xb8;
	[tilespmem:$0x1B400] =	vst v63  }
0xe8: {  	s12 =	simm.s32 $0xA200  }
0xe9: {  	[tilespmem:s28], [sflag:$0x5] =	stream.indirect.gather [hbm4b:s5+s17], $0x40, s12, s17, $0xb8;
	[tilespmem:$0x1B400] =	vst v63  }
0xea: {  	_ =	swait.ge [sflag:s29], $0x2000  }
0xeb: {  	[sflag:s29] =	ssyncset.done $0x0  }
0xec: {  	s14 =	simm.s32 $0xCA80;
	[sflag:s29] =	ssyncadd.s32 $0xFFFFE000  }
0xed: {  	[spmem:s3] =	stream.indirect.scatter.add.f32 [tilespmem:s20], [sflag:$0x8], $0x40, s14, s17, $0xb8;
	[tilespmem:$0x1B400] =	vst v63  }
0xee: {  	s15 =	simm.s32 $0xA280  }
0xef: {  	[tilespmem:s1], [sflag:$0x6] =	stream.indirect.gather [hbm4b:s5+s17], $0x40, s15, s17, $0xb8;
	[tilespmem:$0x1B400] =	vst v63  }
0xf0: {  	_ =	swait.ge [sflag:s0], $0x2000  }
0xf1: {  	[sflag:s0] =	ssyncset.done $0x0  }
0xf2: {  	s16 =	simm.s32 $0xCB00;
	[sflag:s0] =	ssyncadd.s32 $0xFFFFE000  }
0xf3: {  	[spmem:s3] =	stream.indirect.scatter.add.f32 [tilespmem:s22], [sflag:$0x9], $0x40, s16, s17, $0xb8;
	[tilespmem:$0x1B400] =	vst v63  }
0xf4: {  	_ =	swait.ge [sflag:s6], $0x2000  }
0xf5: {  	[sflag:s6] =	ssyncset.done $0x0  }
0xf6: {  	s19 =	simm.s32 $0xA300;
	s8 =	simm.s32 $0x4;
	[sflag:s6] =	ssyncadd.s32 $0xFFFFE000  }
0xf7: {  	[tilespmem:s18], [sflag:$0x1] =	stream.indirect.gather [hbm4b:s5+s17], $0x40, s19, s17, $0xb8;
	[tilespmem:$0x1B400] =	vst v63  }
0xf8: {  	_ =	swait.ge [sflag:s8], $0x2000  }
0xf9: {  	[sflag:s8] =	ssyncset.done $0x0  }
0xfa: {  	s9 =	simm.s32 $0xCB80;
	s12 =	simm.s32 $0x8;
	[sflag:s8] =	ssyncadd.s32 $0xFFFFE000  }
0xfb: {  	[spmem:s3] =	stream.indirect.scatter.add.f32 [tilespmem:s24], [sflag:$0xA], $0x40, s9, s17, $0xb8;
	[tilespmem:$0x1B400] =	vst v63  }
0xfc: {  	_ =	swait.ge [sflag:s12], $0x2000  }
0xfd: {  	[sflag:s12] =	ssyncset.done $0x0  }
0xfe: {  	s14 =	simm.s32 $0xA380;
	[sflag:s12] =	ssyncadd.s32 $0xFFFFE000  }
0xff: {  	[tilespmem:s20], [sflag:$0x2] =	stream.indirect.gather [hbm4b:s5+s17], $0x40, s14, s17, $0xb8;
	[tilespmem:$0x1B400] =	vst v63  }
0x100: {  	_ =	swait.ge [sflag:s21], $0x2000  }
0x101: {  	[sflag:s21] =	ssyncset.done $0x0  }
0x102: {  	s15 =	simm.s32 $0xCC00;
	[sflag:s21] =	ssyncadd.s32 $0xFFFFE000  }
0x103: {  	[spmem:s3] =	stream.indirect.scatter.add.f32 [tilespmem:s28], [sflag:$0xB], $0x40, s15, s17, $0xb8;
	[tilespmem:$0x1B400] =	vst v63  }
0x104: {  	_ =	swait.ge [sflag:s26], $0x2000  }
0x105: {  	[sflag:s26] =	ssyncset.done $0x0  }
0x106: {  	s16 =	simm.s32 $0xA400;
	[sflag:s26] =	ssyncadd.s32 $0xFFFFE000  }
0x107: {  	[tilespmem:s22], [sflag:$0x3] =	stream.indirect.gather [hbm4b:s5+s17], $0x40, s16, s17, $0xb8;
	[tilespmem:$0x1B400] =	vst v63  }
0x108: {  	_ =	swait.ge [sflag:s31], $0x2000  }
0x109: {  	[sflag:s31] =	ssyncset.done $0x0  }
0x10a: {  	s19 =	simm.s32 $0xCC80;
	[sflag:s31] =	ssyncadd.s32 $0xFFFFE000  }
0x10b: {  	[spmem:s3] =	stream.indirect.scatter.add.f32 [tilespmem:s1], [sflag:$0xC], $0x40, s19, s17, $0xb8;
	[tilespmem:$0x1B400] =	vst v63  }
0x10c: {  	_ =	swait.ge [sflag:s7], $0x2000  }
0x10d: {  	[sflag:s7] =	ssyncset.done $0x0  }
0x10e: {  	s8 =	simm.s32 $0xA480;
	[sflag:s7] =	ssyncadd.s32 $0xFFFFE000  }
0x10f: {  	[tilespmem:s24], [sflag:$0x4] =	stream.indirect.gather [hbm4b:s5+s17], $0x40, s8, s17, $0xb8;
	[tilespmem:$0x1B400] =	vst v63  }
0x110: {  	_ =	swait.ge [sflag:s25], $0x2000  }
0x111: {  	[sflag:s25] =	ssyncset.done $0x0  }
0x112: {  	s9 =	simm.s32 $0xCD00;
	[sflag:s25] =	ssyncadd.s32 $0xFFFFE000  }
0x113: {  	[spmem:s3] =	stream.indirect.scatter.add.f32 [tilespmem:s18], [sflag:$0x7], $0x40, s9, s17, $0xb8;
	[tilespmem:$0x1B400] =	vst v63  }
0x114: {  	_ =	swait.ge [sflag:s10], $0x2000  }
0x115: {  	[sflag:s10] =	ssyncset.done $0x0  }
0x116: {  	s12 =	simm.s32 $0xA500;
	[sflag:s10] =	ssyncadd.s32 $0xFFFFE000  }
0x117: {  	[tilespmem:s28], [sflag:$0x5] =	stream.indirect.gather [hbm4b:s5+s17], $0x40, s12, s17, $0xb8;
	[tilespmem:$0x1B400] =	vst v63  }
0x118: {  	_ =	swait.ge [sflag:s29], $0x2000  }
0x119: {  	[sflag:s29] =	ssyncset.done $0x0  }
0x11a: {  	s14 =	simm.s32 $0xCD80;
	[sflag:s29] =	ssyncadd.s32 $0xFFFFE000  }
0x11b: {  	[spmem:s3] =	stream.indirect.scatter.add.f32 [tilespmem:s20], [sflag:$0x8], $0x40, s14, s17, $0xb8;
	[tilespmem:$0x1B400] =	vst v63  }
0x11c: {  	_ =	swait.ge [sflag:s11], $0x2000  }
0x11d: {  	[sflag:s11] =	ssyncset.done $0x0  }
0x11e: {  	s15 =	simm.s32 $0xA580;
	[sflag:s11] =	ssyncadd.s32 $0xFFFFE000  }
0x11f: {  	[tilespmem:s1], [sflag:$0x6] =	stream.indirect.gather [hbm4b:s5+s17], $0x40, s15, s17, $0xb8;
	[tilespmem:$0x1B400] =	vst v63  }
0x120: {  	_ =	swait.ge [sflag:s0], $0x2000  }
0x121: {  	[sflag:s0] =	ssyncset.done $0x0  }
0x122: {  	s16 =	simm.s32 $0xCE00;
	[sflag:s0] =	ssyncadd.s32 $0xFFFFE000  }
0x123: {  	[spmem:s3] =	stream.indirect.scatter.add.f32 [tilespmem:s22], [sflag:$0x9], $0x40, s16, s17, $0xb8;
	[tilespmem:$0x1B400] =	vst v63  }
0x124: {  	_ =	swait.ge [sflag:s6], $0x2000  }
0x125: {  	p0 =	por $0x0, $0x0;
	[sflag:s6] =	ssyncset.done $0x0  }
0x126: {  	s4 =	simm.s32 @p0 $0x4;
	[sflag:s6] =	ssyncadd.s32 $0xFFFFE000  }
0x127: {  	_ =	swait.ge @p0 [sflag:s4], $0x2000  }
0x128: {  	s8 =	simm.s32 @p0 $0xCE80;
	[sflag:s4] =	ssyncset.done @p0 $0x0  }
0x129: {  	s9 =	simm.s32 @p0 $0x15400;
	[sflag:s4] =	ssyncadd.s32 @p0 $0xFFFFE000;
	s4 =	simm.s32 @p0 $0x80  }
0x12a: {  	[spmem:s3] =	stream.indirect.scatter.add.f32 @p0 [tilespmem:s9], [sflag:$0xA], $0x40, s8, s4, $0xb8;
	[tilespmem:$0x1B400] =	vst v63  }
0x12b: {  	s4 =	simm.s32 @p0 $0x8  }
0x12c: {  	_ =	swait.ge @p0 [sflag:s4], $0x2000  }
0x12d: {  	s8 =	simm.s32 @!p0 $0xA600;
	[sflag:s4] =	ssyncset.done @p0 $0x0  }
0x12e: {  	s9 =	simm.s32 @!p0 $0xF400;
	[sflag:s4] =	ssyncadd.s32 @p0 $0xFFFFE000;
	s4 =	simm.s32 @!p0 $0x80  }
0x12f: {  	[tilespmem:s9], [sflag:$0x1] =	stream.indirect.gather @!p0 [hbm4b:s5+s4], $0x40, s8, s4, $0xb8;
	[tilespmem:$0x1B400] =	vst v63  }
0x130: {  	s8 =	simm.s32 @!p0 $0x4  }
0x131: {  	_ =	swait.ge @!p0 [sflag:s8], $0x2000  }
0x132: {  	[sflag:s8] =	ssyncset.done @!p0 $0x0  }
0x133: {  	s9 =	simm.s32 @!p0 $0xCE80;
	[sflag:s8] =	ssyncadd.s32 @!p0 $0xFFFFE000;
	s8 =	simm.s32 @!p0 $0x15400  }
0x134: {  	[spmem:s3] =	stream.indirect.scatter.add.f32 @!p0 [tilespmem:s8], [sflag:$0xA], $0x40, s9, s4, $0xb8;
	[tilespmem:$0x1B400] =	vst v63  }
0x135: {  	s8 =	simm.s32 @!p0 $0x8  }
0x136: {  	_ =	swait.ge @!p0 [sflag:s8], $0x2000  }
0x137: {  	[sflag:s8] =	ssyncset.done @!p0 $0x0  }
0x138: {  	s9 =	simm.s32 @!p0 $0xA680;
	[sflag:s8] =	ssyncadd.s32 @!p0 $0xFFFFE000;
	s8 =	simm.s32 @!p0 $0x11400  }
0x139: {  	[tilespmem:s8], [sflag:$0x2] =	stream.indirect.gather @!p0 [hbm4b:s5+s4], $0x40, s9, s4, $0xb8;
	[tilespmem:$0x1B400] =	vst v63  }
0x13a: {  	_ =	swait.ge [sflag:s21], $0x2000  }
0x13b: {  	[sflag:s21] =	ssyncset.done $0x0  }
0x13c: {  	s19 =	simm.s32 $0xCF00;
	[sflag:s21] =	ssyncadd.s32 $0xFFFFE000  }
0x13d: {  	[spmem:s3] =	stream.indirect.scatter.add.f32 [tilespmem:s28], [sflag:$0xB], $0x40, s19, s17, $0xb8;
	[tilespmem:$0x1B400] =	vst v63  }
0x13e: {  	_ =	swait.ge [sflag:s26], $0x2000  }
0x13f: {  	[sflag:s26] =	ssyncset.done $0x0  }
0x140: {  	s8 =	simm.s32 @!p0 $0xA700;
	s9 =	simm.s32 @!p0 $0x13400;
	[sflag:s26] =	ssyncadd.s32 $0xFFFFE000  }
0x141: {  	[tilespmem:s9], [sflag:$0x3] =	stream.indirect.gather @!p0 [hbm4b:s5+s4], $0x40, s8, s4, $0xb8;
	[tilespmem:$0x1B400] =	vst v63  }
0x142: {  	_ =	swait.ge [sflag:s31], $0x2000  }
0x143: {  	[sflag:s31] =	ssyncset.done $0x0  }
0x144: {  	s30 =	simm.s32 $0xC00;
	s4 =	simm.s32 $0xCF80;
	[sflag:s31] =	ssyncadd.s32 $0xFFFFE000  }
.LBB2_4:
0x145: {  	[spmem:s3] =	stream.indirect.scatter.add.f32 [tilespmem:s1], [sflag:$0xC], $0x40, s4, s17, $0xb8;
	[tilespmem:$0x1B400] =	vst v63  }
0x146: {  	s12 =	smov.u32 s30;
	s30 =	sadd.s32 $0xC00, s30;
	_ =	swait.ge [sflag:s7], $0x2000  }
0x147: {  	s4 =	sshra.s32 s12, $0x2;
	p0 =	sne.s32 s30, $0x9C00;
	[sflag:s7] =	ssyncset.done $0x0  }
0x148: {  	s8 =	sadd.s32 $0xA480, s4;
	[sflag:s7] =	ssyncadd.s32 $0xFFFFE000  }
0x149: {  	[tilespmem:s24], [sflag:$0x4] =	stream.indirect.gather [hbm4b:s5+s17], $0x40, s8, s17, $0xb8;
	[tilespmem:$0x1B400] =	vst v63  }
0x14a: {  	_ =	swait.ge [sflag:s25], $0x2000  }
0x14b: {  	[sflag:s25] =	ssyncset.done $0x0  }
0x14c: {  	s8 =	sadd.s32 $0xCD00, s4;
	[sflag:s25] =	ssyncadd.s32 $0xFFFFE000  }
0x14d: {  	[spmem:s3] =	stream.indirect.scatter.add.f32 [tilespmem:s18], [sflag:$0x7], $0x40, s8, s17, $0xb8;
	[tilespmem:$0x1B400] =	vst v63  }
0x14e: {  	_ =	swait.ge [sflag:s10], $0x2000  }
0x14f: {  	[sflag:s10] =	ssyncset.done $0x0  }
0x150: {  	s8 =	sadd.s32 $0xA500, s4;
	[sflag:s10] =	ssyncadd.s32 $0xFFFFE000  }
0x151: {  	[tilespmem:s28], [sflag:$0x5] =	stream.indirect.gather [hbm4b:s5+s17], $0x40, s8, s17, $0xb8;
	[tilespmem:$0x1B400] =	vst v63  }
0x152: {  	_ =	swait.ge [sflag:s29], $0x2000  }
0x153: {  	[sflag:s29] =	ssyncset.done $0x0  }
0x154: {  	s8 =	sadd.s32 $0xCD80, s4;
	[sflag:s29] =	ssyncadd.s32 $0xFFFFE000  }
0x155: {  	[spmem:s3] =	stream.indirect.scatter.add.f32 [tilespmem:s20], [sflag:$0x8], $0x40, s8, s17, $0xb8;
	[tilespmem:$0x1B400] =	vst v63  }
0x156: {  	_ =	swait.ge [sflag:s11], $0x2000  }
0x157: {  	[sflag:s11] =	ssyncset.done $0x0  }
0x158: {  	s8 =	sadd.s32 $0xA580, s4;
	[sflag:s11] =	ssyncadd.s32 $0xFFFFE000  }
0x159: {  	[tilespmem:s1], [sflag:$0x6] =	stream.indirect.gather [hbm4b:s5+s17], $0x40, s8, s17, $0xb8;
	[tilespmem:$0x1B400] =	vst v63  }
0x15a: {  	_ =	swait.ge [sflag:s0], $0x2000  }
0x15b: {  	[sflag:s0] =	ssyncset.done $0x0  }
0x15c: {  	s8 =	sadd.s32 $0xCE00, s4;
	[sflag:s0] =	ssyncadd.s32 $0xFFFFE000  }
0x15d: {  	[spmem:s3] =	stream.indirect.scatter.add.f32 [tilespmem:s22], [sflag:$0x9], $0x40, s8, s17, $0xb8;
	[tilespmem:$0x1B400] =	vst v63  }
0x15e: {  	_ =	swait.ge [sflag:s6], $0x2000  }
0x15f: {  	p1 =	seq.s32 s12, $0x9000;
	[sflag:s6] =	ssyncset.done $0x0  }
0x160: {  	s9 =	sshra.s32 @p1 s12, $0x2;
	s8 =	simm.s32 @p1 $0x4;
	[sflag:s6] =	ssyncadd.s32 $0xFFFFE000  }
0x161: {  	s12 =	sshra.s32 @!p1 s12, $0x2;
	s9 =	sadd.s32 @p1 $0xCE80, s9;
	_ =	swait.ge @p1 [sflag:s8], $0x2000  }
0x162: {  	s14 =	simm.s32 @p1 $0x8;
	s15 =	sadd.s32 @!p1 $0xA600, s12;
	[sflag:s8] =	ssyncset.done @p1 $0x0  }
0x163: {  	s16 =	simm.s32 @p1 $0x15400;
	[sflag:s8] =	ssyncadd.s32 @p1 $0xFFFFE000;
	s8 =	simm.s32 @p1 $0x80  }
0x164: {  	[spmem:s3] =	stream.indirect.scatter.add.f32 @p1 [tilespmem:s16], [sflag:$0xA], $0x40, s9, s8, $0xb8;
	[tilespmem:$0x1B400] =	vst v63  }
0x165: {  	s8 =	sadd.s32 @!p1 $0xCE80, s12;
	s9 =	sadd.s32 @!p1 $0xA680, s12;
	_ =	swait.ge @p1 [sflag:s14], $0x2000  }
0x166: {  	s16 =	simm.s32 @!p1 $0x4;
	s12 =	sadd.s32 @!p1 $0xA700, s12;
	[sflag:s14] =	ssyncset.done @p1 $0x0  }
0x167: {  	s19 =	simm.s32 @!p1 $0xF400;
	[sflag:s14] =	ssyncadd.s32 @p1 $0xFFFFE000;
	s14 =	simm.s32 @!p1 $0x80  }
0x168: {  	[tilespmem:s19], [sflag:$0x1] =	stream.indirect.gather @!p1 [hbm4b:s5+s14], $0x40, s15, s14, $0xb8;
	[tilespmem:$0x1B400] =	vst v63  }
0x169: {  	_ =	swait.ge @!p1 [sflag:s16], $0x2000  }
0x16a: {  	[sflag:s16] =	ssyncset.done @!p1 $0x0  }
0x16b: {  	s15 =	simm.s32 @!p1 $0x15400;
	[sflag:s16] =	ssyncadd.s32 @!p1 $0xFFFFE000;
	s16 =	simm.s32 @!p1 $0x8  }
0x16c: {  	[spmem:s3] =	stream.indirect.scatter.add.f32 @!p1 [tilespmem:s15], [sflag:$0xA], $0x40, s8, s14, $0xb8;
	[tilespmem:$0x1B400] =	vst v63  }
0x16d: {  	_ =	swait.ge @!p1 [sflag:s16], $0x2000  }
0x16e: {  	[sflag:s16] =	ssyncset.done @!p1 $0x0  }
0x16f: {  	s8 =	simm.s32 @!p1 $0x11400;
	[sflag:s16] =	ssyncadd.s32 @!p1 $0xFFFFE000  }
0x170: {  	[tilespmem:s8], [sflag:$0x2] =	stream.indirect.gather @!p1 [hbm4b:s5+s14], $0x40, s9, s14, $0xb8;
	[tilespmem:$0x1B400] =	vst v63  }
0x171: {  	_ =	swait.ge [sflag:s21], $0x2000  }
0x172: {  	[sflag:s21] =	ssyncset.done $0x0  }
0x173: {  	s8 =	sadd.s32 $0xCF00, s4;
	[sflag:s21] =	ssyncadd.s32 $0xFFFFE000  }
0x174: {  	[spmem:s3] =	stream.indirect.scatter.add.f32 [tilespmem:s28], [sflag:$0xB], $0x40, s8, s17, $0xb8;
	[tilespmem:$0x1B400] =	vst v63  }
0x175: {  	_ =	swait.ge [sflag:s26], $0x2000  }
0x176: {  	[sflag:s26] =	ssyncset.done $0x0  }
.Ltmp1:
0x177: {  	s8 =	simm.s32 @!p1 $0x13400;
	[sflag:s26] =	ssyncadd.s32 $0xFFFFE000;
	(pc) =	sbr.rel @p0 .LBB2_4-.Ltmp1, $4  }
0x178: {  	[tilespmem:s8], [sflag:$0x3] =	stream.indirect.gather @!p1 [hbm4b:s5+s14], $0x40, s12, s14, $0xb8;
	[tilespmem:$0x1B400] =	vst v63  }
0x179: {  	_ =	swait.ge [sflag:s31], $0x2000  }
0x17a: {  	[sflag:s31] =	ssyncset.done $0x0  }
0x17b: {  	s4 =	sadd.s32 $0xCF80, s4;
	[sflag:s31] =	ssyncadd.s32 $0xFFFFE000  }
0x17c: {  	[spmem:s3] =	stream.indirect.scatter.add.f32 [tilespmem:s1], [sflag:$0xC], $0x40, s4, s17, $0xb8;
	[tilespmem:$0x1B400] =	vst v63  }
0x17d: {  	_ =	swait.ge [sflag:s7], $0x2000  }
0x17e: {  	[sflag:s7] =	ssyncset.done $0x0  }
0x17f: {  	[sflag:s7] =	ssyncadd.s32 $0xFFFFE000  }
0x180: {  	_ =	swait.ge [sflag:s10], $0x2000  }
0x181: {  	[sflag:s10] =	ssyncset.done $0x0  }
0x182: {  	[sflag:s10] =	ssyncadd.s32 $0xFFFFE000  }
0x183: {  	_ =	swait.ge [sflag:s11], $0x2000  }
0x184: {  	[sflag:s11] =	ssyncset.done $0x0  }
0x185: {  	[sflag:s11] =	ssyncadd.s32 $0xFFFFE000  }
0x186: {  	[bflag:$0x0] =	sbarrier.arrive $0xFFFF  }
0x187: {  	s19 =	rddreg [dreg:$0x8]  }
0x188: {  	s14 =	rddreg [dreg:$0xa]  }
0x189: {  	s15 =	rddreg [dreg:$0xb]  }
0x18a: {  	[hbm:s19], [sflag:s14] =	dma.local [spmem:s15], $0x1400  }
0x18b: {  	_ =	swait.ge [sflag:s13], $0x1400  }
0x18c: {  	s23 =	sadd.s32 $0x1, s23;
	s30 =	rddreg [dreg:$0x9]  }
0x18d: {  	p0 =	sne.s32 s23, s30  }
.Ltmp2:
0x18e: {  	_ = 	snop;
	(pc) =	sbr.rel @p0 .LBB2_1-.Ltmp2, $3  }
0x18f: {  	_ =	sdelay $0x1  }
0x190: {  	[sflag:s13] =	ssyncset.done $0x0  }
0x191: {  	[sflag:s13] =	ssyncadd.s32 $0xFFFFEC00  }
0x192: {  	_ =	sfence.sel $0x180000  }
0x193: {  	[bflag:$0x0] =	sbarrier.arrive $0xFFFF  }
0x194: {  	_ =	strace $0x9000004D  }
0x195: {  	s0 =	stileid.u32;
	[bflag:$0x2] =	sbarrier.arrive $0xFFFF  }
0x196: {  	p0 =	sne.s32 s0, $0x0;
	s0 =	rddreg [dreg:$0x3]  }
0x197: {  	s0 =	sadd.s32 @!p0 $0x100000, s0  }
0x198: {  	[sflag:s0] =	ssyncadd.tile.s32 @!p0 $0x1;
	_ =	shalt  }
.Lfunc_end2:
_tile_overlayer_lowered:
.L_overlay_start_2:
0x199: {  	(tag) =	ssettag $0x2  }
0x19a: {  	s0 =	rddreg [dreg:$0x0];
	s2 =	stileid.u32  }
0x19b: {  	s1 =	rddreg [dreg:$0x1];
	p0 =	sne.s32 s2, $0x0  }
0x19c: {  	s3 =	rddreg [dreg:$0x2];
	[bflag:$0x3] =	sbarrier.arrive $0xFFFF;
	s2 =	simm.s32 @!p0 $0x1C0D  }
0x19d: {  	[timem:s3], [sflag:s2] =	dma.local @!p0 [hbm:s0], s1  }
0x19e: {  	s0 =	simm.s32 @!p0 $0xD  }
0x19f: {  	_ =	swait.ge @!p0 [sflag:s0], s1  }
0x1a0: {  	s1 =	ssub.s32 @!p0 $0x0, s1;
	[sflag:s0] =	ssyncset.done @!p0 $0x0  }
0x1a1: {  	[sflag:s0] =	ssyncadd.s32 @!p0 s1  }
0x1a2: {  	[bflag:$0x3] =	sbarrier.arrive $0xFFFF  }
0x1a3: {  	_ =	shalt  }

// kernel: kernel.19.cloned.1.call-start
scs
__scs_entry_jumppad:
0x0: {  	(pc) =	sbr.rel $0x88, $3  }
0x1: {  	(tag) =	ssettag $0x0;
	lr =	simm.s32 $0x1  }
0x2: {  	[smem:$0x3F99] =	sst lr;
	_ =	strace $0xD0000000  }
0x3: {  	_ = 	snop  }
0x4: {  	_ = 	snop  }
0x5: {  	_ = 	snop  }
0x6: {  	_ = 	snop  }
0x7: {  	_ = 	snop  }
__scs_overlays_trampoline_lowered:
0x8: {  	[smem:$0x3FA8] =	sst s0  }
0x9: {  	[smem:$0x3FA9] =	sst s1  }
0xa: {  	[smem:$0x3FAA] =	sst s2  }
0xb: {  	[smem:$0x3FAB] =	sst s3  }
0xc: {  	[smem:$0x3FAC] =	sst s4  }
0xd: {  	[smem:$0x3FAD] =	sst s5  }
0xe: {  	[smem:$0x3FAE] =	sst s6  }
0xf: {  	[smem:$0x3FAF] =	sst s7  }
0x10: {  	[smem:$0x3FB0] =	sst s8  }
0x11: {  	[smem:$0x3FB1] =	sst s9;
	s0 =	simm.s32 @!p0 $0x0  }
0x12: {  	s1 =	sld [smem:$0x3F97];
	s0 =	simm.s32 @p0 $0x1  }
0x13: {  	[smem:$0x3FB2] =	sst s0;
	s0 =	simm.s32 @!p1 $0x0  }
0x14: {  	s2 =	sld [smem:$0x3F96];
	s0 =	simm.s32 @p1 $0x1  }
0x15: {  	[smem:$0x3FB3] =	sst s0;
	s0 =	simm.s32 @!p2 $0x0  }
0x16: {  	s3 =	sld [smem:$0x3FDB];
	s0 =	simm.s32 @p2 $0x1  }
0x17: {  	s4 =	simm.s32 $0x1BF5;
	[smem:$0x3FB5] =	sst s0  }
0x18: {  	s0 =	sld [smem:$0x3F98];
	_ =	swait.ge [sflag:s4], $0x0  }
0x19: {  	s7 =	sld [smem:$0x3F99]  }
0x1a: {  	s8 =	sadd.s32 $0xFFFFE003, lr  }
0x1b: {  	s9 =	sadd.s32 $0xFFFFFEF7, lr;
	s5 =	simm.s32 $0xFFFFFFFF;
	p2 =	slt.u32 s8, $0xFFFFF086  }
0x1c: {  	p1 =	slt.u32 s9, $0xF7A;
	s5 =	simm.s32 @!p2 $0x0  }
0x1d: {  	s5 =	simm.s32 @p1 $0x1;
	p0 =	seq.s32 s7, s2  }
0x1e: {  	s7 =	smul.u32 @!p0 $0xF7A, s2;
	p2 =	seq.s32 @!p0 s5, $0x0  }
0x1f: {  	s9 =	smul.u32 $0xF7A, s1;
	s8 =	simm.s32 @!p0 $0x1BF5;
	p2 =	por !p2, p0  }
0x20: {  	[sflag:s8] =	ssyncset.s32 @!p0 $0xFFFFF086;
	s6 =	sadd.s32 @!p0 s3, s7;
	s7 =	simm.s32 @!p0 $0x108  }
0x21: {  	s3 =	sadd.s32 s3, s9;
	s6 =	sadd.s32 @!p0 $0x88, s6;
	s7 =	simm.s32 @p2 $0x1082  }
0x22: {  	[simem:s7], [sflag:s8] =	dma.local @!p0 [hbm:s6], $0xF7A  }
0x23: {  	s9 =	sor.u32 $0xD0000000, s2;
	s6 =	simm.s32 $0x108;
	_ =	swait.ge @!p0 [sflag:s8], $0x0  }
0x24: {  	s3 =	sadd.s32 $0x88, s3;
	s6 =	simm.s32 @!p1 $0x1082;
	[sflag:s4] =	ssyncset.s32 $0xFFFFF086  }
0x25: {  	[simem:s6], [sflag:s4] =	dma.local [hbm:s3], $0xF7A  }
0x26: {  	[smem:$0x3F99] =	sst s1;
	(tag) =	ssettag s2;
	_ =	strace s9  }
0x27: {  	s1 =	sld [smem:$0x3FA9]  }
0x28: {  	s2 =	sld [smem:$0x3FAA]  }
0x29: {  	s4 =	sld [smem:$0x3FAC]  }
0x2a: {  	p0 =	seq.s32 s5, $0x0;
	s5 =	sld [smem:$0x3FAD]  }
0x2b: {  	s6 =	sld [smem:$0x3FAE]  }
0x2c: {  	s7 =	sld [smem:$0x3FAF]  }
0x2d: {  	s3 =	simm.s32 $0x108;
	s8 =	sld [smem:$0x3FB0]  }
0x2e: {  	s3 =	simm.s32 @!p0 $0x1082;
	s9 =	sld [smem:$0x3FB1]  }
0x2f: {  	lr =	sadd.s32 s0, s3;
	s0 =	sld [smem:$0x3FA8]  }
0x30: {  	s3 =	sld [smem:$0x3FAB]  }
0x31: {  	[smem:$0x3FB4] =	sst s10  }
0x32: {  	s10 =	sld [smem:$0x3FB2];
	_ =	sdelay $0x3  }
0x33: {  	p0 =	seq.s32 s10, $0x1;
	s10 =	sld [smem:$0x3FB4];
	_ =	sdelay $0x3  }
0x34: {  	[smem:$0x3FB4] =	sst s10  }
0x35: {  	s10 =	sld [smem:$0x3FB3];
	_ =	sdelay $0x3  }
0x36: {  	p1 =	seq.s32 s10, $0x1;
	s10 =	sld [smem:$0x3FB4];
	_ =	sdelay $0x3  }
0x37: {  	[smem:$0x3FB4] =	sst s10  }
0x38: {  	s10 =	sld [smem:$0x3FB5]  }
0x39: {  	_ = 	snop;
	(pc) =	sbr.ind lr, $3  }
0x3a: {  	_ = 	snop  }
0x3b: {  	_ = 	snop  }
0x3c: {  	p2 =	seq.s32 s10, $0x1;
	s10 =	sld [smem:$0x3FB4]  }
0x3d: {  	_ =	shalt  }
0x3e: {  	_ =	shalt  }
0x3f: {  	_ =	shalt  }
0x40: {  	_ =	shalt  }
0x41: {  	_ =	shalt  }
0x42: {  	_ =	shalt  }
0x43: {  	_ =	shalt  }
0x44: {  	_ =	shalt  }
0x45: {  	_ =	shalt  }
0x46: {  	_ =	shalt  }
0x47: {  	_ =	shalt  }
0x48: {  	_ =	shalt  }
0x49: {  	_ =	shalt  }
0x4a: {  	_ =	shalt  }
0x4b: {  	_ =	shalt  }
0x4c: {  	_ =	shalt  }
0x4d: {  	_ =	shalt  }
0x4e: {  	_ =	shalt  }
0x4f: {  	_ =	shalt  }
0x50: {  	_ =	shalt  }
0x51: {  	_ =	shalt  }
0x52: {  	_ =	shalt  }
0x53: {  	_ =	shalt  }
0x54: {  	_ =	shalt  }
0x55: {  	_ =	shalt  }
0x56: {  	_ =	shalt  }
0x57: {  	_ =	shalt  }
0x58: {  	_ =	shalt  }
0x59: {  	_ =	shalt  }
0x5a: {  	_ =	shalt  }
0x5b: {  	_ =	shalt  }
0x5c: {  	_ =	shalt  }
0x5d: {  	_ =	shalt  }
0x5e: {  	_ =	shalt  }
0x5f: {  	_ =	shalt  }
0x60: {  	_ =	shalt  }
0x61: {  	_ =	shalt  }
0x62: {  	_ =	shalt  }
0x63: {  	_ =	shalt  }
0x64: {  	_ =	shalt  }
0x65: {  	_ =	shalt  }
0x66: {  	_ =	shalt  }
0x67: {  	_ =	shalt  }
0x68: {  	_ =	shalt  }
0x69: {  	_ =	shalt  }
0x6a: {  	_ =	shalt  }
0x6b: {  	_ =	shalt  }
0x6c: {  	_ =	shalt  }
0x6d: {  	_ =	shalt  }
0x6e: {  	_ =	shalt  }
0x6f: {  	_ =	shalt  }
0x70: {  	_ =	shalt  }
0x71: {  	_ =	shalt  }
0x72: {  	_ =	shalt  }
0x73: {  	_ =	shalt  }
0x74: {  	_ =	shalt  }
0x75: {  	_ =	shalt  }
0x76: {  	_ =	shalt  }
0x77: {  	_ =	shalt  }
0x78: {  	_ =	shalt  }
0x79: {  	_ =	shalt  }
0x7a: {  	_ =	shalt  }
0x7b: {  	_ =	shalt  }
0x7c: {  	_ =	shalt  }
0x7d: {  	_ =	shalt  }
0x7e: {  	_ =	shalt  }
0x7f: {  	_ =	shalt  }
0x80: {  	_ =	shalt  }
0x81: {  	_ =	shalt  }
0x82: {  	_ =	shalt  }
0x83: {  	_ =	shalt  }
0x84: {  	_ =	shalt  }
0x85: {  	_ =	shalt  }
0x86: {  	_ =	shalt  }
0x87: {  	_ =	shalt  }
.Lfunc_end0:
.L_simem_size_0:
called_computation.3_lowered:
.L_overlay_start_0:
0x88: {  	s2 =	sld [smem:$0x3FD9]  }
0x89: {  	s3 =	sld [smem:$0x3FFE];
	_ =	sdelay $0x1  }
0x8a: {  	s1 =	srdreg.scid  }
0x8b: {  	s0 =	sand.u32 $0x1, s1  }
0x8c: {  	s17 =	sshll.u32 s0, $0xA;
	s2 =	sadd.s32 s3, s2  }
0x8d: {  	s2 =	sadd.s32 s2, s17  }
0x8e: {  	[smem:$0x3FC0] =	sst s2  }
0x8f: {  	_ = 	snop  }
0x90: {  	s2 =	sld [smem:$0x3FD0];
	(tm) =	ssettm $0x1  }
0x91: {  	s18 =	sld [smem:$0x3FFB];
	_ =	sdelay $0x3  }
0x92: {  	_ =	strace s18  }
0x93: {  	s3 =	sld [smem:$0x3FFC];
	_ =	sdelay $0x3  }
0x94: {  	_ =	strace s3  }
0x95: {  	s3 =	sld [smem:$0x3FFD];
	_ =	sdelay $0x3  }
0x96: {  	_ =	strace s3  }
0x97: {  	_ =	strace $0x8FFFFFFF  }
0x98: {  	s19 =	sld [smem:$0x3FDB];
	_ =	sdelay $0x1  }
0x99: {  	s4 =	simm.s32 $_scs_section_size  }
0x9a: {  	s5 =	simm.s32 $_size__tile_overlayer_lowered;
	s6 =	simm.s32 $_tile_overlayer_lowered  }
0x9b: {  	s22 =	simm.s32 $0x1BFF;
	s21 =	sshll.u32 s6, $0x1;
	s3 =	sadd.s32 s4, s19  }
0x9c: {  	s7 =	simm.s32 $0x0;
	s20 =	sshll.u32 s5, $0x1;
	s5 =	sadd.s32 s21, s3  }
0x9d: {  	[timem:s7], [sflag:s22] =	dma.local [hbm:s5], s20  }
0x9e: {  	_ =	swait.ge [sflag:s22], s20  }
0x9f: {  	s4 =	ssub.s32 $0x0, s20;
	[sflag:s22] =	ssyncset.done $0x0  }
0xa0: {  	[sflag:s22] =	ssyncadd.s32 s4;
	_ =	sdelay $0x1  }
0xa1: {  	s23 =	simm.s32 $0x1B8B  }
0xa2: {  	_ =	swait.ge [sflag:s23], $0x1  }
0xa3: {  	[sflag:s23] =	ssyncset.done $0x0  }
0xa4: {  	s25 =	simm.s32 $0x1B8E;
	s24 =	sld [smem:$0x3FFE];
	[sflag:s23] =	ssyncadd.s32 $0xFFFFFFFF  }
0xa5: {  	s26 =	simm.s32 $execute0_lowered;
	[smem:$0x3FD2] =	sst s25  }
0xa6: {  	s5 =	sshll.u32 s26, $0x1;
	_ =	strace $0x8000004F;
	[dreg:$0x1] =	wrdreg $0xFFFFFFFF  }
0xa7: {  	s28 =	simm.s32 $_size_execute0_lowered;
	s3 =	sadd.s32 s3, s5;
	[dreg:$0x0] =	wrdreg $0x0  }
0xa8: {  	s5 =	sshll.u32 s28, $0x1;
	[dreg:$0x2] =	wrdreg s3  }
0xa9: {  	[dreg:$0x3] =	wrdreg s5  }
0xaa: {  	[dreg:$0x4] =	wrdreg $0xC0  }
0xab: {  	_ =	task [dreg:s7], $0x5FFFF  }
0xac: {  	[dreg:$0x1] =	wrdreg $0xFFFFFFFF  }
0xad: {  	[dreg:$0x0] =	wrdreg $0x60  }
0xae: {  	[dreg:$0x2] =	wrdreg s24  }
0xaf: {  	[dreg:$0x3] =	wrdreg s2  }
0xb0: {  	[dreg:$0x4] =	wrdreg $0x0  }
0xb1: {  	[dreg:$0x5] =	wrdreg $0x9  }
0xb2: {  	_ =	task.clear_ibuf [dreg:s7], $0x6FFFF;
	_ =	strace $0x9000004F  }
0xb3: {  	s29 =	simm.s32 $0x9;
	_ =	strace $0x80000051  }
0xb4: {  	_ =	swait.ge [sflag:s29], $0x1  }
0xb5: {  	[sflag:s29] =	ssyncadd.s32 $0xFFFFFFFF  }
0xb6: {  	_ =	strace $0x90000051  }
0xb7: {  	_ =	sfence  }
0xb8: {  	s30 =	sld [smem:$0x0];
	_ =	sdelay $0x2  }
0xb9: {  	s31 =	sshll.u32 s1, $0xD;
	s1 =	sshrl.u32 s1, $0x2  }
0xba: {  	s3 =	sand.u32 $0x4000, s31;
	s1 =	sadd.s32 s1, s30  }
0xbb: {  	s0 =	sor.u32 s3, s0;
	s1 =	sshll.u32 s1, $0x11  }
0xbc: {  	s0 =	sor.u32 s1, s0  }
0xbd: {  	s0 =	sadd.s32 $0x8F2B, s0  }
0xbe: {  	[sflag:s0] =	ssyncadd.remote.s32 $0x1  }
0xbf: {  	_ =	sfence.sel $0xFFFF  }
0xc0: {  	[dreg:$0x0] =	wrdreg $0xFFFFFFFF;
	(pc) =	sbr.abs _section_cstart, $3  }
0xc1: {  	[dreg:$0x1] =	wrdreg $0xFFFFFFFF  }
0xc2: {  	_ =	task.clear_ibuf [dreg:s7], $0x2FFFF;
	_ =	strace $0x9FFFFFFF  }
0xc3: {  	(tm) =	ssettm $0x7FFFFFFF  }
tec
execute0_lowered:
.L_overlay_start_1:
0x0: {  	(tag) =	ssettag $0x1  }
0x1: {  	s4 =	rddreg [dreg:$0x0]  }
0x2: {  	s0 =	srdreg.scid;
	s2 =	rddreg [dreg:$0x1]  }
0x3: {  	s10 =	stileid.u32;
	s3 =	rddreg [dreg:$0x2]  }
0x4: {  	s5 =	simm.s32 $0x0;
	s13 =	simm.s32 $0xD;
	s17 =	simm.s32 $0x80  }
0x5: {  	s18 =	simm.s32 $0xF400;
	s20 =	simm.s32 $0x11400;
	s28 =	simm.s32 $0x17400  }
0x6: {  	s29 =	simm.s32 $0x2;
	s31 =	simm.s32 $0x6;
	s6 =	smul.u32 $0xA000, s10  }
0x7: {  	s11 =	simm.s32 $0xC;
	s0 =	sand.u32 $0x1, s0;
	s7 =	smul.u32 $0x280, s10  }
0x8: {  	[smem:$0x7FF] =	sst s5;
	s5 =	sadd.s32 $0x1C400, s4;
	s30 =	sshll.u32 s10, $0x6  }
0x9: {  	s1 =	sshll.u32 s0, $0x4;
	s8 =	smul.u32 $0x5000, s0;
	_ =	strace $0x80000050  }
0xa: {  	s0 =	ssub.s32 $0x2, s0;
	s14 =	sor.u32 $0x1C0D, s30;
	s1 =	sor.u32 s10, s1  }
0xb: {  	s9 =	sshrl.u32 s6, $0x3;
	s22 =	sshrl.u32 s0, $0x1;
	s24 =	sadd.s32 s6, s3  }
0xc: {  	s6 =	simm.s32 $0x7;
	s10 =	simm.s32 $0xB;
	[dreg:$0xa] =	wrdreg s14  }
0xd: {  	s1 =	smul.u32 $0x540, s1;
	s7 =	sadd.s32 s7, s8;
	s21 =	sadd.s32 s9, s4  }
0xe: {  	s0 =	ssub.s32 s0, s22;
	s15 =	sshrl.u32 s24, $0x3;
	s22 =	simm.s32 $0x13400  }
0xf: {  	s24 =	simm.s32 $0x15400;
	s25 =	sadd.s32 $0x30400, s21;
	[dreg:$0xb] =	wrdreg s15  }
0x10: {  	s0 =	smax.u32 s0, $0x1;
	s1 =	sadd.s32 s1, s4;
	[dreg:$0x6] =	wrdreg s25  }
0x11: {  	s7 =	sshll.u32 s7, $0x3;
	[dreg:$0x9] =	wrdreg s0;
	s23 =	sadd.s32 $0x11C00, s1  }
0x12: {  	s4 =	sadd.s32 s7, s4;
	s1 =	sadd.s32 $0x2200, s1;
	[dreg:$0x4] =	wrdreg s23  }
0x13: {  	s21 =	simm.s32 $0x5;
	s26 =	sadd.s32 $0x44400, s4;
	[dreg:$0x5] =	wrdreg s1  }
0x14: {  	s25 =	simm.s32 $0x1;
	s4 =	sadd.s32 $0x58400, s4;
	[dreg:$0x7] =	wrdreg s26  }
0x15: {  	s0 =	simm.s32 $0x3;
	s7 =	simm.s32 $0xA;
	[dreg:$0x8] =	wrdreg s4  }
0x16: {  	s1 =	simm.s32 $0x19400;
	s26 =	simm.s32 $0x9;
	s23 =	simm.s32 $0x0  }
.LBB2_1:
0x17: {  	s4 =	simm.s32 $0x0;
	s8 =	rddreg [dreg:$0x4];
	s9 =	simm.s32 $0xA000  }
0x18: {  	[tilespmem:s9], [sflag:$0xD] =	stream.linear.gather [hbm4b:s8+s4], $0x2A00, $0x38;
	[tilespmem:$0x1B400] =	vst v63  }
0x19: {  	_ =	swait.ge [sflag:s13], $0x2A00  }
0x1a: {  	[sflag:s13] =	ssyncset.done $0x0  }
0x1b: {  	s12 =	simm.s32 $0xCA00;
	s19 =	rddreg [dreg:$0x5];
	[sflag:s13] =	ssyncadd.s32 $0xFFFFD600  }
0x1c: {  	[tilespmem:s12], [sflag:$0xD] =	stream.linear.gather [hbm4b:s19+s4], $0x2A00, $0x38;
	[tilespmem:$0x1B400] =	vst v63  }
0x1d: {  	_ =	swait.ge [sflag:s13], $0x2A00  }
0x1e: {  	[sflag:s13] =	ssyncset.done $0x0  }
0x1f: {  	s16 =	rddreg [dreg:$0x6];
	[sflag:s13] =	ssyncadd.s32 $0xFFFFD600  }
0x20: {  	[spmem:s15], [sflag:s14] =	dma.local [hbm:s16], $0x1400  }
0x21: {  	_ =	swait.ge [sflag:s13], $0x1400  }
0x22: {  	[sflag:s13] =	ssyncset.done $0x0  }
0x23: {  	[sflag:s13] =	ssyncadd.s32 $0xFFFFEC00  }
0x24: {  	[bflag:$0x0] =	sbarrier.arrive $0xFFFF  }
0x25: {  	[tilespmem:s18], [sflag:$0x1] =	stream.indirect.gather [hbm4b:s2+s17], $0x40, s9, s17, $0xb8;
	[tilespmem:$0x1B400] =	vst v63  }
0x26: {  	s19 =	simm.s32 $0xA080  }
0x27: {  	[tilespmem:s20], [sflag:$0x2] =	stream.indirect.gather [hbm4b:s2+s17], $0x40, s19, s17, $0xb8;
	[tilespmem:$0x1B400] =	vst v63  }
0x28: {  	s8 =	simm.s32 $0xA100  }
0x29: {  	[tilespmem:s22], [sflag:$0x3] =	stream.indirect.gather [hbm4b:s2+s17], $0x40, s8, s17, $0xb8;
	[tilespmem:$0x1B400] =	vst v63  }
0x2a: {  	s9 =	simm.s32 $0xA180  }
0x2b: {  	[tilespmem:s24], [sflag:$0x4] =	stream.indirect.gather [hbm4b:s2+s17], $0x40, s9, s17, $0xb8;
	[tilespmem:$0x1B400] =	vst v63  }
0x2c: {  	_ =	swait.ge [sflag:s25], $0x2000  }
0x2d: {  	[sflag:s25] =	ssyncset.done $0x0  }
0x2e: {  	[sflag:s25] =	ssyncadd.s32 $0xFFFFE000  }
0x2f: {  	[spmem:s3] =	stream.indirect.scatter.add.f32 [tilespmem:s18], [sflag:$0x7], $0x40, s12, s17, $0xb8;
	[tilespmem:$0x1B400] =	vst v63  }
0x30: {  	s12 =	simm.s32 $0xA200  }
0x31: {  	[tilespmem:s28], [sflag:$0x5] =	stream.indirect.gather [hbm4b:s2+s17], $0x40, s12, s17, $0xb8;
	[tilespmem:$0x1B400] =	vst v63  }
0x32: {  	_ =	swait.ge [sflag:s29], $0x2000  }
0x33: {  	[sflag:s29] =	ssyncset.done $0x0  }
0x34: {  	s14 =	simm.s32 $0xCA80;
	[sflag:s29] =	ssyncadd.s32 $0xFFFFE000  }
0x35: {  	[spmem:s3] =	stream.indirect.scatter.add.f32 [tilespmem:s20], [sflag:$0x8], $0x40, s14, s17, $0xb8;
	[tilespmem:$0x1B400] =	vst v63  }
0x36: {  	s15 =	simm.s32 $0xA280  }
0x37: {  	[tilespmem:s1], [sflag:$0x6] =	stream.indirect.gather [hbm4b:s2+s17], $0x40, s15, s17, $0xb8;
	[tilespmem:$0x1B400] =	vst v63  }
0x38: {  	_ =	swait.ge [sflag:s0], $0x2000  }
0x39: {  	[sflag:s0] =	ssyncset.done $0x0  }
0x3a: {  	s16 =	simm.s32 $0xCB00;
	[sflag:s0] =	ssyncadd.s32 $0xFFFFE000  }
0x3b: {  	[spmem:s3] =	stream.indirect.scatter.add.f32 [tilespmem:s22], [sflag:$0x9], $0x40, s16, s17, $0xb8;
	[tilespmem:$0x1B400] =	vst v63  }
0x3c: {  	_ =	swait.ge [sflag:s6], $0x2000  }
0x3d: {  	[sflag:s6] =	ssyncset.done $0x0  }
0x3e: {  	s19 =	simm.s32 $0xA300;
	s8 =	simm.s32 $0x4;
	[sflag:s6] =	ssyncadd.s32 $0xFFFFE000  }
0x3f: {  	[tilespmem:s18], [sflag:$0x1] =	stream.indirect.gather [hbm4b:s2+s17], $0x40, s19, s17, $0xb8;
	[tilespmem:$0x1B400] =	vst v63  }
0x40: {  	_ =	swait.ge [sflag:s8], $0x2000  }
0x41: {  	[sflag:s8] =	ssyncset.done $0x0  }
0x42: {  	s9 =	simm.s32 $0xCB80;
	s12 =	simm.s32 $0x8;
	[sflag:s8] =	ssyncadd.s32 $0xFFFFE000  }
0x43: {  	[spmem:s3] =	stream.indirect.scatter.add.f32 [tilespmem:s24], [sflag:$0xA], $0x40, s9, s17, $0xb8;
	[tilespmem:$0x1B400] =	vst v63  }
0x44: {  	_ =	swait.ge [sflag:s12], $0x2000  }
0x45: {  	[sflag:s12] =	ssyncset.done $0x0  }
0x46: {  	s14 =	simm.s32 $0xA380;
	[sflag:s12] =	ssyncadd.s32 $0xFFFFE000  }
0x47: {  	[tilespmem:s20], [sflag:$0x2] =	stream.indirect.gather [hbm4b:s2+s17], $0x40, s14, s17, $0xb8;
	[tilespmem:$0x1B400] =	vst v63  }
0x48: {  	_ =	swait.ge [sflag:s21], $0x2000  }
0x49: {  	[sflag:s21] =	ssyncset.done $0x0  }
0x4a: {  	s15 =	simm.s32 $0xCC00;
	[sflag:s21] =	ssyncadd.s32 $0xFFFFE000  }
0x4b: {  	[spmem:s3] =	stream.indirect.scatter.add.f32 [tilespmem:s28], [sflag:$0xB], $0x40, s15, s17, $0xb8;
	[tilespmem:$0x1B400] =	vst v63  }
0x4c: {  	_ =	swait.ge [sflag:s26], $0x2000  }
0x4d: {  	[sflag:s26] =	ssyncset.done $0x0  }
0x4e: {  	s16 =	simm.s32 $0xA400;
	[sflag:s26] =	ssyncadd.s32 $0xFFFFE000  }
0x4f: {  	[tilespmem:s22], [sflag:$0x3] =	stream.indirect.gather [hbm4b:s2+s17], $0x40, s16, s17, $0xb8;
	[tilespmem:$0x1B400] =	vst v63  }
0x50: {  	_ =	swait.ge [sflag:s31], $0x2000  }
0x51: {  	[sflag:s31] =	ssyncset.done $0x0  }
0x52: {  	s19 =	simm.s32 $0xCC80;
	[sflag:s31] =	ssyncadd.s32 $0xFFFFE000  }
0x53: {  	[spmem:s3] =	stream.indirect.scatter.add.f32 [tilespmem:s1], [sflag:$0xC], $0x40, s19, s17, $0xb8;
	[tilespmem:$0x1B400] =	vst v63  }
0x54: {  	_ =	swait.ge [sflag:s7], $0x2000  }
0x55: {  	[sflag:s7] =	ssyncset.done $0x0  }
0x56: {  	s8 =	simm.s32 $0xA480;
	[sflag:s7] =	ssyncadd.s32 $0xFFFFE000  }
0x57: {  	[tilespmem:s24], [sflag:$0x4] =	stream.indirect.gather [hbm4b:s2+s17], $0x40, s8, s17, $0xb8;
	[tilespmem:$0x1B400] =	vst v63  }
0x58: {  	_ =	swait.ge [sflag:s25], $0x2000  }
0x59: {  	[sflag:s25] =	ssyncset.done $0x0  }
0x5a: {  	s9 =	simm.s32 $0xCD00;
	[sflag:s25] =	ssyncadd.s32 $0xFFFFE000  }
0x5b: {  	[spmem:s3] =	stream.indirect.scatter.add.f32 [tilespmem:s18], [sflag:$0x7], $0x40, s9, s17, $0xb8;
	[tilespmem:$0x1B400] =	vst v63  }
0x5c: {  	_ =	swait.ge [sflag:s10], $0x2000  }
0x5d: {  	[sflag:s10] =	ssyncset.done $0x0  }
0x5e: {  	s12 =	simm.s32 $0xA500;
	[sflag:s10] =	ssyncadd.s32 $0xFFFFE000  }
0x5f: {  	[tilespmem:s28], [sflag:$0x5] =	stream.indirect.gather [hbm4b:s2+s17], $0x40, s12, s17, $0xb8;
	[tilespmem:$0x1B400] =	vst v63  }
0x60: {  	_ =	swait.ge [sflag:s29], $0x2000  }
0x61: {  	[sflag:s29] =	ssyncset.done $0x0  }
0x62: {  	s14 =	simm.s32 $0xCD80;
	[sflag:s29] =	ssyncadd.s32 $0xFFFFE000  }
0x63: {  	[spmem:s3] =	stream.indirect.scatter.add.f32 [tilespmem:s20], [sflag:$0x8], $0x40, s14, s17, $0xb8;
	[tilespmem:$0x1B400] =	vst v63  }
0x64: {  	_ =	swait.ge [sflag:s11], $0x2000  }
0x65: {  	[sflag:s11] =	ssyncset.done $0x0  }
0x66: {  	s15 =	simm.s32 $0xA580;
	[sflag:s11] =	ssyncadd.s32 $0xFFFFE000  }
0x67: {  	[tilespmem:s1], [sflag:$0x6] =	stream.indirect.gather [hbm4b:s2+s17], $0x40, s15, s17, $0xb8;
	[tilespmem:$0x1B400] =	vst v63  }
0x68: {  	_ =	swait.ge [sflag:s0], $0x2000  }
0x69: {  	[sflag:s0] =	ssyncset.done $0x0  }
0x6a: {  	s16 =	simm.s32 $0xCE00;
	[sflag:s0] =	ssyncadd.s32 $0xFFFFE000  }
0x6b: {  	[spmem:s3] =	stream.indirect.scatter.add.f32 [tilespmem:s22], [sflag:$0x9], $0x40, s16, s17, $0xb8;
	[tilespmem:$0x1B400] =	vst v63  }
0x6c: {  	_ =	swait.ge [sflag:s6], $0x2000  }
0x6d: {  	p0 =	por $0x0, $0x0;
	[sflag:s6] =	ssyncset.done $0x0  }
0x6e: {  	s4 =	simm.s32 @p0 $0x4;
	[sflag:s6] =	ssyncadd.s32 $0xFFFFE000  }
0x6f: {  	_ =	swait.ge @p0 [sflag:s4], $0x2000  }
0x70: {  	s30 =	simm.s32 @p0 $0x15400;
	[sflag:s4] =	ssyncset.done @p0 $0x0  }
0x71: {  	s12 =	simm.s32 @p0 $0xCE80;
	[sflag:s4] =	ssyncadd.s32 @p0 $0xFFFFE000;
	s4 =	simm.s32 @p0 $0x80  }
0x72: {  	[spmem:s3] =	stream.indirect.scatter.add.f32 @p0 [tilespmem:s30], [sflag:$0xA], $0x40, s12, s4, $0xb8;
	[tilespmem:$0x1B400] =	vst v63  }
0x73: {  	s4 =	simm.s32 @p0 $0x8  }
0x74: {  	_ =	swait.ge @p0 [sflag:s4], $0x2000  }
0x75: {  	s12 =	simm.s32 @!p0 $0xA600;
	[sflag:s4] =	ssyncset.done @p0 $0x0  }
0x76: {  	s30 =	simm.s32 @!p0 $0xF400;
	[sflag:s4] =	ssyncadd.s32 @p0 $0xFFFFE000;
	s4 =	simm.s32 @!p0 $0x80  }
0x77: {  	[tilespmem:s30], [sflag:$0x1] =	stream.indirect.gather @!p0 [hbm4b:s2+s4], $0x40, s12, s4, $0xb8;
	[tilespmem:$0x1B400] =	vst v63  }
0x78: {  	s12 =	simm.s32 @!p0 $0x4  }
0x79: {  	_ =	swait.ge @!p0 [sflag:s12], $0x2000  }
0x7a: {  	[sflag:s12] =	ssyncset.done @!p0 $0x0  }
0x7b: {  	s30 =	simm.s32 @!p0 $0xCE80;
	[sflag:s12] =	ssyncadd.s32 @!p0 $0xFFFFE000;
	s12 =	simm.s32 @!p0 $0x15400  }
0x7c: {  	[spmem:s3] =	stream.indirect.scatter.add.f32 @!p0 [tilespmem:s12], [sflag:$0xA], $0x40, s30, s4, $0xb8;
	[tilespmem:$0x1B400] =	vst v63  }
0x7d: {  	s12 =	simm.s32 @!p0 $0x8  }
0x7e: {  	_ =	swait.ge @!p0 [sflag:s12], $0x2000  }
0x7f: {  	[sflag:s12] =	ssyncset.done @!p0 $0x0  }
0x80: {  	s30 =	simm.s32 @!p0 $0xA680;
	[sflag:s12] =	ssyncadd.s32 @!p0 $0xFFFFE000;
	s12 =	simm.s32 @!p0 $0x11400  }
0x81: {  	[tilespmem:s12], [sflag:$0x2] =	stream.indirect.gather @!p0 [hbm4b:s2+s4], $0x40, s30, s4, $0xb8;
	[tilespmem:$0x1B400] =	vst v63  }
0x82: {  	_ =	swait.ge [sflag:s21], $0x2000  }
0x83: {  	[sflag:s21] =	ssyncset.done $0x0  }
0x84: {  	s19 =	simm.s32 $0xCF00;
	[sflag:s21] =	ssyncadd.s32 $0xFFFFE000  }
0x85: {  	[spmem:s3] =	stream.indirect.scatter.add.f32 [tilespmem:s28], [sflag:$0xB], $0x40, s19, s17, $0xb8;
	[tilespmem:$0x1B400] =	vst v63  }
0x86: {  	_ =	swait.ge [sflag:s26], $0x2000  }
0x87: {  	[sflag:s26] =	ssyncset.done $0x0  }
0x88: {  	s12 =	simm.s32 @!p0 $0xA700;
	s30 =	simm.s32 @!p0 $0x13400;
	[sflag:s26] =	ssyncadd.s32 $0xFFFFE000  }
0x89: {  	[tilespmem:s30], [sflag:$0x3] =	stream.indirect.gather @!p0 [hbm4b:s2+s4], $0x40, s12, s4, $0xb8;
	[tilespmem:$0x1B400] =	vst v63  }
0x8a: {  	_ =	swait.ge [sflag:s31], $0x2000  }
0x8b: {  	[sflag:s31] =	ssyncset.done $0x0  }
0x8c: {  	s30 =	simm.s32 $0xC00;
	s4 =	simm.s32 $0xCF80;
	[sflag:s31] =	ssyncadd.s32 $0xFFFFE000  }
.LBB2_2:
0x8d: {  	[spmem:s3] =	stream.indirect.scatter.add.f32 [tilespmem:s1], [sflag:$0xC], $0x40, s4, s17, $0xb8;
	[tilespmem:$0x1B400] =	vst v63  }
0x8e: {  	s12 =	smov.u32 s30;
	s30 =	sadd.s32 $0xC00, s30;
	_ =	swait.ge [sflag:s7], $0x2000  }
0x8f: {  	s4 =	sshra.s32 s12, $0x2;
	p0 =	sne.s32 s30, $0x9C00;
	[sflag:s7] =	ssyncset.done $0x0  }
0x90: {  	s14 =	sadd.s32 $0xA480, s4;
	[sflag:s7] =	ssyncadd.s32 $0xFFFFE000  }
0x91: {  	[tilespmem:s24], [sflag:$0x4] =	stream.indirect.gather [hbm4b:s2+s17], $0x40, s14, s17, $0xb8;
	[tilespmem:$0x1B400] =	vst v63  }
0x92: {  	_ =	swait.ge [sflag:s25], $0x2000  }
0x93: {  	[sflag:s25] =	ssyncset.done $0x0  }
0x94: {  	s14 =	sadd.s32 $0xCD00, s4;
	[sflag:s25] =	ssyncadd.s32 $0xFFFFE000  }
0x95: {  	[spmem:s3] =	stream.indirect.scatter.add.f32 [tilespmem:s18], [sflag:$0x7], $0x40, s14, s17, $0xb8;
	[tilespmem:$0x1B400] =	vst v63  }
0x96: {  	_ =	swait.ge [sflag:s10], $0x2000  }
0x97: {  	[sflag:s10] =	ssyncset.done $0x0  }
0x98: {  	s14 =	sadd.s32 $0xA500, s4;
	[sflag:s10] =	ssyncadd.s32 $0xFFFFE000  }
0x99: {  	[tilespmem:s28], [sflag:$0x5] =	stream.indirect.gather [hbm4b:s2+s17], $0x40, s14, s17, $0xb8;
	[tilespmem:$0x1B400] =	vst v63  }
0x9a: {  	_ =	swait.ge [sflag:s29], $0x2000  }
0x9b: {  	[sflag:s29] =	ssyncset.done $0x0  }
0x9c: {  	s14 =	sadd.s32 $0xCD80, s4;
	[sflag:s29] =	ssyncadd.s32 $0xFFFFE000  }
0x9d: {  	[spmem:s3] =	stream.indirect.scatter.add.f32 [tilespmem:s20], [sflag:$0x8], $0x40, s14, s17, $0xb8;
	[tilespmem:$0x1B400] =	vst v63  }
0x9e: {  	_ =	swait.ge [sflag:s11], $0x2000  }
0x9f: {  	[sflag:s11] =	ssyncset.done $0x0  }
0xa0: {  	s14 =	sadd.s32 $0xA580, s4;
	[sflag:s11] =	ssyncadd.s32 $0xFFFFE000  }
0xa1: {  	[tilespmem:s1], [sflag:$0x6] =	stream.indirect.gather [hbm4b:s2+s17], $0x40, s14, s17, $0xb8;
	[tilespmem:$0x1B400] =	vst v63  }
0xa2: {  	_ =	swait.ge [sflag:s0], $0x2000  }
0xa3: {  	[sflag:s0] =	ssyncset.done $0x0  }
0xa4: {  	s14 =	sadd.s32 $0xCE00, s4;
	[sflag:s0] =	ssyncadd.s32 $0xFFFFE000  }
0xa5: {  	[spmem:s3] =	stream.indirect.scatter.add.f32 [tilespmem:s22], [sflag:$0x9], $0x40, s14, s17, $0xb8;
	[tilespmem:$0x1B400] =	vst v63  }
0xa6: {  	_ =	swait.ge [sflag:s6], $0x2000  }
0xa7: {  	p1 =	seq.s32 s12, $0x9000;
	[sflag:s6] =	ssyncset.done $0x0  }
0xa8: {  	s8 =	sshra.s32 @p1 s12, $0x2;
	s14 =	simm.s32 @p1 $0x4;
	[sflag:s6] =	ssyncadd.s32 $0xFFFFE000  }
0xa9: {  	s12 =	sshra.s32 @!p1 s12, $0x2;
	s8 =	sadd.s32 @p1 $0xCE80, s8;
	_ =	swait.ge @p1 [sflag:s14], $0x2000  }
0xaa: {  	s9 =	simm.s32 @p1 $0x8;
	s19 =	sadd.s32 @!p1 $0xA600, s12;
	[sflag:s14] =	ssyncset.done @p1 $0x0  }
0xab: {  	s15 =	simm.s32 @p1 $0x15400;
	[sflag:s14] =	ssyncadd.s32 @p1 $0xFFFFE000;
	s14 =	simm.s32 @p1 $0x80  }
0xac: {  	[spmem:s3] =	stream.indirect.scatter.add.f32 @p1 [tilespmem:s15], [sflag:$0xA], $0x40, s8, s14, $0xb8;
	[tilespmem:$0x1B400] =	vst v63  }
0xad: {  	s8 =	sadd.s32 @!p1 $0xCE80, s12;
	s14 =	sadd.s32 @!p1 $0xA680, s12;
	_ =	swait.ge @p1 [sflag:s9], $0x2000  }
0xae: {  	s15 =	simm.s32 @!p1 $0x4;
	s12 =	sadd.s32 @!p1 $0xA700, s12;
	[sflag:s9] =	ssyncset.done @p1 $0x0  }
0xaf: {  	s16 =	simm.s32 @!p1 $0xF400;
	[sflag:s9] =	ssyncadd.s32 @p1 $0xFFFFE000;
	s9 =	simm.s32 @!p1 $0x80  }
0xb0: {  	[tilespmem:s16], [sflag:$0x1] =	stream.indirect.gather @!p1 [hbm4b:s2+s9], $0x40, s19, s9, $0xb8;
	[tilespmem:$0x1B400] =	vst v63  }
0xb1: {  	_ =	swait.ge @!p1 [sflag:s15], $0x2000  }
0xb2: {  	[sflag:s15] =	ssyncset.done @!p1 $0x0  }
0xb3: {  	s16 =	simm.s32 @!p1 $0x8;
	[sflag:s15] =	ssyncadd.s32 @!p1 $0xFFFFE000;
	s15 =	simm.s32 @!p1 $0x15400  }
0xb4: {  	[spmem:s3] =	stream.indirect.scatter.add.f32 @!p1 [tilespmem:s15], [sflag:$0xA], $0x40, s8, s9, $0xb8;
	[tilespmem:$0x1B400] =	vst v63  }
0xb5: {  	_ =	swait.ge @!p1 [sflag:s16], $0x2000  }
0xb6: {  	[sflag:s16] =	ssyncset.done @!p1 $0x0  }
0xb7: {  	s8 =	simm.s32 @!p1 $0x11400;
	[sflag:s16] =	ssyncadd.s32 @!p1 $0xFFFFE000  }
0xb8: {  	[tilespmem:s8], [sflag:$0x2] =	stream.indirect.gather @!p1 [hbm4b:s2+s9], $0x40, s14, s9, $0xb8;
	[tilespmem:$0x1B400] =	vst v63  }
0xb9: {  	_ =	swait.ge [sflag:s21], $0x2000  }
0xba: {  	[sflag:s21] =	ssyncset.done $0x0  }
0xbb: {  	s8 =	sadd.s32 $0xCF00, s4;
	[sflag:s21] =	ssyncadd.s32 $0xFFFFE000  }
0xbc: {  	[spmem:s3] =	stream.indirect.scatter.add.f32 [tilespmem:s28], [sflag:$0xB], $0x40, s8, s17, $0xb8;
	[tilespmem:$0x1B400] =	vst v63  }
0xbd: {  	_ =	swait.ge [sflag:s26], $0x2000  }
0xbe: {  	[sflag:s26] =	ssyncset.done $0x0  }
.Ltmp0:
0xbf: {  	s8 =	simm.s32 @!p1 $0x13400;
	[sflag:s26] =	ssyncadd.s32 $0xFFFFE000;
	(pc) =	sbr.rel @p0 .LBB2_2-.Ltmp0, $4  }
0xc0: {  	[tilespmem:s8], [sflag:$0x3] =	stream.indirect.gather @!p1 [hbm4b:s2+s9], $0x40, s12, s9, $0xb8;
	[tilespmem:$0x1B400] =	vst v63  }
0xc1: {  	_ =	swait.ge [sflag:s31], $0x2000  }
0xc2: {  	[sflag:s31] =	ssyncset.done $0x0  }
0xc3: {  	s4 =	sadd.s32 $0xCF80, s4;
	[sflag:s31] =	ssyncadd.s32 $0xFFFFE000  }
0xc4: {  	[spmem:s3] =	stream.indirect.scatter.add.f32 [tilespmem:s1], [sflag:$0xC], $0x40, s4, s17, $0xb8;
	[tilespmem:$0x1B400] =	vst v63  }
0xc5: {  	_ =	swait.ge [sflag:s7], $0x2000  }
0xc6: {  	[sflag:s7] =	ssyncset.done $0x0  }
0xc7: {  	[sflag:s7] =	ssyncadd.s32 $0xFFFFE000  }
0xc8: {  	_ =	swait.ge [sflag:s10], $0x2000  }
0xc9: {  	[sflag:s10] =	ssyncset.done $0x0  }
0xca: {  	[sflag:s10] =	ssyncadd.s32 $0xFFFFE000  }
0xcb: {  	_ =	swait.ge [sflag:s11], $0x2000  }
0xcc: {  	[sflag:s11] =	ssyncset.done $0x0  }
0xcd: {  	[sflag:s11] =	ssyncadd.s32 $0xFFFFE000  }
0xce: {  	[bflag:$0x0] =	sbarrier.arrive $0xFFFF  }
0xcf: {  	s12 =	rddreg [dreg:$0x7]  }
0xd0: {  	s8 =	rddreg [dreg:$0xa]  }
0xd1: {  	s9 =	rddreg [dreg:$0xb]  }
0xd2: {  	[hbm:s12], [sflag:s8] =	dma.local [spmem:s9], $0x1400  }
0xd3: {  	_ =	swait.ge [sflag:s13], $0x1400  }
0xd4: {  	[sflag:s13] =	ssyncset.done $0x0  }
0xd5: {  	[sflag:s13] =	ssyncadd.s32 $0xFFFFEC00  }
0xd6: {  	[bflag:$0x0] =	sbarrier.arrive $0xFFFF  }
0xd7: {  	s14 =	rddreg [dreg:$0x6]  }
0xd8: {  	[spmem:s9], [sflag:s8] =	dma.local [hbm:s14], $0x1400  }
0xd9: {  	_ =	swait.ge [sflag:s13], $0x1400  }
0xda: {  	[sflag:s13] =	ssyncset.done $0x0  }
0xdb: {  	[sflag:s13] =	ssyncadd.s32 $0xFFFFEC00  }
0xdc: {  	s15 =	simm.s32 $0xA000;
	[bflag:$0x0] =	sbarrier.arrive $0xFFFF  }
0xdd: {  	[tilespmem:s18], [sflag:$0x1] =	stream.indirect.gather [hbm4b:s5+s17], $0x40, s15, s17, $0xb8;
	[tilespmem:$0x1B400] =	vst v63  }
0xde: {  	s16 =	simm.s32 $0xA080  }
0xdf: {  	[tilespmem:s20], [sflag:$0x2] =	stream.indirect.gather [hbm4b:s5+s17], $0x40, s16, s17, $0xb8;
	[tilespmem:$0x1B400] =	vst v63  }
0xe0: {  	s19 =	simm.s32 $0xA100  }
0xe1: {  	[tilespmem:s22], [sflag:$0x3] =	stream.indirect.gather [hbm4b:s5+s17], $0x40, s19, s17, $0xb8;
	[tilespmem:$0x1B400] =	vst v63  }
0xe2: {  	s8 =	simm.s32 $0xA180  }
0xe3: {  	[tilespmem:s24], [sflag:$0x4] =	stream.indirect.gather [hbm4b:s5+s17], $0x40, s8, s17, $0xb8;
	[tilespmem:$0x1B400] =	vst v63  }
0xe4: {  	_ =	swait.ge [sflag:s25], $0x2000  }
0xe5: {  	[sflag:s25] =	ssyncset.done $0x0  }
0xe6: {  	s9 =	simm.s32 $0xCA00;
	[sflag:s25] =	ssyncadd.s32 $0xFFFFE000  }
0xe7: {  	[spmem:s3] =	stream.indirect.scatter.add.f32 [tilespmem:s18], [sflag:$0x7], $0x40, s9, s17, $0xb8;
	[tilespmem:$0x1B400] =	vst v63  }
0xe8: {  	s12 =	simm.s32 $0xA200  }
0xe9: {  	[tilespmem:s28], [sflag:$0x5] =	stream.indirect.gather [hbm4b:s5+s17], $0x40, s12, s17, $0xb8;
	[tilespmem:$0x1B400] =	vst v63  }
0xea: {  	_ =	swait.ge [sflag:s29], $0x2000  }
0xeb: {  	[sflag:s29] =	ssyncset.done $0x0  }
0xec: {  	s14 =	simm.s32 $0xCA80;
	[sflag:s29] =	ssyncadd.s32 $0xFFFFE000  }
0xed: {  	[spmem:s3] =	stream.indirect.scatter.add.f32 [tilespmem:s20], [sflag:$0x8], $0x40, s14, s17, $0xb8;
	[tilespmem:$0x1B400] =	vst v63  }
0xee: {  	s15 =	simm.s32 $0xA280  }
0xef: {  	[tilespmem:s1], [sflag:$0x6] =	stream.indirect.gather [hbm4b:s5+s17], $0x40, s15, s17, $0xb8;
	[tilespmem:$0x1B400] =	vst v63  }
0xf0: {  	_ =	swait.ge [sflag:s0], $0x2000  }
0xf1: {  	[sflag:s0] =	ssyncset.done $0x0  }
0xf2: {  	s16 =	simm.s32 $0xCB00;
	[sflag:s0] =	ssyncadd.s32 $0xFFFFE000  }
0xf3: {  	[spmem:s3] =	stream.indirect.scatter.add.f32 [tilespmem:s22], [sflag:$0x9], $0x40, s16, s17, $0xb8;
	[tilespmem:$0x1B400] =	vst v63  }
0xf4: {  	_ =	swait.ge [sflag:s6], $0x2000  }
0xf5: {  	[sflag:s6] =	ssyncset.done $0x0  }
0xf6: {  	s19 =	simm.s32 $0xA300;
	s8 =	simm.s32 $0x4;
	[sflag:s6] =	ssyncadd.s32 $0xFFFFE000  }
0xf7: {  	[tilespmem:s18], [sflag:$0x1] =	stream.indirect.gather [hbm4b:s5+s17], $0x40, s19, s17, $0xb8;
	[tilespmem:$0x1B400] =	vst v63  }
0xf8: {  	_ =	swait.ge [sflag:s8], $0x2000  }
0xf9: {  	[sflag:s8] =	ssyncset.done $0x0  }
0xfa: {  	s9 =	simm.s32 $0xCB80;
	s12 =	simm.s32 $0x8;
	[sflag:s8] =	ssyncadd.s32 $0xFFFFE000  }
0xfb: {  	[spmem:s3] =	stream.indirect.scatter.add.f32 [tilespmem:s24], [sflag:$0xA], $0x40, s9, s17, $0xb8;
	[tilespmem:$0x1B400] =	vst v63  }
0xfc: {  	_ =	swait.ge [sflag:s12], $0x2000  }
0xfd: {  	[sflag:s12] =	ssyncset.done $0x0  }
0xfe: {  	s14 =	simm.s32 $0xA380;
	[sflag:s12] =	ssyncadd.s32 $0xFFFFE000  }
0xff: {  	[tilespmem:s20], [sflag:$0x2] =	stream.indirect.gather [hbm4b:s5+s17], $0x40, s14, s17, $0xb8;
	[tilespmem:$0x1B400] =	vst v63  }
0x100: {  	_ =	swait.ge [sflag:s21], $0x2000  }
0x101: {  	[sflag:s21] =	ssyncset.done $0x0  }
0x102: {  	s15 =	simm.s32 $0xCC00;
	[sflag:s21] =	ssyncadd.s32 $0xFFFFE000  }
0x103: {  	[spmem:s3] =	stream.indirect.scatter.add.f32 [tilespmem:s28], [sflag:$0xB], $0x40, s15, s17, $0xb8;
	[tilespmem:$0x1B400] =	vst v63  }
0x104: {  	_ =	swait.ge [sflag:s26], $0x2000  }
0x105: {  	[sflag:s26] =	ssyncset.done $0x0  }
0x106: {  	s16 =	simm.s32 $0xA400;
	[sflag:s26] =	ssyncadd.s32 $0xFFFFE000  }
0x107: {  	[tilespmem:s22], [sflag:$0x3] =	stream.indirect.gather [hbm4b:s5+s17], $0x40, s16, s17, $0xb8;
	[tilespmem:$0x1B400] =	vst v63  }
0x108: {  	_ =	swait.ge [sflag:s31], $0x2000  }
0x109: {  	[sflag:s31] =	ssyncset.done $0x0  }
0x10a: {  	s19 =	simm.s32 $0xCC80;
	[sflag:s31] =	ssyncadd.s32 $0xFFFFE000  }
0x10b: {  	[spmem:s3] =	stream.indirect.scatter.add.f32 [tilespmem:s1], [sflag:$0xC], $0x40, s19, s17, $0xb8;
	[tilespmem:$0x1B400] =	vst v63  }
0x10c: {  	_ =	swait.ge [sflag:s7], $0x2000  }
0x10d: {  	[sflag:s7] =	ssyncset.done $0x0  }
0x10e: {  	s8 =	simm.s32 $0xA480;
	[sflag:s7] =	ssyncadd.s32 $0xFFFFE000  }
0x10f: {  	[tilespmem:s24], [sflag:$0x4] =	stream.indirect.gather [hbm4b:s5+s17], $0x40, s8, s17, $0xb8;
	[tilespmem:$0x1B400] =	vst v63  }
0x110: {  	_ =	swait.ge [sflag:s25], $0x2000  }
0x111: {  	[sflag:s25] =	ssyncset.done $0x0  }
0x112: {  	s9 =	simm.s32 $0xCD00;
	[sflag:s25] =	ssyncadd.s32 $0xFFFFE000  }
0x113: {  	[spmem:s3] =	stream.indirect.scatter.add.f32 [tilespmem:s18], [sflag:$0x7], $0x40, s9, s17, $0xb8;
	[tilespmem:$0x1B400] =	vst v63  }
0x114: {  	_ =	swait.ge [sflag:s10], $0x2000  }
0x115: {  	[sflag:s10] =	ssyncset.done $0x0  }
0x116: {  	s12 =	simm.s32 $0xA500;
	[sflag:s10] =	ssyncadd.s32 $0xFFFFE000  }
0x117: {  	[tilespmem:s28], [sflag:$0x5] =	stream.indirect.gather [hbm4b:s5+s17], $0x40, s12, s17, $0xb8;
	[tilespmem:$0x1B400] =	vst v63  }
0x118: {  	_ =	swait.ge [sflag:s29], $0x2000  }
0x119: {  	[sflag:s29] =	ssyncset.done $0x0  }
0x11a: {  	s14 =	simm.s32 $0xCD80;
	[sflag:s29] =	ssyncadd.s32 $0xFFFFE000  }
0x11b: {  	[spmem:s3] =	stream.indirect.scatter.add.f32 [tilespmem:s20], [sflag:$0x8], $0x40, s14, s17, $0xb8;
	[tilespmem:$0x1B400] =	vst v63  }
0x11c: {  	_ =	swait.ge [sflag:s11], $0x2000  }
0x11d: {  	[sflag:s11] =	ssyncset.done $0x0  }
0x11e: {  	s15 =	simm.s32 $0xA580;
	[sflag:s11] =	ssyncadd.s32 $0xFFFFE000  }
0x11f: {  	[tilespmem:s1], [sflag:$0x6] =	stream.indirect.gather [hbm4b:s5+s17], $0x40, s15, s17, $0xb8;
	[tilespmem:$0x1B400] =	vst v63  }
0x120: {  	_ =	swait.ge [sflag:s0], $0x2000  }
0x121: {  	[sflag:s0] =	ssyncset.done $0x0  }
0x122: {  	s16 =	simm.s32 $0xCE00;
	[sflag:s0] =	ssyncadd.s32 $0xFFFFE000  }
0x123: {  	[spmem:s3] =	stream.indirect.scatter.add.f32 [tilespmem:s22], [sflag:$0x9], $0x40, s16, s17, $0xb8;
	[tilespmem:$0x1B400] =	vst v63  }
0x124: {  	_ =	swait.ge [sflag:s6], $0x2000  }
0x125: {  	p0 =	por $0x0, $0x0;
	[sflag:s6] =	ssyncset.done $0x0  }
0x126: {  	s4 =	simm.s32 @p0 $0x4;
	[sflag:s6] =	ssyncadd.s32 $0xFFFFE000  }
0x127: {  	_ =	swait.ge @p0 [sflag:s4], $0x2000  }
0x128: {  	s8 =	simm.s32 @p0 $0xCE80;
	[sflag:s4] =	ssyncset.done @p0 $0x0  }
0x129: {  	s9 =	simm.s32 @p0 $0x15400;
	[sflag:s4] =	ssyncadd.s32 @p0 $0xFFFFE000;
	s4 =	simm.s32 @p0 $0x80  }
0x12a: {  	[spmem:s3] =	stream.indirect.scatter.add.f32 @p0 [tilespmem:s9], [sflag:$0xA], $0x40, s8, s4, $0xb8;
	[tilespmem:$0x1B400] =	vst v63  }
0x12b: {  	s4 =	simm.s32 @p0 $0x8  }
0x12c: {  	_ =	swait.ge @p0 [sflag:s4], $0x2000  }
0x12d: {  	s8 =	simm.s32 @!p0 $0xA600;
	[sflag:s4] =	ssyncset.done @p0 $0x0  }
0x12e: {  	s9 =	simm.s32 @!p0 $0xF400;
	[sflag:s4] =	ssyncadd.s32 @p0 $0xFFFFE000;
	s4 =	simm.s32 @!p0 $0x80  }
0x12f: {  	[tilespmem:s9], [sflag:$0x1] =	stream.indirect.gather @!p0 [hbm4b:s5+s4], $0x40, s8, s4, $0xb8;
	[tilespmem:$0x1B400] =	vst v63  }
0x130: {  	s8 =	simm.s32 @!p0 $0x4  }
0x131: {  	_ =	swait.ge @!p0 [sflag:s8], $0x2000  }
0x132: {  	[sflag:s8] =	ssyncset.done @!p0 $0x0  }
0x133: {  	s9 =	simm.s32 @!p0 $0xCE80;
	[sflag:s8] =	ssyncadd.s32 @!p0 $0xFFFFE000;
	s8 =	simm.s32 @!p0 $0x15400  }
0x134: {  	[spmem:s3] =	stream.indirect.scatter.add.f32 @!p0 [tilespmem:s8], [sflag:$0xA], $0x40, s9, s4, $0xb8;
	[tilespmem:$0x1B400] =	vst v63  }
0x135: {  	s8 =	simm.s32 @!p0 $0x8  }
0x136: {  	_ =	swait.ge @!p0 [sflag:s8], $0x2000  }
0x137: {  	[sflag:s8] =	ssyncset.done @!p0 $0x0  }
0x138: {  	s9 =	simm.s32 @!p0 $0xA680;
	[sflag:s8] =	ssyncadd.s32 @!p0 $0xFFFFE000;
	s8 =	simm.s32 @!p0 $0x11400  }
0x139: {  	[tilespmem:s8], [sflag:$0x2] =	stream.indirect.gather @!p0 [hbm4b:s5+s4], $0x40, s9, s4, $0xb8;
	[tilespmem:$0x1B400] =	vst v63  }
0x13a: {  	_ =	swait.ge [sflag:s21], $0x2000  }
0x13b: {  	[sflag:s21] =	ssyncset.done $0x0  }
0x13c: {  	s19 =	simm.s32 $0xCF00;
	[sflag:s21] =	ssyncadd.s32 $0xFFFFE000  }
0x13d: {  	[spmem:s3] =	stream.indirect.scatter.add.f32 [tilespmem:s28], [sflag:$0xB], $0x40, s19, s17, $0xb8;
	[tilespmem:$0x1B400] =	vst v63  }
0x13e: {  	_ =	swait.ge [sflag:s26], $0x2000  }
0x13f: {  	[sflag:s26] =	ssyncset.done $0x0  }
0x140: {  	s8 =	simm.s32 @!p0 $0xA700;
	s9 =	simm.s32 @!p0 $0x13400;
	[sflag:s26] =	ssyncadd.s32 $0xFFFFE000  }
0x141: {  	[tilespmem:s9], [sflag:$0x3] =	stream.indirect.gather @!p0 [hbm4b:s5+s4], $0x40, s8, s4, $0xb8;
	[tilespmem:$0x1B400] =	vst v63  }
0x142: {  	_ =	swait.ge [sflag:s31], $0x2000  }
0x143: {  	[sflag:s31] =	ssyncset.done $0x0  }
0x144: {  	s30 =	simm.s32 $0xC00;
	s4 =	simm.s32 $0xCF80;
	[sflag:s31] =	ssyncadd.s32 $0xFFFFE000  }
.LBB2_4:
0x145: {  	[spmem:s3] =	stream.indirect.scatter.add.f32 [tilespmem:s1], [sflag:$0xC], $0x40, s4, s17, $0xb8;
	[tilespmem:$0x1B400] =	vst v63  }
0x146: {  	s12 =	smov.u32 s30;
	s30 =	sadd.s32 $0xC00, s30;
	_ =	swait.ge [sflag:s7], $0x2000  }
0x147: {  	s4 =	sshra.s32 s12, $0x2;
	p0 =	sne.s32 s30, $0x9C00;
	[sflag:s7] =	ssyncset.done $0x0  }
0x148: {  	s8 =	sadd.s32 $0xA480, s4;
	[sflag:s7] =	ssyncadd.s32 $0xFFFFE000  }
0x149: {  	[tilespmem:s24], [sflag:$0x4] =	stream.indirect.gather [hbm4b:s5+s17], $0x40, s8, s17, $0xb8;
	[tilespmem:$0x1B400] =	vst v63  }
0x14a: {  	_ =	swait.ge [sflag:s25], $0x2000  }
0x14b: {  	[sflag:s25] =	ssyncset.done $0x0  }
0x14c: {  	s8 =	sadd.s32 $0xCD00, s4;
	[sflag:s25] =	ssyncadd.s32 $0xFFFFE000  }
0x14d: {  	[spmem:s3] =	stream.indirect.scatter.add.f32 [tilespmem:s18], [sflag:$0x7], $0x40, s8, s17, $0xb8;
	[tilespmem:$0x1B400] =	vst v63  }
0x14e: {  	_ =	swait.ge [sflag:s10], $0x2000  }
0x14f: {  	[sflag:s10] =	ssyncset.done $0x0  }
0x150: {  	s8 =	sadd.s32 $0xA500, s4;
	[sflag:s10] =	ssyncadd.s32 $0xFFFFE000  }
0x151: {  	[tilespmem:s28], [sflag:$0x5] =	stream.indirect.gather [hbm4b:s5+s17], $0x40, s8, s17, $0xb8;
	[tilespmem:$0x1B400] =	vst v63  }
0x152: {  	_ =	swait.ge [sflag:s29], $0x2000  }
0x153: {  	[sflag:s29] =	ssyncset.done $0x0  }
0x154: {  	s8 =	sadd.s32 $0xCD80, s4;
	[sflag:s29] =	ssyncadd.s32 $0xFFFFE000  }
0x155: {  	[spmem:s3] =	stream.indirect.scatter.add.f32 [tilespmem:s20], [sflag:$0x8], $0x40, s8, s17, $0xb8;
	[tilespmem:$0x1B400] =	vst v63  }
0x156: {  	_ =	swait.ge [sflag:s11], $0x2000  }
0x157: {  	[sflag:s11] =	ssyncset.done $0x0  }
0x158: {  	s8 =	sadd.s32 $0xA580, s4;
	[sflag:s11] =	ssyncadd.s32 $0xFFFFE000  }
0x159: {  	[tilespmem:s1], [sflag:$0x6] =	stream.indirect.gather [hbm4b:s5+s17], $0x40, s8, s17, $0xb8;
	[tilespmem:$0x1B400] =	vst v63  }
0x15a: {  	_ =	swait.ge [sflag:s0], $0x2000  }
0x15b: {  	[sflag:s0] =	ssyncset.done $0x0  }
0x15c: {  	s8 =	sadd.s32 $0xCE00, s4;
	[sflag:s0] =	ssyncadd.s32 $0xFFFFE000  }
0x15d: {  	[spmem:s3] =	stream.indirect.scatter.add.f32 [tilespmem:s22], [sflag:$0x9], $0x40, s8, s17, $0xb8;
	[tilespmem:$0x1B400] =	vst v63  }
0x15e: {  	_ =	swait.ge [sflag:s6], $0x2000  }
0x15f: {  	p1 =	seq.s32 s12, $0x9000;
	[sflag:s6] =	ssyncset.done $0x0  }
0x160: {  	s9 =	sshra.s32 @p1 s12, $0x2;
	s8 =	simm.s32 @p1 $0x4;
	[sflag:s6] =	ssyncadd.s32 $0xFFFFE000  }
0x161: {  	s12 =	sshra.s32 @!p1 s12, $0x2;
	s9 =	sadd.s32 @p1 $0xCE80, s9;
	_ =	swait.ge @p1 [sflag:s8], $0x2000  }
0x162: {  	s14 =	simm.s32 @p1 $0x8;
	s15 =	sadd.s32 @!p1 $0xA600, s12;
	[sflag:s8] =	ssyncset.done @p1 $0x0  }
0x163: {  	s16 =	simm.s32 @p1 $0x15400;
	[sflag:s8] =	ssyncadd.s32 @p1 $0xFFFFE000;
	s8 =	simm.s32 @p1 $0x80  }
0x164: {  	[spmem:s3] =	stream.indirect.scatter.add.f32 @p1 [tilespmem:s16], [sflag:$0xA], $0x40, s9, s8, $0xb8;
	[tilespmem:$0x1B400] =	vst v63  }
0x165: {  	s8 =	sadd.s32 @!p1 $0xCE80, s12;
	s9 =	sadd.s32 @!p1 $0xA680, s12;
	_ =	swait.ge @p1 [sflag:s14], $0x2000  }
0x166: {  	s16 =	simm.s32 @!p1 $0x4;
	s12 =	sadd.s32 @!p1 $0xA700, s12;
	[sflag:s14] =	ssyncset.done @p1 $0x0  }
0x167: {  	s19 =	simm.s32 @!p1 $0xF400;
	[sflag:s14] =	ssyncadd.s32 @p1 $0xFFFFE000;
	s14 =	simm.s32 @!p1 $0x80  }
0x168: {  	[tilespmem:s19], [sflag:$0x1] =	stream.indirect.gather @!p1 [hbm4b:s5+s14], $0x40, s15, s14, $0xb8;
	[tilespmem:$0x1B400] =	vst v63  }
0x169: {  	_ =	swait.ge @!p1 [sflag:s16], $0x2000  }
0x16a: {  	[sflag:s16] =	ssyncset.done @!p1 $0x0  }
0x16b: {  	s15 =	simm.s32 @!p1 $0x15400;
	[sflag:s16] =	ssyncadd.s32 @!p1 $0xFFFFE000;
	s16 =	simm.s32 @!p1 $0x8  }
0x16c: {  	[spmem:s3] =	stream.indirect.scatter.add.f32 @!p1 [tilespmem:s15], [sflag:$0xA], $0x40, s8, s14, $0xb8;
	[tilespmem:$0x1B400] =	vst v63  }
0x16d: {  	_ =	swait.ge @!p1 [sflag:s16], $0x2000  }
0x16e: {  	[sflag:s16] =	ssyncset.done @!p1 $0x0  }
0x16f: {  	s8 =	simm.s32 @!p1 $0x11400;
	[sflag:s16] =	ssyncadd.s32 @!p1 $0xFFFFE000  }
0x170: {  	[tilespmem:s8], [sflag:$0x2] =	stream.indirect.gather @!p1 [hbm4b:s5+s14], $0x40, s9, s14, $0xb8;
	[tilespmem:$0x1B400] =	vst v63  }
0x171: {  	_ =	swait.ge [sflag:s21], $0x2000  }
0x172: {  	[sflag:s21] =	ssyncset.done $0x0  }
0x173: {  	s8 =	sadd.s32 $0xCF00, s4;
	[sflag:s21] =	ssyncadd.s32 $0xFFFFE000  }
0x174: {  	[spmem:s3] =	stream.indirect.scatter.add.f32 [tilespmem:s28], [sflag:$0xB], $0x40, s8, s17, $0xb8;
	[tilespmem:$0x1B400] =	vst v63  }
0x175: {  	_ =	swait.ge [sflag:s26], $0x2000  }
0x176: {  	[sflag:s26] =	ssyncset.done $0x0  }
.Ltmp1:
0x177: {  	s8 =	simm.s32 @!p1 $0x13400;
	[sflag:s26] =	ssyncadd.s32 $0xFFFFE000;
	(pc) =	sbr.rel @p0 .LBB2_4-.Ltmp1, $4  }
0x178: {  	[tilespmem:s8], [sflag:$0x3] =	stream.indirect.gather @!p1 [hbm4b:s5+s14], $0x40, s12, s14, $0xb8;
	[tilespmem:$0x1B400] =	vst v63  }
0x179: {  	_ =	swait.ge [sflag:s31], $0x2000  }
0x17a: {  	[sflag:s31] =	ssyncset.done $0x0  }
0x17b: {  	s4 =	sadd.s32 $0xCF80, s4;
	[sflag:s31] =	ssyncadd.s32 $0xFFFFE000  }
0x17c: {  	[spmem:s3] =	stream.indirect.scatter.add.f32 [tilespmem:s1], [sflag:$0xC], $0x40, s4, s17, $0xb8;
	[tilespmem:$0x1B400] =	vst v63  }
0x17d: {  	_ =	swait.ge [sflag:s7], $0x2000  }
0x17e: {  	[sflag:s7] =	ssyncset.done $0x0  }
0x17f: {  	[sflag:s7] =	ssyncadd.s32 $0xFFFFE000  }
0x180: {  	_ =	swait.ge [sflag:s10], $0x2000  }
0x181: {  	[sflag:s10] =	ssyncset.done $0x0  }
0x182: {  	[sflag:s10] =	ssyncadd.s32 $0xFFFFE000  }
0x183: {  	_ =	swait.ge [sflag:s11], $0x2000  }
0x184: {  	[sflag:s11] =	ssyncset.done $0x0  }
0x185: {  	[sflag:s11] =	ssyncadd.s32 $0xFFFFE000  }
0x186: {  	[bflag:$0x0] =	sbarrier.arrive $0xFFFF  }
0x187: {  	s19 =	rddreg [dreg:$0x8]  }
0x188: {  	s14 =	rddreg [dreg:$0xa]  }
0x189: {  	s15 =	rddreg [dreg:$0xb]  }
0x18a: {  	[hbm:s19], [sflag:s14] =	dma.local [spmem:s15], $0x1400  }
0x18b: {  	_ =	swait.ge [sflag:s13], $0x1400  }
0x18c: {  	s23 =	sadd.s32 $0x1, s23;
	s30 =	rddreg [dreg:$0x9]  }
0x18d: {  	p0 =	sne.s32 s23, s30  }
.Ltmp2:
0x18e: {  	_ = 	snop;
	(pc) =	sbr.rel @p0 .LBB2_1-.Ltmp2, $3  }
0x18f: {  	_ =	sdelay $0x1  }
0x190: {  	[sflag:s13] =	ssyncset.done $0x0  }
0x191: {  	[sflag:s13] =	ssyncadd.s32 $0xFFFFEC00  }
0x192: {  	_ =	sfence.sel $0x180000  }
0x193: {  	[bflag:$0x0] =	sbarrier.arrive $0xFFFF  }
0x194: {  	_ =	strace $0x90000050  }
0x195: {  	s0 =	stileid.u32;
	[bflag:$0x2] =	sbarrier.arrive $0xFFFF  }
0x196: {  	p0 =	sne.s32 s0, $0x0;
	s0 =	rddreg [dreg:$0x3]  }
0x197: {  	s0 =	sadd.s32 @!p0 $0x100000, s0  }
0x198: {  	[sflag:s0] =	ssyncadd.tile.s32 @!p0 $0x1;
	_ =	shalt  }
.Lfunc_end2:
_tile_overlayer_lowered:
.L_overlay_start_2:
0x199: {  	(tag) =	ssettag $0x2  }
0x19a: {  	s0 =	rddreg [dreg:$0x0];
	s2 =	stileid.u32  }
0x19b: {  	s1 =	rddreg [dreg:$0x1];
	p0 =	sne.s32 s2, $0x0  }
0x19c: {  	s3 =	rddreg [dreg:$0x2];
	[bflag:$0x3] =	sbarrier.arrive $0xFFFF;
	s2 =	simm.s32 @!p0 $0x1C0D  }
0x19d: {  	[timem:s3], [sflag:s2] =	dma.local @!p0 [hbm:s0], s1  }
0x19e: {  	s0 =	simm.s32 @!p0 $0xD  }
0x19f: {  	_ =	swait.ge @!p0 [sflag:s0], s1  }
0x1a0: {  	s1 =	ssub.s32 @!p0 $0x0, s1;
	[sflag:s0] =	ssyncset.done @!p0 $0x0  }
0x1a1: {  	[sflag:s0] =	ssyncadd.s32 @!p0 s1  }
0x1a2: {  	[bflag:$0x3] =	sbarrier.arrive $0xFFFF  }
0x1a3: {  	_ =	shalt  }

</sc_bundles>
